<compile_context>
chip_gen: v7x
topology: tpu7x:2x2x1
jax: 0.10.2.dev20260603
libtpu: 0.0.44.dev20260713+nightly
codegen_flags: <defaults>
</compile_context>

<pallas_src>
import functools

import jax
import jax.numpy as jnp
from jax import lax
from jax.experimental import pallas as pl
from jax.experimental.pallas import tpu as pltpu
from jax.experimental.pallas import tpu_sc as plsc

_NC = 2
_NS = 16
_NW = _NC * _NS
_G = 128


def _dot(a, b):
    return lax.dot_general(a, b, (((1,), (0,)), ((), ())),
                           precision=lax.Precision.HIGHEST,
                           preferred_element_type=jnp.float32)


def _mesh():
    return plsc.VectorSubcoreMesh(core_axis_name="c", subcore_axis_name="s",
                                  num_cores=_NC, num_subcores=_NS)



_K = 1


def _make_sc_gather(npad, epad, ew, width):
    ng = ew // _G

    @functools.partial(
        pl.kernel,
        out_type=jax.ShapeDtypeStruct((2, epad, width), jnp.float32),
        mesh=_mesh(),
        scratch_types=[
            pltpu.VMEM((_G,), jnp.int32),
            pltpu.VMEM((_G,), jnp.int32),
            pltpu.VMEM((_G, width), jnp.float32),
            pltpu.VMEM((_G, width), jnp.float32),
            pltpu.SemaphoreType.DMA,
        ],
    )
    def k(p_hbm, q_hbm, dst_hbm, src_hbm, out_hbm, idxd, idxs, bufp, bufq,
          sem):
        cid = lax.axis_index("c")
        sid = lax.axis_index("s")
        wid = sid * _NC + cid
        base0 = wid * ew

        def body(g, carry):
            b = base0 + g * _G
            pltpu.sync_copy(dst_hbm.at[pl.ds(b, _G)], idxd)
            pltpu.sync_copy(src_hbm.at[pl.ds(b, _G)], idxs)
            ca = pltpu.async_copy(p_hbm.at[idxd], bufp, sem)
            cb = pltpu.async_copy(q_hbm.at[idxs], bufq, sem)
            ca.wait()
            cb.wait()
            pltpu.sync_copy(bufp, out_hbm.at[0, pl.ds(b, _G)])
            pltpu.sync_copy(bufq, out_hbm.at[1, pl.ds(b, _G)])
            return carry

        lax.fori_loop(0, ng, body, 0)

    return k


def _make_sc_scatter(npad, epad, ew, width):
    ng = ew // _G
    stripe = npad // _NS
    nz = stripe // _G

    @functools.partial(
        pl.kernel,
        out_type=jax.ShapeDtypeStruct((_NC, npad, width), jnp.float32),
        mesh=_mesh(),
        scratch_types=[
            pltpu.VMEM((_G,), jnp.int32),
            pltpu.VMEM((_G, width), jnp.float32),
            pltpu.VMEM_SHARED((npad, width), jnp.float32),
        ],
    )
    def k(m_hbm, dst_hbm, zeros_hbm, out_hbm, idx, mbuf, table):
        cid = lax.axis_index("c")
        sid = lax.axis_index("s")
        wid = sid * _NC + cid
        base0 = wid * ew

        def zero_body(i, carry):
            pltpu.sync_copy(zeros_hbm,
                            table.at[pl.ds(sid * stripe + i * _G, _G)])
            return carry

        lax.fori_loop(0, nz, zero_body, 0)
        plsc.subcore_barrier()

        def body(g, carry):
            b = base0 + g * _G
            pltpu.sync_copy(dst_hbm.at[pl.ds(b, _G)], idx)
            pltpu.sync_copy(m_hbm.at[pl.ds(b, _G)], mbuf)
            pltpu.sync_copy(mbuf, table.at[idx], add=True)
            return carry

        lax.fori_loop(0, ng, body, 0)
        plsc.subcore_barrier()

        def wb_body(i, carry):
            r = sid * stripe + i * _G
            pltpu.sync_copy(table.at[pl.ds(r, _G)], mbuf)
            pltpu.sync_copy(mbuf, out_hbm.at[cid, pl.ds(r, _G)])
            return carry

        lax.fori_loop(0, nz, wb_body, 0)

    return k



def _full(shape):
    return pl.BlockSpec(shape, lambda i: tuple(0 for _ in shape))


def _enc_body(rv_ref, e8_ref, ce_ref, w2_ref, b2_ref, wd_ref, ws_ref, wv_ref,
              h_ref, p_ref, q_ref):
    rv = rv_ref[...]
    t = jnp.maximum(_dot(rv, e8_ref[...]) + ce_ref[...], 0.0)
    h = jnp.maximum(_dot(t, w2_ref[...]) + b2_ref[...], 0.0)
    h_ref[...] = h
    vterm = _dot(rv, wv_ref[...])
    p_ref[...] = _dot(h, wd_ref[...]) + vterm
    q_ref[...] = _dot(h, ws_ref[...]) - vterm


def _dx_body(d2_ref, dom_ref, dx_ref):
    d = (d2_ref[0] - d2_ref[1])[:, :16]
    dom = dom_ref[...]
    dx_ref[...] = d - dom * jnp.round(d / dom)


def _edge_body(s2_ref, dx_ref, wx_ref, cm_ref, w2_ref, b2_ref, m_ref):
    pre = s2_ref[0] + s2_ref[1] + _dot(dx_ref[...], wx_ref[...]) + cm_ref[...]
    t = jnp.maximum(pre, 0.0)
    m_ref[...] = jnp.maximum(_dot(t, w2_ref[...]) + b2_ref[...], 0.0)


def _upd_common(h_ref, agg_ref, u1a_ref, u1b_ref, cu_ref, u2_ref, bu2_ref,
                lns_ref, lnb_ref):
    h = h_ref[...]
    agg = agg_ref[0] + agg_ref[1]
    t = jnp.maximum(_dot(h, u1a_ref[...]) + _dot(agg, u1b_ref[...]) + cu_ref[...], 0.0)
    o = h + _dot(t, u2_ref[...]) + bu2_ref[...]
    mu = jnp.mean(o, axis=1, keepdims=True)
    d = o - mu
    var = jnp.mean(d * d, axis=1, keepdims=True)
    return d * lax.rsqrt(var + 1e-5) * lns_ref[...] + lnb_ref[...]


def _upd_mid_body(h_ref, agg_ref, u1a_ref, u1b_ref, cu_ref, u2_ref, bu2_ref,
                  lns_ref, lnb_ref, rv_ref, wd_ref, ws_ref, wv_ref,
                  hn_ref, p_ref, q_ref):
    hn = _upd_common(h_ref, agg_ref, u1a_ref, u1b_ref, cu_ref, u2_ref, bu2_ref,
                     lns_ref, lnb_ref)
    hn_ref[...] = hn
    vterm = _dot(rv_ref[...], wv_ref[...])
    p_ref[...] = _dot(hn, wd_ref[...]) + vterm
    q_ref[...] = _dot(hn, ws_ref[...]) - vterm


def _upd_last_body(h_ref, agg_ref, u1a_ref, u1b_ref, cu_ref, u2_ref, bu2_ref,
                   lns_ref, lnb_ref, hn_ref):
    hn_ref[...] = _upd_common(h_ref, agg_ref, u1a_ref, u1b_ref, cu_ref, u2_ref,
                              bu2_ref, lns_ref, lnb_ref)


def _dec_body(h_ref, o1_ref, bo1_ref, o2_ref, bo2_ref, nf_ref, dom_ref,
              pred_ref, px_ref):
    t = jnp.maximum(_dot(h_ref[...], o1_ref[...]) + bo1_ref[...], 0.0)
    pred = _dot(t, o2_ref[...]) + bo2_ref[...] + nf_ref[...]
    pred_ref[...] = pred
    dom = dom_ref[...]
    px_ref[...] = pred - dom * jnp.floor(pred / dom)


def _pool_body(n_real, bn, h_ref, o_ref):
    i = pl.program_id(0)

    @pl.when(i == 0)
    def _():
        o_ref[...] = jnp.zeros_like(o_ref)

    rows = lax.broadcasted_iota(jnp.int32, (bn, 1), 0) + i * bn
    hm = jnp.where(rows < n_real, h_ref[...], 0.0)
    o_ref[...] += jnp.sum(hm, axis=0, keepdims=True)


def _macro_body(n_real, s_ref, m1_ref, bm1_ref, m2_ref, bm2_ref, o_ref):
    hm = s_ref[...] * (1.0 / n_real)
    t = jnp.maximum(_dot(hm, m1_ref[...]) + bm1_ref[...], 0.0)
    o_ref[...] = _dot(t, m2_ref[...]) + bm2_ref[...]



def kernel(v, pos, r, domain, t, x_global, domain_next, t_next, edge_index,
           batch, params):
    f32 = jnp.float32
    n = v.shape[0]
    e = edge_index.shape[1]
    hid = params['emb2'][0].shape[1]

    npad = -(-n // (_NS * _G)) * (_NS * _G)
    ew = -(-e // (_NW * _G)) * _G
    epad = ew * _NW

    gfeat = jnp.concatenate([domain, t, x_global, domain_next, t_next])

    src = edge_index[0]
    dst = edge_index[1]
    pad_idx = jnp.full((epad - e,), npad - 1, jnp.int32)
    srcp = jnp.concatenate([src, pad_idx])
    dstp = jnp.concatenate([dst, pad_idx])

    def padrows(x, rows, cols):
        return jnp.pad(x, ((0, rows - x.shape[0]), (0, cols - x.shape[1])))

    rv = padrows(jnp.concatenate([r, v], axis=1), npad, 8)
    pos128 = padrows(pos, npad, hid)
    nf16 = padrows(jnp.concatenate([pos, v], axis=1), npad, 16)
    dom16 = jnp.concatenate([domain, jnp.ones((13,), f32)]).reshape(1, 16)
    domn16 = jnp.concatenate([domain_next, jnp.ones((13,), f32)]).reshape(1, 16)
    zeros128 = jnp.zeros((_G, hid), f32)

    e1, be1 = params['emb1']
    e8 = jnp.pad(e1[:7], ((0, 1), (0, 0)))
    ce = (gfeat @ e1[7:19] + be1).reshape(1, hid)
    e2, be2 = params['emb2']
    be2 = be2.reshape(1, hid)

    lw = []
    for lp in params['layers']:
        w1, b1 = lp['msg1']
        wd = w1[0:hid]
        ws = w1[hid:2 * hid]
        wx16 = jnp.pad(w1[2 * hid:2 * hid + 3], ((0, 13), (0, 0)))
        wv8 = jnp.pad(w1[2 * hid + 3:2 * hid + 9], ((1, 1), (0, 0)))
        cm = (gfeat @ w1[2 * hid + 9:] + b1).reshape(1, hid)
        w2, b2 = lp['msg2']
        u1, bu1 = lp['upd1']
        u1a = u1[0:hid]
        u1b = u1[hid:2 * hid]
        cu = (gfeat @ u1[2 * hid:] + bu1).reshape(1, hid)
        u2, bu2 = lp['upd2']
        lw.append(dict(wd=wd, ws=ws, wx16=wx16, wv8=wv8, cm=cm, w2=w2,
                       b2=b2.reshape(1, hid), u1a=u1a, u1b=u1b, cu=cu, u2=u2,
                       bu2=bu2.reshape(1, hid), lns=lp['ln_s'].reshape(1, hid),
                       lnb=lp['ln_b'].reshape(1, hid)))

    o1, bo1 = params['out1']
    o2, bo2 = params['out2']
    o2p = jnp.pad(o2, ((0, 0), (0, 16 - o2.shape[1])))
    bo2p = jnp.pad(bo2, (0, 16 - bo2.shape[0])).reshape(1, 16)
    m1, bm1 = params['mac1']
    m2, bm2 = params['mac2']
    m2p = jnp.pad(m2, ((0, 0), (0, 16 - m2.shape[1])))
    bm2p = jnp.pad(bm2, (0, 16 - bm2.shape[0])).reshape(1, 16)

    bn = 512
    gn = npad // bn
    be = 512
    ge = epad // be

    w128 = _full((hid, hid))
    w1h = _full((1, hid))

    s2_spec = pl.BlockSpec((2, be, hid), lambda i: (0, i, 0))

    enc = pl.pallas_call(
        _enc_body,
        grid=(gn,),
        in_specs=[pl.BlockSpec((bn, 8), lambda i: (i, 0)), _full((8, hid)),
                  w1h, w128, w1h, w128, w128, _full((8, hid))],
        out_specs=[pl.BlockSpec((bn, hid), lambda i: (i, 0))] * 3,
        out_shape=[jax.ShapeDtypeStruct((npad, hid), f32)] * 3,
    )

    dxk = pl.pallas_call(
        _dx_body,
        grid=(ge,),
        in_specs=[s2_spec, _full((1, 16))],
        out_specs=pl.BlockSpec((be, 16), lambda i: (i, 0)),
        out_shape=jax.ShapeDtypeStruct((epad, 16), f32),
    )

    edgek = pl.pallas_call(
        _edge_body,
        grid=(ge,),
        in_specs=[s2_spec,
                  pl.BlockSpec((be, 16), lambda i: (i, 0)),
                  _full((16, hid)), w1h, w128, w1h],
        out_specs=pl.BlockSpec((be, hid), lambda i: (i, 0)),
        out_shape=jax.ShapeDtypeStruct((epad, hid), f32),
    )

    upd_mid = pl.pallas_call(
        _upd_mid_body,
        grid=(gn,),
        in_specs=[pl.BlockSpec((bn, hid), lambda i: (i, 0)),
                  pl.BlockSpec((2, bn, hid), lambda i: (0, i, 0)),
                  w128, w128, w1h, w128, w1h, w1h, w1h,
                  pl.BlockSpec((bn, 8), lambda i: (i, 0)),
                  w128, w128, _full((8, hid))],
        out_specs=[pl.BlockSpec((bn, hid), lambda i: (i, 0))] * 3,
        out_shape=[jax.ShapeDtypeStruct((npad, hid), f32)] * 3,
    )

    upd_last = pl.pallas_call(
        _upd_last_body,
        grid=(gn,),
        in_specs=[pl.BlockSpec((bn, hid), lambda i: (i, 0)),
                  pl.BlockSpec((2, bn, hid), lambda i: (0, i, 0)),
                  w128, w128, w1h, w128, w1h, w1h, w1h],
        out_specs=pl.BlockSpec((bn, hid), lambda i: (i, 0)),
        out_shape=jax.ShapeDtypeStruct((npad, hid), f32),
    )

    deck = pl.pallas_call(
        _dec_body,
        grid=(gn,),
        in_specs=[pl.BlockSpec((bn, hid), lambda i: (i, 0)),
                  w128, w1h, _full((hid, 16)), _full((1, 16)),
                  pl.BlockSpec((bn, 16), lambda i: (i, 0)), _full((1, 16))],
        out_specs=[pl.BlockSpec((bn, 16), lambda i: (i, 0))] * 2,
        out_shape=[jax.ShapeDtypeStruct((npad, 16), f32)] * 2,
    )

    poolk = pl.pallas_call(
        functools.partial(_pool_body, n, bn),
        grid=(gn,),
        in_specs=[pl.BlockSpec((bn, hid), lambda i: (i, 0))],
        out_specs=pl.BlockSpec((1, hid), lambda i: (0, 0)),
        out_shape=jax.ShapeDtypeStruct((1, hid), f32),
    )

    macrok = pl.pallas_call(
        functools.partial(_macro_body, float(n)),
        grid=(1,),
        in_specs=[_full((1, hid)), w128, w1h, _full((hid, 16)), _full((1, 16))],
        out_specs=_full((1, 16)),
        out_shape=jax.ShapeDtypeStruct((1, 16), f32),
    )

    sc_gather = _make_sc_gather(npad, epad, ew, hid)
    sc_scatter = _make_sc_scatter(npad, epad, ew, hid)

    h, p, q = enc(rv, e8, ce, e2, be2, lw[0]['wd'], lw[0]['ws'], lw[0]['wv8'])

    d2 = sc_gather(pos128, pos128, dstp, srcp)
    dxw = dxk(d2, dom16)

    nl = len(lw)
    for l, w in enumerate(lw):
        s2 = sc_gather(p, q, dstp, srcp)
        m = edgek(s2, dxw, w['wx16'], w['cm'], w['w2'], w['b2'])
        agg2 = sc_scatter(m, dstp, zeros128)
        if l + 1 < nl:
            wn = lw[l + 1]
            h, p, q = upd_mid(h, agg2, w['u1a'], w['u1b'], w['cu'], w['u2'],
                              w['bu2'], w['lns'], w['lnb'], rv,
                              wn['wd'], wn['ws'], wn['wv8'])
        else:
            h = upd_last(h, agg2, w['u1a'], w['u1b'], w['cu'], w['u2'],
                         w['bu2'], w['lns'], w['lnb'])

    pred16, px16 = deck(h, o1, bo1.reshape(1, hid), o2p, bo2p, nf16, domn16)
    hsum = poolk(h)
    macro16 = macrok(hsum, m1, bm1.reshape(1, hid), m2p, bm2p)

    pred_x = px16[:n, 0:3]
    pred_v = pred16[:n, 3:9]
    pred_macro = macro16[0, :3]
    return (pred_x, pred_v, pred_macro)

# --- scband reference (transcript-rebuilt; emitter-appended) ---
"""Pipeline reference for scband-gnnmodel-72559177499143 (READ-ONLY COPY).

The authoritative reference and input builder live on the scoring server;
editing this copy changes nothing except your own understanding.
"""

import jax, jax.numpy as jnp
import numpy as np

N = 10000
E = 320000
HID = 128
NL = 6
GF = 12
IN_F = 19

def _lin(key, fan_in, fan_out):
    k1, k2 = jax.random.split(key)
    W = jax.random.normal(k1, (fan_in, fan_out), jnp.float32) * (1.0 / np.sqrt(fan_in))
    b = jnp.zeros((fan_out,), jnp.float32)
    return (W, b)

def setup_inputs(seed: int = 0):
    key = jax.random.key(seed)
    ks = jax.random.split(key, 40)
    v = jax.random.normal(ks[0], (N, 6), jnp.float32)
    pos = jax.random.uniform(ks[1], (N, 3), jnp.float32)
    r = jax.random.uniform(ks[2], (N, 1), jnp.float32)
    domain = jnp.ones((3,), jnp.float32)
    t = jax.random.uniform(ks[3], (1,), jnp.float32)
    x_global = jax.random.normal(ks[4], (4,), jnp.float32)
    domain_next = jnp.ones((3,), jnp.float32)
    t_next = jax.random.uniform(ks[5], (1,), jnp.float32)
    edge_index = jax.random.randint(ks[6], (2, E), 0, N, dtype=jnp.int32)
    batch = jnp.zeros((N,), jnp.int32)
    msg_in = 2 * HID + 3 + 6 + GF
    upd_in = 2 * HID + GF
    pk = jax.random.split(ks[7], 4 + NL * 4)
    layers = []
    for l in range(NL):
        layers.append({
            'msg1': _lin(pk[4 + 4 * l], msg_in, HID),
            'msg2': _lin(pk[4 + 4 * l + 1], HID, HID),
            'upd1': _lin(pk[4 + 4 * l + 2], upd_in, HID),
            'upd2': _lin(pk[4 + 4 * l + 3], HID, HID),
            'ln_s': jnp.ones((HID,), jnp.float32),
            'ln_b': jnp.zeros((HID,), jnp.float32),
        })
    params = {
        'emb1': _lin(pk[0], IN_F, HID),
        'emb2': _lin(pk[1], HID, HID),
        'out1': _lin(pk[2], HID, HID),
        'out2': _lin(jax.random.fold_in(pk[2], 1), HID, 9),
        'mac1': _lin(pk[3], HID, HID),
        'mac2': _lin(jax.random.fold_in(pk[3], 1), HID, 3),
        'layers': layers,
    }
    return {'v': v, 'pos': pos, 'r': r, 'domain': domain, 't': t, 'x_global': x_global,
            'domain_next': domain_next, 't_next': t_next, 'edge_index': edge_index,
            'batch': batch, 'params': params}

def _mlp2(x, p1, p2):
    h = jax.nn.relu(x @ p1[0] + p1[1])
    return h @ p2[0] + p2[1]

def _gnn_layer(h, v, pos, domain, gfeat, src, dst, lp, n):
    dx = pos[dst] - pos[src]
    dx = dx - domain * jnp.round(dx / domain)
    dv = v[dst] - v[src]
    gfe = jnp.broadcast_to(gfeat[None, :], (dx.shape[0], gfeat.shape[0]))
    m_in = jnp.concatenate([h[dst], h[src], dx, dv, gfe], axis=1)
    m = jax.nn.relu(_mlp2(m_in, lp['msg1'], lp['msg2']))
    agg = jax.ops.segment_sum(m, dst, num_segments=n)
    gfn = jnp.broadcast_to(gfeat[None, :], (n, gfeat.shape[0]))
    u_in = jnp.concatenate([h, agg, gfn], axis=1)
    out = h + _mlp2(u_in, lp['upd1'], lp['upd2'])
    mu = jnp.mean(out, axis=1, keepdims=True)
    var = jnp.var(out, axis=1, keepdims=True)
    out = (out - mu) / jnp.sqrt(var + 1e-5)
    return out * lp['ln_s'] + lp['ln_b']

def reference(v, pos, r, domain, t, x_global, domain_next, t_next, edge_index, batch, params):
    n = v.shape[0]
    src = edge_index[0]
    dst = edge_index[1]
    gfeat = jnp.concatenate([domain, t, x_global, domain_next, t_next])
    node_features = jnp.concatenate([pos, v], axis=1)
    gf_rep = jnp.broadcast_to(gfeat[None, :], (n, gfeat.shape[0]))
    feats = jnp.concatenate([r, v, gf_rep], axis=1)
    h = jax.nn.relu(_mlp2(feats, params['emb1'], params['emb2']))
    for lp in params['layers']:
        h = _gnn_layer(h, v, pos, domain, gfeat, src, dst, lp, n)
    prediction = _mlp2(h, params['out1'], params['out2']) + node_features
    pred_x = jnp.remainder(prediction[:, :3], domain_next)
    pred_v = prediction[:, 3:]
    ones = jnp.ones((n,), jnp.float32)
    counts = jax.ops.segment_sum(ones, batch, num_segments=1)
    h_mean = jax.ops.segment_sum(h, batch, num_segments=1) / counts[:, None]
    pred_macro = _mlp2(h_mean, params['mac1'], params['mac2'])[0]
    return (pred_x, pred_v, pred_macro)

if __name__ == "__main__":
    import jax
    _d = setup_inputs()
    print(jax.jit(kernel)(*tuple(_d.values())))

</pallas_src>

<mosaic_0001>
#map = affine_map<(d0, d1) -> (0, 0)>
#map1 = affine_map<(d0, d1) -> (0)>
#map2 = affine_map<(d0, d1) -> (0, 0, 0)>
module attributes {stable_mosaic.version = 14 : i64} {
  func.func @k(%arg0: i32, %arg1: i32, %arg2: memref<10240x128xf32, #tpu.memory_space<hbm>>, %arg3: memref<10240x128xf32, #tpu.memory_space<hbm>>, %arg4: memref<323584xi32, #tpu.memory_space<hbm>>, %arg5: memref<323584xi32, #tpu.memory_space<hbm>>, %arg6: memref<2x323584x128xf32, #tpu.memory_space<hbm>>, %arg7: memref<128xi32, #tpu.memory_space<vmem>>, %arg8: memref<128xi32, #tpu.memory_space<vmem>>, %arg9: memref<128x128xf32, #tpu.memory_space<vmem>>, %arg10: memref<128x128xf32, #tpu.memory_space<vmem>>, %arg11: memref<!tpu.dma_semaphore, #tpu.memory_space<semaphore_mem>>) attributes {dimension_semantics = [#tpu.dimension_semantics<core_parallel>, #tpu.dimension_semantics<subcore_parallel>], iteration_bounds = array<i64: 2, 16>, scalar_prefetch = 0 : i64, scratch_operands = 5 : i64, tpu.core_type = #tpu.core_type<sc_vector_subcore>, window_params = [{transform_indices = #map}, {transform_indices = #map}, {transform_indices = #map1}, {transform_indices = #map1}, {transform_indices = #map2}]} {
    %mul3A = arith.constant 2 : i32
    %mul3A_0 = arith.muli %arg1, %mul3A : i32
    %add3A = arith.addi %mul3A_0, %arg0 : i32
    %mul3A_1 = arith.constant 10112 : i32
    %mul3A_2 = arith.muli %add3A, %mul3A_1 : i32
    %scan3A = arith.constant 0 : i32
    %scan3A_3 = arith.constant 0 : i32
    %scan3A_4 = arith.constant 79 : i32
    %scan3A_5 = arith.addi %scan3A_3, %scan3A_4 : i32
    %scan3A_6 = arith.constant 1 : i32
    scf.for %scan3A_8 = %scan3A_3 to %scan3A_5 step %scan3A_6  : i32 {
      %mul3A_9 = arith.constant 128 : i32
      %mul3A_10 = arith.muli %scan3A_8, %mul3A_9 : i32
      %add3A_11 = arith.addi %mul3A_2, %mul3A_10 : i32
      "tpu.region"() ({
        %run_scoped3A_23 = tpu.sem_alloc : memref<!tpu.dma_semaphore, #tpu.memory_space<semaphore_mem>>
        %dma_start3A_24 = tpu.memref_slice %arg4[%add3A_11] : memref<323584xi32, #tpu.memory_space<hbm>> -> memref<128xi32, #tpu.memory_space<hbm>>
        %dma_start3A_25 = tpu.memref_slice %arg4[%add3A_11] : memref<323584xi32, #tpu.memory_space<hbm>> -> memref<128xi32, #tpu.memory_space<hbm>>
        tpu.enqueue_dma source(%dma_start3A_25 : memref<128xi32, #tpu.memory_space<hbm>>) target(%arg7 : memref<128xi32, #tpu.memory_space<vmem>>) target_semaphore(%run_scoped3A_23 : memref<!tpu.dma_semaphore, #tpu.memory_space<semaphore_mem>>)
        %dma_wait3A_26 = tpu.memref_slice %arg4[%add3A_11] : memref<323584xi32, #tpu.memory_space<hbm>> -> memref<128xi32, #tpu.memory_space<hbm>>
        %dma_wait3A_27 = tpu.memref_slice %arg4[%add3A_11] : memref<323584xi32, #tpu.memory_space<hbm>> -> memref<128xi32, #tpu.memory_space<hbm>>
        tpu.wait_dma2 semaphore(%run_scoped3A_23 : memref<!tpu.dma_semaphore, #tpu.memory_space<semaphore_mem>>) src(%dma_wait3A_27 : memref<128xi32, #tpu.memory_space<hbm>>) dst(%arg7 : memref<128xi32, #tpu.memory_space<vmem>>)
        tpu.yield
      }) : () -> ()
      "tpu.region"() ({
        %run_scoped3A_23 = tpu.sem_alloc : memref<!tpu.dma_semaphore, #tpu.memory_space<semaphore_mem>>
        %dma_start3A_24 = tpu.memref_slice %arg5[%add3A_11] : memref<323584xi32, #tpu.memory_space<hbm>> -> memref<128xi32, #tpu.memory_space<hbm>>
        %dma_start3A_25 = tpu.memref_slice %arg5[%add3A_11] : memref<323584xi32, #tpu.memory_space<hbm>> -> memref<128xi32, #tpu.memory_space<hbm>>
        tpu.enqueue_dma source(%dma_start3A_25 : memref<128xi32, #tpu.memory_space<hbm>>) target(%arg8 : memref<128xi32, #tpu.memory_space<vmem>>) target_semaphore(%run_scoped3A_23 : memref<!tpu.dma_semaphore, #tpu.memory_space<semaphore_mem>>)
        %dma_wait3A_26 = tpu.memref_slice %arg5[%add3A_11] : memref<323584xi32, #tpu.memory_space<hbm>> -> memref<128xi32, #tpu.memory_space<hbm>>
        %dma_wait3A_27 = tpu.memref_slice %arg5[%add3A_11] : memref<323584xi32, #tpu.memory_space<hbm>> -> memref<128xi32, #tpu.memory_space<hbm>>
        tpu.wait_dma2 semaphore(%run_scoped3A_23 : memref<!tpu.dma_semaphore, #tpu.memory_space<semaphore_mem>>) src(%dma_wait3A_27 : memref<128xi32, #tpu.memory_space<hbm>>) dst(%arg8 : memref<128xi32, #tpu.memory_space<vmem>>)
        tpu.yield
      }) : () -> ()
      %dma_start3A = arith.constant 0 : i32
      %dma_start3A_12 = arith.constant 0 : i32
      %dma_start3A_13 = tpu.memref_slice %arg2[%dma_start3A, %dma_start3A_12] : memref<10240x128xf32, #tpu.memory_space<hbm>> -> memref<10240x128xf32, #tpu.memory_space<hbm>>
      tpu.enqueue_indirect_dma source(%dma_start3A_13 : memref<10240x128xf32, #tpu.memory_space<hbm>>) target(%arg9 : memref<128x128xf32, #tpu.memory_space<vmem>>) offsets(%arg7 : memref<128xi32, #tpu.memory_space<vmem>>) semaphore(%arg11 : memref<!tpu.dma_semaphore, #tpu.memory_space<semaphore_mem>>)
      %dma_start3A_14 = arith.constant 0 : i32
      %dma_start3A_15 = arith.constant 0 : i32
      %dma_start3A_16 = tpu.memref_slice %arg3[%dma_start3A_14, %dma_start3A_15] : memref<10240x128xf32, #tpu.memory_space<hbm>> -> memref<10240x128xf32, #tpu.memory_space<hbm>>
      tpu.enqueue_indirect_dma source(%dma_start3A_16 : memref<10240x128xf32, #tpu.memory_space<hbm>>) target(%arg10 : memref<128x128xf32, #tpu.memory_space<vmem>>) offsets(%arg8 : memref<128xi32, #tpu.memory_space<vmem>>) semaphore(%arg11 : memref<!tpu.dma_semaphore, #tpu.memory_space<semaphore_mem>>)
      %dma_wait3A = arith.constant 0 : i32
      %dma_wait3A_17 = arith.constant 0 : i32
      %dma_wait3A_18 = tpu.memref_slice %arg2[%dma_wait3A, %dma_wait3A_17] : memref<10240x128xf32, #tpu.memory_space<hbm>> -> memref<10240x128xf32, #tpu.memory_space<hbm>>
      tpu.wait_indirect_dma semaphore(%arg11 : memref<!tpu.dma_semaphore, #tpu.memory_space<semaphore_mem>>) src(%dma_wait3A_18 : memref<10240x128xf32, #tpu.memory_space<hbm>>) dst(%arg9 : memref<128x128xf32, #tpu.memory_space<vmem>>)
      %dma_wait3A_19 = arith.constant 0 : i32
      %dma_wait3A_20 = arith.constant 0 : i32
      %dma_wait3A_21 = tpu.memref_slice %arg3[%dma_wait3A_19, %dma_wait3A_20] : memref<10240x128xf32, #tpu.memory_space<hbm>> -> memref<10240x128xf32, #tpu.memory_space<hbm>>
      tpu.wait_indirect_dma semaphore(%arg11 : memref<!tpu.dma_semaphore, #tpu.memory_space<semaphore_mem>>) src(%dma_wait3A_21 : memref<10240x128xf32, #tpu.memory_space<hbm>>) dst(%arg10 : memref<128x128xf32, #tpu.memory_space<vmem>>)
      %run_scoped3A = arith.constant 0 : i32
      "tpu.region"() ({
        %run_scoped3A_23 = tpu.sem_alloc : memref<!tpu.dma_semaphore, #tpu.memory_space<semaphore_mem>>
        %dma_start3A_24 = arith.constant 0 : i32
        %dma_start3A_25 = tpu.memref_slice %arg6[%run_scoped3A, %add3A_11, %dma_start3A_24] : memref<2x323584x128xf32, #tpu.memory_space<hbm>> -> memref<1x128x128xf32, #tpu.memory_space<hbm>>
        %dma_start3A_26 = tpu.memref_squeeze %dma_start3A_25 : memref<1x128x128xf32, #tpu.memory_space<hbm>> -> memref<128x128xf32, #tpu.memory_space<hbm>>
        %dma_start3A_27 = arith.constant 0 : i32
        %dma_start3A_28 = tpu.memref_slice %arg6[%run_scoped3A, %add3A_11, %dma_start3A_27] : memref<2x323584x128xf32, #tpu.memory_space<hbm>> -> memref<1x128x128xf32, #tpu.memory_space<hbm>>
        %dma_start3A_29 = tpu.memref_squeeze %dma_start3A_28 : memref<1x128x128xf32, #tpu.memory_space<hbm>> -> memref<128x128xf32, #tpu.memory_space<hbm>>
        tpu.enqueue_dma source(%arg9 : memref<128x128xf32, #tpu.memory_space<vmem>>) target(%dma_start3A_29 : memref<128x128xf32, #tpu.memory_space<hbm>>) target_semaphore(%run_scoped3A_23 : memref<!tpu.dma_semaphore, #tpu.memory_space<semaphore_mem>>)
        %dma_wait3A_30 = arith.constant 0 : i32
        %dma_wait3A_31 = tpu.memref_slice %arg6[%run_scoped3A, %add3A_11, %dma_wait3A_30] : memref<2x323584x128xf32, #tpu.memory_space<hbm>> -> memref<1x128x128xf32, #tpu.memory_space<hbm>>
        %dma_wait3A_32 = tpu.memref_squeeze %dma_wait3A_31 : memref<1x128x128xf32, #tpu.memory_space<hbm>> -> memref<128x128xf32, #tpu.memory_space<hbm>>
        %dma_wait3A_33 = arith.constant 0 : i32
        %dma_wait3A_34 = tpu.memref_slice %arg6[%run_scoped3A, %add3A_11, %dma_wait3A_33] : memref<2x323584x128xf32, #tpu.memory_space<hbm>> -> memref<1x128x128xf32, #tpu.memory_space<hbm>>
        %dma_wait3A_35 = tpu.memref_squeeze %dma_wait3A_34 : memref<1x128x128xf32, #tpu.memory_space<hbm>> -> memref<128x128xf32, #tpu.memory_space<hbm>>
        tpu.wait_dma2 semaphore(%run_scoped3A_23 : memref<!tpu.dma_semaphore, #tpu.memory_space<semaphore_mem>>) src(%arg9 : memref<128x128xf32, #tpu.memory_space<vmem>>) dst(%dma_wait3A_35 : memref<128x128xf32, #tpu.memory_space<hbm>>)
        tpu.yield
      }) : () -> ()
      %run_scoped3A_22 = arith.constant 1 : i32
      "tpu.region"() ({
        %run_scoped3A_23 = tpu.sem_alloc : memref<!tpu.dma_semaphore, #tpu.memory_space<semaphore_mem>>
        %dma_start3A_24 = arith.constant 0 : i32
        %dma_start3A_25 = tpu.memref_slice %arg6[%run_scoped3A_22, %add3A_11, %dma_start3A_24] : memref<2x323584x128xf32, #tpu.memory_space<hbm>> -> memref<1x128x128xf32, #tpu.memory_space<hbm>>
        %dma_start3A_26 = tpu.memref_squeeze %dma_start3A_25 : memref<1x128x128xf32, #tpu.memory_space<hbm>> -> memref<128x128xf32, #tpu.memory_space<hbm>>
        %dma_start3A_27 = arith.constant 0 : i32
        %dma_start3A_28 = tpu.memref_slice %arg6[%run_scoped3A_22, %add3A_11, %dma_start3A_27] : memref<2x323584x128xf32, #tpu.memory_space<hbm>> -> memref<1x128x128xf32, #tpu.memory_space<hbm>>
        %dma_start3A_29 = tpu.memref_squeeze %dma_start3A_28 : memref<1x128x128xf32, #tpu.memory_space<hbm>> -> memref<128x128xf32, #tpu.memory_space<hbm>>
        tpu.enqueue_dma source(%arg10 : memref<128x128xf32, #tpu.memory_space<vmem>>) target(%dma_start3A_29 : memref<128x128xf32, #tpu.memory_space<hbm>>) target_semaphore(%run_scoped3A_23 : memref<!tpu.dma_semaphore, #tpu.memory_space<semaphore_mem>>)
        %dma_wait3A_30 = arith.constant 0 : i32
        %dma_wait3A_31 = tpu.memref_slice %arg6[%run_scoped3A_22, %add3A_11, %dma_wait3A_30] : memref<2x323584x128xf32, #tpu.memory_space<hbm>> -> memref<1x128x128xf32, #tpu.memory_space<hbm>>
        %dma_wait3A_32 = tpu.memref_squeeze %dma_wait3A_31 : memref<1x128x128xf32, #tpu.memory_space<hbm>> -> memref<128x128xf32, #tpu.memory_space<hbm>>
        %dma_wait3A_33 = arith.constant 0 : i32
        %dma_wait3A_34 = tpu.memref_slice %arg6[%run_scoped3A_22, %add3A_11, %dma_wait3A_33] : memref<2x323584x128xf32, #tpu.memory_space<hbm>> -> memref<1x128x128xf32, #tpu.memory_space<hbm>>
        %dma_wait3A_35 = tpu.memref_squeeze %dma_wait3A_34 : memref<1x128x128xf32, #tpu.memory_space<hbm>> -> memref<128x128xf32, #tpu.memory_space<hbm>>
        tpu.wait_dma2 semaphore(%run_scoped3A_23 : memref<!tpu.dma_semaphore, #tpu.memory_space<semaphore_mem>>) src(%arg10 : memref<128x128xf32, #tpu.memory_space<vmem>>) dst(%dma_wait3A_35 : memref<128x128xf32, #tpu.memory_space<hbm>>)
        tpu.yield
      }) : () -> ()
    }
    %scan3A_7 = arith.constant 79 : i32
    return
  }
}

#map = affine_map<(d0, d1) -> (0, 0)>
#map1 = affine_map<(d0, d1) -> (0)>
#map2 = affine_map<(d0, d1) -> (0, 0, 0)>
module attributes {stable_mosaic.version = 14 : i64} {
  func.func @k(%arg0: i32, %arg1: i32, %arg2: memref<10240x128xf32, #tpu.memory_space<hbm>>, %arg3: memref<10240x128xf32, #tpu.memory_space<hbm>>, %arg4: memref<323584xi32, #tpu.memory_space<hbm>>, %arg5: memref<323584xi32, #tpu.memory_space<hbm>>, %arg6: memref<2x323584x128xf32, #tpu.memory_space<hbm>>, %arg7: memref<128xi32, #tpu.memory_space<vmem>>, %arg8: memref<128xi32, #tpu.memory_space<vmem>>, %arg9: memref<128x128xf32, #tpu.memory_space<vmem>>, %arg10: memref<128x128xf32, #tpu.memory_space<vmem>>, %arg11: memref<!tpu.dma_semaphore, #tpu.memory_space<semaphore_mem>>) attributes {dimension_semantics = [#tpu.dimension_semantics<core_parallel>, #tpu.dimension_semantics<subcore_parallel>], iteration_bounds = array<i64: 2, 16>, scalar_prefetch = 0 : i64, scratch_operands = 5 : i64, tpu.core_type = #tpu.core_type<sc_vector_subcore>, window_params = [{transform_indices = #map}, {transform_indices = #map}, {transform_indices = #map1}, {transform_indices = #map1}, {transform_indices = #map2}]} {
    %mul3A = arith.constant 2 : i32
    %mul3A_0 = arith.muli %arg1, %mul3A : i32
    %add3A = arith.addi %mul3A_0, %arg0 : i32
    %mul3A_1 = arith.constant 10112 : i32
    %mul3A_2 = arith.muli %add3A, %mul3A_1 : i32
    %scan3A = arith.constant 0 : i32
    %scan3A_3 = arith.constant 0 : i32
    %scan3A_4 = arith.constant 79 : i32
    %scan3A_5 = arith.addi %scan3A_3, %scan3A_4 : i32
    %scan3A_6 = arith.constant 1 : i32
    scf.for %scan3A_8 = %scan3A_3 to %scan3A_5 step %scan3A_6  : i32 {
      %mul3A_9 = arith.constant 128 : i32
      %mul3A_10 = arith.muli %scan3A_8, %mul3A_9 : i32
      %add3A_11 = arith.addi %mul3A_2, %mul3A_10 : i32
      "tpu.region"() ({
        %run_scoped3A_23 = tpu.sem_alloc : memref<!tpu.dma_semaphore, #tpu.memory_space<semaphore_mem>>
        %dma_start3A_24 = tpu.memref_slice %arg4[%add3A_11] : memref<323584xi32, #tpu.memory_space<hbm>> -> memref<128xi32, #tpu.memory_space<hbm>>
        %dma_start3A_25 = tpu.memref_slice %arg4[%add3A_11] : memref<323584xi32, #tpu.memory_space<hbm>> -> memref<128xi32, #tpu.memory_space<hbm>>
        tpu.enqueue_dma source(%dma_start3A_25 : memref<128xi32, #tpu.memory_space<hbm>>) target(%arg7 : memref<128xi32, #tpu.memory_space<vmem>>) target_semaphore(%run_scoped3A_23 : memref<!tpu.dma_semaphore, #tpu.memory_space<semaphore_mem>>)
        %dma_wait3A_26 = tpu.memref_slice %arg4[%add3A_11] : memref<323584xi32, #tpu.memory_space<hbm>> -> memref<128xi32, #tpu.memory_space<hbm>>
        %dma_wait3A_27 = tpu.memref_slice %arg4[%add3A_11] : memref<323584xi32, #tpu.memory_space<hbm>> -> memref<128xi32, #tpu.memory_space<hbm>>
        tpu.wait_dma2 semaphore(%run_scoped3A_23 : memref<!tpu.dma_semaphore, #tpu.memory_space<semaphore_mem>>) src(%dma_wait3A_27 : memref<128xi32, #tpu.memory_space<hbm>>) dst(%arg7 : memref<128xi32, #tpu.memory_space<vmem>>)
        tpu.yield
      }) : () -> ()
      "tpu.region"() ({
        %run_scoped3A_23 = tpu.sem_alloc : memref<!tpu.dma_semaphore, #tpu.memory_space<semaphore_mem>>
        %dma_start3A_24 = tpu.memref_slice %arg5[%add3A_11] : memref<323584xi32, #tpu.memory_space<hbm>> -> memref<128xi32, #tpu.memory_space<hbm>>
        %dma_start3A_25 = tpu.memref_slice %arg5[%add3A_11] : memref<323584xi32, #tpu.memory_space<hbm>> -> memref<128xi32, #tpu.memory_space<hbm>>
        tpu.enqueue_dma source(%dma_start3A_25 : memref<128xi32, #tpu.memory_space<hbm>>) target(%arg8 : memref<128xi32, #tpu.memory_space<vmem>>) target_semaphore(%run_scoped3A_23 : memref<!tpu.dma_semaphore, #tpu.memory_space<semaphore_mem>>)
        %dma_wait3A_26 = tpu.memref_slice %arg5[%add3A_11] : memref<323584xi32, #tpu.memory_space<hbm>> -> memref<128xi32, #tpu.memory_space<hbm>>
        %dma_wait3A_27 = tpu.memref_slice %arg5[%add3A_11] : memref<323584xi32, #tpu.memory_space<hbm>> -> memref<128xi32, #tpu.memory_space<hbm>>
        tpu.wait_dma2 semaphore(%run_scoped3A_23 : memref<!tpu.dma_semaphore, #tpu.memory_space<semaphore_mem>>) src(%dma_wait3A_27 : memref<128xi32, #tpu.memory_space<hbm>>) dst(%arg8 : memref<128xi32, #tpu.memory_space<vmem>>)
        tpu.yield
      }) : () -> ()
      %dma_start3A = arith.constant 0 : i32
      %dma_start3A_12 = arith.constant 0 : i32
      %dma_start3A_13 = tpu.memref_slice %arg2[%dma_start3A, %dma_start3A_12] : memref<10240x128xf32, #tpu.memory_space<hbm>> -> memref<10240x128xf32, #tpu.memory_space<hbm>>
      tpu.enqueue_indirect_dma source(%dma_start3A_13 : memref<10240x128xf32, #tpu.memory_space<hbm>>) target(%arg9 : memref<128x128xf32, #tpu.memory_space<vmem>>) offsets(%arg7 : memref<128xi32, #tpu.memory_space<vmem>>) semaphore(%arg11 : memref<!tpu.dma_semaphore, #tpu.memory_space<semaphore_mem>>)
      %dma_start3A_14 = arith.constant 0 : i32
      %dma_start3A_15 = arith.constant 0 : i32
      %dma_start3A_16 = tpu.memref_slice %arg3[%dma_start3A_14, %dma_start3A_15] : memref<10240x128xf32, #tpu.memory_space<hbm>> -> memref<10240x128xf32, #tpu.memory_space<hbm>>
      tpu.enqueue_indirect_dma source(%dma_start3A_16 : memref<10240x128xf32, #tpu.memory_space<hbm>>) target(%arg10 : memref<128x128xf32, #tpu.memory_space<vmem>>) offsets(%arg8 : memref<128xi32, #tpu.memory_space<vmem>>) semaphore(%arg11 : memref<!tpu.dma_semaphore, #tpu.memory_space<semaphore_mem>>)
      %dma_wait3A = arith.constant 0 : i32
      %dma_wait3A_17 = arith.constant 0 : i32
      %dma_wait3A_18 = tpu.memref_slice %arg2[%dma_wait3A, %dma_wait3A_17] : memref<10240x128xf32, #tpu.memory_space<hbm>> -> memref<10240x128xf32, #tpu.memory_space<hbm>>
      tpu.wait_indirect_dma semaphore(%arg11 : memref<!tpu.dma_semaphore, #tpu.memory_space<semaphore_mem>>) src(%dma_wait3A_18 : memref<10240x128xf32, #tpu.memory_space<hbm>>) dst(%arg9 : memref<128x128xf32, #tpu.memory_space<vmem>>)
      %dma_wait3A_19 = arith.constant 0 : i32
      %dma_wait3A_20 = arith.constant 0 : i32
      %dma_wait3A_21 = tpu.memref_slice %arg3[%dma_wait3A_19, %dma_wait3A_20] : memref<10240x128xf32, #tpu.memory_space<hbm>> -> memref<10240x128xf32, #tpu.memory_space<hbm>>
      tpu.wait_indirect_dma semaphore(%arg11 : memref<!tpu.dma_semaphore, #tpu.memory_space<semaphore_mem>>) src(%dma_wait3A_21 : memref<10240x128xf32, #tpu.memory_space<hbm>>) dst(%arg10 : memref<128x128xf32, #tpu.memory_space<vmem>>)
      %run_scoped3A = arith.constant 0 : i32
      "tpu.region"() ({
        %run_scoped3A_23 = tpu.sem_alloc : memref<!tpu.dma_semaphore, #tpu.memory_space<semaphore_mem>>
        %dma_start3A_24 = arith.constant 0 : i32
        %dma_start3A_25 = tpu.memref_slice %arg6[%run_scoped3A, %add3A_11, %dma_start3A_24] : memref<2x323584x128xf32, #tpu.memory_space<hbm>> -> memref<1x128x128xf32, #tpu.memory_space<hbm>>
        %dma_start3A_26 = tpu.memref_squeeze %dma_start3A_25 : memref<1x128x128xf32, #tpu.memory_space<hbm>> -> memref<128x128xf32, #tpu.memory_space<hbm>>
        %dma_start3A_27 = arith.constant 0 : i32
        %dma_start3A_28 = tpu.memref_slice %arg6[%run_scoped3A, %add3A_11, %dma_start3A_27] : memref<2x323584x128xf32, #tpu.memory_space<hbm>> -> memref<1x128x128xf32, #tpu.memory_space<hbm>>
        %dma_start3A_29 = tpu.memref_squeeze %dma_start3A_28 : memref<1x128x128xf32, #tpu.memory_space<hbm>> -> memref<128x128xf32, #tpu.memory_space<hbm>>
        tpu.enqueue_dma source(%arg9 : memref<128x128xf32, #tpu.memory_space<vmem>>) target(%dma_start3A_29 : memref<128x128xf32, #tpu.memory_space<hbm>>) target_semaphore(%run_scoped3A_23 : memref<!tpu.dma_semaphore, #tpu.memory_space<semaphore_mem>>)
        %dma_wait3A_30 = arith.constant 0 : i32
        %dma_wait3A_31 = tpu.memref_slice %arg6[%run_scoped3A, %add3A_11, %dma_wait3A_30] : memref<2x323584x128xf32, #tpu.memory_space<hbm>> -> memref<1x128x128xf32, #tpu.memory_space<hbm>>
        %dma_wait3A_32 = tpu.memref_squeeze %dma_wait3A_31 : memref<1x128x128xf32, #tpu.memory_space<hbm>> -> memref<128x128xf32, #tpu.memory_space<hbm>>
        %dma_wait3A_33 = arith.constant 0 : i32
        %dma_wait3A_34 = tpu.memref_slice %arg6[%run_scoped3A, %add3A_11, %dma_wait3A_33] : memref<2x323584x128xf32, #tpu.memory_space<hbm>> -> memref<1x128x128xf32, #tpu.memory_space<hbm>>
        %dma_wait3A_35 = tpu.memref_squeeze %dma_wait3A_34 : memref<1x128x128xf32, #tpu.memory_space<hbm>> -> memref<128x128xf32, #tpu.memory_space<hbm>>
        tpu.wait_dma2 semaphore(%run_scoped3A_23 : memref<!tpu.dma_semaphore, #tpu.memory_space<semaphore_mem>>) src(%arg9 : memref<128x128xf32, #tpu.memory_space<vmem>>) dst(%dma_wait3A_35 : memref<128x128xf32, #tpu.memory_space<hbm>>)
        tpu.yield
      }) : () -> ()
      %run_scoped3A_22 = arith.constant 1 : i32
      "tpu.region"() ({
        %run_scoped3A_23 = tpu.sem_alloc : memref<!tpu.dma_semaphore, #tpu.memory_space<semaphore_mem>>
        %dma_start3A_24 = arith.constant 0 : i32
        %dma_start3A_25 = tpu.memref_slice %arg6[%run_scoped3A_22, %add3A_11, %dma_start3A_24] : memref<2x323584x128xf32, #tpu.memory_space<hbm>> -> memref<1x128x128xf32, #tpu.memory_space<hbm>>
        %dma_start3A_26 = tpu.memref_squeeze %dma_start3A_25 : memref<1x128x128xf32, #tpu.memory_space<hbm>> -> memref<128x128xf32, #tpu.memory_space<hbm>>
        %dma_start3A_27 = arith.constant 0 : i32
        %dma_start3A_28 = tpu.memref_slice %arg6[%run_scoped3A_22, %add3A_11, %dma_start3A_27] : memref<2x323584x128xf32, #tpu.memory_space<hbm>> -> memref<1x128x128xf32, #tpu.memory_space<hbm>>
        %dma_start3A_29 = tpu.memref_squeeze %dma_start3A_28 : memref<1x128x128xf32, #tpu.memory_space<hbm>> -> memref<128x128xf32, #tpu.memory_space<hbm>>
        tpu.enqueue_dma source(%arg10 : memref<128x128xf32, #tpu.memory_space<vmem>>) target(%dma_start3A_29 : memref<128x128xf32, #tpu.memory_space<hbm>>) target_semaphore(%run_scoped3A_23 : memref<!tpu.dma_semaphore, #tpu.memory_space<semaphore_mem>>)
        %dma_wait3A_30 = arith.constant 0 : i32
        %dma_wait3A_31 = tpu.memref_slice %arg6[%run_scoped3A_22, %add3A_11, %dma_wait3A_30] : memref<2x323584x128xf32, #tpu.memory_space<hbm>> -> memref<1x128x128xf32, #tpu.memory_space<hbm>>
        %dma_wait3A_32 = tpu.memref_squeeze %dma_wait3A_31 : memref<1x128x128xf32, #tpu.memory_space<hbm>> -> memref<128x128xf32, #tpu.memory_space<hbm>>
        %dma_wait3A_33 = arith.constant 0 : i32
        %dma_wait3A_34 = tpu.memref_slice %arg6[%run_scoped3A_22, %add3A_11, %dma_wait3A_33] : memref<2x323584x128xf32, #tpu.memory_space<hbm>> -> memref<1x128x128xf32, #tpu.memory_space<hbm>>
        %dma_wait3A_35 = tpu.memref_squeeze %dma_wait3A_34 : memref<1x128x128xf32, #tpu.memory_space<hbm>> -> memref<128x128xf32, #tpu.memory_space<hbm>>
        tpu.wait_dma2 semaphore(%run_scoped3A_23 : memref<!tpu.dma_semaphore, #tpu.memory_space<semaphore_mem>>) src(%arg10 : memref<128x128xf32, #tpu.memory_space<vmem>>) dst(%dma_wait3A_35 : memref<128x128xf32, #tpu.memory_space<hbm>>)
        tpu.yield
      }) : () -> ()
    }
    %scan3A_7 = arith.constant 79 : i32
    return
  }
}

#map = affine_map<(d0, d1) -> (0, 0)>
#map1 = affine_map<(d0, d1) -> (0)>
#map2 = affine_map<(d0, d1) -> (0, 0, 0)>
module attributes {stable_mosaic.version = 14 : i64} {
  func.func @k(%arg0: i32, %arg1: i32, %arg2: memref<10240x128xf32, #tpu.memory_space<hbm>>, %arg3: memref<10240x128xf32, #tpu.memory_space<hbm>>, %arg4: memref<323584xi32, #tpu.memory_space<hbm>>, %arg5: memref<323584xi32, #tpu.memory_space<hbm>>, %arg6: memref<2x323584x128xf32, #tpu.memory_space<hbm>>, %arg7: memref<128xi32, #tpu.memory_space<vmem>>, %arg8: memref<128xi32, #tpu.memory_space<vmem>>, %arg9: memref<128x128xf32, #tpu.memory_space<vmem>>, %arg10: memref<128x128xf32, #tpu.memory_space<vmem>>, %arg11: memref<!tpu.dma_semaphore, #tpu.memory_space<semaphore_mem>>) attributes {dimension_semantics = [#tpu.dimension_semantics<core_parallel>, #tpu.dimension_semantics<subcore_parallel>], iteration_bounds = array<i64: 2, 16>, scalar_prefetch = 0 : i64, scratch_operands = 5 : i64, tpu.core_type = #tpu.core_type<sc_vector_subcore>, window_params = [{transform_indices = #map}, {transform_indices = #map}, {transform_indices = #map1}, {transform_indices = #map1}, {transform_indices = #map2}]} {
    %mul3A = arith.constant 2 : i32
    %mul3A_0 = arith.muli %arg1, %mul3A : i32
    %add3A = arith.addi %mul3A_0, %arg0 : i32
    %mul3A_1 = arith.constant 10112 : i32
    %mul3A_2 = arith.muli %add3A, %mul3A_1 : i32
    %scan3A = arith.constant 0 : i32
    %scan3A_3 = arith.constant 0 : i32
    %scan3A_4 = arith.constant 79 : i32
    %scan3A_5 = arith.addi %scan3A_3, %scan3A_4 : i32
    %scan3A_6 = arith.constant 1 : i32
    scf.for %scan3A_8 = %scan3A_3 to %scan3A_5 step %scan3A_6  : i32 {
      %mul3A_9 = arith.constant 128 : i32
      %mul3A_10 = arith.muli %scan3A_8, %mul3A_9 : i32
      %add3A_11 = arith.addi %mul3A_2, %mul3A_10 : i32
      "tpu.region"() ({
        %run_scoped3A_23 = tpu.sem_alloc : memref<!tpu.dma_semaphore, #tpu.memory_space<semaphore_mem>>
        %dma_start3A_24 = tpu.memref_slice %arg4[%add3A_11] : memref<323584xi32, #tpu.memory_space<hbm>> -> memref<128xi32, #tpu.memory_space<hbm>>
        %dma_start3A_25 = tpu.memref_slice %arg4[%add3A_11] : memref<323584xi32, #tpu.memory_space<hbm>> -> memref<128xi32, #tpu.memory_space<hbm>>
        tpu.enqueue_dma source(%dma_start3A_25 : memref<128xi32, #tpu.memory_space<hbm>>) target(%arg7 : memref<128xi32, #tpu.memory_space<vmem>>) target_semaphore(%run_scoped3A_23 : memref<!tpu.dma_semaphore, #tpu.memory_space<semaphore_mem>>)
        %dma_wait3A_26 = tpu.memref_slice %arg4[%add3A_11] : memref<323584xi32, #tpu.memory_space<hbm>> -> memref<128xi32, #tpu.memory_space<hbm>>
        %dma_wait3A_27 = tpu.memref_slice %arg4[%add3A_11] : memref<323584xi32, #tpu.memory_space<hbm>> -> memref<128xi32, #tpu.memory_space<hbm>>
        tpu.wait_dma2 semaphore(%run_scoped3A_23 : memref<!tpu.dma_semaphore, #tpu.memory_space<semaphore_mem>>) src(%dma_wait3A_27 : memref<128xi32, #tpu.memory_space<hbm>>) dst(%arg7 : memref<128xi32, #tpu.memory_space<vmem>>)
        tpu.yield
      }) : () -> ()
      "tpu.region"() ({
        %run_scoped3A_23 = tpu.sem_alloc : memref<!tpu.dma_semaphore, #tpu.memory_space<semaphore_mem>>
        %dma_start3A_24 = tpu.memref_slice %arg5[%add3A_11] : memref<323584xi32, #tpu.memory_space<hbm>> -> memref<128xi32, #tpu.memory_space<hbm>>
        %dma_start3A_25 = tpu.memref_slice %arg5[%add3A_11] : memref<323584xi32, #tpu.memory_space<hbm>> -> memref<128xi32, #tpu.memory_space<hbm>>
        tpu.enqueue_dma source(%dma_start3A_25 : memref<128xi32, #tpu.memory_space<hbm>>) target(%arg8 : memref<128xi32, #tpu.memory_space<vmem>>) target_semaphore(%run_scoped3A_23 : memref<!tpu.dma_semaphore, #tpu.memory_space<semaphore_mem>>)
        %dma_wait3A_26 = tpu.memref_slice %arg5[%add3A_11] : memref<323584xi32, #tpu.memory_space<hbm>> -> memref<128xi32, #tpu.memory_space<hbm>>
        %dma_wait3A_27 = tpu.memref_slice %arg5[%add3A_11] : memref<323584xi32, #tpu.memory_space<hbm>> -> memref<128xi32, #tpu.memory_space<hbm>>
        tpu.wait_dma2 semaphore(%run_scoped3A_23 : memref<!tpu.dma_semaphore, #tpu.memory_space<semaphore_mem>>) src(%dma_wait3A_27 : memref<128xi32, #tpu.memory_space<hbm>>) dst(%arg8 : memref<128xi32, #tpu.memory_space<vmem>>)
        tpu.yield
      }) : () -> ()
      %dma_start3A = arith.constant 0 : i32
      %dma_start3A_12 = arith.constant 0 : i32
      %dma_start3A_13 = tpu.memref_slice %arg2[%dma_start3A, %dma_start3A_12] : memref<10240x128xf32, #tpu.memory_space<hbm>> -> memref<10240x128xf32, #tpu.memory_space<hbm>>
      tpu.enqueue_indirect_dma source(%dma_start3A_13 : memref<10240x128xf32, #tpu.memory_space<hbm>>) target(%arg9 : memref<128x128xf32, #tpu.memory_space<vmem>>) offsets(%arg7 : memref<128xi32, #tpu.memory_space<vmem>>) semaphore(%arg11 : memref<!tpu.dma_semaphore, #tpu.memory_space<semaphore_mem>>)
      %dma_start3A_14 = arith.constant 0 : i32
      %dma_start3A_15 = arith.constant 0 : i32
      %dma_start3A_16 = tpu.memref_slice %arg3[%dma_start3A_14, %dma_start3A_15] : memref<10240x128xf32, #tpu.memory_space<hbm>> -> memref<10240x128xf32, #tpu.memory_space<hbm>>
      tpu.enqueue_indirect_dma source(%dma_start3A_16 : memref<10240x128xf32, #tpu.memory_space<hbm>>) target(%arg10 : memref<128x128xf32, #tpu.memory_space<vmem>>) offsets(%arg8 : memref<128xi32, #tpu.memory_space<vmem>>) semaphore(%arg11 : memref<!tpu.dma_semaphore, #tpu.memory_space<semaphore_mem>>)
      %dma_wait3A = arith.constant 0 : i32
      %dma_wait3A_17 = arith.constant 0 : i32
      %dma_wait3A_18 = tpu.memref_slice %arg2[%dma_wait3A, %dma_wait3A_17] : memref<10240x128xf32, #tpu.memory_space<hbm>> -> memref<10240x128xf32, #tpu.memory_space<hbm>>
      tpu.wait_indirect_dma semaphore(%arg11 : memref<!tpu.dma_semaphore, #tpu.memory_space<semaphore_mem>>) src(%dma_wait3A_18 : memref<10240x128xf32, #tpu.memory_space<hbm>>) dst(%arg9 : memref<128x128xf32, #tpu.memory_space<vmem>>)
      %dma_wait3A_19 = arith.constant 0 : i32
      %dma_wait3A_20 = arith.constant 0 : i32
      %dma_wait3A_21 = tpu.memref_slice %arg3[%dma_wait3A_19, %dma_wait3A_20] : memref<10240x128xf32, #tpu.memory_space<hbm>> -> memref<10240x128xf32, #tpu.memory_space<hbm>>
      tpu.wait_indirect_dma semaphore(%arg11 : memref<!tpu.dma_semaphore, #tpu.memory_space<semaphore_mem>>) src(%dma_wait3A_21 : memref<10240x128xf32, #tpu.memory_space<hbm>>) dst(%arg10 : memref<128x128xf32, #tpu.memory_space<vmem>>)
      %run_scoped3A = arith.constant 0 : i32
      "tpu.region"() ({
        %run_scoped3A_23 = tpu.sem_alloc : memref<!tpu.dma_semaphore, #tpu.memory_space<semaphore_mem>>
        %dma_start3A_24 = arith.constant 0 : i32
        %dma_start3A_25 = tpu.memref_slice %arg6[%run_scoped3A, %add3A_11, %dma_start3A_24] : memref<2x323584x128xf32, #tpu.memory_space<hbm>> -> memref<1x128x128xf32, #tpu.memory_space<hbm>>
        %dma_start3A_26 = tpu.memref_squeeze %dma_start3A_25 : memref<1x128x128xf32, #tpu.memory_space<hbm>> -> memref<128x128xf32, #tpu.memory_space<hbm>>
        %dma_start3A_27 = arith.constant 0 : i32
        %dma_start3A_28 = tpu.memref_slice %arg6[%run_scoped3A, %add3A_11, %dma_start3A_27] : memref<2x323584x128xf32, #tpu.memory_space<hbm>> -> memref<1x128x128xf32, #tpu.memory_space<hbm>>
        %dma_start3A_29 = tpu.memref_squeeze %dma_start3A_28 : memref<1x128x128xf32, #tpu.memory_space<hbm>> -> memref<128x128xf32, #tpu.memory_space<hbm>>
        tpu.enqueue_dma source(%arg9 : memref<128x128xf32, #tpu.memory_space<vmem>>) target(%dma_start3A_29 : memref<128x128xf32, #tpu.memory_space<hbm>>) target_semaphore(%run_scoped3A_23 : memref<!tpu.dma_semaphore, #tpu.memory_space<semaphore_mem>>)
        %dma_wait3A_30 = arith.constant 0 : i32
        %dma_wait3A_31 = tpu.memref_slice %arg6[%run_scoped3A, %add3A_11, %dma_wait3A_30] : memref<2x323584x128xf32, #tpu.memory_space<hbm>> -> memref<1x128x128xf32, #tpu.memory_space<hbm>>
        %dma_wait3A_32 = tpu.memref_squeeze %dma_wait3A_31 : memref<1x128x128xf32, #tpu.memory_space<hbm>> -> memref<128x128xf32, #tpu.memory_space<hbm>>
        %dma_wait3A_33 = arith.constant 0 : i32
        %dma_wait3A_34 = tpu.memref_slice %arg6[%run_scoped3A, %add3A_11, %dma_wait3A_33] : memref<2x323584x128xf32, #tpu.memory_space<hbm>> -> memref<1x128x128xf32, #tpu.memory_space<hbm>>
        %dma_wait3A_35 = tpu.memref_squeeze %dma_wait3A_34 : memref<1x128x128xf32, #tpu.memory_space<hbm>> -> memref<128x128xf32, #tpu.memory_space<hbm>>
        tpu.wait_dma2 semaphore(%run_scoped3A_23 : memref<!tpu.dma_semaphore, #tpu.memory_space<semaphore_mem>>) src(%arg9 : memref<128x128xf32, #tpu.memory_space<vmem>>) dst(%dma_wait3A_35 : memref<128x128xf32, #tpu.memory_space<hbm>>)
        tpu.yield
      }) : () -> ()
      %run_scoped3A_22 = arith.constant 1 : i32
      "tpu.region"() ({
        %run_scoped3A_23 = tpu.sem_alloc : memref<!tpu.dma_semaphore, #tpu.memory_space<semaphore_mem>>
        %dma_start3A_24 = arith.constant 0 : i32
        %dma_start3A_25 = tpu.memref_slice %arg6[%run_scoped3A_22, %add3A_11, %dma_start3A_24] : memref<2x323584x128xf32, #tpu.memory_space<hbm>> -> memref<1x128x128xf32, #tpu.memory_space<hbm>>
        %dma_start3A_26 = tpu.memref_squeeze %dma_start3A_25 : memref<1x128x128xf32, #tpu.memory_space<hbm>> -> memref<128x128xf32, #tpu.memory_space<hbm>>
        %dma_start3A_27 = arith.constant 0 : i32
        %dma_start3A_28 = tpu.memref_slice %arg6[%run_scoped3A_22, %add3A_11, %dma_start3A_27] : memref<2x323584x128xf32, #tpu.memory_space<hbm>> -> memref<1x128x128xf32, #tpu.memory_space<hbm>>
        %dma_start3A_29 = tpu.memref_squeeze %dma_start3A_28 : memref<1x128x128xf32, #tpu.memory_space<hbm>> -> memref<128x128xf32, #tpu.memory_space<hbm>>
        tpu.enqueue_dma source(%arg10 : memref<128x128xf32, #tpu.memory_space<vmem>>) target(%dma_start3A_29 : memref<128x128xf32, #tpu.memory_space<hbm>>) target_semaphore(%run_scoped3A_23 : memref<!tpu.dma_semaphore, #tpu.memory_space<semaphore_mem>>)
        %dma_wait3A_30 = arith.constant 0 : i32
        %dma_wait3A_31 = tpu.memref_slice %arg6[%run_scoped3A_22, %add3A_11, %dma_wait3A_30] : memref<2x323584x128xf32, #tpu.memory_space<hbm>> -> memref<1x128x128xf32, #tpu.memory_space<hbm>>
        %dma_wait3A_32 = tpu.memref_squeeze %dma_wait3A_31 : memref<1x128x128xf32, #tpu.memory_space<hbm>> -> memref<128x128xf32, #tpu.memory_space<hbm>>
        %dma_wait3A_33 = arith.constant 0 : i32
        %dma_wait3A_34 = tpu.memref_slice %arg6[%run_scoped3A_22, %add3A_11, %dma_wait3A_33] : memref<2x323584x128xf32, #tpu.memory_space<hbm>> -> memref<1x128x128xf32, #tpu.memory_space<hbm>>
        %dma_wait3A_35 = tpu.memref_squeeze %dma_wait3A_34 : memref<1x128x128xf32, #tpu.memory_space<hbm>> -> memref<128x128xf32, #tpu.memory_space<hbm>>
        tpu.wait_dma2 semaphore(%run_scoped3A_23 : memref<!tpu.dma_semaphore, #tpu.memory_space<semaphore_mem>>) src(%arg10 : memref<128x128xf32, #tpu.memory_space<vmem>>) dst(%dma_wait3A_35 : memref<128x128xf32, #tpu.memory_space<hbm>>)
        tpu.yield
      }) : () -> ()
    }
    %scan3A_7 = arith.constant 79 : i32
    return
  }
}

#map = affine_map<(d0, d1) -> (0, 0)>
#map1 = affine_map<(d0, d1) -> (0)>
#map2 = affine_map<(d0, d1) -> (0, 0, 0)>
module attributes {stable_mosaic.version = 14 : i64} {
  func.func @k(%arg0: i32, %arg1: i32, %arg2: memref<323584x128xf32, #tpu.memory_space<hbm>>, %arg3: memref<323584xi32, #tpu.memory_space<hbm>>, %arg4: memref<128x128xf32, #tpu.memory_space<hbm>>, %arg5: memref<2x10240x128xf32, #tpu.memory_space<hbm>>, %arg6: memref<128xi32, #tpu.memory_space<vmem>>, %arg7: memref<128x128xf32, #tpu.memory_space<vmem>>, %arg8: memref<10240x128xf32, #tpu.memory_space<vmem_shared>>) attributes {dimension_semantics = [#tpu.dimension_semantics<core_parallel>, #tpu.dimension_semantics<subcore_parallel>], iteration_bounds = array<i64: 2, 16>, scalar_prefetch = 0 : i64, scratch_operands = 3 : i64, tpu.core_type = #tpu.core_type<sc_vector_subcore>, window_params = [{transform_indices = #map}, {transform_indices = #map1}, {transform_indices = #map}, {transform_indices = #map2}]} {
    %mul3A = arith.constant 2 : i32
    %mul3A_0 = arith.muli %arg1, %mul3A : i32
    %add3A = arith.addi %mul3A_0, %arg0 : i32
    %mul3A_1 = arith.constant 10112 : i32
    %mul3A_2 = arith.muli %add3A, %mul3A_1 : i32
    %scan3A = arith.constant 0 : i32
    %scan3A_3 = arith.constant 0 : i32
    %scan3A_4 = arith.constant 5 : i32
    %scan3A_5 = arith.addi %scan3A_3, %scan3A_4 : i32
    %scan3A_6 = arith.constant 1 : i32
    scf.for %scan3A_21 = %scan3A_3 to %scan3A_5 step %scan3A_6  : i32 {
      %mul3A_22 = arith.constant 640 : i32
      %mul3A_23 = arith.muli %arg1, %mul3A_22 : i32
      %mul3A_24 = arith.constant 128 : i32
      %mul3A_25 = arith.muli %scan3A_21, %mul3A_24 : i32
      %add3A_26 = arith.addi %mul3A_23, %mul3A_25 : i32
      "tpu.region"() ({
        %run_scoped3A = tpu.sem_alloc : memref<!tpu.dma_semaphore, #tpu.memory_space<semaphore_mem>>
        %dma_start3A = arith.constant 0 : i32
        %dma_start3A_27 = tpu.memref_slice %arg8[%add3A_26, %dma_start3A] : memref<10240x128xf32, #tpu.memory_space<vmem_shared>> -> memref<128x128xf32, #tpu.memory_space<vmem_shared>>
        tpu.enqueue_dma source(%arg4 : memref<128x128xf32, #tpu.memory_space<hbm>>) target(%dma_start3A_27 : memref<128x128xf32, #tpu.memory_space<vmem_shared>>) target_semaphore(%run_scoped3A : memref<!tpu.dma_semaphore, #tpu.memory_space<semaphore_mem>>)
        %dma_wait3A = arith.constant 0 : i32
        %dma_wait3A_28 = tpu.memref_slice %arg8[%add3A_26, %dma_wait3A] : memref<10240x128xf32, #tpu.memory_space<vmem_shared>> -> memref<128x128xf32, #tpu.memory_space<vmem_shared>>
        tpu.wait_dma2 semaphore(%run_scoped3A : memref<!tpu.dma_semaphore, #tpu.memory_space<semaphore_mem>>) src(%arg4 : memref<128x128xf32, #tpu.memory_space<hbm>>) dst(%dma_wait3A_28 : memref<128x128xf32, #tpu.memory_space<vmem_shared>>)
        tpu.yield
      }) : () -> ()
    }
    %scan3A_7 = arith.constant 5 : i32
    %barrier3A = arith.constant 0 : index
    tpu.barrier barrier_id(%barrier3A)
    %scan3A_8 = arith.constant 0 : i32
    %scan3A_9 = arith.constant 0 : i32
    %scan3A_10 = arith.constant 79 : i32
    %scan3A_11 = arith.addi %scan3A_9, %scan3A_10 : i32
    %scan3A_12 = arith.constant 1 : i32
    scf.for %scan3A_21 = %scan3A_9 to %scan3A_11 step %scan3A_12  : i32 {
      %mul3A_22 = arith.constant 128 : i32
      %mul3A_23 = arith.muli %scan3A_21, %mul3A_22 : i32
      %add3A_24 = arith.addi %mul3A_2, %mul3A_23 : i32
      "tpu.region"() ({
        %run_scoped3A = tpu.sem_alloc : memref<!tpu.dma_semaphore, #tpu.memory_space<semaphore_mem>>
        %dma_start3A = tpu.memref_slice %arg3[%add3A_24] : memref<323584xi32, #tpu.memory_space<hbm>> -> memref<128xi32, #tpu.memory_space<hbm>>
        %dma_start3A_25 = tpu.memref_slice %arg3[%add3A_24] : memref<323584xi32, #tpu.memory_space<hbm>> -> memref<128xi32, #tpu.memory_space<hbm>>
        tpu.enqueue_dma source(%dma_start3A_25 : memref<128xi32, #tpu.memory_space<hbm>>) target(%arg6 : memref<128xi32, #tpu.memory_space<vmem>>) target_semaphore(%run_scoped3A : memref<!tpu.dma_semaphore, #tpu.memory_space<semaphore_mem>>)
        %dma_wait3A = tpu.memref_slice %arg3[%add3A_24] : memref<323584xi32, #tpu.memory_space<hbm>> -> memref<128xi32, #tpu.memory_space<hbm>>
        %dma_wait3A_26 = tpu.memref_slice %arg3[%add3A_24] : memref<323584xi32, #tpu.memory_space<hbm>> -> memref<128xi32, #tpu.memory_space<hbm>>
        tpu.wait_dma2 semaphore(%run_scoped3A : memref<!tpu.dma_semaphore, #tpu.memory_space<semaphore_mem>>) src(%dma_wait3A_26 : memref<128xi32, #tpu.memory_space<hbm>>) dst(%arg6 : memref<128xi32, #tpu.memory_space<vmem>>)
        tpu.yield
      }) : () -> ()
      "tpu.region"() ({
        %run_scoped3A = tpu.sem_alloc : memref<!tpu.dma_semaphore, #tpu.memory_space<semaphore_mem>>
        %dma_start3A = arith.constant 0 : i32
        %dma_start3A_25 = tpu.memref_slice %arg2[%add3A_24, %dma_start3A] : memref<323584x128xf32, #tpu.memory_space<hbm>> -> memref<128x128xf32, #tpu.memory_space<hbm>>
        %dma_start3A_26 = arith.constant 0 : i32
        %dma_start3A_27 = tpu.memref_slice %arg2[%add3A_24, %dma_start3A_26] : memref<323584x128xf32, #tpu.memory_space<hbm>> -> memref<128x128xf32, #tpu.memory_space<hbm>>
        tpu.enqueue_dma source(%dma_start3A_27 : memref<128x128xf32, #tpu.memory_space<hbm>>) target(%arg7 : memref<128x128xf32, #tpu.memory_space<vmem>>) target_semaphore(%run_scoped3A : memref<!tpu.dma_semaphore, #tpu.memory_space<semaphore_mem>>)
        %dma_wait3A = arith.constant 0 : i32
        %dma_wait3A_28 = tpu.memref_slice %arg2[%add3A_24, %dma_wait3A] : memref<323584x128xf32, #tpu.memory_space<hbm>> -> memref<128x128xf32, #tpu.memory_space<hbm>>
        %dma_wait3A_29 = arith.constant 0 : i32
        %dma_wait3A_30 = tpu.memref_slice %arg2[%add3A_24, %dma_wait3A_29] : memref<323584x128xf32, #tpu.memory_space<hbm>> -> memref<128x128xf32, #tpu.memory_space<hbm>>
        tpu.wait_dma2 semaphore(%run_scoped3A : memref<!tpu.dma_semaphore, #tpu.memory_space<semaphore_mem>>) src(%dma_wait3A_30 : memref<128x128xf32, #tpu.memory_space<hbm>>) dst(%arg7 : memref<128x128xf32, #tpu.memory_space<vmem>>)
        tpu.yield
      }) : () -> ()
      "tpu.region"() ({
        %run_scoped3A = tpu.sem_alloc : memref<!tpu.dma_semaphore, #tpu.memory_space<semaphore_mem>>
        %dma_start3A = arith.constant 0 : i32
        %dma_start3A_25 = arith.constant 0 : i32
        %dma_start3A_26 = tpu.memref_slice %arg8[%dma_start3A, %dma_start3A_25] : memref<10240x128xf32, #tpu.memory_space<vmem_shared>> -> memref<10240x128xf32, #tpu.memory_space<vmem_shared>>
        tpu.enqueue_indirect_dma source(%arg7 : memref<128x128xf32, #tpu.memory_space<vmem>>) target(%dma_start3A_26 : memref<10240x128xf32, #tpu.memory_space<vmem_shared>>) offsets(%arg6 : memref<128xi32, #tpu.memory_space<vmem>>) semaphore(%run_scoped3A : memref<!tpu.dma_semaphore, #tpu.memory_space<semaphore_mem>>) {add = true}
        %dma_wait3A = arith.constant 0 : i32
        %dma_wait3A_27 = arith.constant 0 : i32
        %dma_wait3A_28 = tpu.memref_slice %arg8[%dma_wait3A, %dma_wait3A_27] : memref<10240x128xf32, #tpu.memory_space<vmem_shared>> -> memref<10240x128xf32, #tpu.memory_space<vmem_shared>>
        tpu.wait_indirect_dma semaphore(%run_scoped3A : memref<!tpu.dma_semaphore, #tpu.memory_space<semaphore_mem>>) src(%arg7 : memref<128x128xf32, #tpu.memory_space<vmem>>) dst(%dma_wait3A_28 : memref<10240x128xf32, #tpu.memory_space<vmem_shared>>)
        tpu.yield
      }) : () -> ()
    }
    %scan3A_13 = arith.constant 79 : i32
    %barrier3A_14 = arith.constant 0 : index
    tpu.barrier barrier_id(%barrier3A_14)
    %scan3A_15 = arith.constant 0 : i32
    %scan3A_16 = arith.constant 0 : i32
    %scan3A_17 = arith.constant 5 : i32
    %scan3A_18 = arith.addi %scan3A_16, %scan3A_17 : i32
    %scan3A_19 = arith.constant 1 : i32
    scf.for %scan3A_21 = %scan3A_16 to %scan3A_18 step %scan3A_19  : i32 {
      %mul3A_22 = arith.constant 640 : i32
      %mul3A_23 = arith.muli %arg1, %mul3A_22 : i32
      %mul3A_24 = arith.constant 128 : i32
      %mul3A_25 = arith.muli %scan3A_21, %mul3A_24 : i32
      %add3A_26 = arith.addi %mul3A_23, %mul3A_25 : i32
      "tpu.region"() ({
        %run_scoped3A = tpu.sem_alloc : memref<!tpu.dma_semaphore, #tpu.memory_space<semaphore_mem>>
        %dma_start3A = arith.constant 0 : i32
        %dma_start3A_27 = tpu.memref_slice %arg8[%add3A_26, %dma_start3A] : memref<10240x128xf32, #tpu.memory_space<vmem_shared>> -> memref<128x128xf32, #tpu.memory_space<vmem_shared>>
        %dma_start3A_28 = arith.constant 0 : i32
        %dma_start3A_29 = tpu.memref_slice %arg8[%add3A_26, %dma_start3A_28] : memref<10240x128xf32, #tpu.memory_space<vmem_shared>> -> memref<128x128xf32, #tpu.memory_space<vmem_shared>>
        tpu.enqueue_dma source(%dma_start3A_29 : memref<128x128xf32, #tpu.memory_space<vmem_shared>>) target(%arg7 : memref<128x128xf32, #tpu.memory_space<vmem>>) target_semaphore(%run_scoped3A : memref<!tpu.dma_semaphore, #tpu.memory_space<semaphore_mem>>)
        %dma_wait3A = arith.constant 0 : i32
        %dma_wait3A_30 = tpu.memref_slice %arg8[%add3A_26, %dma_wait3A] : memref<10240x128xf32, #tpu.memory_space<vmem_shared>> -> memref<128x128xf32, #tpu.memory_space<vmem_shared>>
        %dma_wait3A_31 = arith.constant 0 : i32
        %dma_wait3A_32 = tpu.memref_slice %arg8[%add3A_26, %dma_wait3A_31] : memref<10240x128xf32, #tpu.memory_space<vmem_shared>> -> memref<128x128xf32, #tpu.memory_space<vmem_shared>>
        tpu.wait_dma2 semaphore(%run_scoped3A : memref<!tpu.dma_semaphore, #tpu.memory_space<semaphore_mem>>) src(%dma_wait3A_32 : memref<128x128xf32, #tpu.memory_space<vmem_shared>>) dst(%arg7 : memref<128x128xf32, #tpu.memory_space<vmem>>)
        tpu.yield
      }) : () -> ()
      "tpu.region"() ({
        %run_scoped3A = tpu.sem_alloc : memref<!tpu.dma_semaphore, #tpu.memory_space<semaphore_mem>>
        %dma_start3A = arith.constant 0 : i32
        %dma_start3A_27 = tpu.memref_slice %arg5[%arg0, %add3A_26, %dma_start3A] : memref<2x10240x128xf32, #tpu.memory_space<hbm>> -> memref<1x128x128xf32, #tpu.memory_space<hbm>>
        %dma_start3A_28 = tpu.memref_squeeze %dma_start3A_27 : memref<1x128x128xf32, #tpu.memory_space<hbm>> -> memref<128x128xf32, #tpu.memory_space<hbm>>
        %dma_start3A_29 = arith.constant 0 : i32
        %dma_start3A_30 = tpu.memref_slice %arg5[%arg0, %add3A_26, %dma_start3A_29] : memref<2x10240x128xf32, #tpu.memory_space<hbm>> -> memref<1x128x128xf32, #tpu.memory_space<hbm>>
        %dma_start3A_31 = tpu.memref_squeeze %dma_start3A_30 : memref<1x128x128xf32, #tpu.memory_space<hbm>> -> memref<128x128xf32, #tpu.memory_space<hbm>>
        tpu.enqueue_dma source(%arg7 : memref<128x128xf32, #tpu.memory_space<vmem>>) target(%dma_start3A_31 : memref<128x128xf32, #tpu.memory_space<hbm>>) target_semaphore(%run_scoped3A : memref<!tpu.dma_semaphore, #tpu.memory_space<semaphore_mem>>)
        %dma_wait3A = arith.constant 0 : i32
        %dma_wait3A_32 = tpu.memref_slice %arg5[%arg0, %add3A_26, %dma_wait3A] : memref<2x10240x128xf32, #tpu.memory_space<hbm>> -> memref<1x128x128xf32, #tpu.memory_space<hbm>>
        %dma_wait3A_33 = tpu.memref_squeeze %dma_wait3A_32 : memref<1x128x128xf32, #tpu.memory_space<hbm>> -> memref<128x128xf32, #tpu.memory_space<hbm>>
        %dma_wait3A_34 = arith.constant 0 : i32
        %dma_wait3A_35 = tpu.memref_slice %arg5[%arg0, %add3A_26, %dma_wait3A_34] : memref<2x10240x128xf32, #tpu.memory_space<hbm>> -> memref<1x128x128xf32, #tpu.memory_space<hbm>>
        %dma_wait3A_36 = tpu.memref_squeeze %dma_wait3A_35 : memref<1x128x128xf32, #tpu.memory_space<hbm>> -> memref<128x128xf32, #tpu.memory_space<hbm>>
        tpu.wait_dma2 semaphore(%run_scoped3A : memref<!tpu.dma_semaphore, #tpu.memory_space<semaphore_mem>>) src(%arg7 : memref<128x128xf32, #tpu.memory_space<vmem>>) dst(%dma_wait3A_36 : memref<128x128xf32, #tpu.memory_space<hbm>>)
        tpu.yield
      }) : () -> ()
    }
    %scan3A_20 = arith.constant 5 : i32
    return
  }
}

#map = affine_map<(d0, d1) -> (0, 0)>
#map1 = affine_map<(d0, d1) -> (0)>
#map2 = affine_map<(d0, d1) -> (0, 0, 0)>
module attributes {stable_mosaic.version = 14 : i64} {
  func.func @k(%arg0: i32, %arg1: i32, %arg2: memref<323584x128xf32, #tpu.memory_space<hbm>>, %arg3: memref<323584xi32, #tpu.memory_space<hbm>>, %arg4: memref<128x128xf32, #tpu.memory_space<hbm>>, %arg5: memref<2x10240x128xf32, #tpu.memory_space<hbm>>, %arg6: memref<128xi32, #tpu.memory_space<vmem>>, %arg7: memref<128x128xf32, #tpu.memory_space<vmem>>, %arg8: memref<10240x128xf32, #tpu.memory_space<vmem_shared>>) attributes {dimension_semantics = [#tpu.dimension_semantics<core_parallel>, #tpu.dimension_semantics<subcore_parallel>], iteration_bounds = array<i64: 2, 16>, scalar_prefetch = 0 : i64, scratch_operands = 3 : i64, tpu.core_type = #tpu.core_type<sc_vector_subcore>, window_params = [{transform_indices = #map}, {transform_indices = #map1}, {transform_indices = #map}, {transform_indices = #map2}]} {
    %mul3A = arith.constant 2 : i32
    %mul3A_0 = arith.muli %arg1, %mul3A : i32
    %add3A = arith.addi %mul3A_0, %arg0 : i32
    %mul3A_1 = arith.constant 10112 : i32
    %mul3A_2 = arith.muli %add3A, %mul3A_1 : i32
    %scan3A = arith.constant 0 : i32
    %scan3A_3 = arith.constant 0 : i32
    %scan3A_4 = arith.constant 5 : i32
    %scan3A_5 = arith.addi %scan3A_3, %scan3A_4 : i32
    %scan3A_6 = arith.constant 1 : i32
    scf.for %scan3A_21 = %scan3A_3 to %scan3A_5 step %scan3A_6  : i32 {
      %mul3A_22 = arith.constant 640 : i32
      %mul3A_23 = arith.muli %arg1, %mul3A_22 : i32
      %mul3A_24 = arith.constant 128 : i32
      %mul3A_25 = arith.muli %scan3A_21, %mul3A_24 : i32
      %add3A_26 = arith.addi %mul3A_23, %mul3A_25 : i32
      "tpu.region"() ({
        %run_scoped3A = tpu.sem_alloc : memref<!tpu.dma_semaphore, #tpu.memory_space<semaphore_mem>>
        %dma_start3A = arith.constant 0 : i32
        %dma_start3A_27 = tpu.memref_slice %arg8[%add3A_26, %dma_start3A] : memref<10240x128xf32, #tpu.memory_space<vmem_shared>> -> memref<128x128xf32, #tpu.memory_space<vmem_shared>>
        tpu.enqueue_dma source(%arg4 : memref<128x128xf32, #tpu.memory_space<hbm>>) target(%dma_start3A_27 : memref<128x128xf32, #tpu.memory_space<vmem_shared>>) target_semaphore(%run_scoped3A : memref<!tpu.dma_semaphore, #tpu.memory_space<semaphore_mem>>)
        %dma_wait3A = arith.constant 0 : i32
        %dma_wait3A_28 = tpu.memref_slice %arg8[%add3A_26, %dma_wait3A] : memref<10240x128xf32, #tpu.memory_space<vmem_shared>> -> memref<128x128xf32, #tpu.memory_space<vmem_shared>>
        tpu.wait_dma2 semaphore(%run_scoped3A : memref<!tpu.dma_semaphore, #tpu.memory_space<semaphore_mem>>) src(%arg4 : memref<128x128xf32, #tpu.memory_space<hbm>>) dst(%dma_wait3A_28 : memref<128x128xf32, #tpu.memory_space<vmem_shared>>)
        tpu.yield
      }) : () -> ()
    }
    %scan3A_7 = arith.constant 5 : i32
    %barrier3A = arith.constant 0 : index
    tpu.barrier barrier_id(%barrier3A)
    %scan3A_8 = arith.constant 0 : i32
    %scan3A_9 = arith.constant 0 : i32
    %scan3A_10 = arith.constant 79 : i32
    %scan3A_11 = arith.addi %scan3A_9, %scan3A_10 : i32
    %scan3A_12 = arith.constant 1 : i32
    scf.for %scan3A_21 = %scan3A_9 to %scan3A_11 step %scan3A_12  : i32 {
      %mul3A_22 = arith.constant 128 : i32
      %mul3A_23 = arith.muli %scan3A_21, %mul3A_22 : i32
      %add3A_24 = arith.addi %mul3A_2, %mul3A_23 : i32
      "tpu.region"() ({
        %run_scoped3A = tpu.sem_alloc : memref<!tpu.dma_semaphore, #tpu.memory_space<semaphore_mem>>
        %dma_start3A = tpu.memref_slice %arg3[%add3A_24] : memref<323584xi32, #tpu.memory_space<hbm>> -> memref<128xi32, #tpu.memory_space<hbm>>
        %dma_start3A_25 = tpu.memref_slice %arg3[%add3A_24] : memref<323584xi32, #tpu.memory_space<hbm>> -> memref<128xi32, #tpu.memory_space<hbm>>
        tpu.enqueue_dma source(%dma_start3A_25 : memref<128xi32, #tpu.memory_space<hbm>>) target(%arg6 : memref<128xi32, #tpu.memory_space<vmem>>) target_semaphore(%run_scoped3A : memref<!tpu.dma_semaphore, #tpu.memory_space<semaphore_mem>>)
        %dma_wait3A = tpu.memref_slice %arg3[%add3A_24] : memref<323584xi32, #tpu.memory_space<hbm>> -> memref<128xi32, #tpu.memory_space<hbm>>
        %dma_wait3A_26 = tpu.memref_slice %arg3[%add3A_24] : memref<323584xi32, #tpu.memory_space<hbm>> -> memref<128xi32, #tpu.memory_space<hbm>>
        tpu.wait_dma2 semaphore(%run_scoped3A : memref<!tpu.dma_semaphore, #tpu.memory_space<semaphore_mem>>) src(%dma_wait3A_26 : memref<128xi32, #tpu.memory_space<hbm>>) dst(%arg6 : memref<128xi32, #tpu.memory_space<vmem>>)
        tpu.yield
      }) : () -> ()
      "tpu.region"() ({
        %run_scoped3A = tpu.sem_alloc : memref<!tpu.dma_semaphore, #tpu.memory_space<semaphore_mem>>
        %dma_start3A = arith.constant 0 : i32
        %dma_start3A_25 = tpu.memref_slice %arg2[%add3A_24, %dma_start3A] : memref<323584x128xf32, #tpu.memory_space<hbm>> -> memref<128x128xf32, #tpu.memory_space<hbm>>
        %dma_start3A_26 = arith.constant 0 : i32
        %dma_start3A_27 = tpu.memref_slice %arg2[%add3A_24, %dma_start3A_26] : memref<323584x128xf32, #tpu.memory_space<hbm>> -> memref<128x128xf32, #tpu.memory_space<hbm>>
        tpu.enqueue_dma source(%dma_start3A_27 : memref<128x128xf32, #tpu.memory_space<hbm>>) target(%arg7 : memref<128x128xf32, #tpu.memory_space<vmem>>) target_semaphore(%run_scoped3A : memref<!tpu.dma_semaphore, #tpu.memory_space<semaphore_mem>>)
        %dma_wait3A = arith.constant 0 : i32
        %dma_wait3A_28 = tpu.memref_slice %arg2[%add3A_24, %dma_wait3A] : memref<323584x128xf32, #tpu.memory_space<hbm>> -> memref<128x128xf32, #tpu.memory_space<hbm>>
        %dma_wait3A_29 = arith.constant 0 : i32
        %dma_wait3A_30 = tpu.memref_slice %arg2[%add3A_24, %dma_wait3A_29] : memref<323584x128xf32, #tpu.memory_space<hbm>> -> memref<128x128xf32, #tpu.memory_space<hbm>>
        tpu.wait_dma2 semaphore(%run_scoped3A : memref<!tpu.dma_semaphore, #tpu.memory_space<semaphore_mem>>) src(%dma_wait3A_30 : memref<128x128xf32, #tpu.memory_space<hbm>>) dst(%arg7 : memref<128x128xf32, #tpu.memory_space<vmem>>)
        tpu.yield
      }) : () -> ()
      "tpu.region"() ({
        %run_scoped3A = tpu.sem_alloc : memref<!tpu.dma_semaphore, #tpu.memory_space<semaphore_mem>>
        %dma_start3A = arith.constant 0 : i32
        %dma_start3A_25 = arith.constant 0 : i32
        %dma_start3A_26 = tpu.memref_slice %arg8[%dma_start3A, %dma_start3A_25] : memref<10240x128xf32, #tpu.memory_space<vmem_shared>> -> memref<10240x128xf32, #tpu.memory_space<vmem_shared>>
        tpu.enqueue_indirect_dma source(%arg7 : memref<128x128xf32, #tpu.memory_space<vmem>>) target(%dma_start3A_26 : memref<10240x128xf32, #tpu.memory_space<vmem_shared>>) offsets(%arg6 : memref<128xi32, #tpu.memory_space<vmem>>) semaphore(%run_scoped3A : memref<!tpu.dma_semaphore, #tpu.memory_space<semaphore_mem>>) {add = true}
        %dma_wait3A = arith.constant 0 : i32
        %dma_wait3A_27 = arith.constant 0 : i32
        %dma_wait3A_28 = tpu.memref_slice %arg8[%dma_wait3A, %dma_wait3A_27] : memref<10240x128xf32, #tpu.memory_space<vmem_shared>> -> memref<10240x128xf32, #tpu.memory_space<vmem_shared>>
        tpu.wait_indirect_dma semaphore(%run_scoped3A : memref<!tpu.dma_semaphore, #tpu.memory_space<semaphore_mem>>) src(%arg7 : memref<128x128xf32, #tpu.memory_space<vmem>>) dst(%dma_wait3A_28 : memref<10240x128xf32, #tpu.memory_space<vmem_shared>>)
        tpu.yield
      }) : () -> ()
    }
    %scan3A_13 = arith.constant 79 : i32
    %barrier3A_14 = arith.constant 0 : index
    tpu.barrier barrier_id(%barrier3A_14)
    %scan3A_15 = arith.constant 0 : i32
    %scan3A_16 = arith.constant 0 : i32
    %scan3A_17 = arith.constant 5 : i32
    %scan3A_18 = arith.addi %scan3A_16, %scan3A_17 : i32
    %scan3A_19 = arith.constant 1 : i32
    scf.for %scan3A_21 = %scan3A_16 to %scan3A_18 step %scan3A_19  : i32 {
      %mul3A_22 = arith.constant 640 : i32
      %mul3A_23 = arith.muli %arg1, %mul3A_22 : i32
      %mul3A_24 = arith.constant 128 : i32
      %mul3A_25 = arith.muli %scan3A_21, %mul3A_24 : i32
      %add3A_26 = arith.addi %mul3A_23, %mul3A_25 : i32
      "tpu.region"() ({
        %run_scoped3A = tpu.sem_alloc : memref<!tpu.dma_semaphore, #tpu.memory_space<semaphore_mem>>
        %dma_start3A = arith.constant 0 : i32
        %dma_start3A_27 = tpu.memref_slice %arg8[%add3A_26, %dma_start3A] : memref<10240x128xf32, #tpu.memory_space<vmem_shared>> -> memref<128x128xf32, #tpu.memory_space<vmem_shared>>
        %dma_start3A_28 = arith.constant 0 : i32
        %dma_start3A_29 = tpu.memref_slice %arg8[%add3A_26, %dma_start3A_28] : memref<10240x128xf32, #tpu.memory_space<vmem_shared>> -> memref<128x128xf32, #tpu.memory_space<vmem_shared>>
        tpu.enqueue_dma source(%dma_start3A_29 : memref<128x128xf32, #tpu.memory_space<vmem_shared>>) target(%arg7 : memref<128x128xf32, #tpu.memory_space<vmem>>) target_semaphore(%run_scoped3A : memref<!tpu.dma_semaphore, #tpu.memory_space<semaphore_mem>>)
        %dma_wait3A = arith.constant 0 : i32
        %dma_wait3A_30 = tpu.memref_slice %arg8[%add3A_26, %dma_wait3A] : memref<10240x128xf32, #tpu.memory_space<vmem_shared>> -> memref<128x128xf32, #tpu.memory_space<vmem_shared>>
        %dma_wait3A_31 = arith.constant 0 : i32
        %dma_wait3A_32 = tpu.memref_slice %arg8[%add3A_26, %dma_wait3A_31] : memref<10240x128xf32, #tpu.memory_space<vmem_shared>> -> memref<128x128xf32, #tpu.memory_space<vmem_shared>>
        tpu.wait_dma2 semaphore(%run_scoped3A : memref<!tpu.dma_semaphore, #tpu.memory_space<semaphore_mem>>) src(%dma_wait3A_32 : memref<128x128xf32, #tpu.memory_space<vmem_shared>>) dst(%arg7 : memref<128x128xf32, #tpu.memory_space<vmem>>)
        tpu.yield
      }) : () -> ()
      "tpu.region"() ({
        %run_scoped3A = tpu.sem_alloc : memref<!tpu.dma_semaphore, #tpu.memory_space<semaphore_mem>>
        %dma_start3A = arith.constant 0 : i32
        %dma_start3A_27 = tpu.memref_slice %arg5[%arg0, %add3A_26, %dma_start3A] : memref<2x10240x128xf32, #tpu.memory_space<hbm>> -> memref<1x128x128xf32, #tpu.memory_space<hbm>>
        %dma_start3A_28 = tpu.memref_squeeze %dma_start3A_27 : memref<1x128x128xf32, #tpu.memory_space<hbm>> -> memref<128x128xf32, #tpu.memory_space<hbm>>
        %dma_start3A_29 = arith.constant 0 : i32
        %dma_start3A_30 = tpu.memref_slice %arg5[%arg0, %add3A_26, %dma_start3A_29] : memref<2x10240x128xf32, #tpu.memory_space<hbm>> -> memref<1x128x128xf32, #tpu.memory_space<hbm>>
        %dma_start3A_31 = tpu.memref_squeeze %dma_start3A_30 : memref<1x128x128xf32, #tpu.memory_space<hbm>> -> memref<128x128xf32, #tpu.memory_space<hbm>>
        tpu.enqueue_dma source(%arg7 : memref<128x128xf32, #tpu.memory_space<vmem>>) target(%dma_start3A_31 : memref<128x128xf32, #tpu.memory_space<hbm>>) target_semaphore(%run_scoped3A : memref<!tpu.dma_semaphore, #tpu.memory_space<semaphore_mem>>)
        %dma_wait3A = arith.constant 0 : i32
        %dma_wait3A_32 = tpu.memref_slice %arg5[%arg0, %add3A_26, %dma_wait3A] : memref<2x10240x128xf32, #tpu.memory_space<hbm>> -> memref<1x128x128xf32, #tpu.memory_space<hbm>>
        %dma_wait3A_33 = tpu.memref_squeeze %dma_wait3A_32 : memref<1x128x128xf32, #tpu.memory_space<hbm>> -> memref<128x128xf32, #tpu.memory_space<hbm>>
        %dma_wait3A_34 = arith.constant 0 : i32
        %dma_wait3A_35 = tpu.memref_slice %arg5[%arg0, %add3A_26, %dma_wait3A_34] : memref<2x10240x128xf32, #tpu.memory_space<hbm>> -> memref<1x128x128xf32, #tpu.memory_space<hbm>>
        %dma_wait3A_36 = tpu.memref_squeeze %dma_wait3A_35 : memref<1x128x128xf32, #tpu.memory_space<hbm>> -> memref<128x128xf32, #tpu.memory_space<hbm>>
        tpu.wait_dma2 semaphore(%run_scoped3A : memref<!tpu.dma_semaphore, #tpu.memory_space<semaphore_mem>>) src(%arg7 : memref<128x128xf32, #tpu.memory_space<vmem>>) dst(%dma_wait3A_36 : memref<128x128xf32, #tpu.memory_space<hbm>>)
        tpu.yield
      }) : () -> ()
    }
    %scan3A_20 = arith.constant 5 : i32
    return
  }
}

#map = affine_map<(d0, d1) -> (0, 0)>
#map1 = affine_map<(d0, d1) -> (0)>
#map2 = affine_map<(d0, d1) -> (0, 0, 0)>
module attributes {stable_mosaic.version = 14 : i64} {
  func.func @k(%arg0: i32, %arg1: i32, %arg2: memref<10240x128xf32, #tpu.memory_space<hbm>>, %arg3: memref<10240x128xf32, #tpu.memory_space<hbm>>, %arg4: memref<323584xi32, #tpu.memory_space<hbm>>, %arg5: memref<323584xi32, #tpu.memory_space<hbm>>, %arg6: memref<2x323584x128xf32, #tpu.memory_space<hbm>>, %arg7: memref<128xi32, #tpu.memory_space<vmem>>, %arg8: memref<128xi32, #tpu.memory_space<vmem>>, %arg9: memref<128x128xf32, #tpu.memory_space<vmem>>, %arg10: memref<128x128xf32, #tpu.memory_space<vmem>>, %arg11: memref<!tpu.dma_semaphore, #tpu.memory_space<semaphore_mem>>) attributes {dimension_semantics = [#tpu.dimension_semantics<core_parallel>, #tpu.dimension_semantics<subcore_parallel>], iteration_bounds = array<i64: 2, 16>, scalar_prefetch = 0 : i64, scratch_operands = 5 : i64, tpu.core_type = #tpu.core_type<sc_vector_subcore>, window_params = [{transform_indices = #map}, {transform_indices = #map}, {transform_indices = #map1}, {transform_indices = #map1}, {transform_indices = #map2}]} {
    %mul3A = arith.constant 2 : i32
    %mul3A_0 = arith.muli %arg1, %mul3A : i32
    %add3A = arith.addi %mul3A_0, %arg0 : i32
    %mul3A_1 = arith.constant 10112 : i32
    %mul3A_2 = arith.muli %add3A, %mul3A_1 : i32
    %scan3A = arith.constant 0 : i32
    %scan3A_3 = arith.constant 0 : i32
    %scan3A_4 = arith.constant 79 : i32
    %scan3A_5 = arith.addi %scan3A_3, %scan3A_4 : i32
    %scan3A_6 = arith.constant 1 : i32
    scf.for %scan3A_8 = %scan3A_3 to %scan3A_5 step %scan3A_6  : i32 {
      %mul3A_9 = arith.constant 128 : i32
      %mul3A_10 = arith.muli %scan3A_8, %mul3A_9 : i32
      %add3A_11 = arith.addi %mul3A_2, %mul3A_10 : i32
      "tpu.region"() ({
        %run_scoped3A_23 = tpu.sem_alloc : memref<!tpu.dma_semaphore, #tpu.memory_space<semaphore_mem>>
        %dma_start3A_24 = tpu.memref_slice %arg4[%add3A_11] : memref<323584xi32, #tpu.memory_space<hbm>> -> memref<128xi32, #tpu.memory_space<hbm>>
        %dma_start3A_25 = tpu.memref_slice %arg4[%add3A_11] : memref<323584xi32, #tpu.memory_space<hbm>> -> memref<128xi32, #tpu.memory_space<hbm>>
        tpu.enqueue_dma source(%dma_start3A_25 : memref<128xi32, #tpu.memory_space<hbm>>) target(%arg7 : memref<128xi32, #tpu.memory_space<vmem>>) target_semaphore(%run_scoped3A_23 : memref<!tpu.dma_semaphore, #tpu.memory_space<semaphore_mem>>)
        %dma_wait3A_26 = tpu.memref_slice %arg4[%add3A_11] : memref<323584xi32, #tpu.memory_space<hbm>> -> memref<128xi32, #tpu.memory_space<hbm>>
        %dma_wait3A_27 = tpu.memref_slice %arg4[%add3A_11] : memref<323584xi32, #tpu.memory_space<hbm>> -> memref<128xi32, #tpu.memory_space<hbm>>
        tpu.wait_dma2 semaphore(%run_scoped3A_23 : memref<!tpu.dma_semaphore, #tpu.memory_space<semaphore_mem>>) src(%dma_wait3A_27 : memref<128xi32, #tpu.memory_space<hbm>>) dst(%arg7 : memref<128xi32, #tpu.memory_space<vmem>>)
        tpu.yield
      }) : () -> ()
      "tpu.region"() ({
        %run_scoped3A_23 = tpu.sem_alloc : memref<!tpu.dma_semaphore, #tpu.memory_space<semaphore_mem>>
        %dma_start3A_24 = tpu.memref_slice %arg5[%add3A_11] : memref<323584xi32, #tpu.memory_space<hbm>> -> memref<128xi32, #tpu.memory_space<hbm>>
        %dma_start3A_25 = tpu.memref_slice %arg5[%add3A_11] : memref<323584xi32, #tpu.memory_space<hbm>> -> memref<128xi32, #tpu.memory_space<hbm>>
        tpu.enqueue_dma source(%dma_start3A_25 : memref<128xi32, #tpu.memory_space<hbm>>) target(%arg8 : memref<128xi32, #tpu.memory_space<vmem>>) target_semaphore(%run_scoped3A_23 : memref<!tpu.dma_semaphore, #tpu.memory_space<semaphore_mem>>)
        %dma_wait3A_26 = tpu.memref_slice %arg5[%add3A_11] : memref<323584xi32, #tpu.memory_space<hbm>> -> memref<128xi32, #tpu.memory_space<hbm>>
        %dma_wait3A_27 = tpu.memref_slice %arg5[%add3A_11] : memref<323584xi32, #tpu.memory_space<hbm>> -> memref<128xi32, #tpu.memory_space<hbm>>
        tpu.wait_dma2 semaphore(%run_scoped3A_23 : memref<!tpu.dma_semaphore, #tpu.memory_space<semaphore_mem>>) src(%dma_wait3A_27 : memref<128xi32, #tpu.memory_space<hbm>>) dst(%arg8 : memref<128xi32, #tpu.memory_space<vmem>>)
        tpu.yield
      }) : () -> ()
      %dma_start3A = arith.constant 0 : i32
      %dma_start3A_12 = arith.constant 0 : i32
      %dma_start3A_13 = tpu.memref_slice %arg2[%dma_start3A, %dma_start3A_12] : memref<10240x128xf32, #tpu.memory_space<hbm>> -> memref<10240x128xf32, #tpu.memory_space<hbm>>
      tpu.enqueue_indirect_dma source(%dma_start3A_13 : memref<10240x128xf32, #tpu.memory_space<hbm>>) target(%arg9 : memref<128x128xf32, #tpu.memory_space<vmem>>) offsets(%arg7 : memref<128xi32, #tpu.memory_space<vmem>>) semaphore(%arg11 : memref<!tpu.dma_semaphore, #tpu.memory_space<semaphore_mem>>)
      %dma_start3A_14 = arith.constant 0 : i32
      %dma_start3A_15 = arith.constant 0 : i32
      %dma_start3A_16 = tpu.memref_slice %arg3[%dma_start3A_14, %dma_start3A_15] : memref<10240x128xf32, #tpu.memory_space<hbm>> -> memref<10240x128xf32, #tpu.memory_space<hbm>>
      tpu.enqueue_indirect_dma source(%dma_start3A_16 : memref<10240x128xf32, #tpu.memory_space<hbm>>) target(%arg10 : memref<128x128xf32, #tpu.memory_space<vmem>>) offsets(%arg8 : memref<128xi32, #tpu.memory_space<vmem>>) semaphore(%arg11 : memref<!tpu.dma_semaphore, #tpu.memory_space<semaphore_mem>>)
      %dma_wait3A = arith.constant 0 : i32
      %dma_wait3A_17 = arith.constant 0 : i32
      %dma_wait3A_18 = tpu.memref_slice %arg2[%dma_wait3A, %dma_wait3A_17] : memref<10240x128xf32, #tpu.memory_space<hbm>> -> memref<10240x128xf32, #tpu.memory_space<hbm>>
      tpu.wait_indirect_dma semaphore(%arg11 : memref<!tpu.dma_semaphore, #tpu.memory_space<semaphore_mem>>) src(%dma_wait3A_18 : memref<10240x128xf32, #tpu.memory_space<hbm>>) dst(%arg9 : memref<128x128xf32, #tpu.memory_space<vmem>>)
      %dma_wait3A_19 = arith.constant 0 : i32
      %dma_wait3A_20 = arith.constant 0 : i32
      %dma_wait3A_21 = tpu.memref_slice %arg3[%dma_wait3A_19, %dma_wait3A_20] : memref<10240x128xf32, #tpu.memory_space<hbm>> -> memref<10240x128xf32, #tpu.memory_space<hbm>>
      tpu.wait_indirect_dma semaphore(%arg11 : memref<!tpu.dma_semaphore, #tpu.memory_space<semaphore_mem>>) src(%dma_wait3A_21 : memref<10240x128xf32, #tpu.memory_space<hbm>>) dst(%arg10 : memref<128x128xf32, #tpu.memory_space<vmem>>)
      %run_scoped3A = arith.constant 0 : i32
      "tpu.region"() ({
        %run_scoped3A_23 = tpu.sem_alloc : memref<!tpu.dma_semaphore, #tpu.memory_space<semaphore_mem>>
        %dma_start3A_24 = arith.constant 0 : i32
        %dma_start3A_25 = tpu.memref_slice %arg6[%run_scoped3A, %add3A_11, %dma_start3A_24] : memref<2x323584x128xf32, #tpu.memory_space<hbm>> -> memref<1x128x128xf32, #tpu.memory_space<hbm>>
        %dma_start3A_26 = tpu.memref_squeeze %dma_start3A_25 : memref<1x128x128xf32, #tpu.memory_space<hbm>> -> memref<128x128xf32, #tpu.memory_space<hbm>>
        %dma_start3A_27 = arith.constant 0 : i32
        %dma_start3A_28 = tpu.memref_slice %arg6[%run_scoped3A, %add3A_11, %dma_start3A_27] : memref<2x323584x128xf32, #tpu.memory_space<hbm>> -> memref<1x128x128xf32, #tpu.memory_space<hbm>>
        %dma_start3A_29 = tpu.memref_squeeze %dma_start3A_28 : memref<1x128x128xf32, #tpu.memory_space<hbm>> -> memref<128x128xf32, #tpu.memory_space<hbm>>
        tpu.enqueue_dma source(%arg9 : memref<128x128xf32, #tpu.memory_space<vmem>>) target(%dma_start3A_29 : memref<128x128xf32, #tpu.memory_space<hbm>>) target_semaphore(%run_scoped3A_23 : memref<!tpu.dma_semaphore, #tpu.memory_space<semaphore_mem>>)
        %dma_wait3A_30 = arith.constant 0 : i32
        %dma_wait3A_31 = tpu.memref_slice %arg6[%run_scoped3A, %add3A_11, %dma_wait3A_30] : memref<2x323584x128xf32, #tpu.memory_space<hbm>> -> memref<1x128x128xf32, #tpu.memory_space<hbm>>
        %dma_wait3A_32 = tpu.memref_squeeze %dma_wait3A_31 : memref<1x128x128xf32, #tpu.memory_space<hbm>> -> memref<128x128xf32, #tpu.memory_space<hbm>>
        %dma_wait3A_33 = arith.constant 0 : i32
        %dma_wait3A_34 = tpu.memref_slice %arg6[%run_scoped3A, %add3A_11, %dma_wait3A_33] : memref<2x323584x128xf32, #tpu.memory_space<hbm>> -> memref<1x128x128xf32, #tpu.memory_space<hbm>>
        %dma_wait3A_35 = tpu.memref_squeeze %dma_wait3A_34 : memref<1x128x128xf32, #tpu.memory_space<hbm>> -> memref<128x128xf32, #tpu.memory_space<hbm>>
        tpu.wait_dma2 semaphore(%run_scoped3A_23 : memref<!tpu.dma_semaphore, #tpu.memory_space<semaphore_mem>>) src(%arg9 : memref<128x128xf32, #tpu.memory_space<vmem>>) dst(%dma_wait3A_35 : memref<128x128xf32, #tpu.memory_space<hbm>>)
        tpu.yield
      }) : () -> ()
      %run_scoped3A_22 = arith.constant 1 : i32
      "tpu.region"() ({
        %run_scoped3A_23 = tpu.sem_alloc : memref<!tpu.dma_semaphore, #tpu.memory_space<semaphore_mem>>
        %dma_start3A_24 = arith.constant 0 : i32
        %dma_start3A_25 = tpu.memref_slice %arg6[%run_scoped3A_22, %add3A_11, %dma_start3A_24] : memref<2x323584x128xf32, #tpu.memory_space<hbm>> -> memref<1x128x128xf32, #tpu.memory_space<hbm>>
        %dma_start3A_26 = tpu.memref_squeeze %dma_start3A_25 : memref<1x128x128xf32, #tpu.memory_space<hbm>> -> memref<128x128xf32, #tpu.memory_space<hbm>>
        %dma_start3A_27 = arith.constant 0 : i32
        %dma_start3A_28 = tpu.memref_slice %arg6[%run_scoped3A_22, %add3A_11, %dma_start3A_27] : memref<2x323584x128xf32, #tpu.memory_space<hbm>> -> memref<1x128x128xf32, #tpu.memory_space<hbm>>
        %dma_start3A_29 = tpu.memref_squeeze %dma_start3A_28 : memref<1x128x128xf32, #tpu.memory_space<hbm>> -> memref<128x128xf32, #tpu.memory_space<hbm>>
        tpu.enqueue_dma source(%arg10 : memref<128x128xf32, #tpu.memory_space<vmem>>) target(%dma_start3A_29 : memref<128x128xf32, #tpu.memory_space<hbm>>) target_semaphore(%run_scoped3A_23 : memref<!tpu.dma_semaphore, #tpu.memory_space<semaphore_mem>>)
        %dma_wait3A_30 = arith.constant 0 : i32
        %dma_wait3A_31 = tpu.memref_slice %arg6[%run_scoped3A_22, %add3A_11, %dma_wait3A_30] : memref<2x323584x128xf32, #tpu.memory_space<hbm>> -> memref<1x128x128xf32, #tpu.memory_space<hbm>>
        %dma_wait3A_32 = tpu.memref_squeeze %dma_wait3A_31 : memref<1x128x128xf32, #tpu.memory_space<hbm>> -> memref<128x128xf32, #tpu.memory_space<hbm>>
        %dma_wait3A_33 = arith.constant 0 : i32
        %dma_wait3A_34 = tpu.memref_slice %arg6[%run_scoped3A_22, %add3A_11, %dma_wait3A_33] : memref<2x323584x128xf32, #tpu.memory_space<hbm>> -> memref<1x128x128xf32, #tpu.memory_space<hbm>>
        %dma_wait3A_35 = tpu.memref_squeeze %dma_wait3A_34 : memref<1x128x128xf32, #tpu.memory_space<hbm>> -> memref<128x128xf32, #tpu.memory_space<hbm>>
        tpu.wait_dma2 semaphore(%run_scoped3A_23 : memref<!tpu.dma_semaphore, #tpu.memory_space<semaphore_mem>>) src(%arg10 : memref<128x128xf32, #tpu.memory_space<vmem>>) dst(%dma_wait3A_35 : memref<128x128xf32, #tpu.memory_space<hbm>>)
        tpu.yield
      }) : () -> ()
    }
    %scan3A_7 = arith.constant 79 : i32
    return
  }
}

#map = affine_map<(d0, d1) -> (0, 0)>
#map1 = affine_map<(d0, d1) -> (0)>
#map2 = affine_map<(d0, d1) -> (0, 0, 0)>
module attributes {stable_mosaic.version = 14 : i64} {
  func.func @k(%arg0: i32, %arg1: i32, %arg2: memref<323584x128xf32, #tpu.memory_space<hbm>>, %arg3: memref<323584xi32, #tpu.memory_space<hbm>>, %arg4: memref<128x128xf32, #tpu.memory_space<hbm>>, %arg5: memref<2x10240x128xf32, #tpu.memory_space<hbm>>, %arg6: memref<128xi32, #tpu.memory_space<vmem>>, %arg7: memref<128x128xf32, #tpu.memory_space<vmem>>, %arg8: memref<10240x128xf32, #tpu.memory_space<vmem_shared>>) attributes {dimension_semantics = [#tpu.dimension_semantics<core_parallel>, #tpu.dimension_semantics<subcore_parallel>], iteration_bounds = array<i64: 2, 16>, scalar_prefetch = 0 : i64, scratch_operands = 3 : i64, tpu.core_type = #tpu.core_type<sc_vector_subcore>, window_params = [{transform_indices = #map}, {transform_indices = #map1}, {transform_indices = #map}, {transform_indices = #map2}]} {
    %mul3A = arith.constant 2 : i32
    %mul3A_0 = arith.muli %arg1, %mul3A : i32
    %add3A = arith.addi %mul3A_0, %arg0 : i32
    %mul3A_1 = arith.constant 10112 : i32
    %mul3A_2 = arith.muli %add3A, %mul3A_1 : i32
    %scan3A = arith.constant 0 : i32
    %scan3A_3 = arith.constant 0 : i32
    %scan3A_4 = arith.constant 5 : i32
    %scan3A_5 = arith.addi %scan3A_3, %scan3A_4 : i32
    %scan3A_6 = arith.constant 1 : i32
    scf.for %scan3A_21 = %scan3A_3 to %scan3A_5 step %scan3A_6  : i32 {
      %mul3A_22 = arith.constant 640 : i32
      %mul3A_23 = arith.muli %arg1, %mul3A_22 : i32
      %mul3A_24 = arith.constant 128 : i32
      %mul3A_25 = arith.muli %scan3A_21, %mul3A_24 : i32
      %add3A_26 = arith.addi %mul3A_23, %mul3A_25 : i32
      "tpu.region"() ({
        %run_scoped3A = tpu.sem_alloc : memref<!tpu.dma_semaphore, #tpu.memory_space<semaphore_mem>>
        %dma_start3A = arith.constant 0 : i32
        %dma_start3A_27 = tpu.memref_slice %arg8[%add3A_26, %dma_start3A] : memref<10240x128xf32, #tpu.memory_space<vmem_shared>> -> memref<128x128xf32, #tpu.memory_space<vmem_shared>>
        tpu.enqueue_dma source(%arg4 : memref<128x128xf32, #tpu.memory_space<hbm>>) target(%dma_start3A_27 : memref<128x128xf32, #tpu.memory_space<vmem_shared>>) target_semaphore(%run_scoped3A : memref<!tpu.dma_semaphore, #tpu.memory_space<semaphore_mem>>)
        %dma_wait3A = arith.constant 0 : i32
        %dma_wait3A_28 = tpu.memref_slice %arg8[%add3A_26, %dma_wait3A] : memref<10240x128xf32, #tpu.memory_space<vmem_shared>> -> memref<128x128xf32, #tpu.memory_space<vmem_shared>>
        tpu.wait_dma2 semaphore(%run_scoped3A : memref<!tpu.dma_semaphore, #tpu.memory_space<semaphore_mem>>) src(%arg4 : memref<128x128xf32, #tpu.memory_space<hbm>>) dst(%dma_wait3A_28 : memref<128x128xf32, #tpu.memory_space<vmem_shared>>)
        tpu.yield
      }) : () -> ()
    }
    %scan3A_7 = arith.constant 5 : i32
    %barrier3A = arith.constant 0 : index
    tpu.barrier barrier_id(%barrier3A)
    %scan3A_8 = arith.constant 0 : i32
    %scan3A_9 = arith.constant 0 : i32
    %scan3A_10 = arith.constant 79 : i32
    %scan3A_11 = arith.addi %scan3A_9, %scan3A_10 : i32
    %scan3A_12 = arith.constant 1 : i32
    scf.for %scan3A_21 = %scan3A_9 to %scan3A_11 step %scan3A_12  : i32 {
      %mul3A_22 = arith.constant 128 : i32
      %mul3A_23 = arith.muli %scan3A_21, %mul3A_22 : i32
      %add3A_24 = arith.addi %mul3A_2, %mul3A_23 : i32
      "tpu.region"() ({
        %run_scoped3A = tpu.sem_alloc : memref<!tpu.dma_semaphore, #tpu.memory_space<semaphore_mem>>
        %dma_start3A = tpu.memref_slice %arg3[%add3A_24] : memref<323584xi32, #tpu.memory_space<hbm>> -> memref<128xi32, #tpu.memory_space<hbm>>
        %dma_start3A_25 = tpu.memref_slice %arg3[%add3A_24] : memref<323584xi32, #tpu.memory_space<hbm>> -> memref<128xi32, #tpu.memory_space<hbm>>
        tpu.enqueue_dma source(%dma_start3A_25 : memref<128xi32, #tpu.memory_space<hbm>>) target(%arg6 : memref<128xi32, #tpu.memory_space<vmem>>) target_semaphore(%run_scoped3A : memref<!tpu.dma_semaphore, #tpu.memory_space<semaphore_mem>>)
        %dma_wait3A = tpu.memref_slice %arg3[%add3A_24] : memref<323584xi32, #tpu.memory_space<hbm>> -> memref<128xi32, #tpu.memory_space<hbm>>
        %dma_wait3A_26 = tpu.memref_slice %arg3[%add3A_24] : memref<323584xi32, #tpu.memory_space<hbm>> -> memref<128xi32, #tpu.memory_space<hbm>>
        tpu.wait_dma2 semaphore(%run_scoped3A : memref<!tpu.dma_semaphore, #tpu.memory_space<semaphore_mem>>) src(%dma_wait3A_26 : memref<128xi32, #tpu.memory_space<hbm>>) dst(%arg6 : memref<128xi32, #tpu.memory_space<vmem>>)
        tpu.yield
      }) : () -> ()
      "tpu.region"() ({
        %run_scoped3A = tpu.sem_alloc : memref<!tpu.dma_semaphore, #tpu.memory_space<semaphore_mem>>
        %dma_start3A = arith.constant 0 : i32
        %dma_start3A_25 = tpu.memref_slice %arg2[%add3A_24, %dma_start3A] : memref<323584x128xf32, #tpu.memory_space<hbm>> -> memref<128x128xf32, #tpu.memory_space<hbm>>
        %dma_start3A_26 = arith.constant 0 : i32
        %dma_start3A_27 = tpu.memref_slice %arg2[%add3A_24, %dma_start3A_26] : memref<323584x128xf32, #tpu.memory_space<hbm>> -> memref<128x128xf32, #tpu.memory_space<hbm>>
        tpu.enqueue_dma source(%dma_start3A_27 : memref<128x128xf32, #tpu.memory_space<hbm>>) target(%arg7 : memref<128x128xf32, #tpu.memory_space<vmem>>) target_semaphore(%run_scoped3A : memref<!tpu.dma_semaphore, #tpu.memory_space<semaphore_mem>>)
        %dma_wait3A = arith.constant 0 : i32
        %dma_wait3A_28 = tpu.memref_slice %arg2[%add3A_24, %dma_wait3A] : memref<323584x128xf32, #tpu.memory_space<hbm>> -> memref<128x128xf32, #tpu.memory_space<hbm>>
        %dma_wait3A_29 = arith.constant 0 : i32
        %dma_wait3A_30 = tpu.memref_slice %arg2[%add3A_24, %dma_wait3A_29] : memref<323584x128xf32, #tpu.memory_space<hbm>> -> memref<128x128xf32, #tpu.memory_space<hbm>>
        tpu.wait_dma2 semaphore(%run_scoped3A : memref<!tpu.dma_semaphore, #tpu.memory_space<semaphore_mem>>) src(%dma_wait3A_30 : memref<128x128xf32, #tpu.memory_space<hbm>>) dst(%arg7 : memref<128x128xf32, #tpu.memory_space<vmem>>)
        tpu.yield
      }) : () -> ()
      "tpu.region"() ({
        %run_scoped3A = tpu.sem_alloc : memref<!tpu.dma_semaphore, #tpu.memory_space<semaphore_mem>>
        %dma_start3A = arith.constant 0 : i32
        %dma_start3A_25 = arith.constant 0 : i32
        %dma_start3A_26 = tpu.memref_slice %arg8[%dma_start3A, %dma_start3A_25] : memref<10240x128xf32, #tpu.memory_space<vmem_shared>> -> memref<10240x128xf32, #tpu.memory_space<vmem_shared>>
        tpu.enqueue_indirect_dma source(%arg7 : memref<128x128xf32, #tpu.memory_space<vmem>>) target(%dma_start3A_26 : memref<10240x128xf32, #tpu.memory_space<vmem_shared>>) offsets(%arg6 : memref<128xi32, #tpu.memory_space<vmem>>) semaphore(%run_scoped3A : memref<!tpu.dma_semaphore, #tpu.memory_space<semaphore_mem>>) {add = true}
        %dma_wait3A = arith.constant 0 : i32
        %dma_wait3A_27 = arith.constant 0 : i32
        %dma_wait3A_28 = tpu.memref_slice %arg8[%dma_wait3A, %dma_wait3A_27] : memref<10240x128xf32, #tpu.memory_space<vmem_shared>> -> memref<10240x128xf32, #tpu.memory_space<vmem_shared>>
        tpu.wait_indirect_dma semaphore(%run_scoped3A : memref<!tpu.dma_semaphore, #tpu.memory_space<semaphore_mem>>) src(%arg7 : memref<128x128xf32, #tpu.memory_space<vmem>>) dst(%dma_wait3A_28 : memref<10240x128xf32, #tpu.memory_space<vmem_shared>>)
        tpu.yield
      }) : () -> ()
    }
    %scan3A_13 = arith.constant 79 : i32
    %barrier3A_14 = arith.constant 0 : index
    tpu.barrier barrier_id(%barrier3A_14)
    %scan3A_15 = arith.constant 0 : i32
    %scan3A_16 = arith.constant 0 : i32
    %scan3A_17 = arith.constant 5 : i32
    %scan3A_18 = arith.addi %scan3A_16, %scan3A_17 : i32
    %scan3A_19 = arith.constant 1 : i32
    scf.for %scan3A_21 = %scan3A_16 to %scan3A_18 step %scan3A_19  : i32 {
      %mul3A_22 = arith.constant 640 : i32
      %mul3A_23 = arith.muli %arg1, %mul3A_22 : i32
      %mul3A_24 = arith.constant 128 : i32
      %mul3A_25 = arith.muli %scan3A_21, %mul3A_24 : i32
      %add3A_26 = arith.addi %mul3A_23, %mul3A_25 : i32
      "tpu.region"() ({
        %run_scoped3A = tpu.sem_alloc : memref<!tpu.dma_semaphore, #tpu.memory_space<semaphore_mem>>
        %dma_start3A = arith.constant 0 : i32
        %dma_start3A_27 = tpu.memref_slice %arg8[%add3A_26, %dma_start3A] : memref<10240x128xf32, #tpu.memory_space<vmem_shared>> -> memref<128x128xf32, #tpu.memory_space<vmem_shared>>
        %dma_start3A_28 = arith.constant 0 : i32
        %dma_start3A_29 = tpu.memref_slice %arg8[%add3A_26, %dma_start3A_28] : memref<10240x128xf32, #tpu.memory_space<vmem_shared>> -> memref<128x128xf32, #tpu.memory_space<vmem_shared>>
        tpu.enqueue_dma source(%dma_start3A_29 : memref<128x128xf32, #tpu.memory_space<vmem_shared>>) target(%arg7 : memref<128x128xf32, #tpu.memory_space<vmem>>) target_semaphore(%run_scoped3A : memref<!tpu.dma_semaphore, #tpu.memory_space<semaphore_mem>>)
        %dma_wait3A = arith.constant 0 : i32
        %dma_wait3A_30 = tpu.memref_slice %arg8[%add3A_26, %dma_wait3A] : memref<10240x128xf32, #tpu.memory_space<vmem_shared>> -> memref<128x128xf32, #tpu.memory_space<vmem_shared>>
        %dma_wait3A_31 = arith.constant 0 : i32
        %dma_wait3A_32 = tpu.memref_slice %arg8[%add3A_26, %dma_wait3A_31] : memref<10240x128xf32, #tpu.memory_space<vmem_shared>> -> memref<128x128xf32, #tpu.memory_space<vmem_shared>>
        tpu.wait_dma2 semaphore(%run_scoped3A : memref<!tpu.dma_semaphore, #tpu.memory_space<semaphore_mem>>) src(%dma_wait3A_32 : memref<128x128xf32, #tpu.memory_space<vmem_shared>>) dst(%arg7 : memref<128x128xf32, #tpu.memory_space<vmem>>)
        tpu.yield
      }) : () -> ()
      "tpu.region"() ({
        %run_scoped3A = tpu.sem_alloc : memref<!tpu.dma_semaphore, #tpu.memory_space<semaphore_mem>>
        %dma_start3A = arith.constant 0 : i32
        %dma_start3A_27 = tpu.memref_slice %arg5[%arg0, %add3A_26, %dma_start3A] : memref<2x10240x128xf32, #tpu.memory_space<hbm>> -> memref<1x128x128xf32, #tpu.memory_space<hbm>>
        %dma_start3A_28 = tpu.memref_squeeze %dma_start3A_27 : memref<1x128x128xf32, #tpu.memory_space<hbm>> -> memref<128x128xf32, #tpu.memory_space<hbm>>
        %dma_start3A_29 = arith.constant 0 : i32
        %dma_start3A_30 = tpu.memref_slice %arg5[%arg0, %add3A_26, %dma_start3A_29] : memref<2x10240x128xf32, #tpu.memory_space<hbm>> -> memref<1x128x128xf32, #tpu.memory_space<hbm>>
        %dma_start3A_31 = tpu.memref_squeeze %dma_start3A_30 : memref<1x128x128xf32, #tpu.memory_space<hbm>> -> memref<128x128xf32, #tpu.memory_space<hbm>>
        tpu.enqueue_dma source(%arg7 : memref<128x128xf32, #tpu.memory_space<vmem>>) target(%dma_start3A_31 : memref<128x128xf32, #tpu.memory_space<hbm>>) target_semaphore(%run_scoped3A : memref<!tpu.dma_semaphore, #tpu.memory_space<semaphore_mem>>)
        %dma_wait3A = arith.constant 0 : i32
        %dma_wait3A_32 = tpu.memref_slice %arg5[%arg0, %add3A_26, %dma_wait3A] : memref<2x10240x128xf32, #tpu.memory_space<hbm>> -> memref<1x128x128xf32, #tpu.memory_space<hbm>>
        %dma_wait3A_33 = tpu.memref_squeeze %dma_wait3A_32 : memref<1x128x128xf32, #tpu.memory_space<hbm>> -> memref<128x128xf32, #tpu.memory_space<hbm>>
        %dma_wait3A_34 = arith.constant 0 : i32
        %dma_wait3A_35 = tpu.memref_slice %arg5[%arg0, %add3A_26, %dma_wait3A_34] : memref<2x10240x128xf32, #tpu.memory_space<hbm>> -> memref<1x128x128xf32, #tpu.memory_space<hbm>>
        %dma_wait3A_36 = tpu.memref_squeeze %dma_wait3A_35 : memref<1x128x128xf32, #tpu.memory_space<hbm>> -> memref<128x128xf32, #tpu.memory_space<hbm>>
        tpu.wait_dma2 semaphore(%run_scoped3A : memref<!tpu.dma_semaphore, #tpu.memory_space<semaphore_mem>>) src(%arg7 : memref<128x128xf32, #tpu.memory_space<vmem>>) dst(%dma_wait3A_36 : memref<128x128xf32, #tpu.memory_space<hbm>>)
        tpu.yield
      }) : () -> ()
    }
    %scan3A_20 = arith.constant 5 : i32
    return
  }
}

#map = affine_map<(d0, d1) -> (0, 0)>
#map1 = affine_map<(d0, d1) -> (0)>
#map2 = affine_map<(d0, d1) -> (0, 0, 0)>
module attributes {stable_mosaic.version = 14 : i64} {
  func.func @k(%arg0: i32, %arg1: i32, %arg2: memref<10240x128xf32, #tpu.memory_space<hbm>>, %arg3: memref<10240x128xf32, #tpu.memory_space<hbm>>, %arg4: memref<323584xi32, #tpu.memory_space<hbm>>, %arg5: memref<323584xi32, #tpu.memory_space<hbm>>, %arg6: memref<2x323584x128xf32, #tpu.memory_space<hbm>>, %arg7: memref<128xi32, #tpu.memory_space<vmem>>, %arg8: memref<128xi32, #tpu.memory_space<vmem>>, %arg9: memref<128x128xf32, #tpu.memory_space<vmem>>, %arg10: memref<128x128xf32, #tpu.memory_space<vmem>>, %arg11: memref<!tpu.dma_semaphore, #tpu.memory_space<semaphore_mem>>) attributes {dimension_semantics = [#tpu.dimension_semantics<core_parallel>, #tpu.dimension_semantics<subcore_parallel>], iteration_bounds = array<i64: 2, 16>, scalar_prefetch = 0 : i64, scratch_operands = 5 : i64, tpu.core_type = #tpu.core_type<sc_vector_subcore>, window_params = [{transform_indices = #map}, {transform_indices = #map}, {transform_indices = #map1}, {transform_indices = #map1}, {transform_indices = #map2}]} {
    %mul3A = arith.constant 2 : i32
    %mul3A_0 = arith.muli %arg1, %mul3A : i32
    %add3A = arith.addi %mul3A_0, %arg0 : i32
    %mul3A_1 = arith.constant 10112 : i32
    %mul3A_2 = arith.muli %add3A, %mul3A_1 : i32
    %scan3A = arith.constant 0 : i32
    %scan3A_3 = arith.constant 0 : i32
    %scan3A_4 = arith.constant 79 : i32
    %scan3A_5 = arith.addi %scan3A_3, %scan3A_4 : i32
    %scan3A_6 = arith.constant 1 : i32
    scf.for %scan3A_8 = %scan3A_3 to %scan3A_5 step %scan3A_6  : i32 {
      %mul3A_9 = arith.constant 128 : i32
      %mul3A_10 = arith.muli %scan3A_8, %mul3A_9 : i32
      %add3A_11 = arith.addi %mul3A_2, %mul3A_10 : i32
      "tpu.region"() ({
        %run_scoped3A_23 = tpu.sem_alloc : memref<!tpu.dma_semaphore, #tpu.memory_space<semaphore_mem>>
        %dma_start3A_24 = tpu.memref_slice %arg4[%add3A_11] : memref<323584xi32, #tpu.memory_space<hbm>> -> memref<128xi32, #tpu.memory_space<hbm>>
        %dma_start3A_25 = tpu.memref_slice %arg4[%add3A_11] : memref<323584xi32, #tpu.memory_space<hbm>> -> memref<128xi32, #tpu.memory_space<hbm>>
        tpu.enqueue_dma source(%dma_start3A_25 : memref<128xi32, #tpu.memory_space<hbm>>) target(%arg7 : memref<128xi32, #tpu.memory_space<vmem>>) target_semaphore(%run_scoped3A_23 : memref<!tpu.dma_semaphore, #tpu.memory_space<semaphore_mem>>)
        %dma_wait3A_26 = tpu.memref_slice %arg4[%add3A_11] : memref<323584xi32, #tpu.memory_space<hbm>> -> memref<128xi32, #tpu.memory_space<hbm>>
        %dma_wait3A_27 = tpu.memref_slice %arg4[%add3A_11] : memref<323584xi32, #tpu.memory_space<hbm>> -> memref<128xi32, #tpu.memory_space<hbm>>
        tpu.wait_dma2 semaphore(%run_scoped3A_23 : memref<!tpu.dma_semaphore, #tpu.memory_space<semaphore_mem>>) src(%dma_wait3A_27 : memref<128xi32, #tpu.memory_space<hbm>>) dst(%arg7 : memref<128xi32, #tpu.memory_space<vmem>>)
        tpu.yield
      }) : () -> ()
      "tpu.region"() ({
        %run_scoped3A_23 = tpu.sem_alloc : memref<!tpu.dma_semaphore, #tpu.memory_space<semaphore_mem>>
        %dma_start3A_24 = tpu.memref_slice %arg5[%add3A_11] : memref<323584xi32, #tpu.memory_space<hbm>> -> memref<128xi32, #tpu.memory_space<hbm>>
        %dma_start3A_25 = tpu.memref_slice %arg5[%add3A_11] : memref<323584xi32, #tpu.memory_space<hbm>> -> memref<128xi32, #tpu.memory_space<hbm>>
        tpu.enqueue_dma source(%dma_start3A_25 : memref<128xi32, #tpu.memory_space<hbm>>) target(%arg8 : memref<128xi32, #tpu.memory_space<vmem>>) target_semaphore(%run_scoped3A_23 : memref<!tpu.dma_semaphore, #tpu.memory_space<semaphore_mem>>)
        %dma_wait3A_26 = tpu.memref_slice %arg5[%add3A_11] : memref<323584xi32, #tpu.memory_space<hbm>> -> memref<128xi32, #tpu.memory_space<hbm>>
        %dma_wait3A_27 = tpu.memref_slice %arg5[%add3A_11] : memref<323584xi32, #tpu.memory_space<hbm>> -> memref<128xi32, #tpu.memory_space<hbm>>
        tpu.wait_dma2 semaphore(%run_scoped3A_23 : memref<!tpu.dma_semaphore, #tpu.memory_space<semaphore_mem>>) src(%dma_wait3A_27 : memref<128xi32, #tpu.memory_space<hbm>>) dst(%arg8 : memref<128xi32, #tpu.memory_space<vmem>>)
        tpu.yield
      }) : () -> ()
      %dma_start3A = arith.constant 0 : i32
      %dma_start3A_12 = arith.constant 0 : i32
      %dma_start3A_13 = tpu.memref_slice %arg2[%dma_start3A, %dma_start3A_12] : memref<10240x128xf32, #tpu.memory_space<hbm>> -> memref<10240x128xf32, #tpu.memory_space<hbm>>
      tpu.enqueue_indirect_dma source(%dma_start3A_13 : memref<10240x128xf32, #tpu.memory_space<hbm>>) target(%arg9 : memref<128x128xf32, #tpu.memory_space<vmem>>) offsets(%arg7 : memref<128xi32, #tpu.memory_space<vmem>>) semaphore(%arg11 : memref<!tpu.dma_semaphore, #tpu.memory_space<semaphore_mem>>)
      %dma_start3A_14 = arith.constant 0 : i32
      %dma_start3A_15 = arith.constant 0 : i32
      %dma_start3A_16 = tpu.memref_slice %arg3[%dma_start3A_14, %dma_start3A_15] : memref<10240x128xf32, #tpu.memory_space<hbm>> -> memref<10240x128xf32, #tpu.memory_space<hbm>>
      tpu.enqueue_indirect_dma source(%dma_start3A_16 : memref<10240x128xf32, #tpu.memory_space<hbm>>) target(%arg10 : memref<128x128xf32, #tpu.memory_space<vmem>>) offsets(%arg8 : memref<128xi32, #tpu.memory_space<vmem>>) semaphore(%arg11 : memref<!tpu.dma_semaphore, #tpu.memory_space<semaphore_mem>>)
      %dma_wait3A = arith.constant 0 : i32
      %dma_wait3A_17 = arith.constant 0 : i32
      %dma_wait3A_18 = tpu.memref_slice %arg2[%dma_wait3A, %dma_wait3A_17] : memref<10240x128xf32, #tpu.memory_space<hbm>> -> memref<10240x128xf32, #tpu.memory_space<hbm>>
      tpu.wait_indirect_dma semaphore(%arg11 : memref<!tpu.dma_semaphore, #tpu.memory_space<semaphore_mem>>) src(%dma_wait3A_18 : memref<10240x128xf32, #tpu.memory_space<hbm>>) dst(%arg9 : memref<128x128xf32, #tpu.memory_space<vmem>>)
      %dma_wait3A_19 = arith.constant 0 : i32
      %dma_wait3A_20 = arith.constant 0 : i32
      %dma_wait3A_21 = tpu.memref_slice %arg3[%dma_wait3A_19, %dma_wait3A_20] : memref<10240x128xf32, #tpu.memory_space<hbm>> -> memref<10240x128xf32, #tpu.memory_space<hbm>>
      tpu.wait_indirect_dma semaphore(%arg11 : memref<!tpu.dma_semaphore, #tpu.memory_space<semaphore_mem>>) src(%dma_wait3A_21 : memref<10240x128xf32, #tpu.memory_space<hbm>>) dst(%arg10 : memref<128x128xf32, #tpu.memory_space<vmem>>)
      %run_scoped3A = arith.constant 0 : i32
      "tpu.region"() ({
        %run_scoped3A_23 = tpu.sem_alloc : memref<!tpu.dma_semaphore, #tpu.memory_space<semaphore_mem>>
        %dma_start3A_24 = arith.constant 0 : i32
        %dma_start3A_25 = tpu.memref_slice %arg6[%run_scoped3A, %add3A_11, %dma_start3A_24] : memref<2x323584x128xf32, #tpu.memory_space<hbm>> -> memref<1x128x128xf32, #tpu.memory_space<hbm>>
        %dma_start3A_26 = tpu.memref_squeeze %dma_start3A_25 : memref<1x128x128xf32, #tpu.memory_space<hbm>> -> memref<128x128xf32, #tpu.memory_space<hbm>>
        %dma_start3A_27 = arith.constant 0 : i32
        %dma_start3A_28 = tpu.memref_slice %arg6[%run_scoped3A, %add3A_11, %dma_start3A_27] : memref<2x323584x128xf32, #tpu.memory_space<hbm>> -> memref<1x128x128xf32, #tpu.memory_space<hbm>>
        %dma_start3A_29 = tpu.memref_squeeze %dma_start3A_28 : memref<1x128x128xf32, #tpu.memory_space<hbm>> -> memref<128x128xf32, #tpu.memory_space<hbm>>
        tpu.enqueue_dma source(%arg9 : memref<128x128xf32, #tpu.memory_space<vmem>>) target(%dma_start3A_29 : memref<128x128xf32, #tpu.memory_space<hbm>>) target_semaphore(%run_scoped3A_23 : memref<!tpu.dma_semaphore, #tpu.memory_space<semaphore_mem>>)
        %dma_wait3A_30 = arith.constant 0 : i32
        %dma_wait3A_31 = tpu.memref_slice %arg6[%run_scoped3A, %add3A_11, %dma_wait3A_30] : memref<2x323584x128xf32, #tpu.memory_space<hbm>> -> memref<1x128x128xf32, #tpu.memory_space<hbm>>
        %dma_wait3A_32 = tpu.memref_squeeze %dma_wait3A_31 : memref<1x128x128xf32, #tpu.memory_space<hbm>> -> memref<128x128xf32, #tpu.memory_space<hbm>>
        %dma_wait3A_33 = arith.constant 0 : i32
        %dma_wait3A_34 = tpu.memref_slice %arg6[%run_scoped3A, %add3A_11, %dma_wait3A_33] : memref<2x323584x128xf32, #tpu.memory_space<hbm>> -> memref<1x128x128xf32, #tpu.memory_space<hbm>>
        %dma_wait3A_35 = tpu.memref_squeeze %dma_wait3A_34 : memref<1x128x128xf32, #tpu.memory_space<hbm>> -> memref<128x128xf32, #tpu.memory_space<hbm>>
        tpu.wait_dma2 semaphore(%run_scoped3A_23 : memref<!tpu.dma_semaphore, #tpu.memory_space<semaphore_mem>>) src(%arg9 : memref<128x128xf32, #tpu.memory_space<vmem>>) dst(%dma_wait3A_35 : memref<128x128xf32, #tpu.memory_space<hbm>>)
        tpu.yield
      }) : () -> ()
      %run_scoped3A_22 = arith.constant 1 : i32
      "tpu.region"() ({
        %run_scoped3A_23 = tpu.sem_alloc : memref<!tpu.dma_semaphore, #tpu.memory_space<semaphore_mem>>
        %dma_start3A_24 = arith.constant 0 : i32
        %dma_start3A_25 = tpu.memref_slice %arg6[%run_scoped3A_22, %add3A_11, %dma_start3A_24] : memref<2x323584x128xf32, #tpu.memory_space<hbm>> -> memref<1x128x128xf32, #tpu.memory_space<hbm>>
        %dma_start3A_26 = tpu.memref_squeeze %dma_start3A_25 : memref<1x128x128xf32, #tpu.memory_space<hbm>> -> memref<128x128xf32, #tpu.memory_space<hbm>>
        %dma_start3A_27 = arith.constant 0 : i32
        %dma_start3A_28 = tpu.memref_slice %arg6[%run_scoped3A_22, %add3A_11, %dma_start3A_27] : memref<2x323584x128xf32, #tpu.memory_space<hbm>> -> memref<1x128x128xf32, #tpu.memory_space<hbm>>
        %dma_start3A_29 = tpu.memref_squeeze %dma_start3A_28 : memref<1x128x128xf32, #tpu.memory_space<hbm>> -> memref<128x128xf32, #tpu.memory_space<hbm>>
        tpu.enqueue_dma source(%arg10 : memref<128x128xf32, #tpu.memory_space<vmem>>) target(%dma_start3A_29 : memref<128x128xf32, #tpu.memory_space<hbm>>) target_semaphore(%run_scoped3A_23 : memref<!tpu.dma_semaphore, #tpu.memory_space<semaphore_mem>>)
        %dma_wait3A_30 = arith.constant 0 : i32
        %dma_wait3A_31 = tpu.memref_slice %arg6[%run_scoped3A_22, %add3A_11, %dma_wait3A_30] : memref<2x323584x128xf32, #tpu.memory_space<hbm>> -> memref<1x128x128xf32, #tpu.memory_space<hbm>>
        %dma_wait3A_32 = tpu.memref_squeeze %dma_wait3A_31 : memref<1x128x128xf32, #tpu.memory_space<hbm>> -> memref<128x128xf32, #tpu.memory_space<hbm>>
        %dma_wait3A_33 = arith.constant 0 : i32
        %dma_wait3A_34 = tpu.memref_slice %arg6[%run_scoped3A_22, %add3A_11, %dma_wait3A_33] : memref<2x323584x128xf32, #tpu.memory_space<hbm>> -> memref<1x128x128xf32, #tpu.memory_space<hbm>>
        %dma_wait3A_35 = tpu.memref_squeeze %dma_wait3A_34 : memref<1x128x128xf32, #tpu.memory_space<hbm>> -> memref<128x128xf32, #tpu.memory_space<hbm>>
        tpu.wait_dma2 semaphore(%run_scoped3A_23 : memref<!tpu.dma_semaphore, #tpu.memory_space<semaphore_mem>>) src(%arg10 : memref<128x128xf32, #tpu.memory_space<vmem>>) dst(%dma_wait3A_35 : memref<128x128xf32, #tpu.memory_space<hbm>>)
        tpu.yield
      }) : () -> ()
    }
    %scan3A_7 = arith.constant 79 : i32
    return
  }
}

#map = affine_map<(d0, d1) -> (0, 0)>
#map1 = affine_map<(d0, d1) -> (0)>
#map2 = affine_map<(d0, d1) -> (0, 0, 0)>
module attributes {stable_mosaic.version = 14 : i64} {
  func.func @k(%arg0: i32, %arg1: i32, %arg2: memref<323584x128xf32, #tpu.memory_space<hbm>>, %arg3: memref<323584xi32, #tpu.memory_space<hbm>>, %arg4: memref<128x128xf32, #tpu.memory_space<hbm>>, %arg5: memref<2x10240x128xf32, #tpu.memory_space<hbm>>, %arg6: memref<128xi32, #tpu.memory_space<vmem>>, %arg7: memref<128x128xf32, #tpu.memory_space<vmem>>, %arg8: memref<10240x128xf32, #tpu.memory_space<vmem_shared>>) attributes {dimension_semantics = [#tpu.dimension_semantics<core_parallel>, #tpu.dimension_semantics<subcore_parallel>], iteration_bounds = array<i64: 2, 16>, scalar_prefetch = 0 : i64, scratch_operands = 3 : i64, tpu.core_type = #tpu.core_type<sc_vector_subcore>, window_params = [{transform_indices = #map}, {transform_indices = #map1}, {transform_indices = #map}, {transform_indices = #map2}]} {
    %mul3A = arith.constant 2 : i32
    %mul3A_0 = arith.muli %arg1, %mul3A : i32
    %add3A = arith.addi %mul3A_0, %arg0 : i32
    %mul3A_1 = arith.constant 10112 : i32
    %mul3A_2 = arith.muli %add3A, %mul3A_1 : i32
    %scan3A = arith.constant 0 : i32
    %scan3A_3 = arith.constant 0 : i32
    %scan3A_4 = arith.constant 5 : i32
    %scan3A_5 = arith.addi %scan3A_3, %scan3A_4 : i32
    %scan3A_6 = arith.constant 1 : i32
    scf.for %scan3A_21 = %scan3A_3 to %scan3A_5 step %scan3A_6  : i32 {
      %mul3A_22 = arith.constant 640 : i32
      %mul3A_23 = arith.muli %arg1, %mul3A_22 : i32
      %mul3A_24 = arith.constant 128 : i32
      %mul3A_25 = arith.muli %scan3A_21, %mul3A_24 : i32
      %add3A_26 = arith.addi %mul3A_23, %mul3A_25 : i32
      "tpu.region"() ({
        %run_scoped3A = tpu.sem_alloc : memref<!tpu.dma_semaphore, #tpu.memory_space<semaphore_mem>>
        %dma_start3A = arith.constant 0 : i32
        %dma_start3A_27 = tpu.memref_slice %arg8[%add3A_26, %dma_start3A] : memref<10240x128xf32, #tpu.memory_space<vmem_shared>> -> memref<128x128xf32, #tpu.memory_space<vmem_shared>>
        tpu.enqueue_dma source(%arg4 : memref<128x128xf32, #tpu.memory_space<hbm>>) target(%dma_start3A_27 : memref<128x128xf32, #tpu.memory_space<vmem_shared>>) target_semaphore(%run_scoped3A : memref<!tpu.dma_semaphore, #tpu.memory_space<semaphore_mem>>)
        %dma_wait3A = arith.constant 0 : i32
        %dma_wait3A_28 = tpu.memref_slice %arg8[%add3A_26, %dma_wait3A] : memref<10240x128xf32, #tpu.memory_space<vmem_shared>> -> memref<128x128xf32, #tpu.memory_space<vmem_shared>>
        tpu.wait_dma2 semaphore(%run_scoped3A : memref<!tpu.dma_semaphore, #tpu.memory_space<semaphore_mem>>) src(%arg4 : memref<128x128xf32, #tpu.memory_space<hbm>>) dst(%dma_wait3A_28 : memref<128x128xf32, #tpu.memory_space<vmem_shared>>)
        tpu.yield
      }) : () -> ()
    }
    %scan3A_7 = arith.constant 5 : i32
    %barrier3A = arith.constant 0 : index
    tpu.barrier barrier_id(%barrier3A)
    %scan3A_8 = arith.constant 0 : i32
    %scan3A_9 = arith.constant 0 : i32
    %scan3A_10 = arith.constant 79 : i32
    %scan3A_11 = arith.addi %scan3A_9, %scan3A_10 : i32
    %scan3A_12 = arith.constant 1 : i32
    scf.for %scan3A_21 = %scan3A_9 to %scan3A_11 step %scan3A_12  : i32 {
      %mul3A_22 = arith.constant 128 : i32
      %mul3A_23 = arith.muli %scan3A_21, %mul3A_22 : i32
      %add3A_24 = arith.addi %mul3A_2, %mul3A_23 : i32
      "tpu.region"() ({
        %run_scoped3A = tpu.sem_alloc : memref<!tpu.dma_semaphore, #tpu.memory_space<semaphore_mem>>
        %dma_start3A = tpu.memref_slice %arg3[%add3A_24] : memref<323584xi32, #tpu.memory_space<hbm>> -> memref<128xi32, #tpu.memory_space<hbm>>
        %dma_start3A_25 = tpu.memref_slice %arg3[%add3A_24] : memref<323584xi32, #tpu.memory_space<hbm>> -> memref<128xi32, #tpu.memory_space<hbm>>
        tpu.enqueue_dma source(%dma_start3A_25 : memref<128xi32, #tpu.memory_space<hbm>>) target(%arg6 : memref<128xi32, #tpu.memory_space<vmem>>) target_semaphore(%run_scoped3A : memref<!tpu.dma_semaphore, #tpu.memory_space<semaphore_mem>>)
        %dma_wait3A = tpu.memref_slice %arg3[%add3A_24] : memref<323584xi32, #tpu.memory_space<hbm>> -> memref<128xi32, #tpu.memory_space<hbm>>
        %dma_wait3A_26 = tpu.memref_slice %arg3[%add3A_24] : memref<323584xi32, #tpu.memory_space<hbm>> -> memref<128xi32, #tpu.memory_space<hbm>>
        tpu.wait_dma2 semaphore(%run_scoped3A : memref<!tpu.dma_semaphore, #tpu.memory_space<semaphore_mem>>) src(%dma_wait3A_26 : memref<128xi32, #tpu.memory_space<hbm>>) dst(%arg6 : memref<128xi32, #tpu.memory_space<vmem>>)
        tpu.yield
      }) : () -> ()
      "tpu.region"() ({
        %run_scoped3A = tpu.sem_alloc : memref<!tpu.dma_semaphore, #tpu.memory_space<semaphore_mem>>
        %dma_start3A = arith.constant 0 : i32
        %dma_start3A_25 = tpu.memref_slice %arg2[%add3A_24, %dma_start3A] : memref<323584x128xf32, #tpu.memory_space<hbm>> -> memref<128x128xf32, #tpu.memory_space<hbm>>
        %dma_start3A_26 = arith.constant 0 : i32
        %dma_start3A_27 = tpu.memref_slice %arg2[%add3A_24, %dma_start3A_26] : memref<323584x128xf32, #tpu.memory_space<hbm>> -> memref<128x128xf32, #tpu.memory_space<hbm>>
        tpu.enqueue_dma source(%dma_start3A_27 : memref<128x128xf32, #tpu.memory_space<hbm>>) target(%arg7 : memref<128x128xf32, #tpu.memory_space<vmem>>) target_semaphore(%run_scoped3A : memref<!tpu.dma_semaphore, #tpu.memory_space<semaphore_mem>>)
        %dma_wait3A = arith.constant 0 : i32
        %dma_wait3A_28 = tpu.memref_slice %arg2[%add3A_24, %dma_wait3A] : memref<323584x128xf32, #tpu.memory_space<hbm>> -> memref<128x128xf32, #tpu.memory_space<hbm>>
        %dma_wait3A_29 = arith.constant 0 : i32
        %dma_wait3A_30 = tpu.memref_slice %arg2[%add3A_24, %dma_wait3A_29] : memref<323584x128xf32, #tpu.memory_space<hbm>> -> memref<128x128xf32, #tpu.memory_space<hbm>>
        tpu.wait_dma2 semaphore(%run_scoped3A : memref<!tpu.dma_semaphore, #tpu.memory_space<semaphore_mem>>) src(%dma_wait3A_30 : memref<128x128xf32, #tpu.memory_space<hbm>>) dst(%arg7 : memref<128x128xf32, #tpu.memory_space<vmem>>)
        tpu.yield
      }) : () -> ()
      "tpu.region"() ({
        %run_scoped3A = tpu.sem_alloc : memref<!tpu.dma_semaphore, #tpu.memory_space<semaphore_mem>>
        %dma_start3A = arith.constant 0 : i32
        %dma_start3A_25 = arith.constant 0 : i32
        %dma_start3A_26 = tpu.memref_slice %arg8[%dma_start3A, %dma_start3A_25] : memref<10240x128xf32, #tpu.memory_space<vmem_shared>> -> memref<10240x128xf32, #tpu.memory_space<vmem_shared>>
        tpu.enqueue_indirect_dma source(%arg7 : memref<128x128xf32, #tpu.memory_space<vmem>>) target(%dma_start3A_26 : memref<10240x128xf32, #tpu.memory_space<vmem_shared>>) offsets(%arg6 : memref<128xi32, #tpu.memory_space<vmem>>) semaphore(%run_scoped3A : memref<!tpu.dma_semaphore, #tpu.memory_space<semaphore_mem>>) {add = true}
        %dma_wait3A = arith.constant 0 : i32
        %dma_wait3A_27 = arith.constant 0 : i32
        %dma_wait3A_28 = tpu.memref_slice %arg8[%dma_wait3A, %dma_wait3A_27] : memref<10240x128xf32, #tpu.memory_space<vmem_shared>> -> memref<10240x128xf32, #tpu.memory_space<vmem_shared>>
        tpu.wait_indirect_dma semaphore(%run_scoped3A : memref<!tpu.dma_semaphore, #tpu.memory_space<semaphore_mem>>) src(%arg7 : memref<128x128xf32, #tpu.memory_space<vmem>>) dst(%dma_wait3A_28 : memref<10240x128xf32, #tpu.memory_space<vmem_shared>>)
        tpu.yield
      }) : () -> ()
    }
    %scan3A_13 = arith.constant 79 : i32
    %barrier3A_14 = arith.constant 0 : index
    tpu.barrier barrier_id(%barrier3A_14)
    %scan3A_15 = arith.constant 0 : i32
    %scan3A_16 = arith.constant 0 : i32
    %scan3A_17 = arith.constant 5 : i32
    %scan3A_18 = arith.addi %scan3A_16, %scan3A_17 : i32
    %scan3A_19 = arith.constant 1 : i32
    scf.for %scan3A_21 = %scan3A_16 to %scan3A_18 step %scan3A_19  : i32 {
      %mul3A_22 = arith.constant 640 : i32
      %mul3A_23 = arith.muli %arg1, %mul3A_22 : i32
      %mul3A_24 = arith.constant 128 : i32
      %mul3A_25 = arith.muli %scan3A_21, %mul3A_24 : i32
      %add3A_26 = arith.addi %mul3A_23, %mul3A_25 : i32
      "tpu.region"() ({
        %run_scoped3A = tpu.sem_alloc : memref<!tpu.dma_semaphore, #tpu.memory_space<semaphore_mem>>
        %dma_start3A = arith.constant 0 : i32
        %dma_start3A_27 = tpu.memref_slice %arg8[%add3A_26, %dma_start3A] : memref<10240x128xf32, #tpu.memory_space<vmem_shared>> -> memref<128x128xf32, #tpu.memory_space<vmem_shared>>
        %dma_start3A_28 = arith.constant 0 : i32
        %dma_start3A_29 = tpu.memref_slice %arg8[%add3A_26, %dma_start3A_28] : memref<10240x128xf32, #tpu.memory_space<vmem_shared>> -> memref<128x128xf32, #tpu.memory_space<vmem_shared>>
        tpu.enqueue_dma source(%dma_start3A_29 : memref<128x128xf32, #tpu.memory_space<vmem_shared>>) target(%arg7 : memref<128x128xf32, #tpu.memory_space<vmem>>) target_semaphore(%run_scoped3A : memref<!tpu.dma_semaphore, #tpu.memory_space<semaphore_mem>>)
        %dma_wait3A = arith.constant 0 : i32
        %dma_wait3A_30 = tpu.memref_slice %arg8[%add3A_26, %dma_wait3A] : memref<10240x128xf32, #tpu.memory_space<vmem_shared>> -> memref<128x128xf32, #tpu.memory_space<vmem_shared>>
        %dma_wait3A_31 = arith.constant 0 : i32
        %dma_wait3A_32 = tpu.memref_slice %arg8[%add3A_26, %dma_wait3A_31] : memref<10240x128xf32, #tpu.memory_space<vmem_shared>> -> memref<128x128xf32, #tpu.memory_space<vmem_shared>>
        tpu.wait_dma2 semaphore(%run_scoped3A : memref<!tpu.dma_semaphore, #tpu.memory_space<semaphore_mem>>) src(%dma_wait3A_32 : memref<128x128xf32, #tpu.memory_space<vmem_shared>>) dst(%arg7 : memref<128x128xf32, #tpu.memory_space<vmem>>)
        tpu.yield
      }) : () -> ()
      "tpu.region"() ({
        %run_scoped3A = tpu.sem_alloc : memref<!tpu.dma_semaphore, #tpu.memory_space<semaphore_mem>>
        %dma_start3A = arith.constant 0 : i32
        %dma_start3A_27 = tpu.memref_slice %arg5[%arg0, %add3A_26, %dma_start3A] : memref<2x10240x128xf32, #tpu.memory_space<hbm>> -> memref<1x128x128xf32, #tpu.memory_space<hbm>>
        %dma_start3A_28 = tpu.memref_squeeze %dma_start3A_27 : memref<1x128x128xf32, #tpu.memory_space<hbm>> -> memref<128x128xf32, #tpu.memory_space<hbm>>
        %dma_start3A_29 = arith.constant 0 : i32
        %dma_start3A_30 = tpu.memref_slice %arg5[%arg0, %add3A_26, %dma_start3A_29] : memref<2x10240x128xf32, #tpu.memory_space<hbm>> -> memref<1x128x128xf32, #tpu.memory_space<hbm>>
        %dma_start3A_31 = tpu.memref_squeeze %dma_start3A_30 : memref<1x128x128xf32, #tpu.memory_space<hbm>> -> memref<128x128xf32, #tpu.memory_space<hbm>>
        tpu.enqueue_dma source(%arg7 : memref<128x128xf32, #tpu.memory_space<vmem>>) target(%dma_start3A_31 : memref<128x128xf32, #tpu.memory_space<hbm>>) target_semaphore(%run_scoped3A : memref<!tpu.dma_semaphore, #tpu.memory_space<semaphore_mem>>)
        %dma_wait3A = arith.constant 0 : i32
        %dma_wait3A_32 = tpu.memref_slice %arg5[%arg0, %add3A_26, %dma_wait3A] : memref<2x10240x128xf32, #tpu.memory_space<hbm>> -> memref<1x128x128xf32, #tpu.memory_space<hbm>>
        %dma_wait3A_33 = tpu.memref_squeeze %dma_wait3A_32 : memref<1x128x128xf32, #tpu.memory_space<hbm>> -> memref<128x128xf32, #tpu.memory_space<hbm>>
        %dma_wait3A_34 = arith.constant 0 : i32
        %dma_wait3A_35 = tpu.memref_slice %arg5[%arg0, %add3A_26, %dma_wait3A_34] : memref<2x10240x128xf32, #tpu.memory_space<hbm>> -> memref<1x128x128xf32, #tpu.memory_space<hbm>>
        %dma_wait3A_36 = tpu.memref_squeeze %dma_wait3A_35 : memref<1x128x128xf32, #tpu.memory_space<hbm>> -> memref<128x128xf32, #tpu.memory_space<hbm>>
        tpu.wait_dma2 semaphore(%run_scoped3A : memref<!tpu.dma_semaphore, #tpu.memory_space<semaphore_mem>>) src(%arg7 : memref<128x128xf32, #tpu.memory_space<vmem>>) dst(%dma_wait3A_36 : memref<128x128xf32, #tpu.memory_space<hbm>>)
        tpu.yield
      }) : () -> ()
    }
    %scan3A_20 = arith.constant 5 : i32
    return
  }
}

#map = affine_map<(d0, d1) -> (0, 0)>
#map1 = affine_map<(d0, d1) -> (0)>
#map2 = affine_map<(d0, d1) -> (0, 0, 0)>
module attributes {stable_mosaic.version = 14 : i64} {
  func.func @k(%arg0: i32, %arg1: i32, %arg2: memref<10240x128xf32, #tpu.memory_space<hbm>>, %arg3: memref<10240x128xf32, #tpu.memory_space<hbm>>, %arg4: memref<323584xi32, #tpu.memory_space<hbm>>, %arg5: memref<323584xi32, #tpu.memory_space<hbm>>, %arg6: memref<2x323584x128xf32, #tpu.memory_space<hbm>>, %arg7: memref<128xi32, #tpu.memory_space<vmem>>, %arg8: memref<128xi32, #tpu.memory_space<vmem>>, %arg9: memref<128x128xf32, #tpu.memory_space<vmem>>, %arg10: memref<128x128xf32, #tpu.memory_space<vmem>>, %arg11: memref<!tpu.dma_semaphore, #tpu.memory_space<semaphore_mem>>) attributes {dimension_semantics = [#tpu.dimension_semantics<core_parallel>, #tpu.dimension_semantics<subcore_parallel>], iteration_bounds = array<i64: 2, 16>, scalar_prefetch = 0 : i64, scratch_operands = 5 : i64, tpu.core_type = #tpu.core_type<sc_vector_subcore>, window_params = [{transform_indices = #map}, {transform_indices = #map}, {transform_indices = #map1}, {transform_indices = #map1}, {transform_indices = #map2}]} {
    %mul3A = arith.constant 2 : i32
    %mul3A_0 = arith.muli %arg1, %mul3A : i32
    %add3A = arith.addi %mul3A_0, %arg0 : i32
    %mul3A_1 = arith.constant 10112 : i32
    %mul3A_2 = arith.muli %add3A, %mul3A_1 : i32
    %scan3A = arith.constant 0 : i32
    %scan3A_3 = arith.constant 0 : i32
    %scan3A_4 = arith.constant 79 : i32
    %scan3A_5 = arith.addi %scan3A_3, %scan3A_4 : i32
    %scan3A_6 = arith.constant 1 : i32
    scf.for %scan3A_8 = %scan3A_3 to %scan3A_5 step %scan3A_6  : i32 {
      %mul3A_9 = arith.constant 128 : i32
      %mul3A_10 = arith.muli %scan3A_8, %mul3A_9 : i32
      %add3A_11 = arith.addi %mul3A_2, %mul3A_10 : i32
      "tpu.region"() ({
        %run_scoped3A_23 = tpu.sem_alloc : memref<!tpu.dma_semaphore, #tpu.memory_space<semaphore_mem>>
        %dma_start3A_24 = tpu.memref_slice %arg4[%add3A_11] : memref<323584xi32, #tpu.memory_space<hbm>> -> memref<128xi32, #tpu.memory_space<hbm>>
        %dma_start3A_25 = tpu.memref_slice %arg4[%add3A_11] : memref<323584xi32, #tpu.memory_space<hbm>> -> memref<128xi32, #tpu.memory_space<hbm>>
        tpu.enqueue_dma source(%dma_start3A_25 : memref<128xi32, #tpu.memory_space<hbm>>) target(%arg7 : memref<128xi32, #tpu.memory_space<vmem>>) target_semaphore(%run_scoped3A_23 : memref<!tpu.dma_semaphore, #tpu.memory_space<semaphore_mem>>)
        %dma_wait3A_26 = tpu.memref_slice %arg4[%add3A_11] : memref<323584xi32, #tpu.memory_space<hbm>> -> memref<128xi32, #tpu.memory_space<hbm>>
        %dma_wait3A_27 = tpu.memref_slice %arg4[%add3A_11] : memref<323584xi32, #tpu.memory_space<hbm>> -> memref<128xi32, #tpu.memory_space<hbm>>
        tpu.wait_dma2 semaphore(%run_scoped3A_23 : memref<!tpu.dma_semaphore, #tpu.memory_space<semaphore_mem>>) src(%dma_wait3A_27 : memref<128xi32, #tpu.memory_space<hbm>>) dst(%arg7 : memref<128xi32, #tpu.memory_space<vmem>>)
        tpu.yield
      }) : () -> ()
      "tpu.region"() ({
        %run_scoped3A_23 = tpu.sem_alloc : memref<!tpu.dma_semaphore, #tpu.memory_space<semaphore_mem>>
        %dma_start3A_24 = tpu.memref_slice %arg5[%add3A_11] : memref<323584xi32, #tpu.memory_space<hbm>> -> memref<128xi32, #tpu.memory_space<hbm>>
        %dma_start3A_25 = tpu.memref_slice %arg5[%add3A_11] : memref<323584xi32, #tpu.memory_space<hbm>> -> memref<128xi32, #tpu.memory_space<hbm>>
        tpu.enqueue_dma source(%dma_start3A_25 : memref<128xi32, #tpu.memory_space<hbm>>) target(%arg8 : memref<128xi32, #tpu.memory_space<vmem>>) target_semaphore(%run_scoped3A_23 : memref<!tpu.dma_semaphore, #tpu.memory_space<semaphore_mem>>)
        %dma_wait3A_26 = tpu.memref_slice %arg5[%add3A_11] : memref<323584xi32, #tpu.memory_space<hbm>> -> memref<128xi32, #tpu.memory_space<hbm>>
        %dma_wait3A_27 = tpu.memref_slice %arg5[%add3A_11] : memref<323584xi32, #tpu.memory_space<hbm>> -> memref<128xi32, #tpu.memory_space<hbm>>
        tpu.wait_dma2 semaphore(%run_scoped3A_23 : memref<!tpu.dma_semaphore, #tpu.memory_space<semaphore_mem>>) src(%dma_wait3A_27 : memref<128xi32, #tpu.memory_space<hbm>>) dst(%arg8 : memref<128xi32, #tpu.memory_space<vmem>>)
        tpu.yield
      }) : () -> ()
      %dma_start3A = arith.constant 0 : i32
      %dma_start3A_12 = arith.constant 0 : i32
      %dma_start3A_13 = tpu.memref_slice %arg2[%dma_start3A, %dma_start3A_12] : memref<10240x128xf32, #tpu.memory_space<hbm>> -> memref<10240x128xf32, #tpu.memory_space<hbm>>
      tpu.enqueue_indirect_dma source(%dma_start3A_13 : memref<10240x128xf32, #tpu.memory_space<hbm>>) target(%arg9 : memref<128x128xf32, #tpu.memory_space<vmem>>) offsets(%arg7 : memref<128xi32, #tpu.memory_space<vmem>>) semaphore(%arg11 : memref<!tpu.dma_semaphore, #tpu.memory_space<semaphore_mem>>)
      %dma_start3A_14 = arith.constant 0 : i32
      %dma_start3A_15 = arith.constant 0 : i32
      %dma_start3A_16 = tpu.memref_slice %arg3[%dma_start3A_14, %dma_start3A_15] : memref<10240x128xf32, #tpu.memory_space<hbm>> -> memref<10240x128xf32, #tpu.memory_space<hbm>>
      tpu.enqueue_indirect_dma source(%dma_start3A_16 : memref<10240x128xf32, #tpu.memory_space<hbm>>) target(%arg10 : memref<128x128xf32, #tpu.memory_space<vmem>>) offsets(%arg8 : memref<128xi32, #tpu.memory_space<vmem>>) semaphore(%arg11 : memref<!tpu.dma_semaphore, #tpu.memory_space<semaphore_mem>>)
      %dma_wait3A = arith.constant 0 : i32
      %dma_wait3A_17 = arith.constant 0 : i32
      %dma_wait3A_18 = tpu.memref_slice %arg2[%dma_wait3A, %dma_wait3A_17] : memref<10240x128xf32, #tpu.memory_space<hbm>> -> memref<10240x128xf32, #tpu.memory_space<hbm>>
      tpu.wait_indirect_dma semaphore(%arg11 : memref<!tpu.dma_semaphore, #tpu.memory_space<semaphore_mem>>) src(%dma_wait3A_18 : memref<10240x128xf32, #tpu.memory_space<hbm>>) dst(%arg9 : memref<128x128xf32, #tpu.memory_space<vmem>>)
      %dma_wait3A_19 = arith.constant 0 : i32
      %dma_wait3A_20 = arith.constant 0 : i32
      %dma_wait3A_21 = tpu.memref_slice %arg3[%dma_wait3A_19, %dma_wait3A_20] : memref<10240x128xf32, #tpu.memory_space<hbm>> -> memref<10240x128xf32, #tpu.memory_space<hbm>>
      tpu.wait_indirect_dma semaphore(%arg11 : memref<!tpu.dma_semaphore, #tpu.memory_space<semaphore_mem>>) src(%dma_wait3A_21 : memref<10240x128xf32, #tpu.memory_space<hbm>>) dst(%arg10 : memref<128x128xf32, #tpu.memory_space<vmem>>)
      %run_scoped3A = arith.constant 0 : i32
      "tpu.region"() ({
        %run_scoped3A_23 = tpu.sem_alloc : memref<!tpu.dma_semaphore, #tpu.memory_space<semaphore_mem>>
        %dma_start3A_24 = arith.constant 0 : i32
        %dma_start3A_25 = tpu.memref_slice %arg6[%run_scoped3A, %add3A_11, %dma_start3A_24] : memref<2x323584x128xf32, #tpu.memory_space<hbm>> -> memref<1x128x128xf32, #tpu.memory_space<hbm>>
        %dma_start3A_26 = tpu.memref_squeeze %dma_start3A_25 : memref<1x128x128xf32, #tpu.memory_space<hbm>> -> memref<128x128xf32, #tpu.memory_space<hbm>>
        %dma_start3A_27 = arith.constant 0 : i32
        %dma_start3A_28 = tpu.memref_slice %arg6[%run_scoped3A, %add3A_11, %dma_start3A_27] : memref<2x323584x128xf32, #tpu.memory_space<hbm>> -> memref<1x128x128xf32, #tpu.memory_space<hbm>>
        %dma_start3A_29 = tpu.memref_squeeze %dma_start3A_28 : memref<1x128x128xf32, #tpu.memory_space<hbm>> -> memref<128x128xf32, #tpu.memory_space<hbm>>
        tpu.enqueue_dma source(%arg9 : memref<128x128xf32, #tpu.memory_space<vmem>>) target(%dma_start3A_29 : memref<128x128xf32, #tpu.memory_space<hbm>>) target_semaphore(%run_scoped3A_23 : memref<!tpu.dma_semaphore, #tpu.memory_space<semaphore_mem>>)
        %dma_wait3A_30 = arith.constant 0 : i32
        %dma_wait3A_31 = tpu.memref_slice %arg6[%run_scoped3A, %add3A_11, %dma_wait3A_30] : memref<2x323584x128xf32, #tpu.memory_space<hbm>> -> memref<1x128x128xf32, #tpu.memory_space<hbm>>
        %dma_wait3A_32 = tpu.memref_squeeze %dma_wait3A_31 : memref<1x128x128xf32, #tpu.memory_space<hbm>> -> memref<128x128xf32, #tpu.memory_space<hbm>>
        %dma_wait3A_33 = arith.constant 0 : i32
        %dma_wait3A_34 = tpu.memref_slice %arg6[%run_scoped3A, %add3A_11, %dma_wait3A_33] : memref<2x323584x128xf32, #tpu.memory_space<hbm>> -> memref<1x128x128xf32, #tpu.memory_space<hbm>>
        %dma_wait3A_35 = tpu.memref_squeeze %dma_wait3A_34 : memref<1x128x128xf32, #tpu.memory_space<hbm>> -> memref<128x128xf32, #tpu.memory_space<hbm>>
        tpu.wait_dma2 semaphore(%run_scoped3A_23 : memref<!tpu.dma_semaphore, #tpu.memory_space<semaphore_mem>>) src(%arg9 : memref<128x128xf32, #tpu.memory_space<vmem>>) dst(%dma_wait3A_35 : memref<128x128xf32, #tpu.memory_space<hbm>>)
        tpu.yield
      }) : () -> ()
      %run_scoped3A_22 = arith.constant 1 : i32
      "tpu.region"() ({
        %run_scoped3A_23 = tpu.sem_alloc : memref<!tpu.dma_semaphore, #tpu.memory_space<semaphore_mem>>
        %dma_start3A_24 = arith.constant 0 : i32
        %dma_start3A_25 = tpu.memref_slice %arg6[%run_scoped3A_22, %add3A_11, %dma_start3A_24] : memref<2x323584x128xf32, #tpu.memory_space<hbm>> -> memref<1x128x128xf32, #tpu.memory_space<hbm>>
        %dma_start3A_26 = tpu.memref_squeeze %dma_start3A_25 : memref<1x128x128xf32, #tpu.memory_space<hbm>> -> memref<128x128xf32, #tpu.memory_space<hbm>>
        %dma_start3A_27 = arith.constant 0 : i32
        %dma_start3A_28 = tpu.memref_slice %arg6[%run_scoped3A_22, %add3A_11, %dma_start3A_27] : memref<2x323584x128xf32, #tpu.memory_space<hbm>> -> memref<1x128x128xf32, #tpu.memory_space<hbm>>
        %dma_start3A_29 = tpu.memref_squeeze %dma_start3A_28 : memref<1x128x128xf32, #tpu.memory_space<hbm>> -> memref<128x128xf32, #tpu.memory_space<hbm>>
        tpu.enqueue_dma source(%arg10 : memref<128x128xf32, #tpu.memory_space<vmem>>) target(%dma_start3A_29 : memref<128x128xf32, #tpu.memory_space<hbm>>) target_semaphore(%run_scoped3A_23 : memref<!tpu.dma_semaphore, #tpu.memory_space<semaphore_mem>>)
        %dma_wait3A_30 = arith.constant 0 : i32
        %dma_wait3A_31 = tpu.memref_slice %arg6[%run_scoped3A_22, %add3A_11, %dma_wait3A_30] : memref<2x323584x128xf32, #tpu.memory_space<hbm>> -> memref<1x128x128xf32, #tpu.memory_space<hbm>>
        %dma_wait3A_32 = tpu.memref_squeeze %dma_wait3A_31 : memref<1x128x128xf32, #tpu.memory_space<hbm>> -> memref<128x128xf32, #tpu.memory_space<hbm>>
        %dma_wait3A_33 = arith.constant 0 : i32
        %dma_wait3A_34 = tpu.memref_slice %arg6[%run_scoped3A_22, %add3A_11, %dma_wait3A_33] : memref<2x323584x128xf32, #tpu.memory_space<hbm>> -> memref<1x128x128xf32, #tpu.memory_space<hbm>>
        %dma_wait3A_35 = tpu.memref_squeeze %dma_wait3A_34 : memref<1x128x128xf32, #tpu.memory_space<hbm>> -> memref<128x128xf32, #tpu.memory_space<hbm>>
        tpu.wait_dma2 semaphore(%run_scoped3A_23 : memref<!tpu.dma_semaphore, #tpu.memory_space<semaphore_mem>>) src(%arg10 : memref<128x128xf32, #tpu.memory_space<vmem>>) dst(%dma_wait3A_35 : memref<128x128xf32, #tpu.memory_space<hbm>>)
        tpu.yield
      }) : () -> ()
    }
    %scan3A_7 = arith.constant 79 : i32
    return
  }
}

#map = affine_map<(d0, d1) -> (0, 0)>
#map1 = affine_map<(d0, d1) -> (0)>
#map2 = affine_map<(d0, d1) -> (0, 0, 0)>
module attributes {stable_mosaic.version = 14 : i64} {
  func.func @k(%arg0: i32, %arg1: i32, %arg2: memref<323584x128xf32, #tpu.memory_space<hbm>>, %arg3: memref<323584xi32, #tpu.memory_space<hbm>>, %arg4: memref<128x128xf32, #tpu.memory_space<hbm>>, %arg5: memref<2x10240x128xf32, #tpu.memory_space<hbm>>, %arg6: memref<128xi32, #tpu.memory_space<vmem>>, %arg7: memref<128x128xf32, #tpu.memory_space<vmem>>, %arg8: memref<10240x128xf32, #tpu.memory_space<vmem_shared>>) attributes {dimension_semantics = [#tpu.dimension_semantics<core_parallel>, #tpu.dimension_semantics<subcore_parallel>], iteration_bounds = array<i64: 2, 16>, scalar_prefetch = 0 : i64, scratch_operands = 3 : i64, tpu.core_type = #tpu.core_type<sc_vector_subcore>, window_params = [{transform_indices = #map}, {transform_indices = #map1}, {transform_indices = #map}, {transform_indices = #map2}]} {
    %mul3A = arith.constant 2 : i32
    %mul3A_0 = arith.muli %arg1, %mul3A : i32
    %add3A = arith.addi %mul3A_0, %arg0 : i32
    %mul3A_1 = arith.constant 10112 : i32
    %mul3A_2 = arith.muli %add3A, %mul3A_1 : i32
    %scan3A = arith.constant 0 : i32
    %scan3A_3 = arith.constant 0 : i32
    %scan3A_4 = arith.constant 5 : i32
    %scan3A_5 = arith.addi %scan3A_3, %scan3A_4 : i32
    %scan3A_6 = arith.constant 1 : i32
    scf.for %scan3A_21 = %scan3A_3 to %scan3A_5 step %scan3A_6  : i32 {
      %mul3A_22 = arith.constant 640 : i32
      %mul3A_23 = arith.muli %arg1, %mul3A_22 : i32
      %mul3A_24 = arith.constant 128 : i32
      %mul3A_25 = arith.muli %scan3A_21, %mul3A_24 : i32
      %add3A_26 = arith.addi %mul3A_23, %mul3A_25 : i32
      "tpu.region"() ({
        %run_scoped3A = tpu.sem_alloc : memref<!tpu.dma_semaphore, #tpu.memory_space<semaphore_mem>>
        %dma_start3A = arith.constant 0 : i32
        %dma_start3A_27 = tpu.memref_slice %arg8[%add3A_26, %dma_start3A] : memref<10240x128xf32, #tpu.memory_space<vmem_shared>> -> memref<128x128xf32, #tpu.memory_space<vmem_shared>>
        tpu.enqueue_dma source(%arg4 : memref<128x128xf32, #tpu.memory_space<hbm>>) target(%dma_start3A_27 : memref<128x128xf32, #tpu.memory_space<vmem_shared>>) target_semaphore(%run_scoped3A : memref<!tpu.dma_semaphore, #tpu.memory_space<semaphore_mem>>)
        %dma_wait3A = arith.constant 0 : i32
        %dma_wait3A_28 = tpu.memref_slice %arg8[%add3A_26, %dma_wait3A] : memref<10240x128xf32, #tpu.memory_space<vmem_shared>> -> memref<128x128xf32, #tpu.memory_space<vmem_shared>>
        tpu.wait_dma2 semaphore(%run_scoped3A : memref<!tpu.dma_semaphore, #tpu.memory_space<semaphore_mem>>) src(%arg4 : memref<128x128xf32, #tpu.memory_space<hbm>>) dst(%dma_wait3A_28 : memref<128x128xf32, #tpu.memory_space<vmem_shared>>)
        tpu.yield
      }) : () -> ()
    }
    %scan3A_7 = arith.constant 5 : i32
    %barrier3A = arith.constant 0 : index
    tpu.barrier barrier_id(%barrier3A)
    %scan3A_8 = arith.constant 0 : i32
    %scan3A_9 = arith.constant 0 : i32
    %scan3A_10 = arith.constant 79 : i32
    %scan3A_11 = arith.addi %scan3A_9, %scan3A_10 : i32
    %scan3A_12 = arith.constant 1 : i32
    scf.for %scan3A_21 = %scan3A_9 to %scan3A_11 step %scan3A_12  : i32 {
      %mul3A_22 = arith.constant 128 : i32
      %mul3A_23 = arith.muli %scan3A_21, %mul3A_22 : i32
      %add3A_24 = arith.addi %mul3A_2, %mul3A_23 : i32
      "tpu.region"() ({
        %run_scoped3A = tpu.sem_alloc : memref<!tpu.dma_semaphore, #tpu.memory_space<semaphore_mem>>
        %dma_start3A = tpu.memref_slice %arg3[%add3A_24] : memref<323584xi32, #tpu.memory_space<hbm>> -> memref<128xi32, #tpu.memory_space<hbm>>
        %dma_start3A_25 = tpu.memref_slice %arg3[%add3A_24] : memref<323584xi32, #tpu.memory_space<hbm>> -> memref<128xi32, #tpu.memory_space<hbm>>
        tpu.enqueue_dma source(%dma_start3A_25 : memref<128xi32, #tpu.memory_space<hbm>>) target(%arg6 : memref<128xi32, #tpu.memory_space<vmem>>) target_semaphore(%run_scoped3A : memref<!tpu.dma_semaphore, #tpu.memory_space<semaphore_mem>>)
        %dma_wait3A = tpu.memref_slice %arg3[%add3A_24] : memref<323584xi32, #tpu.memory_space<hbm>> -> memref<128xi32, #tpu.memory_space<hbm>>
        %dma_wait3A_26 = tpu.memref_slice %arg3[%add3A_24] : memref<323584xi32, #tpu.memory_space<hbm>> -> memref<128xi32, #tpu.memory_space<hbm>>
        tpu.wait_dma2 semaphore(%run_scoped3A : memref<!tpu.dma_semaphore, #tpu.memory_space<semaphore_mem>>) src(%dma_wait3A_26 : memref<128xi32, #tpu.memory_space<hbm>>) dst(%arg6 : memref<128xi32, #tpu.memory_space<vmem>>)
        tpu.yield
      }) : () -> ()
      "tpu.region"() ({
        %run_scoped3A = tpu.sem_alloc : memref<!tpu.dma_semaphore, #tpu.memory_space<semaphore_mem>>
        %dma_start3A = arith.constant 0 : i32
        %dma_start3A_25 = tpu.memref_slice %arg2[%add3A_24, %dma_start3A] : memref<323584x128xf32, #tpu.memory_space<hbm>> -> memref<128x128xf32, #tpu.memory_space<hbm>>
        %dma_start3A_26 = arith.constant 0 : i32
        %dma_start3A_27 = tpu.memref_slice %arg2[%add3A_24, %dma_start3A_26] : memref<323584x128xf32, #tpu.memory_space<hbm>> -> memref<128x128xf32, #tpu.memory_space<hbm>>
        tpu.enqueue_dma source(%dma_start3A_27 : memref<128x128xf32, #tpu.memory_space<hbm>>) target(%arg7 : memref<128x128xf32, #tpu.memory_space<vmem>>) target_semaphore(%run_scoped3A : memref<!tpu.dma_semaphore, #tpu.memory_space<semaphore_mem>>)
        %dma_wait3A = arith.constant 0 : i32
        %dma_wait3A_28 = tpu.memref_slice %arg2[%add3A_24, %dma_wait3A] : memref<323584x128xf32, #tpu.memory_space<hbm>> -> memref<128x128xf32, #tpu.memory_space<hbm>>
        %dma_wait3A_29 = arith.constant 0 : i32
        %dma_wait3A_30 = tpu.memref_slice %arg2[%add3A_24, %dma_wait3A_29] : memref<323584x128xf32, #tpu.memory_space<hbm>> -> memref<128x128xf32, #tpu.memory_space<hbm>>
        tpu.wait_dma2 semaphore(%run_scoped3A : memref<!tpu.dma_semaphore, #tpu.memory_space<semaphore_mem>>) src(%dma_wait3A_30 : memref<128x128xf32, #tpu.memory_space<hbm>>) dst(%arg7 : memref<128x128xf32, #tpu.memory_space<vmem>>)
        tpu.yield
      }) : () -> ()
      "tpu.region"() ({
        %run_scoped3A = tpu.sem_alloc : memref<!tpu.dma_semaphore, #tpu.memory_space<semaphore_mem>>
        %dma_start3A = arith.constant 0 : i32
        %dma_start3A_25 = arith.constant 0 : i32
        %dma_start3A_26 = tpu.memref_slice %arg8[%dma_start3A, %dma_start3A_25] : memref<10240x128xf32, #tpu.memory_space<vmem_shared>> -> memref<10240x128xf32, #tpu.memory_space<vmem_shared>>
        tpu.enqueue_indirect_dma source(%arg7 : memref<128x128xf32, #tpu.memory_space<vmem>>) target(%dma_start3A_26 : memref<10240x128xf32, #tpu.memory_space<vmem_shared>>) offsets(%arg6 : memref<128xi32, #tpu.memory_space<vmem>>) semaphore(%run_scoped3A : memref<!tpu.dma_semaphore, #tpu.memory_space<semaphore_mem>>) {add = true}
        %dma_wait3A = arith.constant 0 : i32
        %dma_wait3A_27 = arith.constant 0 : i32
        %dma_wait3A_28 = tpu.memref_slice %arg8[%dma_wait3A, %dma_wait3A_27] : memref<10240x128xf32, #tpu.memory_space<vmem_shared>> -> memref<10240x128xf32, #tpu.memory_space<vmem_shared>>
        tpu.wait_indirect_dma semaphore(%run_scoped3A : memref<!tpu.dma_semaphore, #tpu.memory_space<semaphore_mem>>) src(%arg7 : memref<128x128xf32, #tpu.memory_space<vmem>>) dst(%dma_wait3A_28 : memref<10240x128xf32, #tpu.memory_space<vmem_shared>>)
        tpu.yield
      }) : () -> ()
    }
    %scan3A_13 = arith.constant 79 : i32
    %barrier3A_14 = arith.constant 0 : index
    tpu.barrier barrier_id(%barrier3A_14)
    %scan3A_15 = arith.constant 0 : i32
    %scan3A_16 = arith.constant 0 : i32
    %scan3A_17 = arith.constant 5 : i32
    %scan3A_18 = arith.addi %scan3A_16, %scan3A_17 : i32
    %scan3A_19 = arith.constant 1 : i32
    scf.for %scan3A_21 = %scan3A_16 to %scan3A_18 step %scan3A_19  : i32 {
      %mul3A_22 = arith.constant 640 : i32
      %mul3A_23 = arith.muli %arg1, %mul3A_22 : i32
      %mul3A_24 = arith.constant 128 : i32
      %mul3A_25 = arith.muli %scan3A_21, %mul3A_24 : i32
      %add3A_26 = arith.addi %mul3A_23, %mul3A_25 : i32
      "tpu.region"() ({
        %run_scoped3A = tpu.sem_alloc : memref<!tpu.dma_semaphore, #tpu.memory_space<semaphore_mem>>
        %dma_start3A = arith.constant 0 : i32
        %dma_start3A_27 = tpu.memref_slice %arg8[%add3A_26, %dma_start3A] : memref<10240x128xf32, #tpu.memory_space<vmem_shared>> -> memref<128x128xf32, #tpu.memory_space<vmem_shared>>
        %dma_start3A_28 = arith.constant 0 : i32
        %dma_start3A_29 = tpu.memref_slice %arg8[%add3A_26, %dma_start3A_28] : memref<10240x128xf32, #tpu.memory_space<vmem_shared>> -> memref<128x128xf32, #tpu.memory_space<vmem_shared>>
        tpu.enqueue_dma source(%dma_start3A_29 : memref<128x128xf32, #tpu.memory_space<vmem_shared>>) target(%arg7 : memref<128x128xf32, #tpu.memory_space<vmem>>) target_semaphore(%run_scoped3A : memref<!tpu.dma_semaphore, #tpu.memory_space<semaphore_mem>>)
        %dma_wait3A = arith.constant 0 : i32
        %dma_wait3A_30 = tpu.memref_slice %arg8[%add3A_26, %dma_wait3A] : memref<10240x128xf32, #tpu.memory_space<vmem_shared>> -> memref<128x128xf32, #tpu.memory_space<vmem_shared>>
        %dma_wait3A_31 = arith.constant 0 : i32
        %dma_wait3A_32 = tpu.memref_slice %arg8[%add3A_26, %dma_wait3A_31] : memref<10240x128xf32, #tpu.memory_space<vmem_shared>> -> memref<128x128xf32, #tpu.memory_space<vmem_shared>>
        tpu.wait_dma2 semaphore(%run_scoped3A : memref<!tpu.dma_semaphore, #tpu.memory_space<semaphore_mem>>) src(%dma_wait3A_32 : memref<128x128xf32, #tpu.memory_space<vmem_shared>>) dst(%arg7 : memref<128x128xf32, #tpu.memory_space<vmem>>)
        tpu.yield
      }) : () -> ()
      "tpu.region"() ({
        %run_scoped3A = tpu.sem_alloc : memref<!tpu.dma_semaphore, #tpu.memory_space<semaphore_mem>>
        %dma_start3A = arith.constant 0 : i32
        %dma_start3A_27 = tpu.memref_slice %arg5[%arg0, %add3A_26, %dma_start3A] : memref<2x10240x128xf32, #tpu.memory_space<hbm>> -> memref<1x128x128xf32, #tpu.memory_space<hbm>>
        %dma_start3A_28 = tpu.memref_squeeze %dma_start3A_27 : memref<1x128x128xf32, #tpu.memory_space<hbm>> -> memref<128x128xf32, #tpu.memory_space<hbm>>
        %dma_start3A_29 = arith.constant 0 : i32
        %dma_start3A_30 = tpu.memref_slice %arg5[%arg0, %add3A_26, %dma_start3A_29] : memref<2x10240x128xf32, #tpu.memory_space<hbm>> -> memref<1x128x128xf32, #tpu.memory_space<hbm>>
        %dma_start3A_31 = tpu.memref_squeeze %dma_start3A_30 : memref<1x128x128xf32, #tpu.memory_space<hbm>> -> memref<128x128xf32, #tpu.memory_space<hbm>>
        tpu.enqueue_dma source(%arg7 : memref<128x128xf32, #tpu.memory_space<vmem>>) target(%dma_start3A_31 : memref<128x128xf32, #tpu.memory_space<hbm>>) target_semaphore(%run_scoped3A : memref<!tpu.dma_semaphore, #tpu.memory_space<semaphore_mem>>)
        %dma_wait3A = arith.constant 0 : i32
        %dma_wait3A_32 = tpu.memref_slice %arg5[%arg0, %add3A_26, %dma_wait3A] : memref<2x10240x128xf32, #tpu.memory_space<hbm>> -> memref<1x128x128xf32, #tpu.memory_space<hbm>>
        %dma_wait3A_33 = tpu.memref_squeeze %dma_wait3A_32 : memref<1x128x128xf32, #tpu.memory_space<hbm>> -> memref<128x128xf32, #tpu.memory_space<hbm>>
        %dma_wait3A_34 = arith.constant 0 : i32
        %dma_wait3A_35 = tpu.memref_slice %arg5[%arg0, %add3A_26, %dma_wait3A_34] : memref<2x10240x128xf32, #tpu.memory_space<hbm>> -> memref<1x128x128xf32, #tpu.memory_space<hbm>>
        %dma_wait3A_36 = tpu.memref_squeeze %dma_wait3A_35 : memref<1x128x128xf32, #tpu.memory_space<hbm>> -> memref<128x128xf32, #tpu.memory_space<hbm>>
        tpu.wait_dma2 semaphore(%run_scoped3A : memref<!tpu.dma_semaphore, #tpu.memory_space<semaphore_mem>>) src(%arg7 : memref<128x128xf32, #tpu.memory_space<vmem>>) dst(%dma_wait3A_36 : memref<128x128xf32, #tpu.memory_space<hbm>>)
        tpu.yield
      }) : () -> ()
    }
    %scan3A_20 = arith.constant 5 : i32
    return
  }
}

#map = affine_map<(d0, d1) -> (0, 0)>
#map1 = affine_map<(d0, d1) -> (0)>
#map2 = affine_map<(d0, d1) -> (0, 0, 0)>
module attributes {stable_mosaic.version = 14 : i64} {
  func.func @k(%arg0: i32, %arg1: i32, %arg2: memref<10240x128xf32, #tpu.memory_space<hbm>>, %arg3: memref<10240x128xf32, #tpu.memory_space<hbm>>, %arg4: memref<323584xi32, #tpu.memory_space<hbm>>, %arg5: memref<323584xi32, #tpu.memory_space<hbm>>, %arg6: memref<2x323584x128xf32, #tpu.memory_space<hbm>>, %arg7: memref<128xi32, #tpu.memory_space<vmem>>, %arg8: memref<128xi32, #tpu.memory_space<vmem>>, %arg9: memref<128x128xf32, #tpu.memory_space<vmem>>, %arg10: memref<128x128xf32, #tpu.memory_space<vmem>>, %arg11: memref<!tpu.dma_semaphore, #tpu.memory_space<semaphore_mem>>) attributes {dimension_semantics = [#tpu.dimension_semantics<core_parallel>, #tpu.dimension_semantics<subcore_parallel>], iteration_bounds = array<i64: 2, 16>, scalar_prefetch = 0 : i64, scratch_operands = 5 : i64, tpu.core_type = #tpu.core_type<sc_vector_subcore>, window_params = [{transform_indices = #map}, {transform_indices = #map}, {transform_indices = #map1}, {transform_indices = #map1}, {transform_indices = #map2}]} {
    %mul3A = arith.constant 2 : i32
    %mul3A_0 = arith.muli %arg1, %mul3A : i32
    %add3A = arith.addi %mul3A_0, %arg0 : i32
    %mul3A_1 = arith.constant 10112 : i32
    %mul3A_2 = arith.muli %add3A, %mul3A_1 : i32
    %scan3A = arith.constant 0 : i32
    %scan3A_3 = arith.constant 0 : i32
    %scan3A_4 = arith.constant 79 : i32
    %scan3A_5 = arith.addi %scan3A_3, %scan3A_4 : i32
    %scan3A_6 = arith.constant 1 : i32
    scf.for %scan3A_8 = %scan3A_3 to %scan3A_5 step %scan3A_6  : i32 {
      %mul3A_9 = arith.constant 128 : i32
      %mul3A_10 = arith.muli %scan3A_8, %mul3A_9 : i32
      %add3A_11 = arith.addi %mul3A_2, %mul3A_10 : i32
      "tpu.region"() ({
        %run_scoped3A_23 = tpu.sem_alloc : memref<!tpu.dma_semaphore, #tpu.memory_space<semaphore_mem>>
        %dma_start3A_24 = tpu.memref_slice %arg4[%add3A_11] : memref<323584xi32, #tpu.memory_space<hbm>> -> memref<128xi32, #tpu.memory_space<hbm>>
        %dma_start3A_25 = tpu.memref_slice %arg4[%add3A_11] : memref<323584xi32, #tpu.memory_space<hbm>> -> memref<128xi32, #tpu.memory_space<hbm>>
        tpu.enqueue_dma source(%dma_start3A_25 : memref<128xi32, #tpu.memory_space<hbm>>) target(%arg7 : memref<128xi32, #tpu.memory_space<vmem>>) target_semaphore(%run_scoped3A_23 : memref<!tpu.dma_semaphore, #tpu.memory_space<semaphore_mem>>)
        %dma_wait3A_26 = tpu.memref_slice %arg4[%add3A_11] : memref<323584xi32, #tpu.memory_space<hbm>> -> memref<128xi32, #tpu.memory_space<hbm>>
        %dma_wait3A_27 = tpu.memref_slice %arg4[%add3A_11] : memref<323584xi32, #tpu.memory_space<hbm>> -> memref<128xi32, #tpu.memory_space<hbm>>
        tpu.wait_dma2 semaphore(%run_scoped3A_23 : memref<!tpu.dma_semaphore, #tpu.memory_space<semaphore_mem>>) src(%dma_wait3A_27 : memref<128xi32, #tpu.memory_space<hbm>>) dst(%arg7 : memref<128xi32, #tpu.memory_space<vmem>>)
        tpu.yield
      }) : () -> ()
      "tpu.region"() ({
        %run_scoped3A_23 = tpu.sem_alloc : memref<!tpu.dma_semaphore, #tpu.memory_space<semaphore_mem>>
        %dma_start3A_24 = tpu.memref_slice %arg5[%add3A_11] : memref<323584xi32, #tpu.memory_space<hbm>> -> memref<128xi32, #tpu.memory_space<hbm>>
        %dma_start3A_25 = tpu.memref_slice %arg5[%add3A_11] : memref<323584xi32, #tpu.memory_space<hbm>> -> memref<128xi32, #tpu.memory_space<hbm>>
        tpu.enqueue_dma source(%dma_start3A_25 : memref<128xi32, #tpu.memory_space<hbm>>) target(%arg8 : memref<128xi32, #tpu.memory_space<vmem>>) target_semaphore(%run_scoped3A_23 : memref<!tpu.dma_semaphore, #tpu.memory_space<semaphore_mem>>)
        %dma_wait3A_26 = tpu.memref_slice %arg5[%add3A_11] : memref<323584xi32, #tpu.memory_space<hbm>> -> memref<128xi32, #tpu.memory_space<hbm>>
        %dma_wait3A_27 = tpu.memref_slice %arg5[%add3A_11] : memref<323584xi32, #tpu.memory_space<hbm>> -> memref<128xi32, #tpu.memory_space<hbm>>
        tpu.wait_dma2 semaphore(%run_scoped3A_23 : memref<!tpu.dma_semaphore, #tpu.memory_space<semaphore_mem>>) src(%dma_wait3A_27 : memref<128xi32, #tpu.memory_space<hbm>>) dst(%arg8 : memref<128xi32, #tpu.memory_space<vmem>>)
        tpu.yield
      }) : () -> ()
      %dma_start3A = arith.constant 0 : i32
      %dma_start3A_12 = arith.constant 0 : i32
      %dma_start3A_13 = tpu.memref_slice %arg2[%dma_start3A, %dma_start3A_12] : memref<10240x128xf32, #tpu.memory_space<hbm>> -> memref<10240x128xf32, #tpu.memory_space<hbm>>
      tpu.enqueue_indirect_dma source(%dma_start3A_13 : memref<10240x128xf32, #tpu.memory_space<hbm>>) target(%arg9 : memref<128x128xf32, #tpu.memory_space<vmem>>) offsets(%arg7 : memref<128xi32, #tpu.memory_space<vmem>>) semaphore(%arg11 : memref<!tpu.dma_semaphore, #tpu.memory_space<semaphore_mem>>)
      %dma_start3A_14 = arith.constant 0 : i32
      %dma_start3A_15 = arith.constant 0 : i32
      %dma_start3A_16 = tpu.memref_slice %arg3[%dma_start3A_14, %dma_start3A_15] : memref<10240x128xf32, #tpu.memory_space<hbm>> -> memref<10240x128xf32, #tpu.memory_space<hbm>>
      tpu.enqueue_indirect_dma source(%dma_start3A_16 : memref<10240x128xf32, #tpu.memory_space<hbm>>) target(%arg10 : memref<128x128xf32, #tpu.memory_space<vmem>>) offsets(%arg8 : memref<128xi32, #tpu.memory_space<vmem>>) semaphore(%arg11 : memref<!tpu.dma_semaphore, #tpu.memory_space<semaphore_mem>>)
      %dma_wait3A = arith.constant 0 : i32
      %dma_wait3A_17 = arith.constant 0 : i32
      %dma_wait3A_18 = tpu.memref_slice %arg2[%dma_wait3A, %dma_wait3A_17] : memref<10240x128xf32, #tpu.memory_space<hbm>> -> memref<10240x128xf32, #tpu.memory_space<hbm>>
      tpu.wait_indirect_dma semaphore(%arg11 : memref<!tpu.dma_semaphore, #tpu.memory_space<semaphore_mem>>) src(%dma_wait3A_18 : memref<10240x128xf32, #tpu.memory_space<hbm>>) dst(%arg9 : memref<128x128xf32, #tpu.memory_space<vmem>>)
      %dma_wait3A_19 = arith.constant 0 : i32
      %dma_wait3A_20 = arith.constant 0 : i32
      %dma_wait3A_21 = tpu.memref_slice %arg3[%dma_wait3A_19, %dma_wait3A_20] : memref<10240x128xf32, #tpu.memory_space<hbm>> -> memref<10240x128xf32, #tpu.memory_space<hbm>>
      tpu.wait_indirect_dma semaphore(%arg11 : memref<!tpu.dma_semaphore, #tpu.memory_space<semaphore_mem>>) src(%dma_wait3A_21 : memref<10240x128xf32, #tpu.memory_space<hbm>>) dst(%arg10 : memref<128x128xf32, #tpu.memory_space<vmem>>)
      %run_scoped3A = arith.constant 0 : i32
      "tpu.region"() ({
        %run_scoped3A_23 = tpu.sem_alloc : memref<!tpu.dma_semaphore, #tpu.memory_space<semaphore_mem>>
        %dma_start3A_24 = arith.constant 0 : i32
        %dma_start3A_25 = tpu.memref_slice %arg6[%run_scoped3A, %add3A_11, %dma_start3A_24] : memref<2x323584x128xf32, #tpu.memory_space<hbm>> -> memref<1x128x128xf32, #tpu.memory_space<hbm>>
        %dma_start3A_26 = tpu.memref_squeeze %dma_start3A_25 : memref<1x128x128xf32, #tpu.memory_space<hbm>> -> memref<128x128xf32, #tpu.memory_space<hbm>>
        %dma_start3A_27 = arith.constant 0 : i32
        %dma_start3A_28 = tpu.memref_slice %arg6[%run_scoped3A, %add3A_11, %dma_start3A_27] : memref<2x323584x128xf32, #tpu.memory_space<hbm>> -> memref<1x128x128xf32, #tpu.memory_space<hbm>>
        %dma_start3A_29 = tpu.memref_squeeze %dma_start3A_28 : memref<1x128x128xf32, #tpu.memory_space<hbm>> -> memref<128x128xf32, #tpu.memory_space<hbm>>
        tpu.enqueue_dma source(%arg9 : memref<128x128xf32, #tpu.memory_space<vmem>>) target(%dma_start3A_29 : memref<128x128xf32, #tpu.memory_space<hbm>>) target_semaphore(%run_scoped3A_23 : memref<!tpu.dma_semaphore, #tpu.memory_space<semaphore_mem>>)
        %dma_wait3A_30 = arith.constant 0 : i32
        %dma_wait3A_31 = tpu.memref_slice %arg6[%run_scoped3A, %add3A_11, %dma_wait3A_30] : memref<2x323584x128xf32, #tpu.memory_space<hbm>> -> memref<1x128x128xf32, #tpu.memory_space<hbm>>
        %dma_wait3A_32 = tpu.memref_squeeze %dma_wait3A_31 : memref<1x128x128xf32, #tpu.memory_space<hbm>> -> memref<128x128xf32, #tpu.memory_space<hbm>>
        %dma_wait3A_33 = arith.constant 0 : i32
        %dma_wait3A_34 = tpu.memref_slice %arg6[%run_scoped3A, %add3A_11, %dma_wait3A_33] : memref<2x323584x128xf32, #tpu.memory_space<hbm>> -> memref<1x128x128xf32, #tpu.memory_space<hbm>>
        %dma_wait3A_35 = tpu.memref_squeeze %dma_wait3A_34 : memref<1x128x128xf32, #tpu.memory_space<hbm>> -> memref<128x128xf32, #tpu.memory_space<hbm>>
        tpu.wait_dma2 semaphore(%run_scoped3A_23 : memref<!tpu.dma_semaphore, #tpu.memory_space<semaphore_mem>>) src(%arg9 : memref<128x128xf32, #tpu.memory_space<vmem>>) dst(%dma_wait3A_35 : memref<128x128xf32, #tpu.memory_space<hbm>>)
        tpu.yield
      }) : () -> ()
      %run_scoped3A_22 = arith.constant 1 : i32
      "tpu.region"() ({
        %run_scoped3A_23 = tpu.sem_alloc : memref<!tpu.dma_semaphore, #tpu.memory_space<semaphore_mem>>
        %dma_start3A_24 = arith.constant 0 : i32
        %dma_start3A_25 = tpu.memref_slice %arg6[%run_scoped3A_22, %add3A_11, %dma_start3A_24] : memref<2x323584x128xf32, #tpu.memory_space<hbm>> -> memref<1x128x128xf32, #tpu.memory_space<hbm>>
        %dma_start3A_26 = tpu.memref_squeeze %dma_start3A_25 : memref<1x128x128xf32, #tpu.memory_space<hbm>> -> memref<128x128xf32, #tpu.memory_space<hbm>>
        %dma_start3A_27 = arith.constant 0 : i32
        %dma_start3A_28 = tpu.memref_slice %arg6[%run_scoped3A_22, %add3A_11, %dma_start3A_27] : memref<2x323584x128xf32, #tpu.memory_space<hbm>> -> memref<1x128x128xf32, #tpu.memory_space<hbm>>
        %dma_start3A_29 = tpu.memref_squeeze %dma_start3A_28 : memref<1x128x128xf32, #tpu.memory_space<hbm>> -> memref<128x128xf32, #tpu.memory_space<hbm>>
        tpu.enqueue_dma source(%arg10 : memref<128x128xf32, #tpu.memory_space<vmem>>) target(%dma_start3A_29 : memref<128x128xf32, #tpu.memory_space<hbm>>) target_semaphore(%run_scoped3A_23 : memref<!tpu.dma_semaphore, #tpu.memory_space<semaphore_mem>>)
        %dma_wait3A_30 = arith.constant 0 : i32
        %dma_wait3A_31 = tpu.memref_slice %arg6[%run_scoped3A_22, %add3A_11, %dma_wait3A_30] : memref<2x323584x128xf32, #tpu.memory_space<hbm>> -> memref<1x128x128xf32, #tpu.memory_space<hbm>>
        %dma_wait3A_32 = tpu.memref_squeeze %dma_wait3A_31 : memref<1x128x128xf32, #tpu.memory_space<hbm>> -> memref<128x128xf32, #tpu.memory_space<hbm>>
        %dma_wait3A_33 = arith.constant 0 : i32
        %dma_wait3A_34 = tpu.memref_slice %arg6[%run_scoped3A_22, %add3A_11, %dma_wait3A_33] : memref<2x323584x128xf32, #tpu.memory_space<hbm>> -> memref<1x128x128xf32, #tpu.memory_space<hbm>>
        %dma_wait3A_35 = tpu.memref_squeeze %dma_wait3A_34 : memref<1x128x128xf32, #tpu.memory_space<hbm>> -> memref<128x128xf32, #tpu.memory_space<hbm>>
        tpu.wait_dma2 semaphore(%run_scoped3A_23 : memref<!tpu.dma_semaphore, #tpu.memory_space<semaphore_mem>>) src(%arg10 : memref<128x128xf32, #tpu.memory_space<vmem>>) dst(%dma_wait3A_35 : memref<128x128xf32, #tpu.memory_space<hbm>>)
        tpu.yield
      }) : () -> ()
    }
    %scan3A_7 = arith.constant 79 : i32
    return
  }
}

#map = affine_map<(d0, d1) -> (0, 0)>
#map1 = affine_map<(d0, d1) -> (0)>
#map2 = affine_map<(d0, d1) -> (0, 0, 0)>
module attributes {stable_mosaic.version = 14 : i64} {
  func.func @k(%arg0: i32, %arg1: i32, %arg2: memref<323584x128xf32, #tpu.memory_space<hbm>>, %arg3: memref<323584xi32, #tpu.memory_space<hbm>>, %arg4: memref<128x128xf32, #tpu.memory_space<hbm>>, %arg5: memref<2x10240x128xf32, #tpu.memory_space<hbm>>, %arg6: memref<128xi32, #tpu.memory_space<vmem>>, %arg7: memref<128x128xf32, #tpu.memory_space<vmem>>, %arg8: memref<10240x128xf32, #tpu.memory_space<vmem_shared>>) attributes {dimension_semantics = [#tpu.dimension_semantics<core_parallel>, #tpu.dimension_semantics<subcore_parallel>], iteration_bounds = array<i64: 2, 16>, scalar_prefetch = 0 : i64, scratch_operands = 3 : i64, tpu.core_type = #tpu.core_type<sc_vector_subcore>, window_params = [{transform_indices = #map}, {transform_indices = #map1}, {transform_indices = #map}, {transform_indices = #map2}]} {
    %mul3A = arith.constant 2 : i32
    %mul3A_0 = arith.muli %arg1, %mul3A : i32
    %add3A = arith.addi %mul3A_0, %arg0 : i32
    %mul3A_1 = arith.constant 10112 : i32
    %mul3A_2 = arith.muli %add3A, %mul3A_1 : i32
    %scan3A = arith.constant 0 : i32
    %scan3A_3 = arith.constant 0 : i32
    %scan3A_4 = arith.constant 5 : i32
    %scan3A_5 = arith.addi %scan3A_3, %scan3A_4 : i32
    %scan3A_6 = arith.constant 1 : i32
    scf.for %scan3A_21 = %scan3A_3 to %scan3A_5 step %scan3A_6  : i32 {
      %mul3A_22 = arith.constant 640 : i32
      %mul3A_23 = arith.muli %arg1, %mul3A_22 : i32
      %mul3A_24 = arith.constant 128 : i32
      %mul3A_25 = arith.muli %scan3A_21, %mul3A_24 : i32
      %add3A_26 = arith.addi %mul3A_23, %mul3A_25 : i32
      "tpu.region"() ({
        %run_scoped3A = tpu.sem_alloc : memref<!tpu.dma_semaphore, #tpu.memory_space<semaphore_mem>>
        %dma_start3A = arith.constant 0 : i32
        %dma_start3A_27 = tpu.memref_slice %arg8[%add3A_26, %dma_start3A] : memref<10240x128xf32, #tpu.memory_space<vmem_shared>> -> memref<128x128xf32, #tpu.memory_space<vmem_shared>>
        tpu.enqueue_dma source(%arg4 : memref<128x128xf32, #tpu.memory_space<hbm>>) target(%dma_start3A_27 : memref<128x128xf32, #tpu.memory_space<vmem_shared>>) target_semaphore(%run_scoped3A : memref<!tpu.dma_semaphore, #tpu.memory_space<semaphore_mem>>)
        %dma_wait3A = arith.constant 0 : i32
        %dma_wait3A_28 = tpu.memref_slice %arg8[%add3A_26, %dma_wait3A] : memref<10240x128xf32, #tpu.memory_space<vmem_shared>> -> memref<128x128xf32, #tpu.memory_space<vmem_shared>>
        tpu.wait_dma2 semaphore(%run_scoped3A : memref<!tpu.dma_semaphore, #tpu.memory_space<semaphore_mem>>) src(%arg4 : memref<128x128xf32, #tpu.memory_space<hbm>>) dst(%dma_wait3A_28 : memref<128x128xf32, #tpu.memory_space<vmem_shared>>)
        tpu.yield
      }) : () -> ()
    }
    %scan3A_7 = arith.constant 5 : i32
    %barrier3A = arith.constant 0 : index
    tpu.barrier barrier_id(%barrier3A)
    %scan3A_8 = arith.constant 0 : i32
    %scan3A_9 = arith.constant 0 : i32
    %scan3A_10 = arith.constant 79 : i32
    %scan3A_11 = arith.addi %scan3A_9, %scan3A_10 : i32
    %scan3A_12 = arith.constant 1 : i32
    scf.for %scan3A_21 = %scan3A_9 to %scan3A_11 step %scan3A_12  : i32 {
      %mul3A_22 = arith.constant 128 : i32
      %mul3A_23 = arith.muli %scan3A_21, %mul3A_22 : i32
      %add3A_24 = arith.addi %mul3A_2, %mul3A_23 : i32
      "tpu.region"() ({
        %run_scoped3A = tpu.sem_alloc : memref<!tpu.dma_semaphore, #tpu.memory_space<semaphore_mem>>
        %dma_start3A = tpu.memref_slice %arg3[%add3A_24] : memref<323584xi32, #tpu.memory_space<hbm>> -> memref<128xi32, #tpu.memory_space<hbm>>
        %dma_start3A_25 = tpu.memref_slice %arg3[%add3A_24] : memref<323584xi32, #tpu.memory_space<hbm>> -> memref<128xi32, #tpu.memory_space<hbm>>
        tpu.enqueue_dma source(%dma_start3A_25 : memref<128xi32, #tpu.memory_space<hbm>>) target(%arg6 : memref<128xi32, #tpu.memory_space<vmem>>) target_semaphore(%run_scoped3A : memref<!tpu.dma_semaphore, #tpu.memory_space<semaphore_mem>>)
        %dma_wait3A = tpu.memref_slice %arg3[%add3A_24] : memref<323584xi32, #tpu.memory_space<hbm>> -> memref<128xi32, #tpu.memory_space<hbm>>
        %dma_wait3A_26 = tpu.memref_slice %arg3[%add3A_24] : memref<323584xi32, #tpu.memory_space<hbm>> -> memref<128xi32, #tpu.memory_space<hbm>>
        tpu.wait_dma2 semaphore(%run_scoped3A : memref<!tpu.dma_semaphore, #tpu.memory_space<semaphore_mem>>) src(%dma_wait3A_26 : memref<128xi32, #tpu.memory_space<hbm>>) dst(%arg6 : memref<128xi32, #tpu.memory_space<vmem>>)
        tpu.yield
      }) : () -> ()
      "tpu.region"() ({
        %run_scoped3A = tpu.sem_alloc : memref<!tpu.dma_semaphore, #tpu.memory_space<semaphore_mem>>
        %dma_start3A = arith.constant 0 : i32
        %dma_start3A_25 = tpu.memref_slice %arg2[%add3A_24, %dma_start3A] : memref<323584x128xf32, #tpu.memory_space<hbm>> -> memref<128x128xf32, #tpu.memory_space<hbm>>
        %dma_start3A_26 = arith.constant 0 : i32
        %dma_start3A_27 = tpu.memref_slice %arg2[%add3A_24, %dma_start3A_26] : memref<323584x128xf32, #tpu.memory_space<hbm>> -> memref<128x128xf32, #tpu.memory_space<hbm>>
        tpu.enqueue_dma source(%dma_start3A_27 : memref<128x128xf32, #tpu.memory_space<hbm>>) target(%arg7 : memref<128x128xf32, #tpu.memory_space<vmem>>) target_semaphore(%run_scoped3A : memref<!tpu.dma_semaphore, #tpu.memory_space<semaphore_mem>>)
        %dma_wait3A = arith.constant 0 : i32
        %dma_wait3A_28 = tpu.memref_slice %arg2[%add3A_24, %dma_wait3A] : memref<323584x128xf32, #tpu.memory_space<hbm>> -> memref<128x128xf32, #tpu.memory_space<hbm>>
        %dma_wait3A_29 = arith.constant 0 : i32
        %dma_wait3A_30 = tpu.memref_slice %arg2[%add3A_24, %dma_wait3A_29] : memref<323584x128xf32, #tpu.memory_space<hbm>> -> memref<128x128xf32, #tpu.memory_space<hbm>>
        tpu.wait_dma2 semaphore(%run_scoped3A : memref<!tpu.dma_semaphore, #tpu.memory_space<semaphore_mem>>) src(%dma_wait3A_30 : memref<128x128xf32, #tpu.memory_space<hbm>>) dst(%arg7 : memref<128x128xf32, #tpu.memory_space<vmem>>)
        tpu.yield
      }) : () -> ()
      "tpu.region"() ({
        %run_scoped3A = tpu.sem_alloc : memref<!tpu.dma_semaphore, #tpu.memory_space<semaphore_mem>>
        %dma_start3A = arith.constant 0 : i32
        %dma_start3A_25 = arith.constant 0 : i32
        %dma_start3A_26 = tpu.memref_slice %arg8[%dma_start3A, %dma_start3A_25] : memref<10240x128xf32, #tpu.memory_space<vmem_shared>> -> memref<10240x128xf32, #tpu.memory_space<vmem_shared>>
        tpu.enqueue_indirect_dma source(%arg7 : memref<128x128xf32, #tpu.memory_space<vmem>>) target(%dma_start3A_26 : memref<10240x128xf32, #tpu.memory_space<vmem_shared>>) offsets(%arg6 : memref<128xi32, #tpu.memory_space<vmem>>) semaphore(%run_scoped3A : memref<!tpu.dma_semaphore, #tpu.memory_space<semaphore_mem>>) {add = true}
        %dma_wait3A = arith.constant 0 : i32
        %dma_wait3A_27 = arith.constant 0 : i32
        %dma_wait3A_28 = tpu.memref_slice %arg8[%dma_wait3A, %dma_wait3A_27] : memref<10240x128xf32, #tpu.memory_space<vmem_shared>> -> memref<10240x128xf32, #tpu.memory_space<vmem_shared>>
        tpu.wait_indirect_dma semaphore(%run_scoped3A : memref<!tpu.dma_semaphore, #tpu.memory_space<semaphore_mem>>) src(%arg7 : memref<128x128xf32, #tpu.memory_space<vmem>>) dst(%dma_wait3A_28 : memref<10240x128xf32, #tpu.memory_space<vmem_shared>>)
        tpu.yield
      }) : () -> ()
    }
    %scan3A_13 = arith.constant 79 : i32
    %barrier3A_14 = arith.constant 0 : index
    tpu.barrier barrier_id(%barrier3A_14)
    %scan3A_15 = arith.constant 0 : i32
    %scan3A_16 = arith.constant 0 : i32
    %scan3A_17 = arith.constant 5 : i32
    %scan3A_18 = arith.addi %scan3A_16, %scan3A_17 : i32
    %scan3A_19 = arith.constant 1 : i32
    scf.for %scan3A_21 = %scan3A_16 to %scan3A_18 step %scan3A_19  : i32 {
      %mul3A_22 = arith.constant 640 : i32
      %mul3A_23 = arith.muli %arg1, %mul3A_22 : i32
      %mul3A_24 = arith.constant 128 : i32
      %mul3A_25 = arith.muli %scan3A_21, %mul3A_24 : i32
      %add3A_26 = arith.addi %mul3A_23, %mul3A_25 : i32
      "tpu.region"() ({
        %run_scoped3A = tpu.sem_alloc : memref<!tpu.dma_semaphore, #tpu.memory_space<semaphore_mem>>
        %dma_start3A = arith.constant 0 : i32
        %dma_start3A_27 = tpu.memref_slice %arg8[%add3A_26, %dma_start3A] : memref<10240x128xf32, #tpu.memory_space<vmem_shared>> -> memref<128x128xf32, #tpu.memory_space<vmem_shared>>
        %dma_start3A_28 = arith.constant 0 : i32
        %dma_start3A_29 = tpu.memref_slice %arg8[%add3A_26, %dma_start3A_28] : memref<10240x128xf32, #tpu.memory_space<vmem_shared>> -> memref<128x128xf32, #tpu.memory_space<vmem_shared>>
        tpu.enqueue_dma source(%dma_start3A_29 : memref<128x128xf32, #tpu.memory_space<vmem_shared>>) target(%arg7 : memref<128x128xf32, #tpu.memory_space<vmem>>) target_semaphore(%run_scoped3A : memref<!tpu.dma_semaphore, #tpu.memory_space<semaphore_mem>>)
        %dma_wait3A = arith.constant 0 : i32
        %dma_wait3A_30 = tpu.memref_slice %arg8[%add3A_26, %dma_wait3A] : memref<10240x128xf32, #tpu.memory_space<vmem_shared>> -> memref<128x128xf32, #tpu.memory_space<vmem_shared>>
        %dma_wait3A_31 = arith.constant 0 : i32
        %dma_wait3A_32 = tpu.memref_slice %arg8[%add3A_26, %dma_wait3A_31] : memref<10240x128xf32, #tpu.memory_space<vmem_shared>> -> memref<128x128xf32, #tpu.memory_space<vmem_shared>>
        tpu.wait_dma2 semaphore(%run_scoped3A : memref<!tpu.dma_semaphore, #tpu.memory_space<semaphore_mem>>) src(%dma_wait3A_32 : memref<128x128xf32, #tpu.memory_space<vmem_shared>>) dst(%arg7 : memref<128x128xf32, #tpu.memory_space<vmem>>)
        tpu.yield
      }) : () -> ()
      "tpu.region"() ({
        %run_scoped3A = tpu.sem_alloc : memref<!tpu.dma_semaphore, #tpu.memory_space<semaphore_mem>>
        %dma_start3A = arith.constant 0 : i32
        %dma_start3A_27 = tpu.memref_slice %arg5[%arg0, %add3A_26, %dma_start3A] : memref<2x10240x128xf32, #tpu.memory_space<hbm>> -> memref<1x128x128xf32, #tpu.memory_space<hbm>>
        %dma_start3A_28 = tpu.memref_squeeze %dma_start3A_27 : memref<1x128x128xf32, #tpu.memory_space<hbm>> -> memref<128x128xf32, #tpu.memory_space<hbm>>
        %dma_start3A_29 = arith.constant 0 : i32
        %dma_start3A_30 = tpu.memref_slice %arg5[%arg0, %add3A_26, %dma_start3A_29] : memref<2x10240x128xf32, #tpu.memory_space<hbm>> -> memref<1x128x128xf32, #tpu.memory_space<hbm>>
        %dma_start3A_31 = tpu.memref_squeeze %dma_start3A_30 : memref<1x128x128xf32, #tpu.memory_space<hbm>> -> memref<128x128xf32, #tpu.memory_space<hbm>>
        tpu.enqueue_dma source(%arg7 : memref<128x128xf32, #tpu.memory_space<vmem>>) target(%dma_start3A_31 : memref<128x128xf32, #tpu.memory_space<hbm>>) target_semaphore(%run_scoped3A : memref<!tpu.dma_semaphore, #tpu.memory_space<semaphore_mem>>)
        %dma_wait3A = arith.constant 0 : i32
        %dma_wait3A_32 = tpu.memref_slice %arg5[%arg0, %add3A_26, %dma_wait3A] : memref<2x10240x128xf32, #tpu.memory_space<hbm>> -> memref<1x128x128xf32, #tpu.memory_space<hbm>>
        %dma_wait3A_33 = tpu.memref_squeeze %dma_wait3A_32 : memref<1x128x128xf32, #tpu.memory_space<hbm>> -> memref<128x128xf32, #tpu.memory_space<hbm>>
        %dma_wait3A_34 = arith.constant 0 : i32
        %dma_wait3A_35 = tpu.memref_slice %arg5[%arg0, %add3A_26, %dma_wait3A_34] : memref<2x10240x128xf32, #tpu.memory_space<hbm>> -> memref<1x128x128xf32, #tpu.memory_space<hbm>>
        %dma_wait3A_36 = tpu.memref_squeeze %dma_wait3A_35 : memref<1x128x128xf32, #tpu.memory_space<hbm>> -> memref<128x128xf32, #tpu.memory_space<hbm>>
        tpu.wait_dma2 semaphore(%run_scoped3A : memref<!tpu.dma_semaphore, #tpu.memory_space<semaphore_mem>>) src(%arg7 : memref<128x128xf32, #tpu.memory_space<vmem>>) dst(%dma_wait3A_36 : memref<128x128xf32, #tpu.memory_space<hbm>>)
        tpu.yield
      }) : () -> ()
    }
    %scan3A_20 = arith.constant 5 : i32
    return
  }
}

module attributes {stable_mosaic.version = 14 : i64} {
  func.func @_enc_body(%arg0: i32, %arg1: memref<512x8xf32, #tpu.memory_space<vmem>>, %arg2: memref<8x128xf32, #tpu.memory_space<vmem>>, %arg3: memref<1x128xf32, #tpu.memory_space<vmem>>, %arg4: memref<128x128xf32, #tpu.memory_space<vmem>>, %arg5: memref<1x128xf32, #tpu.memory_space<vmem>>, %arg6: memref<128x128xf32, #tpu.memory_space<vmem>>, %arg7: memref<128x128xf32, #tpu.memory_space<vmem>>, %arg8: memref<8x128xf32, #tpu.memory_space<vmem>>, %arg9: memref<512x128xf32, #tpu.memory_space<vmem>>, %arg10: memref<512x128xf32, #tpu.memory_space<vmem>>, %arg11: memref<512x128xf32, #tpu.memory_space<vmem>>) attributes {dimension_semantics = [#tpu.dimension_semantics<arbitrary>], iteration_bounds = array<i64: 20>, scalar_prefetch = 0 : i64, scratch_operands = 0 : i64, tpu.core_type = #tpu.core_type<tc>, window_params = [{transform_indices = @transform_0, window_bounds = array<i64: 512, 8>}, {pipeline_mode = #tpu.pipeline_mode<synchronous>, transform_indices = @transform_1, window_bounds = array<i64: 8, 128>}, {pipeline_mode = #tpu.pipeline_mode<synchronous>, transform_indices = @transform_2, window_bounds = array<i64: 1, 128>}, {pipeline_mode = #tpu.pipeline_mode<synchronous>, transform_indices = @transform_3, window_bounds = array<i64: 128, 128>}, {pipeline_mode = #tpu.pipeline_mode<synchronous>, transform_indices = @transform_4, window_bounds = array<i64: 1, 128>}, {pipeline_mode = #tpu.pipeline_mode<synchronous>, transform_indices = @transform_5, window_bounds = array<i64: 128, 128>}, {pipeline_mode = #tpu.pipeline_mode<synchronous>, transform_indices = @transform_6, window_bounds = array<i64: 128, 128>}, {pipeline_mode = #tpu.pipeline_mode<synchronous>, transform_indices = @transform_7, window_bounds = array<i64: 8, 128>}, {transform_indices = @transform_8, window_bounds = array<i64: 512, 128>}, {transform_indices = @transform_9, window_bounds = array<i64: 512, 128>}, {transform_indices = @transform_10, window_bounds = array<i64: 512, 128>}]} {
    %get3A = arith.constant 0 : index
    %get3A_0 = arith.constant 0 : index
    %get3A_1 = vector.load %arg1[%get3A, %get3A_0] : memref<512x8xf32, #tpu.memory_space<vmem>>, vector<512x8xf32>
    %get3A_2 = arith.constant 0 : index
    %get3A_3 = arith.constant 0 : index
    %get3A_4 = vector.load %arg2[%get3A_2, %get3A_3] : memref<8x128xf32, #tpu.memory_space<vmem>>, vector<8x128xf32>
    %dot_general3A = arith.constant dense<0.000000e+00> : vector<512x128xf32>
    %dot_general3A_5 = tpu.matmul %get3A_1, %get3A_4, %dot_general3A {dimension_numbers = #tpu.dot_dimension_numbers<[1], [0], [0], [1], [0, 0, 1, 1], [], []>, precision = #tpu.contract_precision<fp32>, transpose_lhs_hint = false} : vector<512x8xf32>, vector<8x128xf32>, vector<512x128xf32> -> vector<512x128xf32>
    %get3A_6 = arith.constant 0 : index
    %get3A_7 = arith.constant 0 : index
    %get3A_8 = vector.load %arg3[%get3A_6, %get3A_7] : memref<1x128xf32, #tpu.memory_space<vmem>>, vector<1x128xf32>
    %add3A = vector.broadcast %get3A_8 : vector<1x128xf32> to vector<512x128xf32>
    %add3A_9 = arith.addf %dot_general3A_5, %add3A : vector<512x128xf32>
    %max3A = arith.constant 0.000000e+00 : f32
    %max3A_10 = vector.broadcast %max3A : f32 to vector<512x128xf32>
    %max3A_11 = arith.maximumf %add3A_9, %max3A_10 : vector<512x128xf32>
    %get3A_12 = arith.constant 0 : index
    %get3A_13 = arith.constant 0 : index
    %get3A_14 = vector.load %arg4[%get3A_12, %get3A_13] : memref<128x128xf32, #tpu.memory_space<vmem>>, vector<128x128xf32>
    %dot_general3A_15 = arith.constant dense<0.000000e+00> : vector<512x128xf32>
    %dot_general3A_16 = tpu.matmul %max3A_11, %get3A_14, %dot_general3A_15 {dimension_numbers = #tpu.dot_dimension_numbers<[1], [0], [0], [1], [0, 0, 1, 1], [], []>, precision = #tpu.contract_precision<fp32>, transpose_lhs_hint = false} : vector<512x128xf32>, vector<128x128xf32>, vector<512x128xf32> -> vector<512x128xf32>
    %get3A_17 = arith.constant 0 : index
    %get3A_18 = arith.constant 0 : index
    %get3A_19 = vector.load %arg5[%get3A_17, %get3A_18] : memref<1x128xf32, #tpu.memory_space<vmem>>, vector<1x128xf32>
    %add3A_20 = vector.broadcast %get3A_19 : vector<1x128xf32> to vector<512x128xf32>
    %add3A_21 = arith.addf %dot_general3A_16, %add3A_20 : vector<512x128xf32>
    %max3A_22 = arith.constant 0.000000e+00 : f32
    %max3A_23 = vector.broadcast %max3A_22 : f32 to vector<512x128xf32>
    %max3A_24 = arith.maximumf %add3A_21, %max3A_23 : vector<512x128xf32>
    %swap3A = arith.constant 0 : index
    %swap3A_25 = arith.constant 0 : index
    %swap3A_26 = vector.load %arg9[%swap3A, %swap3A_25] : memref<512x128xf32, #tpu.memory_space<vmem>>, vector<512x128xf32>
    tpu.vector_store %arg9[%swap3A, %swap3A_25], %max3A_24 {strides = array<i32>} : memref<512x128xf32, #tpu.memory_space<vmem>>, vector<512x128xf32>,
    %get3A_27 = arith.constant 0 : index
    %get3A_28 = arith.constant 0 : index
    %get3A_29 = vector.load %arg8[%get3A_27, %get3A_28] : memref<8x128xf32, #tpu.memory_space<vmem>>, vector<8x128xf32>
    %dot_general3A_30 = arith.constant dense<0.000000e+00> : vector<512x128xf32>
    %dot_general3A_31 = tpu.matmul %get3A_1, %get3A_29, %dot_general3A_30 {dimension_numbers = #tpu.dot_dimension_numbers<[1], [0], [0], [1], [0, 0, 1, 1], [], []>, precision = #tpu.contract_precision<fp32>, transpose_lhs_hint = false} : vector<512x8xf32>, vector<8x128xf32>, vector<512x128xf32> -> vector<512x128xf32>
    %get3A_32 = arith.constant 0 : index
    %get3A_33 = arith.constant 0 : index
    %get3A_34 = vector.load %arg6[%get3A_32, %get3A_33] : memref<128x128xf32, #tpu.memory_space<vmem>>, vector<128x128xf32>
    %dot_general3A_35 = arith.constant dense<0.000000e+00> : vector<512x128xf32>
    %dot_general3A_36 = tpu.matmul %max3A_24, %get3A_34, %dot_general3A_35 {dimension_numbers = #tpu.dot_dimension_numbers<[1], [0], [0], [1], [0, 0, 1, 1], [], []>, precision = #tpu.contract_precision<fp32>, transpose_lhs_hint = false} : vector<512x128xf32>, vector<128x128xf32>, vector<512x128xf32> -> vector<512x128xf32>
    %add3A_37 = arith.addf %dot_general3A_36, %dot_general3A_31 : vector<512x128xf32>
    %swap3A_38 = arith.constant 0 : index
    %swap3A_39 = arith.constant 0 : index
    %swap3A_40 = vector.load %arg10[%swap3A_38, %swap3A_39] : memref<512x128xf32, #tpu.memory_space<vmem>>, vector<512x128xf32>
    tpu.vector_store %arg10[%swap3A_38, %swap3A_39], %add3A_37 {strides = array<i32>} : memref<512x128xf32, #tpu.memory_space<vmem>>, vector<512x128xf32>,
    %get3A_41 = arith.constant 0 : index
    %get3A_42 = arith.constant 0 : index
    %get3A_43 = vector.load %arg7[%get3A_41, %get3A_42] : memref<128x128xf32, #tpu.memory_space<vmem>>, vector<128x128xf32>
    %dot_general3A_44 = arith.constant dense<0.000000e+00> : vector<512x128xf32>
    %dot_general3A_45 = tpu.matmul %max3A_24, %get3A_43, %dot_general3A_44 {dimension_numbers = #tpu.dot_dimension_numbers<[1], [0], [0], [1], [0, 0, 1, 1], [], []>, precision = #tpu.contract_precision<fp32>, transpose_lhs_hint = false} : vector<512x128xf32>, vector<128x128xf32>, vector<512x128xf32> -> vector<512x128xf32>
    %sub3A = arith.subf %dot_general3A_45, %dot_general3A_31 : vector<512x128xf32>
    %swap3A_46 = arith.constant 0 : index
    %swap3A_47 = arith.constant 0 : index
    %swap3A_48 = vector.load %arg11[%swap3A_46, %swap3A_47] : memref<512x128xf32, #tpu.memory_space<vmem>>, vector<512x128xf32>
    tpu.vector_store %arg11[%swap3A_46, %swap3A_47], %sub3A {strides = array<i32>} : memref<512x128xf32, #tpu.memory_space<vmem>>, vector<512x128xf32>,
    return
  }
  func.func @transform_0(%arg0: i32) -> (i32, i32) {
    %c0_i32 = arith.constant 0 : i32
    %c0_i32_0 = arith.constant 0 : i32
    return %arg0, %c0_i32 : i32, i32
  }
  func.func @transform_1(%arg0: i32) -> (i32, i32) {
    %c0_i32 = arith.constant 0 : i32
    %c0_i32_0 = arith.constant 0 : i32
    %c0_i32_1 = arith.constant 0 : i32
    return %c0_i32, %c0_i32_0 : i32, i32
  }
  func.func @transform_2(%arg0: i32) -> (i32, i32) {
    %c0_i32 = arith.constant 0 : i32
    %c0_i32_0 = arith.constant 0 : i32
    %c0_i32_1 = arith.constant 0 : i32
    return %c0_i32, %c0_i32_0 : i32, i32
  }
  func.func @transform_3(%arg0: i32) -> (i32, i32) {
    %c0_i32 = arith.constant 0 : i32
    %c0_i32_0 = arith.constant 0 : i32
    %c0_i32_1 = arith.constant 0 : i32
    return %c0_i32, %c0_i32_0 : i32, i32
  }
  func.func @transform_4(%arg0: i32) -> (i32, i32) {
    %c0_i32 = arith.constant 0 : i32
    %c0_i32_0 = arith.constant 0 : i32
    %c0_i32_1 = arith.constant 0 : i32
    return %c0_i32, %c0_i32_0 : i32, i32
  }
  func.func @transform_5(%arg0: i32) -> (i32, i32) {
    %c0_i32 = arith.constant 0 : i32
    %c0_i32_0 = arith.constant 0 : i32
    %c0_i32_1 = arith.constant 0 : i32
    return %c0_i32, %c0_i32_0 : i32, i32
  }
  func.func @transform_6(%arg0: i32) -> (i32, i32) {
    %c0_i32 = arith.constant 0 : i32
    %c0_i32_0 = arith.constant 0 : i32
    %c0_i32_1 = arith.constant 0 : i32
    return %c0_i32, %c0_i32_0 : i32, i32
  }
  func.func @transform_7(%arg0: i32) -> (i32, i32) {
    %c0_i32 = arith.constant 0 : i32
    %c0_i32_0 = arith.constant 0 : i32
    %c0_i32_1 = arith.constant 0 : i32
    return %c0_i32, %c0_i32_0 : i32, i32
  }
  func.func @transform_8(%arg0: i32) -> (i32, i32) {
    %c0_i32 = arith.constant 0 : i32
    %c0_i32_0 = arith.constant 0 : i32
    return %arg0, %c0_i32 : i32, i32
  }
  func.func @transform_9(%arg0: i32) -> (i32, i32) {
    %c0_i32 = arith.constant 0 : i32
    %c0_i32_0 = arith.constant 0 : i32
    return %arg0, %c0_i32 : i32, i32
  }
  func.func @transform_10(%arg0: i32) -> (i32, i32) {
    %c0_i32 = arith.constant 0 : i32
    %c0_i32_0 = arith.constant 0 : i32
    return %arg0, %c0_i32 : i32, i32
  }
}

module attributes {stable_mosaic.version = 14 : i64} {
  func.func @_dx_body(%arg0: i32, %arg1: memref<2x512x128xf32, #tpu.memory_space<vmem>>, %arg2: memref<1x16xf32, #tpu.memory_space<vmem>>, %arg3: memref<512x16xf32, #tpu.memory_space<vmem>>) attributes {dimension_semantics = [#tpu.dimension_semantics<arbitrary>], iteration_bounds = array<i64: 632>, scalar_prefetch = 0 : i64, scratch_operands = 0 : i64, tpu.core_type = #tpu.core_type<tc>, window_params = [{transform_indices = @transform_0, window_bounds = array<i64: 2, 512, 128>}, {pipeline_mode = #tpu.pipeline_mode<synchronous>, transform_indices = @transform_1, window_bounds = array<i64: 1, 16>}, {transform_indices = @transform_2, window_bounds = array<i64: 512, 16>}]} {
    %get3A = arith.constant 0 : index
    %get3A_0 = arith.constant 0 : index
    %get3A_1 = arith.constant 0 : index
    %get3A_2 = vector.load %arg1[%get3A, %get3A_0, %get3A_1] : memref<2x512x128xf32, #tpu.memory_space<vmem>>, vector<1x512x128xf32>
    %get3A_3 = vector.shape_cast %get3A_2 : vector<1x512x128xf32> to vector<512x128xf32>
    %get3A_4 = arith.constant 1 : index
    %get3A_5 = arith.constant 0 : index
    %get3A_6 = arith.constant 0 : index
    %get3A_7 = vector.load %arg1[%get3A_4, %get3A_5, %get3A_6] : memref<2x512x128xf32, #tpu.memory_space<vmem>>, vector<1x512x128xf32>
    %get3A_8 = vector.shape_cast %get3A_7 : vector<1x512x128xf32> to vector<512x128xf32>
    %sub3A = arith.subf %get3A_3, %get3A_8 : vector<512x128xf32>
    %slice3A = vector.extract_strided_slice %sub3A {offsets = [0, 0], sizes = [512, 16], strides = [1, 1]} : vector<512x128xf32> to vector<512x16xf32>
    %get3A_9 = arith.constant 0 : index
    %get3A_10 = arith.constant 0 : index
    %get3A_11 = vector.load %arg2[%get3A_9, %get3A_10] : memref<1x16xf32, #tpu.memory_space<vmem>>, vector<1x16xf32>
    %div3A = vector.broadcast %get3A_11 : vector<1x16xf32> to vector<512x16xf32>
    %div3A_12 = arith.divf %slice3A, %div3A : vector<512x16xf32>
    %round3A = math.roundeven %div3A_12 : vector<512x16xf32>
    %mul3A = vector.broadcast %get3A_11 : vector<1x16xf32> to vector<512x16xf32>
    %mul3A_13 = arith.mulf %mul3A, %round3A : vector<512x16xf32>
    %sub3A_14 = arith.subf %slice3A, %mul3A_13 : vector<512x16xf32>
    %swap3A = arith.constant 0 : index
    %swap3A_15 = arith.constant 0 : index
    %swap3A_16 = vector.load %arg3[%swap3A, %swap3A_15] : memref<512x16xf32, #tpu.memory_space<vmem>>, vector<512x16xf32>
    tpu.vector_store %arg3[%swap3A, %swap3A_15], %sub3A_14 {strides = array<i32>} : memref<512x16xf32, #tpu.memory_space<vmem>>, vector<512x16xf32>,
    return
  }
  func.func @transform_0(%arg0: i32) -> (i32, i32, i32) {
    %c0_i32 = arith.constant 0 : i32
    %c0_i32_0 = arith.constant 0 : i32
    %c0_i32_1 = arith.constant 0 : i32
    return %c0_i32, %arg0, %c0_i32_0 : i32, i32, i32
  }
  func.func @transform_1(%arg0: i32) -> (i32, i32) {
    %c0_i32 = arith.constant 0 : i32
    %c0_i32_0 = arith.constant 0 : i32
    %c0_i32_1 = arith.constant 0 : i32
    return %c0_i32, %c0_i32_0 : i32, i32
  }
  func.func @transform_2(%arg0: i32) -> (i32, i32) {
    %c0_i32 = arith.constant 0 : i32
    %c0_i32_0 = arith.constant 0 : i32
    return %arg0, %c0_i32 : i32, i32
  }
}

module attributes {stable_mosaic.version = 14 : i64} {
  func.func @_edge_body(%arg0: i32, %arg1: memref<2x512x128xf32, #tpu.memory_space<vmem>>, %arg2: memref<512x16xf32, #tpu.memory_space<vmem>>, %arg3: memref<16x128xf32, #tpu.memory_space<vmem>>, %arg4: memref<1x128xf32, #tpu.memory_space<vmem>>, %arg5: memref<128x128xf32, #tpu.memory_space<vmem>>, %arg6: memref<1x128xf32, #tpu.memory_space<vmem>>, %arg7: memref<512x128xf32, #tpu.memory_space<vmem>>) attributes {dimension_semantics = [#tpu.dimension_semantics<arbitrary>], iteration_bounds = array<i64: 632>, scalar_prefetch = 0 : i64, scratch_operands = 0 : i64, tpu.core_type = #tpu.core_type<tc>, window_params = [{transform_indices = @transform_0, window_bounds = array<i64: 2, 512, 128>}, {transform_indices = @transform_1, window_bounds = array<i64: 512, 16>}, {pipeline_mode = #tpu.pipeline_mode<synchronous>, transform_indices = @transform_2, window_bounds = array<i64: 16, 128>}, {pipeline_mode = #tpu.pipeline_mode<synchronous>, transform_indices = @transform_3, window_bounds = array<i64: 1, 128>}, {pipeline_mode = #tpu.pipeline_mode<synchronous>, transform_indices = @transform_4, window_bounds = array<i64: 128, 128>}, {pipeline_mode = #tpu.pipeline_mode<synchronous>, transform_indices = @transform_5, window_bounds = array<i64: 1, 128>}, {transform_indices = @transform_6, window_bounds = array<i64: 512, 128>}]} {
    %get3A = arith.constant 0 : index
    %get3A_0 = arith.constant 0 : index
    %get3A_1 = arith.constant 0 : index
    %get3A_2 = vector.load %arg1[%get3A, %get3A_0, %get3A_1] : memref<2x512x128xf32, #tpu.memory_space<vmem>>, vector<1x512x128xf32>
    %get3A_3 = vector.shape_cast %get3A_2 : vector<1x512x128xf32> to vector<512x128xf32>
    %get3A_4 = arith.constant 1 : index
    %get3A_5 = arith.constant 0 : index
    %get3A_6 = arith.constant 0 : index
    %get3A_7 = vector.load %arg1[%get3A_4, %get3A_5, %get3A_6] : memref<2x512x128xf32, #tpu.memory_space<vmem>>, vector<1x512x128xf32>
    %get3A_8 = vector.shape_cast %get3A_7 : vector<1x512x128xf32> to vector<512x128xf32>
    %add3A = arith.addf %get3A_3, %get3A_8 : vector<512x128xf32>
    %get3A_9 = arith.constant 0 : index
    %get3A_10 = arith.constant 0 : index
    %get3A_11 = vector.load %arg2[%get3A_9, %get3A_10] : memref<512x16xf32, #tpu.memory_space<vmem>>, vector<512x16xf32>
    %get3A_12 = arith.constant 0 : index
    %get3A_13 = arith.constant 0 : index
    %get3A_14 = vector.load %arg3[%get3A_12, %get3A_13] : memref<16x128xf32, #tpu.memory_space<vmem>>, vector<16x128xf32>
    %dot_general3A = arith.constant dense<0.000000e+00> : vector<512x128xf32>
    %dot_general3A_15 = tpu.matmul %get3A_11, %get3A_14, %dot_general3A {dimension_numbers = #tpu.dot_dimension_numbers<[1], [0], [0], [1], [0, 0, 1, 1], [], []>, precision = #tpu.contract_precision<fp32>, transpose_lhs_hint = false} : vector<512x16xf32>, vector<16x128xf32>, vector<512x128xf32> -> vector<512x128xf32>
    %add3A_16 = arith.addf %add3A, %dot_general3A_15 : vector<512x128xf32>
    %get3A_17 = arith.constant 0 : index
    %get3A_18 = arith.constant 0 : index
    %get3A_19 = vector.load %arg4[%get3A_17, %get3A_18] : memref<1x128xf32, #tpu.memory_space<vmem>>, vector<1x128xf32>
    %add3A_20 = vector.broadcast %get3A_19 : vector<1x128xf32> to vector<512x128xf32>
    %add3A_21 = arith.addf %add3A_16, %add3A_20 : vector<512x128xf32>
    %max3A = arith.constant 0.000000e+00 : f32
    %max3A_22 = vector.broadcast %max3A : f32 to vector<512x128xf32>
    %max3A_23 = arith.maximumf %add3A_21, %max3A_22 : vector<512x128xf32>
    %get3A_24 = arith.constant 0 : index
    %get3A_25 = arith.constant 0 : index
    %get3A_26 = vector.load %arg5[%get3A_24, %get3A_25] : memref<128x128xf32, #tpu.memory_space<vmem>>, vector<128x128xf32>
    %dot_general3A_27 = arith.constant dense<0.000000e+00> : vector<512x128xf32>
    %dot_general3A_28 = tpu.matmul %max3A_23, %get3A_26, %dot_general3A_27 {dimension_numbers = #tpu.dot_dimension_numbers<[1], [0], [0], [1], [0, 0, 1, 1], [], []>, precision = #tpu.contract_precision<fp32>, transpose_lhs_hint = false} : vector<512x128xf32>, vector<128x128xf32>, vector<512x128xf32> -> vector<512x128xf32>
    %get3A_29 = arith.constant 0 : index
    %get3A_30 = arith.constant 0 : index
    %get3A_31 = vector.load %arg6[%get3A_29, %get3A_30] : memref<1x128xf32, #tpu.memory_space<vmem>>, vector<1x128xf32>
    %add3A_32 = vector.broadcast %get3A_31 : vector<1x128xf32> to vector<512x128xf32>
    %add3A_33 = arith.addf %dot_general3A_28, %add3A_32 : vector<512x128xf32>
    %max3A_34 = arith.constant 0.000000e+00 : f32
    %max3A_35 = vector.broadcast %max3A_34 : f32 to vector<512x128xf32>
    %max3A_36 = arith.maximumf %add3A_33, %max3A_35 : vector<512x128xf32>
    %swap3A = arith.constant 0 : index
    %swap3A_37 = arith.constant 0 : index
    %swap3A_38 = vector.load %arg7[%swap3A, %swap3A_37] : memref<512x128xf32, #tpu.memory_space<vmem>>, vector<512x128xf32>
    tpu.vector_store %arg7[%swap3A, %swap3A_37], %max3A_36 {strides = array<i32>} : memref<512x128xf32, #tpu.memory_space<vmem>>, vector<512x128xf32>,
    return
  }
  func.func @transform_0(%arg0: i32) -> (i32, i32, i32) {
    %c0_i32 = arith.constant 0 : i32
    %c0_i32_0 = arith.constant 0 : i32
    %c0_i32_1 = arith.constant 0 : i32
    return %c0_i32, %arg0, %c0_i32_0 : i32, i32, i32
  }
  func.func @transform_1(%arg0: i32) -> (i32, i32) {
    %c0_i32 = arith.constant 0 : i32
    %c0_i32_0 = arith.constant 0 : i32
    return %arg0, %c0_i32 : i32, i32
  }
  func.func @transform_2(%arg0: i32) -> (i32, i32) {
    %c0_i32 = arith.constant 0 : i32
    %c0_i32_0 = arith.constant 0 : i32
    %c0_i32_1 = arith.constant 0 : i32
    return %c0_i32, %c0_i32_0 : i32, i32
  }
  func.func @transform_3(%arg0: i32) -> (i32, i32) {
    %c0_i32 = arith.constant 0 : i32
    %c0_i32_0 = arith.constant 0 : i32
    %c0_i32_1 = arith.constant 0 : i32
    return %c0_i32, %c0_i32_0 : i32, i32
  }
  func.func @transform_4(%arg0: i32) -> (i32, i32) {
    %c0_i32 = arith.constant 0 : i32
    %c0_i32_0 = arith.constant 0 : i32
    %c0_i32_1 = arith.constant 0 : i32
    return %c0_i32, %c0_i32_0 : i32, i32
  }
  func.func @transform_5(%arg0: i32) -> (i32, i32) {
    %c0_i32 = arith.constant 0 : i32
    %c0_i32_0 = arith.constant 0 : i32
    %c0_i32_1 = arith.constant 0 : i32
    return %c0_i32, %c0_i32_0 : i32, i32
  }
  func.func @transform_6(%arg0: i32) -> (i32, i32) {
    %c0_i32 = arith.constant 0 : i32
    %c0_i32_0 = arith.constant 0 : i32
    return %arg0, %c0_i32 : i32, i32
  }
}

module attributes {stable_mosaic.version = 14 : i64} {
  func.func @_upd_mid_body(%arg0: i32, %arg1: memref<512x128xf32, #tpu.memory_space<vmem>>, %arg2: memref<2x512x128xf32, #tpu.memory_space<vmem>>, %arg3: memref<128x128xf32, #tpu.memory_space<vmem>>, %arg4: memref<128x128xf32, #tpu.memory_space<vmem>>, %arg5: memref<1x128xf32, #tpu.memory_space<vmem>>, %arg6: memref<128x128xf32, #tpu.memory_space<vmem>>, %arg7: memref<1x128xf32, #tpu.memory_space<vmem>>, %arg8: memref<1x128xf32, #tpu.memory_space<vmem>>, %arg9: memref<1x128xf32, #tpu.memory_space<vmem>>, %arg10: memref<512x8xf32, #tpu.memory_space<vmem>>, %arg11: memref<128x128xf32, #tpu.memory_space<vmem>>, %arg12: memref<128x128xf32, #tpu.memory_space<vmem>>, %arg13: memref<8x128xf32, #tpu.memory_space<vmem>>, %arg14: memref<512x128xf32, #tpu.memory_space<vmem>>, %arg15: memref<512x128xf32, #tpu.memory_space<vmem>>, %arg16: memref<512x128xf32, #tpu.memory_space<vmem>>) attributes {dimension_semantics = [#tpu.dimension_semantics<arbitrary>], iteration_bounds = array<i64: 20>, scalar_prefetch = 0 : i64, scratch_operands = 0 : i64, tpu.core_type = #tpu.core_type<tc>, window_params = [{transform_indices = @transform_0, window_bounds = array<i64: 512, 128>}, {transform_indices = @transform_1, window_bounds = array<i64: 2, 512, 128>}, {pipeline_mode = #tpu.pipeline_mode<synchronous>, transform_indices = @transform_2, window_bounds = array<i64: 128, 128>}, {pipeline_mode = #tpu.pipeline_mode<synchronous>, transform_indices = @transform_3, window_bounds = array<i64: 128, 128>}, {pipeline_mode = #tpu.pipeline_mode<synchronous>, transform_indices = @transform_4, window_bounds = array<i64: 1, 128>}, {pipeline_mode = #tpu.pipeline_mode<synchronous>, transform_indices = @transform_5, window_bounds = array<i64: 128, 128>}, {pipeline_mode = #tpu.pipeline_mode<synchronous>, transform_indices = @transform_6, window_bounds = array<i64: 1, 128>}, {pipeline_mode = #tpu.pipeline_mode<synchronous>, transform_indices = @transform_7, window_bounds = array<i64: 1, 128>}, {pipeline_mode = #tpu.pipeline_mode<synchronous>, transform_indices = @transform_8, window_bounds = array<i64: 1, 128>}, {transform_indices = @transform_9, window_bounds = array<i64: 512, 8>}, {pipeline_mode = #tpu.pipeline_mode<synchronous>, transform_indices = @transform_10, window_bounds = array<i64: 128, 128>}, {pipeline_mode = #tpu.pipeline_mode<synchronous>, transform_indices = @transform_11, window_bounds = array<i64: 128, 128>}, {pipeline_mode = #tpu.pipeline_mode<synchronous>, transform_indices = @transform_12, window_bounds = array<i64: 8, 128>}, {transform_indices = @transform_13, window_bounds = array<i64: 512, 128>}, {transform_indices = @transform_14, window_bounds = array<i64: 512, 128>}, {transform_indices = @transform_15, window_bounds = array<i64: 512, 128>}]} {
    %get3A = arith.constant 0 : index
    %get3A_0 = arith.constant 0 : index
    %get3A_1 = vector.load %arg1[%get3A, %get3A_0] : memref<512x128xf32, #tpu.memory_space<vmem>>, vector<512x128xf32>
    %get3A_2 = arith.constant 0 : index
    %get3A_3 = arith.constant 0 : index
    %get3A_4 = arith.constant 0 : index
    %get3A_5 = vector.load %arg2[%get3A_2, %get3A_3, %get3A_4] : memref<2x512x128xf32, #tpu.memory_space<vmem>>, vector<1x512x128xf32>
    %get3A_6 = vector.shape_cast %get3A_5 : vector<1x512x128xf32> to vector<512x128xf32>
    %get3A_7 = arith.constant 1 : index
    %get3A_8 = arith.constant 0 : index
    %get3A_9 = arith.constant 0 : index
    %get3A_10 = vector.load %arg2[%get3A_7, %get3A_8, %get3A_9] : memref<2x512x128xf32, #tpu.memory_space<vmem>>, vector<1x512x128xf32>
    %get3A_11 = vector.shape_cast %get3A_10 : vector<1x512x128xf32> to vector<512x128xf32>
    %add3A = arith.addf %get3A_6, %get3A_11 : vector<512x128xf32>
    %get3A_12 = arith.constant 0 : index
    %get3A_13 = arith.constant 0 : index
    %get3A_14 = vector.load %arg3[%get3A_12, %get3A_13] : memref<128x128xf32, #tpu.memory_space<vmem>>, vector<128x128xf32>
    %dot_general3A = arith.constant dense<0.000000e+00> : vector<512x128xf32>
    %dot_general3A_15 = tpu.matmul %get3A_1, %get3A_14, %dot_general3A {dimension_numbers = #tpu.dot_dimension_numbers<[1], [0], [0], [1], [0, 0, 1, 1], [], []>, precision = #tpu.contract_precision<fp32>, transpose_lhs_hint = false} : vector<512x128xf32>, vector<128x128xf32>, vector<512x128xf32> -> vector<512x128xf32>
    %get3A_16 = arith.constant 0 : index
    %get3A_17 = arith.constant 0 : index
    %get3A_18 = vector.load %arg4[%get3A_16, %get3A_17] : memref<128x128xf32, #tpu.memory_space<vmem>>, vector<128x128xf32>
    %dot_general3A_19 = arith.constant dense<0.000000e+00> : vector<512x128xf32>
    %dot_general3A_20 = tpu.matmul %add3A, %get3A_18, %dot_general3A_19 {dimension_numbers = #tpu.dot_dimension_numbers<[1], [0], [0], [1], [0, 0, 1, 1], [], []>, precision = #tpu.contract_precision<fp32>, transpose_lhs_hint = false} : vector<512x128xf32>, vector<128x128xf32>, vector<512x128xf32> -> vector<512x128xf32>
    %add3A_21 = arith.addf %dot_general3A_15, %dot_general3A_20 : vector<512x128xf32>
    %get3A_22 = arith.constant 0 : index
    %get3A_23 = arith.constant 0 : index
    %get3A_24 = vector.load %arg5[%get3A_22, %get3A_23] : memref<1x128xf32, #tpu.memory_space<vmem>>, vector<1x128xf32>
    %add3A_25 = vector.broadcast %get3A_24 : vector<1x128xf32> to vector<512x128xf32>
    %add3A_26 = arith.addf %add3A_21, %add3A_25 : vector<512x128xf32>
    %max3A = arith.constant 0.000000e+00 : f32
    %max3A_27 = vector.broadcast %max3A : f32 to vector<512x128xf32>
    %max3A_28 = arith.maximumf %add3A_26, %max3A_27 : vector<512x128xf32>
    %get3A_29 = arith.constant 0 : index
    %get3A_30 = arith.constant 0 : index
    %get3A_31 = vector.load %arg6[%get3A_29, %get3A_30] : memref<128x128xf32, #tpu.memory_space<vmem>>, vector<128x128xf32>
    %dot_general3A_32 = arith.constant dense<0.000000e+00> : vector<512x128xf32>
    %dot_general3A_33 = tpu.matmul %max3A_28, %get3A_31, %dot_general3A_32 {dimension_numbers = #tpu.dot_dimension_numbers<[1], [0], [0], [1], [0, 0, 1, 1], [], []>, precision = #tpu.contract_precision<fp32>, transpose_lhs_hint = false} : vector<512x128xf32>, vector<128x128xf32>, vector<512x128xf32> -> vector<512x128xf32>
    %add3A_34 = arith.addf %get3A_1, %dot_general3A_33 : vector<512x128xf32>
    %get3A_35 = arith.constant 0 : index
    %get3A_36 = arith.constant 0 : index
    %get3A_37 = vector.load %arg7[%get3A_35, %get3A_36] : memref<1x128xf32, #tpu.memory_space<vmem>>, vector<1x128xf32>
    %add3A_38 = vector.broadcast %get3A_37 : vector<1x128xf32> to vector<512x128xf32>
    %add3A_39 = arith.addf %add3A_34, %add3A_38 : vector<512x128xf32>
    %reduce_sum3A = arith.constant dense<0.000000e+00> : vector<512xf32>
    %reduce_sum3A_40 = vector.multi_reduction <add>, %add3A_39, %reduce_sum3A [1] : vector<512x128xf32> to vector<512xf32>
    %broadcast_in_dim3A = vector.shape_cast %reduce_sum3A_40 : vector<512xf32> to vector<512x1xf32>
    %div3A = arith.constant 1.280000e+02 : f32
    %div3A_41 = vector.broadcast %div3A : f32 to vector<512x1xf32>
    %div3A_42 = arith.divf %broadcast_in_dim3A, %div3A_41 : vector<512x1xf32>
    %sub3A = vector.broadcast %div3A_42 : vector<512x1xf32> to vector<512x128xf32>
    %sub3A_43 = arith.subf %add3A_39, %sub3A : vector<512x128xf32>
    %mul3A = arith.mulf %sub3A_43, %sub3A_43 : vector<512x128xf32>
    %reduce_sum3A_44 = arith.constant dense<0.000000e+00> : vector<512xf32>
    %reduce_sum3A_45 = vector.multi_reduction <add>, %mul3A, %reduce_sum3A_44 [1] : vector<512x128xf32> to vector<512xf32>
    %broadcast_in_dim3A_46 = vector.shape_cast %reduce_sum3A_45 : vector<512xf32> to vector<512x1xf32>
    %div3A_47 = arith.constant 1.280000e+02 : f32
    %div3A_48 = vector.broadcast %div3A_47 : f32 to vector<512x1xf32>
    %div3A_49 = arith.divf %broadcast_in_dim3A_46, %div3A_48 : vector<512x1xf32>
    %add3A_50 = arith.constant 9.99999974E-6 : f32
    %add3A_51 = vector.broadcast %add3A_50 : f32 to vector<512x1xf32>
    %add3A_52 = arith.addf %div3A_49, %add3A_51 : vector<512x1xf32>
    %rsqrt3A = math.rsqrt %add3A_52 : vector<512x1xf32>
    %mul3A_53 = vector.broadcast %rsqrt3A : vector<512x1xf32> to vector<512x128xf32>
    %mul3A_54 = arith.mulf %sub3A_43, %mul3A_53 : vector<512x128xf32>
    %get3A_55 = arith.constant 0 : index
    %get3A_56 = arith.constant 0 : index
    %get3A_57 = vector.load %arg8[%get3A_55, %get3A_56] : memref<1x128xf32, #tpu.memory_space<vmem>>, vector<1x128xf32>
    %mul3A_58 = vector.broadcast %get3A_57 : vector<1x128xf32> to vector<512x128xf32>
    %mul3A_59 = arith.mulf %mul3A_54, %mul3A_58 : vector<512x128xf32>
    %get3A_60 = arith.constant 0 : index
    %get3A_61 = arith.constant 0 : index
    %get3A_62 = vector.load %arg9[%get3A_60, %get3A_61] : memref<1x128xf32, #tpu.memory_space<vmem>>, vector<1x128xf32>
    %add3A_63 = vector.broadcast %get3A_62 : vector<1x128xf32> to vector<512x128xf32>
    %add3A_64 = arith.addf %mul3A_59, %add3A_63 : vector<512x128xf32>
    %swap3A = arith.constant 0 : index
    %swap3A_65 = arith.constant 0 : index
    %swap3A_66 = vector.load %arg14[%swap3A, %swap3A_65] : memref<512x128xf32, #tpu.memory_space<vmem>>, vector<512x128xf32>
    tpu.vector_store %arg14[%swap3A, %swap3A_65], %add3A_64 {strides = array<i32>} : memref<512x128xf32, #tpu.memory_space<vmem>>, vector<512x128xf32>,
    %get3A_67 = arith.constant 0 : index
    %get3A_68 = arith.constant 0 : index
    %get3A_69 = vector.load %arg10[%get3A_67, %get3A_68] : memref<512x8xf32, #tpu.memory_space<vmem>>, vector<512x8xf32>
    %get3A_70 = arith.constant 0 : index
    %get3A_71 = arith.constant 0 : index
    %get3A_72 = vector.load %arg13[%get3A_70, %get3A_71] : memref<8x128xf32, #tpu.memory_space<vmem>>, vector<8x128xf32>
    %dot_general3A_73 = arith.constant dense<0.000000e+00> : vector<512x128xf32>
    %dot_general3A_74 = tpu.matmul %get3A_69, %get3A_72, %dot_general3A_73 {dimension_numbers = #tpu.dot_dimension_numbers<[1], [0], [0], [1], [0, 0, 1, 1], [], []>, precision = #tpu.contract_precision<fp32>, transpose_lhs_hint = false} : vector<512x8xf32>, vector<8x128xf32>, vector<512x128xf32> -> vector<512x128xf32>
    %get3A_75 = arith.constant 0 : index
    %get3A_76 = arith.constant 0 : index
    %get3A_77 = vector.load %arg11[%get3A_75, %get3A_76] : memref<128x128xf32, #tpu.memory_space<vmem>>, vector<128x128xf32>
    %dot_general3A_78 = arith.constant dense<0.000000e+00> : vector<512x128xf32>
    %dot_general3A_79 = tpu.matmul %add3A_64, %get3A_77, %dot_general3A_78 {dimension_numbers = #tpu.dot_dimension_numbers<[1], [0], [0], [1], [0, 0, 1, 1], [], []>, precision = #tpu.contract_precision<fp32>, transpose_lhs_hint = false} : vector<512x128xf32>, vector<128x128xf32>, vector<512x128xf32> -> vector<512x128xf32>
    %add3A_80 = arith.addf %dot_general3A_79, %dot_general3A_74 : vector<512x128xf32>
    %swap3A_81 = arith.constant 0 : index
    %swap3A_82 = arith.constant 0 : index
    %swap3A_83 = vector.load %arg15[%swap3A_81, %swap3A_82] : memref<512x128xf32, #tpu.memory_space<vmem>>, vector<512x128xf32>
    tpu.vector_store %arg15[%swap3A_81, %swap3A_82], %add3A_80 {strides = array<i32>} : memref<512x128xf32, #tpu.memory_space<vmem>>, vector<512x128xf32>,
    %get3A_84 = arith.constant 0 : index
    %get3A_85 = arith.constant 0 : index
    %get3A_86 = vector.load %arg12[%get3A_84, %get3A_85] : memref<128x128xf32, #tpu.memory_space<vmem>>, vector<128x128xf32>
    %dot_general3A_87 = arith.constant dense<0.000000e+00> : vector<512x128xf32>
    %dot_general3A_88 = tpu.matmul %add3A_64, %get3A_86, %dot_general3A_87 {dimension_numbers = #tpu.dot_dimension_numbers<[1], [0], [0], [1], [0, 0, 1, 1], [], []>, precision = #tpu.contract_precision<fp32>, transpose_lhs_hint = false} : vector<512x128xf32>, vector<128x128xf32>, vector<512x128xf32> -> vector<512x128xf32>
    %sub3A_89 = arith.subf %dot_general3A_88, %dot_general3A_74 : vector<512x128xf32>
    %swap3A_90 = arith.constant 0 : index
    %swap3A_91 = arith.constant 0 : index
    %swap3A_92 = vector.load %arg16[%swap3A_90, %swap3A_91] : memref<512x128xf32, #tpu.memory_space<vmem>>, vector<512x128xf32>
    tpu.vector_store %arg16[%swap3A_90, %swap3A_91], %sub3A_89 {strides = array<i32>} : memref<512x128xf32, #tpu.memory_space<vmem>>, vector<512x128xf32>,
    return
  }
  func.func @transform_0(%arg0: i32) -> (i32, i32) {
    %c0_i32 = arith.constant 0 : i32
    %c0_i32_0 = arith.constant 0 : i32
    return %arg0, %c0_i32 : i32, i32
  }
  func.func @transform_1(%arg0: i32) -> (i32, i32, i32) {
    %c0_i32 = arith.constant 0 : i32
    %c0_i32_0 = arith.constant 0 : i32
    %c0_i32_1 = arith.constant 0 : i32
    return %c0_i32, %arg0, %c0_i32_0 : i32, i32, i32
  }
  func.func @transform_2(%arg0: i32) -> (i32, i32) {
    %c0_i32 = arith.constant 0 : i32
    %c0_i32_0 = arith.constant 0 : i32
    %c0_i32_1 = arith.constant 0 : i32
    return %c0_i32, %c0_i32_0 : i32, i32
  }
  func.func @transform_3(%arg0: i32) -> (i32, i32) {
    %c0_i32 = arith.constant 0 : i32
    %c0_i32_0 = arith.constant 0 : i32
    %c0_i32_1 = arith.constant 0 : i32
    return %c0_i32, %c0_i32_0 : i32, i32
  }
  func.func @transform_4(%arg0: i32) -> (i32, i32) {
    %c0_i32 = arith.constant 0 : i32
    %c0_i32_0 = arith.constant 0 : i32
    %c0_i32_1 = arith.constant 0 : i32
    return %c0_i32, %c0_i32_0 : i32, i32
  }
  func.func @transform_5(%arg0: i32) -> (i32, i32) {
    %c0_i32 = arith.constant 0 : i32
    %c0_i32_0 = arith.constant 0 : i32
    %c0_i32_1 = arith.constant 0 : i32
    return %c0_i32, %c0_i32_0 : i32, i32
  }
  func.func @transform_6(%arg0: i32) -> (i32, i32) {
    %c0_i32 = arith.constant 0 : i32
    %c0_i32_0 = arith.constant 0 : i32
    %c0_i32_1 = arith.constant 0 : i32
    return %c0_i32, %c0_i32_0 : i32, i32
  }
  func.func @transform_7(%arg0: i32) -> (i32, i32) {
    %c0_i32 = arith.constant 0 : i32
    %c0_i32_0 = arith.constant 0 : i32
    %c0_i32_1 = arith.constant 0 : i32
    return %c0_i32, %c0_i32_0 : i32, i32
  }
  func.func @transform_8(%arg0: i32) -> (i32, i32) {
    %c0_i32 = arith.constant 0 : i32
    %c0_i32_0 = arith.constant 0 : i32
    %c0_i32_1 = arith.constant 0 : i32
    return %c0_i32, %c0_i32_0 : i32, i32
  }
  func.func @transform_9(%arg0: i32) -> (i32, i32) {
    %c0_i32 = arith.constant 0 : i32
    %c0_i32_0 = arith.constant 0 : i32
    return %arg0, %c0_i32 : i32, i32
  }
  func.func @transform_10(%arg0: i32) -> (i32, i32) {
    %c0_i32 = arith.constant 0 : i32
    %c0_i32_0 = arith.constant 0 : i32
    %c0_i32_1 = arith.constant 0 : i32
    return %c0_i32, %c0_i32_0 : i32, i32
  }
  func.func @transform_11(%arg0: i32) -> (i32, i32) {
    %c0_i32 = arith.constant 0 : i32
    %c0_i32_0 = arith.constant 0 : i32
    %c0_i32_1 = arith.constant 0 : i32
    return %c0_i32, %c0_i32_0 : i32, i32
  }
  func.func @transform_12(%arg0: i32) -> (i32, i32) {
    %c0_i32 = arith.constant 0 : i32
    %c0_i32_0 = arith.constant 0 : i32
    %c0_i32_1 = arith.constant 0 : i32
    return %c0_i32, %c0_i32_0 : i32, i32
  }
  func.func @transform_13(%arg0: i32) -> (i32, i32) {
    %c0_i32 = arith.constant 0 : i32
    %c0_i32_0 = arith.constant 0 : i32
    return %arg0, %c0_i32 : i32, i32
  }
  func.func @transform_14(%arg0: i32) -> (i32, i32) {
    %c0_i32 = arith.constant 0 : i32
    %c0_i32_0 = arith.constant 0 : i32
    return %arg0, %c0_i32 : i32, i32
  }
  func.func @transform_15(%arg0: i32) -> (i32, i32) {
    %c0_i32 = arith.constant 0 : i32
    %c0_i32_0 = arith.constant 0 : i32
    return %arg0, %c0_i32 : i32, i32
  }
}

module attributes {stable_mosaic.version = 14 : i64} {
  func.func @_upd_last_body(%arg0: i32, %arg1: memref<512x128xf32, #tpu.memory_space<vmem>>, %arg2: memref<2x512x128xf32, #tpu.memory_space<vmem>>, %arg3: memref<128x128xf32, #tpu.memory_space<vmem>>, %arg4: memref<128x128xf32, #tpu.memory_space<vmem>>, %arg5: memref<1x128xf32, #tpu.memory_space<vmem>>, %arg6: memref<128x128xf32, #tpu.memory_space<vmem>>, %arg7: memref<1x128xf32, #tpu.memory_space<vmem>>, %arg8: memref<1x128xf32, #tpu.memory_space<vmem>>, %arg9: memref<1x128xf32, #tpu.memory_space<vmem>>, %arg10: memref<512x128xf32, #tpu.memory_space<vmem>>) attributes {dimension_semantics = [#tpu.dimension_semantics<arbitrary>], iteration_bounds = array<i64: 20>, scalar_prefetch = 0 : i64, scratch_operands = 0 : i64, tpu.core_type = #tpu.core_type<tc>, window_params = [{transform_indices = @transform_0, window_bounds = array<i64: 512, 128>}, {transform_indices = @transform_1, window_bounds = array<i64: 2, 512, 128>}, {pipeline_mode = #tpu.pipeline_mode<synchronous>, transform_indices = @transform_2, window_bounds = array<i64: 128, 128>}, {pipeline_mode = #tpu.pipeline_mode<synchronous>, transform_indices = @transform_3, window_bounds = array<i64: 128, 128>}, {pipeline_mode = #tpu.pipeline_mode<synchronous>, transform_indices = @transform_4, window_bounds = array<i64: 1, 128>}, {pipeline_mode = #tpu.pipeline_mode<synchronous>, transform_indices = @transform_5, window_bounds = array<i64: 128, 128>}, {pipeline_mode = #tpu.pipeline_mode<synchronous>, transform_indices = @transform_6, window_bounds = array<i64: 1, 128>}, {pipeline_mode = #tpu.pipeline_mode<synchronous>, transform_indices = @transform_7, window_bounds = array<i64: 1, 128>}, {pipeline_mode = #tpu.pipeline_mode<synchronous>, transform_indices = @transform_8, window_bounds = array<i64: 1, 128>}, {transform_indices = @transform_9, window_bounds = array<i64: 512, 128>}]} {
    %get3A = arith.constant 0 : index
    %get3A_0 = arith.constant 0 : index
    %get3A_1 = vector.load %arg1[%get3A, %get3A_0] : memref<512x128xf32, #tpu.memory_space<vmem>>, vector<512x128xf32>
    %get3A_2 = arith.constant 0 : index
    %get3A_3 = arith.constant 0 : index
    %get3A_4 = arith.constant 0 : index
    %get3A_5 = vector.load %arg2[%get3A_2, %get3A_3, %get3A_4] : memref<2x512x128xf32, #tpu.memory_space<vmem>>, vector<1x512x128xf32>
    %get3A_6 = vector.shape_cast %get3A_5 : vector<1x512x128xf32> to vector<512x128xf32>
    %get3A_7 = arith.constant 1 : index
    %get3A_8 = arith.constant 0 : index
    %get3A_9 = arith.constant 0 : index
    %get3A_10 = vector.load %arg2[%get3A_7, %get3A_8, %get3A_9] : memref<2x512x128xf32, #tpu.memory_space<vmem>>, vector<1x512x128xf32>
    %get3A_11 = vector.shape_cast %get3A_10 : vector<1x512x128xf32> to vector<512x128xf32>
    %add3A = arith.addf %get3A_6, %get3A_11 : vector<512x128xf32>
    %get3A_12 = arith.constant 0 : index
    %get3A_13 = arith.constant 0 : index
    %get3A_14 = vector.load %arg3[%get3A_12, %get3A_13] : memref<128x128xf32, #tpu.memory_space<vmem>>, vector<128x128xf32>
    %dot_general3A = arith.constant dense<0.000000e+00> : vector<512x128xf32>
    %dot_general3A_15 = tpu.matmul %get3A_1, %get3A_14, %dot_general3A {dimension_numbers = #tpu.dot_dimension_numbers<[1], [0], [0], [1], [0, 0, 1, 1], [], []>, precision = #tpu.contract_precision<fp32>, transpose_lhs_hint = false} : vector<512x128xf32>, vector<128x128xf32>, vector<512x128xf32> -> vector<512x128xf32>
    %get3A_16 = arith.constant 0 : index
    %get3A_17 = arith.constant 0 : index
    %get3A_18 = vector.load %arg4[%get3A_16, %get3A_17] : memref<128x128xf32, #tpu.memory_space<vmem>>, vector<128x128xf32>
    %dot_general3A_19 = arith.constant dense<0.000000e+00> : vector<512x128xf32>
    %dot_general3A_20 = tpu.matmul %add3A, %get3A_18, %dot_general3A_19 {dimension_numbers = #tpu.dot_dimension_numbers<[1], [0], [0], [1], [0, 0, 1, 1], [], []>, precision = #tpu.contract_precision<fp32>, transpose_lhs_hint = false} : vector<512x128xf32>, vector<128x128xf32>, vector<512x128xf32> -> vector<512x128xf32>
    %add3A_21 = arith.addf %dot_general3A_15, %dot_general3A_20 : vector<512x128xf32>
    %get3A_22 = arith.constant 0 : index
    %get3A_23 = arith.constant 0 : index
    %get3A_24 = vector.load %arg5[%get3A_22, %get3A_23] : memref<1x128xf32, #tpu.memory_space<vmem>>, vector<1x128xf32>
    %add3A_25 = vector.broadcast %get3A_24 : vector<1x128xf32> to vector<512x128xf32>
    %add3A_26 = arith.addf %add3A_21, %add3A_25 : vector<512x128xf32>
    %max3A = arith.constant 0.000000e+00 : f32
    %max3A_27 = vector.broadcast %max3A : f32 to vector<512x128xf32>
    %max3A_28 = arith.maximumf %add3A_26, %max3A_27 : vector<512x128xf32>
    %get3A_29 = arith.constant 0 : index
    %get3A_30 = arith.constant 0 : index
    %get3A_31 = vector.load %arg6[%get3A_29, %get3A_30] : memref<128x128xf32, #tpu.memory_space<vmem>>, vector<128x128xf32>
    %dot_general3A_32 = arith.constant dense<0.000000e+00> : vector<512x128xf32>
    %dot_general3A_33 = tpu.matmul %max3A_28, %get3A_31, %dot_general3A_32 {dimension_numbers = #tpu.dot_dimension_numbers<[1], [0], [0], [1], [0, 0, 1, 1], [], []>, precision = #tpu.contract_precision<fp32>, transpose_lhs_hint = false} : vector<512x128xf32>, vector<128x128xf32>, vector<512x128xf32> -> vector<512x128xf32>
    %add3A_34 = arith.addf %get3A_1, %dot_general3A_33 : vector<512x128xf32>
    %get3A_35 = arith.constant 0 : index
    %get3A_36 = arith.constant 0 : index
    %get3A_37 = vector.load %arg7[%get3A_35, %get3A_36] : memref<1x128xf32, #tpu.memory_space<vmem>>, vector<1x128xf32>
    %add3A_38 = vector.broadcast %get3A_37 : vector<1x128xf32> to vector<512x128xf32>
    %add3A_39 = arith.addf %add3A_34, %add3A_38 : vector<512x128xf32>
    %reduce_sum3A = arith.constant dense<0.000000e+00> : vector<512xf32>
    %reduce_sum3A_40 = vector.multi_reduction <add>, %add3A_39, %reduce_sum3A [1] : vector<512x128xf32> to vector<512xf32>
    %broadcast_in_dim3A = vector.shape_cast %reduce_sum3A_40 : vector<512xf32> to vector<512x1xf32>
    %div3A = arith.constant 1.280000e+02 : f32
    %div3A_41 = vector.broadcast %div3A : f32 to vector<512x1xf32>
    %div3A_42 = arith.divf %broadcast_in_dim3A, %div3A_41 : vector<512x1xf32>
    %sub3A = vector.broadcast %div3A_42 : vector<512x1xf32> to vector<512x128xf32>
    %sub3A_43 = arith.subf %add3A_39, %sub3A : vector<512x128xf32>
    %mul3A = arith.mulf %sub3A_43, %sub3A_43 : vector<512x128xf32>
    %reduce_sum3A_44 = arith.constant dense<0.000000e+00> : vector<512xf32>
    %reduce_sum3A_45 = vector.multi_reduction <add>, %mul3A, %reduce_sum3A_44 [1] : vector<512x128xf32> to vector<512xf32>
    %broadcast_in_dim3A_46 = vector.shape_cast %reduce_sum3A_45 : vector<512xf32> to vector<512x1xf32>
    %div3A_47 = arith.constant 1.280000e+02 : f32
    %div3A_48 = vector.broadcast %div3A_47 : f32 to vector<512x1xf32>
    %div3A_49 = arith.divf %broadcast_in_dim3A_46, %div3A_48 : vector<512x1xf32>
    %add3A_50 = arith.constant 9.99999974E-6 : f32
    %add3A_51 = vector.broadcast %add3A_50 : f32 to vector<512x1xf32>
    %add3A_52 = arith.addf %div3A_49, %add3A_51 : vector<512x1xf32>
    %rsqrt3A = math.rsqrt %add3A_52 : vector<512x1xf32>
    %mul3A_53 = vector.broadcast %rsqrt3A : vector<512x1xf32> to vector<512x128xf32>
    %mul3A_54 = arith.mulf %sub3A_43, %mul3A_53 : vector<512x128xf32>
    %get3A_55 = arith.constant 0 : index
    %get3A_56 = arith.constant 0 : index
    %get3A_57 = vector.load %arg8[%get3A_55, %get3A_56] : memref<1x128xf32, #tpu.memory_space<vmem>>, vector<1x128xf32>
    %mul3A_58 = vector.broadcast %get3A_57 : vector<1x128xf32> to vector<512x128xf32>
    %mul3A_59 = arith.mulf %mul3A_54, %mul3A_58 : vector<512x128xf32>
    %get3A_60 = arith.constant 0 : index
    %get3A_61 = arith.constant 0 : index
    %get3A_62 = vector.load %arg9[%get3A_60, %get3A_61] : memref<1x128xf32, #tpu.memory_space<vmem>>, vector<1x128xf32>
    %add3A_63 = vector.broadcast %get3A_62 : vector<1x128xf32> to vector<512x128xf32>
    %add3A_64 = arith.addf %mul3A_59, %add3A_63 : vector<512x128xf32>
    %swap3A = arith.constant 0 : index
    %swap3A_65 = arith.constant 0 : index
    %swap3A_66 = vector.load %arg10[%swap3A, %swap3A_65] : memref<512x128xf32, #tpu.memory_space<vmem>>, vector<512x128xf32>
    tpu.vector_store %arg10[%swap3A, %swap3A_65], %add3A_64 {strides = array<i32>} : memref<512x128xf32, #tpu.memory_space<vmem>>, vector<512x128xf32>,
    return
  }
  func.func @transform_0(%arg0: i32) -> (i32, i32) {
    %c0_i32 = arith.constant 0 : i32
    %c0_i32_0 = arith.constant 0 : i32
    return %arg0, %c0_i32 : i32, i32
  }
  func.func @transform_1(%arg0: i32) -> (i32, i32, i32) {
    %c0_i32 = arith.constant 0 : i32
    %c0_i32_0 = arith.constant 0 : i32
    %c0_i32_1 = arith.constant 0 : i32
    return %c0_i32, %arg0, %c0_i32_0 : i32, i32, i32
  }
  func.func @transform_2(%arg0: i32) -> (i32, i32) {
    %c0_i32 = arith.constant 0 : i32
    %c0_i32_0 = arith.constant 0 : i32
    %c0_i32_1 = arith.constant 0 : i32
    return %c0_i32, %c0_i32_0 : i32, i32
  }
  func.func @transform_3(%arg0: i32) -> (i32, i32) {
    %c0_i32 = arith.constant 0 : i32
    %c0_i32_0 = arith.constant 0 : i32
    %c0_i32_1 = arith.constant 0 : i32
    return %c0_i32, %c0_i32_0 : i32, i32
  }
  func.func @transform_4(%arg0: i32) -> (i32, i32) {
    %c0_i32 = arith.constant 0 : i32
    %c0_i32_0 = arith.constant 0 : i32
    %c0_i32_1 = arith.constant 0 : i32
    return %c0_i32, %c0_i32_0 : i32, i32
  }
  func.func @transform_5(%arg0: i32) -> (i32, i32) {
    %c0_i32 = arith.constant 0 : i32
    %c0_i32_0 = arith.constant 0 : i32
    %c0_i32_1 = arith.constant 0 : i32
    return %c0_i32, %c0_i32_0 : i32, i32
  }
  func.func @transform_6(%arg0: i32) -> (i32, i32) {
    %c0_i32 = arith.constant 0 : i32
    %c0_i32_0 = arith.constant 0 : i32
    %c0_i32_1 = arith.constant 0 : i32
    return %c0_i32, %c0_i32_0 : i32, i32
  }
  func.func @transform_7(%arg0: i32) -> (i32, i32) {
    %c0_i32 = arith.constant 0 : i32
    %c0_i32_0 = arith.constant 0 : i32
    %c0_i32_1 = arith.constant 0 : i32
    return %c0_i32, %c0_i32_0 : i32, i32
  }
  func.func @transform_8(%arg0: i32) -> (i32, i32) {
    %c0_i32 = arith.constant 0 : i32
    %c0_i32_0 = arith.constant 0 : i32
    %c0_i32_1 = arith.constant 0 : i32
    return %c0_i32, %c0_i32_0 : i32, i32
  }
  func.func @transform_9(%arg0: i32) -> (i32, i32) {
    %c0_i32 = arith.constant 0 : i32
    %c0_i32_0 = arith.constant 0 : i32
    return %arg0, %c0_i32 : i32, i32
  }
}

module attributes {stable_mosaic.version = 14 : i64} {
  func.func @_pool_body(%arg0: i32, %arg1: memref<512x128xf32, #tpu.memory_space<vmem>>, %arg2: memref<1x128xf32, #tpu.memory_space<vmem>>) attributes {dimension_semantics = [#tpu.dimension_semantics<arbitrary>], iteration_bounds = array<i64: 20>, scalar_prefetch = 0 : i64, scratch_operands = 0 : i64, tpu.core_type = #tpu.core_type<tc>, window_params = [{transform_indices = @transform_0, window_bounds = array<i64: 512, 128>}, {pipeline_mode = #tpu.pipeline_mode<synchronous>, transform_indices = @transform_1, window_bounds = array<i64: 1, 128>}]} {
    %eq3A = arith.constant 0 : i32
    %eq3A_0 = arith.cmpi eq, %arg0, %eq3A : i32
    %convert_element_type3A = arith.extui %eq3A_0 : i1 to i32
    %cond3A = arith.constant 0 : i32
    %cond3A_1 = arith.cmpi ne, %convert_element_type3A, %cond3A : i32
    scf.if %cond3A_1 {
      %broadcast_in_dim3A_18 = arith.constant 0.000000e+00 : f32
      %broadcast_in_dim3A_19 = vector.broadcast %broadcast_in_dim3A_18 : f32 to vector<1x128xf32>
      %swap3A_20 = arith.constant 0 : index
      %swap3A_21 = arith.constant 0 : index
      %swap3A_22 = vector.load %arg2[%swap3A_20, %swap3A_21] : memref<1x128xf32, #tpu.memory_space<vmem>>, vector<1x128xf32>
      tpu.vector_store %arg2[%swap3A_20, %swap3A_21], %broadcast_in_dim3A_19 {strides = array<i32>} : memref<1x128xf32, #tpu.memory_space<vmem>>, vector<1x128xf32>,
    } else {
    }
    %iota3A = tpu.iota {dimensions = array<i32: 0>} : vector<512x1xi32>
    %mul3A = arith.constant 512 : i32
    %mul3A_2 = arith.muli %arg0, %mul3A : i32
    %add3A = vector.broadcast %mul3A_2 : i32 to vector<512x1xi32>
    %add3A_3 = arith.addi %iota3A, %add3A : vector<512x1xi32>
    %lt3A = arith.constant 10000 : i32
    %lt3A_4 = vector.broadcast %lt3A : i32 to vector<512x1xi32>
    %lt3A_5 = arith.cmpi slt, %add3A_3, %lt3A_4 : vector<512x1xi32>
    %get3A = arith.constant 0 : index
    %get3A_6 = arith.constant 0 : index
    %get3A_7 = vector.load %arg1[%get3A, %get3A_6] : memref<512x128xf32, #tpu.memory_space<vmem>>, vector<512x128xf32>
    %jit3A = arith.constant 0.000000e+00 : f32
    %broadcast_in_dim3A = vector.shape_cast %lt3A_5 : vector<512x1xi1> to vector<512x1xi1>
    %broadcast_in_dim3A_8 = vector.broadcast %broadcast_in_dim3A : vector<512x1xi1> to vector<512x128xi1>
    %broadcast_in_dim3A_9 = vector.broadcast %jit3A : f32 to vector<512x128xf32>
    %select_n3A = arith.select %broadcast_in_dim3A_8, %get3A_7, %broadcast_in_dim3A_9 : vector<512x128xi1>, vector<512x128xf32>
    %get3A_10 = arith.constant 0 : index
    %get3A_11 = arith.constant 0 : index
    %get3A_12 = vector.load %arg2[%get3A_10, %get3A_11] : memref<1x128xf32, #tpu.memory_space<vmem>>, vector<1x128xf32>
    %reduce_sum3A = arith.constant dense<0.000000e+00> : vector<128xf32>
    %reduce_sum3A_13 = vector.multi_reduction <add>, %select_n3A, %reduce_sum3A [0] : vector<512x128xf32> to vector<128xf32>
    %broadcast_in_dim3A_14 = vector.shape_cast %reduce_sum3A_13 : vector<128xf32> to vector<1x128xf32>
    %add3A_15 = arith.addf %get3A_12, %broadcast_in_dim3A_14 : vector<1x128xf32>
    %swap3A = arith.constant 0 : index
    %swap3A_16 = arith.constant 0 : index
    %swap3A_17 = vector.load %arg2[%swap3A, %swap3A_16] : memref<1x128xf32, #tpu.memory_space<vmem>>, vector<1x128xf32>
    tpu.vector_store %arg2[%swap3A, %swap3A_16], %add3A_15 {strides = array<i32>} : memref<1x128xf32, #tpu.memory_space<vmem>>, vector<1x128xf32>,
    return
  }
  func.func @transform_0(%arg0: i32) -> (i32, i32) {
    %c0_i32 = arith.constant 0 : i32
    %c0_i32_0 = arith.constant 0 : i32
    return %arg0, %c0_i32 : i32, i32
  }
  func.func @transform_1(%arg0: i32) -> (i32, i32) {
    %c0_i32 = arith.constant 0 : i32
    %c0_i32_0 = arith.constant 0 : i32
    %c0_i32_1 = arith.constant 0 : i32
    return %c0_i32, %c0_i32_0 : i32, i32
  }
}

module attributes {stable_mosaic.version = 14 : i64} {
  func.func @_dec_body(%arg0: i32, %arg1: memref<512x128xf32, #tpu.memory_space<vmem>>, %arg2: memref<128x128xf32, #tpu.memory_space<vmem>>, %arg3: memref<1x128xf32, #tpu.memory_space<vmem>>, %arg4: memref<128x16xf32, #tpu.memory_space<vmem>>, %arg5: memref<1x16xf32, #tpu.memory_space<vmem>>, %arg6: memref<512x16xf32, #tpu.memory_space<vmem>>, %arg7: memref<1x16xf32, #tpu.memory_space<vmem>>, %arg8: memref<512x16xf32, #tpu.memory_space<vmem>>, %arg9: memref<512x16xf32, #tpu.memory_space<vmem>>) attributes {dimension_semantics = [#tpu.dimension_semantics<arbitrary>], iteration_bounds = array<i64: 20>, scalar_prefetch = 0 : i64, scratch_operands = 0 : i64, tpu.core_type = #tpu.core_type<tc>, window_params = [{transform_indices = @transform_0, window_bounds = array<i64: 512, 128>}, {pipeline_mode = #tpu.pipeline_mode<synchronous>, transform_indices = @transform_1, window_bounds = array<i64: 128, 128>}, {pipeline_mode = #tpu.pipeline_mode<synchronous>, transform_indices = @transform_2, window_bounds = array<i64: 1, 128>}, {pipeline_mode = #tpu.pipeline_mode<synchronous>, transform_indices = @transform_3, window_bounds = array<i64: 128, 16>}, {pipeline_mode = #tpu.pipeline_mode<synchronous>, transform_indices = @transform_4, window_bounds = array<i64: 1, 16>}, {transform_indices = @transform_5, window_bounds = array<i64: 512, 16>}, {pipeline_mode = #tpu.pipeline_mode<synchronous>, transform_indices = @transform_6, window_bounds = array<i64: 1, 16>}, {transform_indices = @transform_7, window_bounds = array<i64: 512, 16>}, {transform_indices = @transform_8, window_bounds = array<i64: 512, 16>}]} {
    %get3A = arith.constant 0 : index
    %get3A_0 = arith.constant 0 : index
    %get3A_1 = vector.load %arg1[%get3A, %get3A_0] : memref<512x128xf32, #tpu.memory_space<vmem>>, vector<512x128xf32>
    %get3A_2 = arith.constant 0 : index
    %get3A_3 = arith.constant 0 : index
    %get3A_4 = vector.load %arg2[%get3A_2, %get3A_3] : memref<128x128xf32, #tpu.memory_space<vmem>>, vector<128x128xf32>
    %dot_general3A = arith.constant dense<0.000000e+00> : vector<512x128xf32>
    %dot_general3A_5 = tpu.matmul %get3A_1, %get3A_4, %dot_general3A {dimension_numbers = #tpu.dot_dimension_numbers<[1], [0], [0], [1], [0, 0, 1, 1], [], []>, precision = #tpu.contract_precision<fp32>, transpose_lhs_hint = false} : vector<512x128xf32>, vector<128x128xf32>, vector<512x128xf32> -> vector<512x128xf32>
    %get3A_6 = arith.constant 0 : index
    %get3A_7 = arith.constant 0 : index
    %get3A_8 = vector.load %arg3[%get3A_6, %get3A_7] : memref<1x128xf32, #tpu.memory_space<vmem>>, vector<1x128xf32>
    %add3A = vector.broadcast %get3A_8 : vector<1x128xf32> to vector<512x128xf32>
    %add3A_9 = arith.addf %dot_general3A_5, %add3A : vector<512x128xf32>
    %max3A = arith.constant 0.000000e+00 : f32
    %max3A_10 = vector.broadcast %max3A : f32 to vector<512x128xf32>
    %max3A_11 = arith.maximumf %add3A_9, %max3A_10 : vector<512x128xf32>
    %get3A_12 = arith.constant 0 : index
    %get3A_13 = arith.constant 0 : index
    %get3A_14 = vector.load %arg4[%get3A_12, %get3A_13] : memref<128x16xf32, #tpu.memory_space<vmem>>, vector<128x16xf32>
    %dot_general3A_15 = arith.constant dense<0.000000e+00> : vector<512x16xf32>
    %dot_general3A_16 = tpu.matmul %max3A_11, %get3A_14, %dot_general3A_15 {dimension_numbers = #tpu.dot_dimension_numbers<[1], [0], [0], [1], [0, 0, 1, 1], [], []>, precision = #tpu.contract_precision<fp32>, transpose_lhs_hint = false} : vector<512x128xf32>, vector<128x16xf32>, vector<512x16xf32> -> vector<512x16xf32>
    %get3A_17 = arith.constant 0 : index
    %get3A_18 = arith.constant 0 : index
    %get3A_19 = vector.load %arg5[%get3A_17, %get3A_18] : memref<1x16xf32, #tpu.memory_space<vmem>>, vector<1x16xf32>
    %add3A_20 = vector.broadcast %get3A_19 : vector<1x16xf32> to vector<512x16xf32>
    %add3A_21 = arith.addf %dot_general3A_16, %add3A_20 : vector<512x16xf32>
    %get3A_22 = arith.constant 0 : index
    %get3A_23 = arith.constant 0 : index
    %get3A_24 = vector.load %arg6[%get3A_22, %get3A_23] : memref<512x16xf32, #tpu.memory_space<vmem>>, vector<512x16xf32>
    %add3A_25 = arith.addf %add3A_21, %get3A_24 : vector<512x16xf32>
    %swap3A = arith.constant 0 : index
    %swap3A_26 = arith.constant 0 : index
    %swap3A_27 = vector.load %arg8[%swap3A, %swap3A_26] : memref<512x16xf32, #tpu.memory_space<vmem>>, vector<512x16xf32>
    tpu.vector_store %arg8[%swap3A, %swap3A_26], %add3A_25 {strides = array<i32>} : memref<512x16xf32, #tpu.memory_space<vmem>>, vector<512x16xf32>,
    %get3A_28 = arith.constant 0 : index
    %get3A_29 = arith.constant 0 : index
    %get3A_30 = vector.load %arg7[%get3A_28, %get3A_29] : memref<1x16xf32, #tpu.memory_space<vmem>>, vector<1x16xf32>
    %div3A = vector.broadcast %get3A_30 : vector<1x16xf32> to vector<512x16xf32>
    %div3A_31 = arith.divf %add3A_25, %div3A : vector<512x16xf32>
    %floor3A = math.floor %div3A_31 : vector<512x16xf32>
    %mul3A = vector.broadcast %get3A_30 : vector<1x16xf32> to vector<512x16xf32>
    %mul3A_32 = arith.mulf %mul3A, %floor3A : vector<512x16xf32>
    %sub3A = arith.subf %add3A_25, %mul3A_32 : vector<512x16xf32>
    %swap3A_33 = arith.constant 0 : index
    %swap3A_34 = arith.constant 0 : index
    %swap3A_35 = vector.load %arg9[%swap3A_33, %swap3A_34] : memref<512x16xf32, #tpu.memory_space<vmem>>, vector<512x16xf32>
    tpu.vector_store %arg9[%swap3A_33, %swap3A_34], %sub3A {strides = array<i32>} : memref<512x16xf32, #tpu.memory_space<vmem>>, vector<512x16xf32>,
    return
  }
  func.func @transform_0(%arg0: i32) -> (i32, i32) {
    %c0_i32 = arith.constant 0 : i32
    %c0_i32_0 = arith.constant 0 : i32
    return %arg0, %c0_i32 : i32, i32
  }
  func.func @transform_1(%arg0: i32) -> (i32, i32) {
    %c0_i32 = arith.constant 0 : i32
    %c0_i32_0 = arith.constant 0 : i32
    %c0_i32_1 = arith.constant 0 : i32
    return %c0_i32, %c0_i32_0 : i32, i32
  }
  func.func @transform_2(%arg0: i32) -> (i32, i32) {
    %c0_i32 = arith.constant 0 : i32
    %c0_i32_0 = arith.constant 0 : i32
    %c0_i32_1 = arith.constant 0 : i32
    return %c0_i32, %c0_i32_0 : i32, i32
  }
  func.func @transform_3(%arg0: i32) -> (i32, i32) {
    %c0_i32 = arith.constant 0 : i32
    %c0_i32_0 = arith.constant 0 : i32
    %c0_i32_1 = arith.constant 0 : i32
    return %c0_i32, %c0_i32_0 : i32, i32
  }
  func.func @transform_4(%arg0: i32) -> (i32, i32) {
    %c0_i32 = arith.constant 0 : i32
    %c0_i32_0 = arith.constant 0 : i32
    %c0_i32_1 = arith.constant 0 : i32
    return %c0_i32, %c0_i32_0 : i32, i32
  }
  func.func @transform_5(%arg0: i32) -> (i32, i32) {
    %c0_i32 = arith.constant 0 : i32
    %c0_i32_0 = arith.constant 0 : i32
    return %arg0, %c0_i32 : i32, i32
  }
  func.func @transform_6(%arg0: i32) -> (i32, i32) {
    %c0_i32 = arith.constant 0 : i32
    %c0_i32_0 = arith.constant 0 : i32
    %c0_i32_1 = arith.constant 0 : i32
    return %c0_i32, %c0_i32_0 : i32, i32
  }
  func.func @transform_7(%arg0: i32) -> (i32, i32) {
    %c0_i32 = arith.constant 0 : i32
    %c0_i32_0 = arith.constant 0 : i32
    return %arg0, %c0_i32 : i32, i32
  }
  func.func @transform_8(%arg0: i32) -> (i32, i32) {
    %c0_i32 = arith.constant 0 : i32
    %c0_i32_0 = arith.constant 0 : i32
    return %arg0, %c0_i32 : i32, i32
  }
}

module attributes {stable_mosaic.version = 14 : i64} {
  func.func @_macro_body(%arg0: i32, %arg1: memref<1x128xf32, #tpu.memory_space<vmem>>, %arg2: memref<128x128xf32, #tpu.memory_space<vmem>>, %arg3: memref<1x128xf32, #tpu.memory_space<vmem>>, %arg4: memref<128x16xf32, #tpu.memory_space<vmem>>, %arg5: memref<1x16xf32, #tpu.memory_space<vmem>>, %arg6: memref<1x16xf32, #tpu.memory_space<vmem>>) attributes {dimension_semantics = [#tpu.dimension_semantics<arbitrary>], iteration_bounds = array<i64: 1>, scalar_prefetch = 0 : i64, scratch_operands = 0 : i64, tpu.core_type = #tpu.core_type<tc>, window_params = [{pipeline_mode = #tpu.pipeline_mode<synchronous>, transform_indices = @transform_0, window_bounds = array<i64: 1, 128>}, {pipeline_mode = #tpu.pipeline_mode<synchronous>, transform_indices = @transform_1, window_bounds = array<i64: 128, 128>}, {pipeline_mode = #tpu.pipeline_mode<synchronous>, transform_indices = @transform_2, window_bounds = array<i64: 1, 128>}, {pipeline_mode = #tpu.pipeline_mode<synchronous>, transform_indices = @transform_3, window_bounds = array<i64: 128, 16>}, {pipeline_mode = #tpu.pipeline_mode<synchronous>, transform_indices = @transform_4, window_bounds = array<i64: 1, 16>}, {pipeline_mode = #tpu.pipeline_mode<synchronous>, transform_indices = @transform_5, window_bounds = array<i64: 1, 16>}]} {
    %get3A = arith.constant 0 : index
    %get3A_0 = arith.constant 0 : index
    %get3A_1 = vector.load %arg1[%get3A, %get3A_0] : memref<1x128xf32, #tpu.memory_space<vmem>>, vector<1x128xf32>
    %mul3A = arith.constant 9.99999974E-5 : f32
    %mul3A_2 = vector.broadcast %mul3A : f32 to vector<1x128xf32>
    %mul3A_3 = arith.mulf %get3A_1, %mul3A_2 : vector<1x128xf32>
    %get3A_4 = arith.constant 0 : index
    %get3A_5 = arith.constant 0 : index
    %get3A_6 = vector.load %arg2[%get3A_4, %get3A_5] : memref<128x128xf32, #tpu.memory_space<vmem>>, vector<128x128xf32>
    %dot_general3A = arith.constant dense<0.000000e+00> : vector<1x128xf32>
    %dot_general3A_7 = tpu.matmul %mul3A_3, %get3A_6, %dot_general3A {dimension_numbers = #tpu.dot_dimension_numbers<[1], [0], [0], [1], [0, 0, 1, 1], [], []>, precision = #tpu.contract_precision<fp32>, transpose_lhs_hint = false} : vector<1x128xf32>, vector<128x128xf32>, vector<1x128xf32> -> vector<1x128xf32>
    %get3A_8 = arith.constant 0 : index
    %get3A_9 = arith.constant 0 : index
    %get3A_10 = vector.load %arg3[%get3A_8, %get3A_9] : memref<1x128xf32, #tpu.memory_space<vmem>>, vector<1x128xf32>
    %add3A = arith.addf %dot_general3A_7, %get3A_10 : vector<1x128xf32>
    %max3A = arith.constant 0.000000e+00 : f32
    %max3A_11 = vector.broadcast %max3A : f32 to vector<1x128xf32>
    %max3A_12 = arith.maximumf %add3A, %max3A_11 : vector<1x128xf32>
    %get3A_13 = arith.constant 0 : index
    %get3A_14 = arith.constant 0 : index
    %get3A_15 = vector.load %arg4[%get3A_13, %get3A_14] : memref<128x16xf32, #tpu.memory_space<vmem>>, vector<128x16xf32>
    %dot_general3A_16 = arith.constant dense<0.000000e+00> : vector<1x16xf32>
    %dot_general3A_17 = tpu.matmul %max3A_12, %get3A_15, %dot_general3A_16 {dimension_numbers = #tpu.dot_dimension_numbers<[1], [0], [0], [1], [0, 0, 1, 1], [], []>, precision = #tpu.contract_precision<fp32>, transpose_lhs_hint = false} : vector<1x128xf32>, vector<128x16xf32>, vector<1x16xf32> -> vector<1x16xf32>
    %get3A_18 = arith.constant 0 : index
    %get3A_19 = arith.constant 0 : index
    %get3A_20 = vector.load %arg5[%get3A_18, %get3A_19] : memref<1x16xf32, #tpu.memory_space<vmem>>, vector<1x16xf32>
    %add3A_21 = arith.addf %dot_general3A_17, %get3A_20 : vector<1x16xf32>
    %swap3A = arith.constant 0 : index
    %swap3A_22 = arith.constant 0 : index
    %swap3A_23 = vector.load %arg6[%swap3A, %swap3A_22] : memref<1x16xf32, #tpu.memory_space<vmem>>, vector<1x16xf32>
    tpu.vector_store %arg6[%swap3A, %swap3A_22], %add3A_21 {strides = array<i32>} : memref<1x16xf32, #tpu.memory_space<vmem>>, vector<1x16xf32>,
    return
  }
  func.func @transform_0(%arg0: i32) -> (i32, i32) {
    %c0_i32 = arith.constant 0 : i32
    %c0_i32_0 = arith.constant 0 : i32
    %c0_i32_1 = arith.constant 0 : i32
    return %c0_i32, %c0_i32_0 : i32, i32
  }
  func.func @transform_1(%arg0: i32) -> (i32, i32) {
    %c0_i32 = arith.constant 0 : i32
    %c0_i32_0 = arith.constant 0 : i32
    %c0_i32_1 = arith.constant 0 : i32
    return %c0_i32, %c0_i32_0 : i32, i32
  }
  func.func @transform_2(%arg0: i32) -> (i32, i32) {
    %c0_i32 = arith.constant 0 : i32
    %c0_i32_0 = arith.constant 0 : i32
    %c0_i32_1 = arith.constant 0 : i32
    return %c0_i32, %c0_i32_0 : i32, i32
  }
  func.func @transform_3(%arg0: i32) -> (i32, i32) {
    %c0_i32 = arith.constant 0 : i32
    %c0_i32_0 = arith.constant 0 : i32
    %c0_i32_1 = arith.constant 0 : i32
    return %c0_i32, %c0_i32_0 : i32, i32
  }
  func.func @transform_4(%arg0: i32) -> (i32, i32) {
    %c0_i32 = arith.constant 0 : i32
    %c0_i32_0 = arith.constant 0 : i32
    %c0_i32_1 = arith.constant 0 : i32
    return %c0_i32, %c0_i32_0 : i32, i32
  }
  func.func @transform_5(%arg0: i32) -> (i32, i32) {
    %c0_i32 = arith.constant 0 : i32
    %c0_i32_0 = arith.constant 0 : i32
    %c0_i32_1 = arith.constant 0 : i32
    return %c0_i32, %c0_i32_0 : i32, i32
  }
}

</mosaic_0001>

<sc_bundles>
// kernel: kernel.32.cloned.1.call-start
scs
__scs_entry_jumppad:
0x0: {  	(pc) =	sbr.rel $0x88, $3  }
0x1: {  	(tag) =	ssettag $0x0;
	lr =	simm.s32 $0x1  }
0x2: {  	[smem:$0x3F50] =	sst lr;
	_ =	strace $0xD0000000  }
0x3: {  	_ = 	snop  }
0x4: {  	_ = 	snop  }
0x5: {  	_ = 	snop  }
0x6: {  	_ = 	snop  }
0x7: {  	_ = 	snop  }
__scs_overlays_trampoline_lowered:
0x8: {  	[smem:$0x3F5F] =	sst s0  }
0x9: {  	[smem:$0x3F60] =	sst s1  }
0xa: {  	[smem:$0x3F61] =	sst s2  }
0xb: {  	[smem:$0x3F62] =	sst s3  }
0xc: {  	[smem:$0x3F63] =	sst s4  }
0xd: {  	[smem:$0x3F64] =	sst s5  }
0xe: {  	[smem:$0x3F65] =	sst s6  }
0xf: {  	[smem:$0x3F66] =	sst s7  }
0x10: {  	[smem:$0x3F67] =	sst s8  }
0x11: {  	[smem:$0x3F68] =	sst s9;
	s0 =	simm.s32 @!p0 $0x0  }
0x12: {  	s1 =	sld [smem:$0x3F4E];
	s0 =	simm.s32 @p0 $0x1  }
0x13: {  	[smem:$0x3F69] =	sst s0;
	s0 =	simm.s32 @!p1 $0x0  }
0x14: {  	s2 =	sld [smem:$0x3F4D];
	s0 =	simm.s32 @p1 $0x1  }
0x15: {  	[smem:$0x3F6A] =	sst s0;
	s0 =	simm.s32 @!p2 $0x0  }
0x16: {  	s3 =	sld [smem:$0x3FDB];
	s0 =	simm.s32 @p2 $0x1  }
0x17: {  	s4 =	simm.s32 $0x1BF5;
	[smem:$0x3F6C] =	sst s0  }
0x18: {  	s0 =	sld [smem:$0x3F4F];
	_ =	swait.ge [sflag:s4], $0x0  }
0x19: {  	s7 =	sld [smem:$0x3F50]  }
0x1a: {  	s8 =	sadd.s32 $0xFFFFE003, lr  }
0x1b: {  	s9 =	sadd.s32 $0xFFFFFEF7, lr;
	s5 =	simm.s32 $0xFFFFFFFF;
	p2 =	slt.u32 s8, $0xFFFFF086  }
0x1c: {  	p1 =	slt.u32 s9, $0xF7A;
	s5 =	simm.s32 @!p2 $0x0  }
0x1d: {  	s5 =	simm.s32 @p1 $0x1;
	p0 =	seq.s32 s7, s2  }
0x1e: {  	s7 =	smul.u32 @!p0 $0xF7A, s2;
	p2 =	seq.s32 @!p0 s5, $0x0  }
0x1f: {  	s9 =	smul.u32 $0xF7A, s1;
	s8 =	simm.s32 @!p0 $0x1BF5;
	p2 =	por !p2, p0  }
0x20: {  	[sflag:s8] =	ssyncset.s32 @!p0 $0xFFFFF086;
	s6 =	sadd.s32 @!p0 s3, s7;
	s7 =	simm.s32 @!p0 $0x108  }
0x21: {  	s3 =	sadd.s32 s3, s9;
	s6 =	sadd.s32 @!p0 $0x88, s6;
	s7 =	simm.s32 @p2 $0x1082  }
0x22: {  	[simem:s7], [sflag:s8] =	dma.local @!p0 [hbm:s6], $0xF7A  }
0x23: {  	s9 =	sor.u32 $0xD0000000, s2;
	s6 =	simm.s32 $0x108;
	_ =	swait.ge @!p0 [sflag:s8], $0x0  }
0x24: {  	s3 =	sadd.s32 $0x88, s3;
	s6 =	simm.s32 @!p1 $0x1082;
	[sflag:s4] =	ssyncset.s32 $0xFFFFF086  }
0x25: {  	[simem:s6], [sflag:s4] =	dma.local [hbm:s3], $0xF7A  }
0x26: {  	[smem:$0x3F50] =	sst s1;
	(tag) =	ssettag s2;
	_ =	strace s9  }
0x27: {  	s1 =	sld [smem:$0x3F60]  }
0x28: {  	s2 =	sld [smem:$0x3F61]  }
0x29: {  	s4 =	sld [smem:$0x3F63]  }
0x2a: {  	p0 =	seq.s32 s5, $0x0;
	s5 =	sld [smem:$0x3F64]  }
0x2b: {  	s6 =	sld [smem:$0x3F65]  }
0x2c: {  	s7 =	sld [smem:$0x3F66]  }
0x2d: {  	s3 =	simm.s32 $0x108;
	s8 =	sld [smem:$0x3F67]  }
0x2e: {  	s3 =	simm.s32 @!p0 $0x1082;
	s9 =	sld [smem:$0x3F68]  }
0x2f: {  	lr =	sadd.s32 s0, s3;
	s0 =	sld [smem:$0x3F5F]  }
0x30: {  	s3 =	sld [smem:$0x3F62]  }
0x31: {  	[smem:$0x3F6B] =	sst s10  }
0x32: {  	s10 =	sld [smem:$0x3F69];
	_ =	sdelay $0x3  }
0x33: {  	p0 =	seq.s32 s10, $0x1;
	s10 =	sld [smem:$0x3F6B];
	_ =	sdelay $0x3  }
0x34: {  	[smem:$0x3F6B] =	sst s10  }
0x35: {  	s10 =	sld [smem:$0x3F6A];
	_ =	sdelay $0x3  }
0x36: {  	p1 =	seq.s32 s10, $0x1;
	s10 =	sld [smem:$0x3F6B];
	_ =	sdelay $0x3  }
0x37: {  	[smem:$0x3F6B] =	sst s10  }
0x38: {  	s10 =	sld [smem:$0x3F6C]  }
0x39: {  	_ = 	snop;
	(pc) =	sbr.ind lr, $3  }
0x3a: {  	_ = 	snop  }
0x3b: {  	_ = 	snop  }
0x3c: {  	p2 =	seq.s32 s10, $0x1;
	s10 =	sld [smem:$0x3F6B]  }
0x3d: {  	_ =	shalt  }
0x3e: {  	_ =	shalt  }
0x3f: {  	_ =	shalt  }
0x40: {  	_ =	shalt  }
0x41: {  	_ =	shalt  }
0x42: {  	_ =	shalt  }
0x43: {  	_ =	shalt  }
0x44: {  	_ =	shalt  }
0x45: {  	_ =	shalt  }
0x46: {  	_ =	shalt  }
0x47: {  	_ =	shalt  }
0x48: {  	_ =	shalt  }
0x49: {  	_ =	shalt  }
0x4a: {  	_ =	shalt  }
0x4b: {  	_ =	shalt  }
0x4c: {  	_ =	shalt  }
0x4d: {  	_ =	shalt  }
0x4e: {  	_ =	shalt  }
0x4f: {  	_ =	shalt  }
0x50: {  	_ =	shalt  }
0x51: {  	_ =	shalt  }
0x52: {  	_ =	shalt  }
0x53: {  	_ =	shalt  }
0x54: {  	_ =	shalt  }
0x55: {  	_ =	shalt  }
0x56: {  	_ =	shalt  }
0x57: {  	_ =	shalt  }
0x58: {  	_ =	shalt  }
0x59: {  	_ =	shalt  }
0x5a: {  	_ =	shalt  }
0x5b: {  	_ =	shalt  }
0x5c: {  	_ =	shalt  }
0x5d: {  	_ =	shalt  }
0x5e: {  	_ =	shalt  }
0x5f: {  	_ =	shalt  }
0x60: {  	_ =	shalt  }
0x61: {  	_ =	shalt  }
0x62: {  	_ =	shalt  }
0x63: {  	_ =	shalt  }
0x64: {  	_ =	shalt  }
0x65: {  	_ =	shalt  }
0x66: {  	_ =	shalt  }
0x67: {  	_ =	shalt  }
0x68: {  	_ =	shalt  }
0x69: {  	_ =	shalt  }
0x6a: {  	_ =	shalt  }
0x6b: {  	_ =	shalt  }
0x6c: {  	_ =	shalt  }
0x6d: {  	_ =	shalt  }
0x6e: {  	_ =	shalt  }
0x6f: {  	_ =	shalt  }
0x70: {  	_ =	shalt  }
0x71: {  	_ =	shalt  }
0x72: {  	_ =	shalt  }
0x73: {  	_ =	shalt  }
0x74: {  	_ =	shalt  }
0x75: {  	_ =	shalt  }
0x76: {  	_ =	shalt  }
0x77: {  	_ =	shalt  }
0x78: {  	_ =	shalt  }
0x79: {  	_ =	shalt  }
0x7a: {  	_ =	shalt  }
0x7b: {  	_ =	shalt  }
0x7c: {  	_ =	shalt  }
0x7d: {  	_ =	shalt  }
0x7e: {  	_ =	shalt  }
0x7f: {  	_ =	shalt  }
0x80: {  	_ =	shalt  }
0x81: {  	_ =	shalt  }
0x82: {  	_ =	shalt  }
0x83: {  	_ =	shalt  }
0x84: {  	_ =	shalt  }
0x85: {  	_ =	shalt  }
0x86: {  	_ =	shalt  }
0x87: {  	_ =	shalt  }
.Lfunc_end0:
.L_simem_size_0:
called_computation_lowered:
.L_overlay_start_0:
0x88: {  	s2 =	sld [smem:$0x3FD9]  }
0x89: {  	s3 =	sld [smem:$0x3FFE];
	_ =	sdelay $0x1  }
0x8a: {  	s1 =	srdreg.scid  }
0x8b: {  	s0 =	sand.u32 $0x1, s1  }
0x8c: {  	s16 =	sshll.u32 s0, $0xA;
	s2 =	sadd.s32 s3, s2  }
0x8d: {  	s2 =	sadd.s32 s2, s16  }
0x8e: {  	[smem:$0x3F77] =	sst s2  }
0x8f: {  	_ = 	snop  }
0x90: {  	(tm) =	ssettm $0x1  }
0x91: {  	s17 =	sld [smem:$0x3FFB];
	_ =	sdelay $0x3  }
0x92: {  	_ =	strace s17  }
0x93: {  	s2 =	sld [smem:$0x3FFC];
	_ =	sdelay $0x3  }
0x94: {  	_ =	strace s2  }
0x95: {  	s2 =	sld [smem:$0x3FFD];
	_ =	sdelay $0x3  }
0x96: {  	_ =	strace s2  }
0x97: {  	_ =	strace $0x8FFFFFFF  }
0x98: {  	s18 =	sld [smem:$0x3FDB];
	_ =	sdelay $0x1  }
0x99: {  	s19 =	simm.s32 $_scs_section_size  }
0x9a: {  	s4 =	simm.s32 $_size__tile_overlayer_lowered;
	s5 =	simm.s32 $_tile_overlayer_lowered  }
0x9b: {  	s22 =	simm.s32 $0x1BFF;
	s21 =	sshll.u32 s5, $0x1;
	s2 =	sadd.s32 s19, s18  }
0x9c: {  	s6 =	simm.s32 $0x0;
	s20 =	sshll.u32 s4, $0x1;
	s4 =	sadd.s32 s21, s2  }
0x9d: {  	[timem:s6], [sflag:s22] =	dma.local [hbm:s4], s20  }
0x9e: {  	_ =	swait.ge [sflag:s22], s20  }
0x9f: {  	s3 =	ssub.s32 $0x0, s20;
	[sflag:s22] =	ssyncset.done $0x0  }
0xa0: {  	[sflag:s22] =	ssyncadd.s32 s3;
	_ =	sdelay $0x1  }
0xa1: {  	s23 =	simm.s32 $0x1B8B  }
0xa2: {  	_ =	swait.ge [sflag:s23], $0x1  }
0xa3: {  	[sflag:s23] =	ssyncset.done $0x0  }
0xa4: {  	s25 =	simm.s32 $0x1B8E;
	s24 =	sld [smem:$0x3FFE];
	[sflag:s23] =	ssyncadd.s32 $0xFFFFFFFF  }
0xa5: {  	s26 =	simm.s32 $execute0_lowered;
	[smem:$0x3FD2] =	sst s25  }
0xa6: {  	s4 =	sshll.u32 s26, $0x1;
	_ =	strace $0x80000046;
	[dreg:$0x1] =	wrdreg $0xFFFFFFFF  }
0xa7: {  	s28 =	simm.s32 $_size_execute0_lowered;
	s2 =	sadd.s32 s2, s4;
	[dreg:$0x0] =	wrdreg $0x0  }
0xa8: {  	s4 =	sshll.u32 s28, $0x1;
	[dreg:$0x2] =	wrdreg s2  }
0xa9: {  	[dreg:$0x3] =	wrdreg s4  }
0xaa: {  	[dreg:$0x4] =	wrdreg $0xC0  }
0xab: {  	_ =	task [dreg:s6], $0x5FFFF  }
0xac: {  	[dreg:$0x1] =	wrdreg $0xFFFFFFFF  }
0xad: {  	[dreg:$0x0] =	wrdreg $0x60  }
0xae: {  	[dreg:$0x2] =	wrdreg s24  }
0xaf: {  	[dreg:$0x3] =	wrdreg $0x9  }
0xb0: {  	_ =	task.clear_ibuf [dreg:s6], $0x4FFFF;
	_ =	strace $0x90000046  }
0xb1: {  	s29 =	simm.s32 $0x9;
	_ =	strace $0x80000048  }
0xb2: {  	_ =	swait.ge [sflag:s29], $0x1  }
0xb3: {  	[sflag:s29] =	ssyncadd.s32 $0xFFFFFFFF  }
0xb4: {  	_ =	strace $0x90000048  }
0xb5: {  	_ =	sfence  }
0xb6: {  	s30 =	sld [smem:$0x0];
	_ =	sdelay $0x2  }
0xb7: {  	s31 =	sshll.u32 s1, $0xD;
	s1 =	sshrl.u32 s1, $0x2  }
0xb8: {  	s3 =	sand.u32 $0x4000, s31;
	s1 =	sadd.s32 s1, s30  }
0xb9: {  	s0 =	sor.u32 s3, s0;
	s1 =	sshll.u32 s1, $0x11  }
0xba: {  	s0 =	sor.u32 s1, s0  }
0xbb: {  	s0 =	sadd.s32 $0x8F2B, s0  }
0xbc: {  	[sflag:s0] =	ssyncadd.remote.s32 $0x1  }
0xbd: {  	_ =	sfence.sel $0xFFFF  }
0xbe: {  	[dreg:$0x0] =	wrdreg $0xFFFFFFFF;
	(pc) =	sbr.abs _section_cstart, $3  }
0xbf: {  	[dreg:$0x1] =	wrdreg $0xFFFFFFFF  }
0xc0: {  	_ =	task.clear_ibuf [dreg:s6], $0x2FFFF;
	_ =	strace $0x9FFFFFFF  }
0xc1: {  	(tm) =	ssettm $0x7FFFFFFF  }
tec
execute0_lowered:
.L_overlay_start_1:
0x0: {  	(tag) =	ssettag $0x1  }
0x1: {  	s4 =	rddreg [dreg:$0x0]  }
0x2: {  	s0 =	rddreg [dreg:$0x1];
	s2 =	simm.s32 $0x0;
	s3 =	srdreg.scid  }
0x3: {  	s1 =	stileid.u32;
	s10 =	simm.s32 $0x100;
	s11 =	simm.s32 $0x4100  }
0x4: {  	s12 =	simm.s32 $0x1;
	s13 =	simm.s32 $0x0;
	s6 =	smul.u32 $0x4F00, s1  }
0x5: {  	[smem:$0x7FF] =	sst s2;
	s5 =	sand.u32 $0x1, s3;
	s8 =	smul.u32 $0x4F000, s1  }
0x6: {  	s3 =	sadd.s32 $0x2A400, s4;
	s7 =	smul.u32 $0x2780, s5;
	s9 =	ssub.s32 $0x2, s5  }
0x7: {  	_ =	strace $0x80000047;
	s5 =	smul.u32 $0x27800, s5;
	s30 =	sshrl.u32 s9, $0x1  }
0x8: {  	s8 =	sadd.s32 s8, s4;
	s6 =	sadd.s32 s7, s6;
	s7 =	ssub.s32 s9, s30  }
0x9: {  	s5 =	sadd.s32 s5, s8;
	s8 =	simm.s32 $0x2;
	s6 =	sshrl.u32 s6, $0x3  }
0xa: {  	s9 =	simm.s32 $0x80;
	s5 =	sadd.s32 $0x542400, s5;
	s31 =	sadd.s32 s6, s4  }
0xb: {  	s4 =	smax.u32 s7, $0x1;
	s6 =	sadd.s32 $0x20600, s31;
	s7 =	sadd.s32 $0x16800, s31  }
.LBB2_1:
0xc: {  	s14 =	sadd.s32 $0x0, s7  }
0xd: {  	[tilespmem:s2], [sflag:$0x2] =	stream.linear.gather [hbm4b:s14+s2], $0x80, $0x38;
	[tilespmem:$0x8100] =	vst v63  }
0xe: {  	_ =	swait.ge [sflag:s8], $0x80  }
0xf: {  	[sflag:s8] =	ssyncset.done $0x0  }
0x10: {  	s30 =	sadd.s32 $0x0, s6;
	[sflag:s8] =	ssyncadd.s32 $0xFFFFFF80  }
0x11: {  	[tilespmem:s9], [sflag:$0x2] =	stream.linear.gather [hbm4b:s30+s2], $0x80, $0x38;
	[tilespmem:$0x8100] =	vst v63  }
0x12: {  	_ =	swait.ge [sflag:s8], $0x80  }
0x13: {  	[sflag:s8] =	ssyncset.done $0x0  }
0x14: {  	[sflag:s8] =	ssyncadd.s32 $0xFFFFFF80  }
0x15: {  	[tilespmem:s10], [sflag:$0x1] =	stream.indirect.gather [hbm4b:s3+s9], $0x80, s2, s9, $0xb8;
	[tilespmem:$0x8100] =	vst v63  }
0x16: {  	_ = 	snop  }
0x17: {  	[tilespmem:s11], [sflag:$0x1] =	stream.indirect.gather [hbm4b:s3+s9], $0x80, s9, s9, $0xb8;
	[tilespmem:$0x8100] =	vst v63  }
0x18: {  	_ =	swait.ge [sflag:s12], $0x4000  }
0x19: {  	[sflag:s12] =	ssyncset.done $0x0  }
0x1a: {  	[sflag:s12] =	ssyncadd.s32 $0xFFFFC000  }
0x1b: {  	_ =	swait.ge [sflag:s12], $0x4000  }
0x1c: {  	[sflag:s12] =	ssyncset.done $0x0  }
0x1d: {  	s31 =	sadd.s32 $0xFFB10000, s5;
	[sflag:s12] =	ssyncadd.s32 $0xFFFFC000  }
0x1e: {  	[hbm4b:s31+s2] =	stream.linear.scatter [tilespmem:s10], [sflag:$0x2], $0x4000, $0x38;
	[tilespmem:$0x8100] =	vst v63  }
0x1f: {  	_ =	swait.ge [sflag:s8], $0x4000  }
0x20: {  	[sflag:s8] =	ssyncset.done $0x0  }
0x21: {  	[sflag:s8] =	ssyncadd.s32 $0xFFFFC000  }
0x22: {  	[hbm4b:s5+s2] =	stream.linear.scatter [tilespmem:s11], [sflag:$0x2], $0x4000, $0x38;
	[tilespmem:$0x8100] =	vst v63  }
0x23: {  	s15 =	simm.s32 $0x10;
	_ =	swait.ge [sflag:s8], $0x4000  }
0x24: {  	s16 =	simm.s32 $0x20;
	s14 =	sadd.s32 $0x800, s5;
	[sflag:s8] =	ssyncset.done $0x0  }
.LBB2_2:
0x25: {  	s17 =	sadd.s32 s15, s7  }
0x26: {  	[sflag:s8] =	ssyncadd.s32 $0xFFFFC000;
	s18 =	smov.u32 s16;
	s19 =	sadd.s32 $0x10, s16  }
0x27: {  	[tilespmem:s2], [sflag:$0x2] =	stream.linear.gather [hbm4b:s17+s2], $0x80, $0x38;
	[tilespmem:$0x8100] =	vst v63  }
0x28: {  	p0 =	sne.s32 s16, $0x4E0;
	_ =	swait.ge [sflag:s8], $0x80  }
0x29: {  	[sflag:s8] =	ssyncset.done $0x0  }
0x2a: {  	s16 =	sadd.s32 s15, s6;
	s15 =	smov.u32 s18;
	[sflag:s8] =	ssyncadd.s32 $0xFFFFFF80  }
0x2b: {  	[tilespmem:s9], [sflag:$0x2] =	stream.linear.gather [hbm4b:s16+s2], $0x80, $0x38;
	[tilespmem:$0x8100] =	vst v63  }
0x2c: {  	_ =	swait.ge [sflag:s8], $0x80  }
0x2d: {  	[sflag:s8] =	ssyncset.done $0x0  }
0x2e: {  	[sflag:s8] =	ssyncadd.s32 $0xFFFFFF80  }
0x2f: {  	[tilespmem:s10], [sflag:$0x1] =	stream.indirect.gather [hbm4b:s3+s9], $0x80, s2, s9, $0xb8;
	[tilespmem:$0x8100] =	vst v63  }
0x30: {  	_ = 	snop  }
0x31: {  	[tilespmem:s11], [sflag:$0x1] =	stream.indirect.gather [hbm4b:s3+s9], $0x80, s9, s9, $0xb8;
	[tilespmem:$0x8100] =	vst v63  }
0x32: {  	_ =	swait.ge [sflag:s12], $0x4000  }
0x33: {  	[sflag:s12] =	ssyncset.done $0x0  }
0x34: {  	[sflag:s12] =	ssyncadd.s32 $0xFFFFC000  }
0x35: {  	_ =	swait.ge [sflag:s12], $0x4000  }
0x36: {  	[sflag:s12] =	ssyncset.done $0x0  }
0x37: {  	s16 =	sadd.s32 $0xFFB10000, s14;
	[sflag:s12] =	ssyncadd.s32 $0xFFFFC000  }
0x38: {  	[hbm4b:s16+s2] =	stream.linear.scatter [tilespmem:s10], [sflag:$0x2], $0x4000, $0x38;
	[tilespmem:$0x8100] =	vst v63  }
0x39: {  	_ =	swait.ge [sflag:s8], $0x4000  }
.Ltmp0:
0x3a: {  	[sflag:s8] =	ssyncset.done $0x0;
	(pc) =	sbr.rel @p0 .LBB2_2-.Ltmp0, $4  }
0x3b: {  	[sflag:s8] =	ssyncadd.s32 $0xFFFFC000  }
0x3c: {  	[hbm4b:s14+s2] =	stream.linear.scatter [tilespmem:s11], [sflag:$0x2], $0x4000, $0x38;
	[tilespmem:$0x8100] =	vst v63  }
0x3d: {  	_ =	swait.ge [sflag:s8], $0x4000  }
0x3e: {  	s16 =	smov.u32 s19;
	s14 =	sadd.s32 $0x800, s14;
	[sflag:s8] =	ssyncset.done $0x0  }
0x3f: {  	s16 =	sadd.s32 s15, s7;
	[sflag:s8] =	ssyncadd.s32 $0xFFFFC000  }
0x40: {  	[tilespmem:s2], [sflag:$0x2] =	stream.linear.gather [hbm4b:s16+s2], $0x80, $0x38;
	[tilespmem:$0x8100] =	vst v63  }
0x41: {  	_ =	swait.ge [sflag:s8], $0x80  }
0x42: {  	[sflag:s8] =	ssyncset.done $0x0  }
0x43: {  	s30 =	sadd.s32 s15, s6;
	[sflag:s8] =	ssyncadd.s32 $0xFFFFFF80  }
0x44: {  	[tilespmem:s9], [sflag:$0x2] =	stream.linear.gather [hbm4b:s30+s2], $0x80, $0x38;
	[tilespmem:$0x8100] =	vst v63  }
0x45: {  	_ =	swait.ge [sflag:s8], $0x80  }
0x46: {  	[sflag:s8] =	ssyncset.done $0x0  }
0x47: {  	[sflag:s8] =	ssyncadd.s32 $0xFFFFFF80  }
0x48: {  	[tilespmem:s10], [sflag:$0x1] =	stream.indirect.gather [hbm4b:s3+s9], $0x80, s2, s9, $0xb8;
	[tilespmem:$0x8100] =	vst v63  }
0x49: {  	_ = 	snop  }
0x4a: {  	[tilespmem:s11], [sflag:$0x1] =	stream.indirect.gather [hbm4b:s3+s9], $0x80, s9, s9, $0xb8;
	[tilespmem:$0x8100] =	vst v63  }
0x4b: {  	_ =	swait.ge [sflag:s12], $0x4000  }
0x4c: {  	[sflag:s12] =	ssyncset.done $0x0  }
0x4d: {  	[sflag:s12] =	ssyncadd.s32 $0xFFFFC000  }
0x4e: {  	_ =	swait.ge [sflag:s12], $0x4000  }
0x4f: {  	[sflag:s12] =	ssyncset.done $0x0  }
0x50: {  	s31 =	sadd.s32 $0xFFB10000, s14;
	[sflag:s12] =	ssyncadd.s32 $0xFFFFC000  }
0x51: {  	[hbm4b:s31+s2] =	stream.linear.scatter [tilespmem:s10], [sflag:$0x2], $0x4000, $0x38;
	[tilespmem:$0x8100] =	vst v63  }
0x52: {  	s13 =	sadd.s32 $0x1, s13;
	_ =	swait.ge [sflag:s8], $0x4000  }
0x53: {  	p0 =	sne.s32 s13, s4;
	[sflag:s8] =	ssyncset.done $0x0  }
.Ltmp1:
0x54: {  	[sflag:s8] =	ssyncadd.s32 $0xFFFFC000;
	(pc) =	sbr.rel @p0 .LBB2_1-.Ltmp1, $4  }
0x55: {  	[hbm4b:s14+s2] =	stream.linear.scatter [tilespmem:s11], [sflag:$0x2], $0x4000, $0x38;
	[tilespmem:$0x8100] =	vst v63  }
0x56: {  	_ =	swait.ge [sflag:s8], $0x4000  }
0x57: {  	[sflag:s8] =	ssyncset.done $0x0  }
0x58: {  	[sflag:s8] =	ssyncadd.s32 $0xFFFFC000  }
0x59: {  	_ =	sfence.sel $0x180000  }
0x5a: {  	[bflag:$0x0] =	sbarrier.arrive $0xFFFF  }
0x5b: {  	p0 =	sne.s32 s1, $0x0;
	_ =	strace $0x90000047  }
0x5c: {  	s0 =	sadd.s32 @!p0 $0x100000, s0;
	[bflag:$0x2] =	sbarrier.arrive $0xFFFF  }
0x5d: {  	[sflag:s0] =	ssyncadd.tile.s32 @!p0 $0x1;
	_ =	shalt  }
.Lfunc_end2:
_tile_overlayer_lowered:
.L_overlay_start_2:
0x5e: {  	(tag) =	ssettag $0x2  }
0x5f: {  	s0 =	rddreg [dreg:$0x0];
	s2 =	stileid.u32  }
0x60: {  	s1 =	rddreg [dreg:$0x1];
	p0 =	sne.s32 s2, $0x0  }
0x61: {  	s3 =	rddreg [dreg:$0x2];
	[bflag:$0x3] =	sbarrier.arrive $0xFFFF;
	s2 =	simm.s32 @!p0 $0x1C02  }
0x62: {  	[timem:s3], [sflag:s2] =	dma.local @!p0 [hbm:s0], s1  }
0x63: {  	s0 =	simm.s32 @!p0 $0x2  }
0x64: {  	_ =	swait.ge @!p0 [sflag:s0], s1  }
0x65: {  	s1 =	ssub.s32 @!p0 $0x0, s1;
	[sflag:s0] =	ssyncset.done @!p0 $0x0  }
0x66: {  	[sflag:s0] =	ssyncadd.s32 @!p0 s1  }
0x67: {  	[bflag:$0x3] =	sbarrier.arrive $0xFFFF  }
0x68: {  	_ =	shalt  }

// kernel: kernel.35.cloned.1.call-start
scs
__scs_entry_jumppad:
0x0: {  	(pc) =	sbr.rel $0x88, $3  }
0x1: {  	(tag) =	ssettag $0x0;
	lr =	simm.s32 $0x1  }
0x2: {  	[smem:$0x3F50] =	sst lr;
	_ =	strace $0xD0000000  }
0x3: {  	_ = 	snop  }
0x4: {  	_ = 	snop  }
0x5: {  	_ = 	snop  }
0x6: {  	_ = 	snop  }
0x7: {  	_ = 	snop  }
__scs_overlays_trampoline_lowered:
0x8: {  	[smem:$0x3F5F] =	sst s0  }
0x9: {  	[smem:$0x3F60] =	sst s1  }
0xa: {  	[smem:$0x3F61] =	sst s2  }
0xb: {  	[smem:$0x3F62] =	sst s3  }
0xc: {  	[smem:$0x3F63] =	sst s4  }
0xd: {  	[smem:$0x3F64] =	sst s5  }
0xe: {  	[smem:$0x3F65] =	sst s6  }
0xf: {  	[smem:$0x3F66] =	sst s7  }
0x10: {  	[smem:$0x3F67] =	sst s8  }
0x11: {  	[smem:$0x3F68] =	sst s9;
	s0 =	simm.s32 @!p0 $0x0  }
0x12: {  	s1 =	sld [smem:$0x3F4E];
	s0 =	simm.s32 @p0 $0x1  }
0x13: {  	[smem:$0x3F69] =	sst s0;
	s0 =	simm.s32 @!p1 $0x0  }
0x14: {  	s2 =	sld [smem:$0x3F4D];
	s0 =	simm.s32 @p1 $0x1  }
0x15: {  	[smem:$0x3F6A] =	sst s0;
	s0 =	simm.s32 @!p2 $0x0  }
0x16: {  	s3 =	sld [smem:$0x3FDB];
	s0 =	simm.s32 @p2 $0x1  }
0x17: {  	s4 =	simm.s32 $0x1BF5;
	[smem:$0x3F6C] =	sst s0  }
0x18: {  	s0 =	sld [smem:$0x3F4F];
	_ =	swait.ge [sflag:s4], $0x0  }
0x19: {  	s7 =	sld [smem:$0x3F50]  }
0x1a: {  	s8 =	sadd.s32 $0xFFFFE003, lr  }
0x1b: {  	s9 =	sadd.s32 $0xFFFFFEF7, lr;
	s5 =	simm.s32 $0xFFFFFFFF;
	p2 =	slt.u32 s8, $0xFFFFF086  }
0x1c: {  	p1 =	slt.u32 s9, $0xF7A;
	s5 =	simm.s32 @!p2 $0x0  }
0x1d: {  	s5 =	simm.s32 @p1 $0x1;
	p0 =	seq.s32 s7, s2  }
0x1e: {  	s7 =	smul.u32 @!p0 $0xF7A, s2;
	p2 =	seq.s32 @!p0 s5, $0x0  }
0x1f: {  	s9 =	smul.u32 $0xF7A, s1;
	s8 =	simm.s32 @!p0 $0x1BF5;
	p2 =	por !p2, p0  }
0x20: {  	[sflag:s8] =	ssyncset.s32 @!p0 $0xFFFFF086;
	s6 =	sadd.s32 @!p0 s3, s7;
	s7 =	simm.s32 @!p0 $0x108  }
0x21: {  	s3 =	sadd.s32 s3, s9;
	s6 =	sadd.s32 @!p0 $0x88, s6;
	s7 =	simm.s32 @p2 $0x1082  }
0x22: {  	[simem:s7], [sflag:s8] =	dma.local @!p0 [hbm:s6], $0xF7A  }
0x23: {  	s9 =	sor.u32 $0xD0000000, s2;
	s6 =	simm.s32 $0x108;
	_ =	swait.ge @!p0 [sflag:s8], $0x0  }
0x24: {  	s3 =	sadd.s32 $0x88, s3;
	s6 =	simm.s32 @!p1 $0x1082;
	[sflag:s4] =	ssyncset.s32 $0xFFFFF086  }
0x25: {  	[simem:s6], [sflag:s4] =	dma.local [hbm:s3], $0xF7A  }
0x26: {  	[smem:$0x3F50] =	sst s1;
	(tag) =	ssettag s2;
	_ =	strace s9  }
0x27: {  	s1 =	sld [smem:$0x3F60]  }
0x28: {  	s2 =	sld [smem:$0x3F61]  }
0x29: {  	s4 =	sld [smem:$0x3F63]  }
0x2a: {  	p0 =	seq.s32 s5, $0x0;
	s5 =	sld [smem:$0x3F64]  }
0x2b: {  	s6 =	sld [smem:$0x3F65]  }
0x2c: {  	s7 =	sld [smem:$0x3F66]  }
0x2d: {  	s3 =	simm.s32 $0x108;
	s8 =	sld [smem:$0x3F67]  }
0x2e: {  	s3 =	simm.s32 @!p0 $0x1082;
	s9 =	sld [smem:$0x3F68]  }
0x2f: {  	lr =	sadd.s32 s0, s3;
	s0 =	sld [smem:$0x3F5F]  }
0x30: {  	s3 =	sld [smem:$0x3F62]  }
0x31: {  	[smem:$0x3F6B] =	sst s10  }
0x32: {  	s10 =	sld [smem:$0x3F69];
	_ =	sdelay $0x3  }
0x33: {  	p0 =	seq.s32 s10, $0x1;
	s10 =	sld [smem:$0x3F6B];
	_ =	sdelay $0x3  }
0x34: {  	[smem:$0x3F6B] =	sst s10  }
0x35: {  	s10 =	sld [smem:$0x3F6A];
	_ =	sdelay $0x3  }
0x36: {  	p1 =	seq.s32 s10, $0x1;
	s10 =	sld [smem:$0x3F6B];
	_ =	sdelay $0x3  }
0x37: {  	[smem:$0x3F6B] =	sst s10  }
0x38: {  	s10 =	sld [smem:$0x3F6C]  }
0x39: {  	_ = 	snop;
	(pc) =	sbr.ind lr, $3  }
0x3a: {  	_ = 	snop  }
0x3b: {  	_ = 	snop  }
0x3c: {  	p2 =	seq.s32 s10, $0x1;
	s10 =	sld [smem:$0x3F6B]  }
0x3d: {  	_ =	shalt  }
0x3e: {  	_ =	shalt  }
0x3f: {  	_ =	shalt  }
0x40: {  	_ =	shalt  }
0x41: {  	_ =	shalt  }
0x42: {  	_ =	shalt  }
0x43: {  	_ =	shalt  }
0x44: {  	_ =	shalt  }
0x45: {  	_ =	shalt  }
0x46: {  	_ =	shalt  }
0x47: {  	_ =	shalt  }
0x48: {  	_ =	shalt  }
0x49: {  	_ =	shalt  }
0x4a: {  	_ =	shalt  }
0x4b: {  	_ =	shalt  }
0x4c: {  	_ =	shalt  }
0x4d: {  	_ =	shalt  }
0x4e: {  	_ =	shalt  }
0x4f: {  	_ =	shalt  }
0x50: {  	_ =	shalt  }
0x51: {  	_ =	shalt  }
0x52: {  	_ =	shalt  }
0x53: {  	_ =	shalt  }
0x54: {  	_ =	shalt  }
0x55: {  	_ =	shalt  }
0x56: {  	_ =	shalt  }
0x57: {  	_ =	shalt  }
0x58: {  	_ =	shalt  }
0x59: {  	_ =	shalt  }
0x5a: {  	_ =	shalt  }
0x5b: {  	_ =	shalt  }
0x5c: {  	_ =	shalt  }
0x5d: {  	_ =	shalt  }
0x5e: {  	_ =	shalt  }
0x5f: {  	_ =	shalt  }
0x60: {  	_ =	shalt  }
0x61: {  	_ =	shalt  }
0x62: {  	_ =	shalt  }
0x63: {  	_ =	shalt  }
0x64: {  	_ =	shalt  }
0x65: {  	_ =	shalt  }
0x66: {  	_ =	shalt  }
0x67: {  	_ =	shalt  }
0x68: {  	_ =	shalt  }
0x69: {  	_ =	shalt  }
0x6a: {  	_ =	shalt  }
0x6b: {  	_ =	shalt  }
0x6c: {  	_ =	shalt  }
0x6d: {  	_ =	shalt  }
0x6e: {  	_ =	shalt  }
0x6f: {  	_ =	shalt  }
0x70: {  	_ =	shalt  }
0x71: {  	_ =	shalt  }
0x72: {  	_ =	shalt  }
0x73: {  	_ =	shalt  }
0x74: {  	_ =	shalt  }
0x75: {  	_ =	shalt  }
0x76: {  	_ =	shalt  }
0x77: {  	_ =	shalt  }
0x78: {  	_ =	shalt  }
0x79: {  	_ =	shalt  }
0x7a: {  	_ =	shalt  }
0x7b: {  	_ =	shalt  }
0x7c: {  	_ =	shalt  }
0x7d: {  	_ =	shalt  }
0x7e: {  	_ =	shalt  }
0x7f: {  	_ =	shalt  }
0x80: {  	_ =	shalt  }
0x81: {  	_ =	shalt  }
0x82: {  	_ =	shalt  }
0x83: {  	_ =	shalt  }
0x84: {  	_ =	shalt  }
0x85: {  	_ =	shalt  }
0x86: {  	_ =	shalt  }
0x87: {  	_ =	shalt  }
.Lfunc_end0:
.L_simem_size_0:
called_computation.1_lowered:
.L_overlay_start_0:
0x88: {  	s2 =	sld [smem:$0x3FD9]  }
0x89: {  	s3 =	sld [smem:$0x3FFE];
	_ =	sdelay $0x1  }
0x8a: {  	s1 =	srdreg.scid  }
0x8b: {  	s0 =	sand.u32 $0x1, s1  }
0x8c: {  	s17 =	sshll.u32 s0, $0xA;
	s2 =	sadd.s32 s3, s2  }
0x8d: {  	s2 =	sadd.s32 s2, s17  }
0x8e: {  	[smem:$0x3F77] =	sst s2  }
0x8f: {  	_ = 	snop  }
0x90: {  	(tm) =	ssettm $0x1  }
0x91: {  	s18 =	sld [smem:$0x3FFB];
	_ =	sdelay $0x3  }
0x92: {  	_ =	strace s18  }
0x93: {  	s2 =	sld [smem:$0x3FFC];
	_ =	sdelay $0x3  }
0x94: {  	_ =	strace s2  }
0x95: {  	s2 =	sld [smem:$0x3FFD];
	_ =	sdelay $0x3  }
0x96: {  	_ =	strace s2  }
0x97: {  	_ =	strace $0x8FFFFFFF  }
0x98: {  	s19 =	sld [smem:$0x3FDB];
	_ =	sdelay $0x1  }
0x99: {  	s20 =	simm.s32 $_scs_section_size  }
0x9a: {  	s4 =	simm.s32 $_size__tile_overlayer_lowered;
	s5 =	simm.s32 $_tile_overlayer_lowered  }
0x9b: {  	s6 =	simm.s32 $0x1BFF;
	s21 =	sshll.u32 s5, $0x1;
	s3 =	sadd.s32 s20, s19  }
0x9c: {  	s22 =	simm.s32 $0x0;
	s4 =	sshll.u32 s4, $0x1;
	s5 =	sadd.s32 s21, s3  }
0x9d: {  	[timem:s22], [sflag:s6] =	dma.local [hbm:s5], s4  }
0x9e: {  	_ =	swait.ge [sflag:s6], s4  }
0x9f: {  	s4 =	ssub.s32 $0x0, s4;
	[sflag:s6] =	ssyncset.done $0x0  }
0xa0: {  	[sflag:s6] =	ssyncadd.s32 s4;
	_ =	sdelay $0x1  }
0xa1: {  	s23 =	simm.s32 $0x1B8B  }
0xa2: {  	_ =	swait.ge [sflag:s23], $0x1  }
0xa3: {  	[sflag:s23] =	ssyncset.done $0x0  }
0xa4: {  	[sflag:s23] =	ssyncadd.s32 $0xFFFFFFFF  }
0xa5: {  	s4 =	sld [smem:$0x0]  }
0xa6: {  	s5 =	sand.u32 $0xFFFFFFFE, s1  }
0xa7: {  	p0 =	sne.s32 s1, s5  }
0xa8: {  	s5 =	sshll.u32 @p0 s5, $0xE  }
0xa9: {  	s5 =	sadd.s32 @p0 $0x11B8D, s5;
	s6 =	sshll.u32 @p0 s4, $0x11  }
0xaa: {  	s5 =	sor.u32 @p0 s6, s5  }
0xab: {  	[sflag:s5] =	ssyncadd.remote.s32 @p0 $0x1;
	_ =	sdelay $0x1  }
0xac: {  	s5 =	simm.s32 @p0 $0x1B8D  }
0xad: {  	_ =	swait.eq @p0 [sflag:s5], $0x1  }
0xae: {  	[sflag:s5] =	ssyncadd.s32 @p0 $0xFFFFFFFF  }
0xaf: {  	s6 =	sshll.u32 @!p0 s1, $0xE  }
0xb0: {  	s6 =	sor.u32 @!p0 $0x4000, s6;
	s5 =	simm.s32 @!p0 $0x1B8D  }
0xb1: {  	s4 =	sshll.u32 @!p0 s4, $0x11;
	s6 =	sadd.s32 @!p0 $0x11B8D, s6;
	_ =	swait.eq @!p0 [sflag:s5], $0x1  }
0xb2: {  	s4 =	sor.u32 @!p0 s4, s6;
	[sflag:s5] =	ssyncadd.s32 @!p0 $0xFFFFFFFF  }
0xb3: {  	s25 =	simm.s32 $0x1B8E;
	s24 =	sld [smem:$0x3FFE];
	[sflag:s4] =	ssyncadd.remote.s32 @!p0 $0x1  }
0xb4: {  	s26 =	simm.s32 $execute0_lowered;
	[smem:$0x3FD2] =	sst s25  }
0xb5: {  	s5 =	sshll.u32 s26, $0x1;
	_ =	strace $0x80000049;
	[dreg:$0x1] =	wrdreg $0xFFFFFFFF  }
0xb6: {  	s28 =	simm.s32 $_size_execute0_lowered;
	s3 =	sadd.s32 s3, s5;
	[dreg:$0x0] =	wrdreg $0x0  }
0xb7: {  	s5 =	sshll.u32 s28, $0x1;
	[dreg:$0x2] =	wrdreg s3  }
0xb8: {  	[dreg:$0x3] =	wrdreg s5  }
0xb9: {  	[dreg:$0x4] =	wrdreg $0xC0  }
0xba: {  	_ =	task [dreg:s22], $0x5FFFF  }
0xbb: {  	[dreg:$0x1] =	wrdreg $0xFFFFFFFF  }
0xbc: {  	[dreg:$0x0] =	wrdreg $0x60  }
0xbd: {  	[dreg:$0x2] =	wrdreg s24  }
0xbe: {  	[dreg:$0x3] =	wrdreg $0xA  }
0xbf: {  	_ =	task.clear_ibuf [dreg:s22], $0x4FFFF;
	_ =	strace $0x90000049  }
0xc0: {  	s29 =	simm.s32 $0xA;
	_ =	strace $0x8000004B  }
0xc1: {  	_ =	swait.ge [sflag:s29], $0x1  }
0xc2: {  	[sflag:s29] =	ssyncadd.s32 $0xFFFFFFFF  }
0xc3: {  	_ =	strace $0x9000004B  }
0xc4: {  	_ =	sfence  }
0xc5: {  	s30 =	sld [smem:$0x0];
	_ =	sdelay $0x2  }
0xc6: {  	s31 =	sshll.u32 s1, $0xD;
	s1 =	sshrl.u32 s1, $0x2  }
0xc7: {  	s4 =	sand.u32 $0x4000, s31;
	s1 =	sadd.s32 s1, s30  }
0xc8: {  	s0 =	sor.u32 s4, s0;
	s1 =	sshll.u32 s1, $0x11  }
0xc9: {  	s0 =	sor.u32 s1, s0  }
0xca: {  	s0 =	sadd.s32 $0x8F2B, s0  }
0xcb: {  	[sflag:s0] =	ssyncadd.remote.s32 $0x1  }
0xcc: {  	_ =	sfence.sel $0xFFFF  }
0xcd: {  	[dreg:$0x0] =	wrdreg $0xFFFFFFFF;
	(pc) =	sbr.abs _section_cstart, $3  }
0xce: {  	[dreg:$0x1] =	wrdreg $0xFFFFFFFF  }
0xcf: {  	_ =	task.clear_ibuf [dreg:s22], $0x2FFFF;
	_ =	strace $0x9FFFFFFF  }
0xd0: {  	(tm) =	ssettm $0x7FFFFFFF  }
0xd1: {  	_ =	shalt  }
tec
execute0_lowered:
.L_overlay_start_1:
0x0: {  	(tag) =	ssettag $0x1  }
0x1: {  	s5 =	rddreg [dreg:$0x0]  }
0x2: {  	s0 =	rddreg [dreg:$0x1]  }
0x3: {  	s2 =	simm.s32 $0x0;
	s3 =	srdreg.scid;
	s1 =	stileid.u32  }
0x4: {  	s11 =	simm.s32 $0x100;
	s12 =	simm.s32 $0x4100;
	s13 =	simm.s32 $0x1  }
0x5: {  	s14 =	simm.s32 $0x0;
	[smem:$0x7FF] =	sst s2;
	s7 =	smul.u32 $0x4F00, s1  }
0x6: {  	s6 =	sand.u32 $0x1, s3;
	s3 =	sadd.s32 $0xA5A400, s5;
	s9 =	smul.u32 $0x4F000, s1  }
0x7: {  	s4 =	sadd.s32 $0xA82400, s5;
	s8 =	smul.u32 $0x2780, s6;
	s10 =	ssub.s32 $0x2, s6  }
0x8: {  	_ =	strace $0x8000004A;
	s6 =	smul.u32 $0x27800, s6;
	s30 =	sshrl.u32 s10, $0x1  }
0x9: {  	s9 =	sadd.s32 s9, s5;
	s7 =	sadd.s32 s8, s7;
	s8 =	ssub.s32 s10, s30  }
0xa: {  	s6 =	sadd.s32 s6, s9;
	s9 =	simm.s32 $0x2;
	s7 =	sshrl.u32 s7, $0x3  }
0xb: {  	s10 =	simm.s32 $0x80;
	s6 =	sadd.s32 $0xFC2400, s6;
	s31 =	sadd.s32 s7, s5  }
0xc: {  	s5 =	smax.u32 s8, $0x1;
	s7 =	sadd.s32 $0x20600, s31;
	s8 =	sadd.s32 $0x16800, s31  }
.LBB2_1:
0xd: {  	s15 =	sadd.s32 $0x0, s8  }
0xe: {  	[tilespmem:s2], [sflag:$0x2] =	stream.linear.gather [hbm4b:s15+s2], $0x80, $0x38;
	[tilespmem:$0x8100] =	vst v63  }
0xf: {  	_ =	swait.ge [sflag:s9], $0x80  }
0x10: {  	[sflag:s9] =	ssyncset.done $0x0  }
0x11: {  	s30 =	sadd.s32 $0x0, s7;
	[sflag:s9] =	ssyncadd.s32 $0xFFFFFF80  }
0x12: {  	[tilespmem:s10], [sflag:$0x2] =	stream.linear.gather [hbm4b:s30+s2], $0x80, $0x38;
	[tilespmem:$0x8100] =	vst v63  }
0x13: {  	_ =	swait.ge [sflag:s9], $0x80  }
0x14: {  	[sflag:s9] =	ssyncset.done $0x0  }
0x15: {  	[sflag:s9] =	ssyncadd.s32 $0xFFFFFF80  }
0x16: {  	[tilespmem:s11], [sflag:$0x1] =	stream.indirect.gather [hbm4b:s3+s10], $0x80, s2, s10, $0xb8;
	[tilespmem:$0x8100] =	vst v63  }
0x17: {  	_ = 	snop  }
0x18: {  	[tilespmem:s12], [sflag:$0x1] =	stream.indirect.gather [hbm4b:s4+s10], $0x80, s10, s10, $0xb8;
	[tilespmem:$0x8100] =	vst v63  }
0x19: {  	_ =	swait.ge [sflag:s13], $0x4000  }
0x1a: {  	[sflag:s13] =	ssyncset.done $0x0  }
0x1b: {  	[sflag:s13] =	ssyncadd.s32 $0xFFFFC000  }
0x1c: {  	_ =	swait.ge [sflag:s13], $0x4000  }
0x1d: {  	[sflag:s13] =	ssyncset.done $0x0  }
0x1e: {  	s31 =	sadd.s32 $0xFFB10000, s6;
	[sflag:s13] =	ssyncadd.s32 $0xFFFFC000  }
0x1f: {  	[hbm4b:s31+s2] =	stream.linear.scatter [tilespmem:s11], [sflag:$0x2], $0x4000, $0x38;
	[tilespmem:$0x8100] =	vst v63  }
0x20: {  	_ =	swait.ge [sflag:s9], $0x4000  }
0x21: {  	[sflag:s9] =	ssyncset.done $0x0  }
0x22: {  	[sflag:s9] =	ssyncadd.s32 $0xFFFFC000  }
0x23: {  	[hbm4b:s6+s2] =	stream.linear.scatter [tilespmem:s12], [sflag:$0x2], $0x4000, $0x38;
	[tilespmem:$0x8100] =	vst v63  }
0x24: {  	s16 =	simm.s32 $0x10;
	_ =	swait.ge [sflag:s9], $0x4000  }
0x25: {  	s17 =	simm.s32 $0x20;
	s15 =	sadd.s32 $0x800, s6;
	[sflag:s9] =	ssyncset.done $0x0  }
.LBB2_2:
0x26: {  	s18 =	sadd.s32 s16, s8  }
0x27: {  	[sflag:s9] =	ssyncadd.s32 $0xFFFFC000;
	s19 =	smov.u32 s17;
	s20 =	sadd.s32 $0x10, s17  }
0x28: {  	[tilespmem:s2], [sflag:$0x2] =	stream.linear.gather [hbm4b:s18+s2], $0x80, $0x38;
	[tilespmem:$0x8100] =	vst v63  }
0x29: {  	p0 =	sne.s32 s17, $0x4E0;
	_ =	swait.ge [sflag:s9], $0x80  }
0x2a: {  	[sflag:s9] =	ssyncset.done $0x0  }
0x2b: {  	s17 =	sadd.s32 s16, s7;
	s16 =	smov.u32 s19;
	[sflag:s9] =	ssyncadd.s32 $0xFFFFFF80  }
0x2c: {  	[tilespmem:s10], [sflag:$0x2] =	stream.linear.gather [hbm4b:s17+s2], $0x80, $0x38;
	[tilespmem:$0x8100] =	vst v63  }
0x2d: {  	_ =	swait.ge [sflag:s9], $0x80  }
0x2e: {  	[sflag:s9] =	ssyncset.done $0x0  }
0x2f: {  	[sflag:s9] =	ssyncadd.s32 $0xFFFFFF80  }
0x30: {  	[tilespmem:s11], [sflag:$0x1] =	stream.indirect.gather [hbm4b:s3+s10], $0x80, s2, s10, $0xb8;
	[tilespmem:$0x8100] =	vst v63  }
0x31: {  	_ = 	snop  }
0x32: {  	[tilespmem:s12], [sflag:$0x1] =	stream.indirect.gather [hbm4b:s4+s10], $0x80, s10, s10, $0xb8;
	[tilespmem:$0x8100] =	vst v63  }
0x33: {  	_ =	swait.ge [sflag:s13], $0x4000  }
0x34: {  	[sflag:s13] =	ssyncset.done $0x0  }
0x35: {  	[sflag:s13] =	ssyncadd.s32 $0xFFFFC000  }
0x36: {  	_ =	swait.ge [sflag:s13], $0x4000  }
0x37: {  	[sflag:s13] =	ssyncset.done $0x0  }
0x38: {  	s17 =	sadd.s32 $0xFFB10000, s15;
	[sflag:s13] =	ssyncadd.s32 $0xFFFFC000  }
0x39: {  	[hbm4b:s17+s2] =	stream.linear.scatter [tilespmem:s11], [sflag:$0x2], $0x4000, $0x38;
	[tilespmem:$0x8100] =	vst v63  }
0x3a: {  	_ =	swait.ge [sflag:s9], $0x4000  }
.Ltmp0:
0x3b: {  	[sflag:s9] =	ssyncset.done $0x0;
	(pc) =	sbr.rel @p0 .LBB2_2-.Ltmp0, $4  }
0x3c: {  	[sflag:s9] =	ssyncadd.s32 $0xFFFFC000  }
0x3d: {  	[hbm4b:s15+s2] =	stream.linear.scatter [tilespmem:s12], [sflag:$0x2], $0x4000, $0x38;
	[tilespmem:$0x8100] =	vst v63  }
0x3e: {  	_ =	swait.ge [sflag:s9], $0x4000  }
0x3f: {  	s17 =	smov.u32 s20;
	s15 =	sadd.s32 $0x800, s15;
	[sflag:s9] =	ssyncset.done $0x0  }
0x40: {  	s17 =	sadd.s32 s16, s8;
	[sflag:s9] =	ssyncadd.s32 $0xFFFFC000  }
0x41: {  	[tilespmem:s2], [sflag:$0x2] =	stream.linear.gather [hbm4b:s17+s2], $0x80, $0x38;
	[tilespmem:$0x8100] =	vst v63  }
0x42: {  	_ =	swait.ge [sflag:s9], $0x80  }
0x43: {  	[sflag:s9] =	ssyncset.done $0x0  }
0x44: {  	s30 =	sadd.s32 s16, s7;
	[sflag:s9] =	ssyncadd.s32 $0xFFFFFF80  }
0x45: {  	[tilespmem:s10], [sflag:$0x2] =	stream.linear.gather [hbm4b:s30+s2], $0x80, $0x38;
	[tilespmem:$0x8100] =	vst v63  }
0x46: {  	_ =	swait.ge [sflag:s9], $0x80  }
0x47: {  	[sflag:s9] =	ssyncset.done $0x0  }
0x48: {  	[sflag:s9] =	ssyncadd.s32 $0xFFFFFF80  }
0x49: {  	[tilespmem:s11], [sflag:$0x1] =	stream.indirect.gather [hbm4b:s3+s10], $0x80, s2, s10, $0xb8;
	[tilespmem:$0x8100] =	vst v63  }
0x4a: {  	_ = 	snop  }
0x4b: {  	[tilespmem:s12], [sflag:$0x1] =	stream.indirect.gather [hbm4b:s4+s10], $0x80, s10, s10, $0xb8;
	[tilespmem:$0x8100] =	vst v63  }
0x4c: {  	_ =	swait.ge [sflag:s13], $0x4000  }
0x4d: {  	[sflag:s13] =	ssyncset.done $0x0  }
0x4e: {  	[sflag:s13] =	ssyncadd.s32 $0xFFFFC000  }
0x4f: {  	_ =	swait.ge [sflag:s13], $0x4000  }
0x50: {  	[sflag:s13] =	ssyncset.done $0x0  }
0x51: {  	s31 =	sadd.s32 $0xFFB10000, s15;
	[sflag:s13] =	ssyncadd.s32 $0xFFFFC000  }
0x52: {  	[hbm4b:s31+s2] =	stream.linear.scatter [tilespmem:s11], [sflag:$0x2], $0x4000, $0x38;
	[tilespmem:$0x8100] =	vst v63  }
0x53: {  	s14 =	sadd.s32 $0x1, s14;
	_ =	swait.ge [sflag:s9], $0x4000  }
0x54: {  	p0 =	sne.s32 s14, s5;
	[sflag:s9] =	ssyncset.done $0x0  }
.Ltmp1:
0x55: {  	[sflag:s9] =	ssyncadd.s32 $0xFFFFC000;
	(pc) =	sbr.rel @p0 .LBB2_1-.Ltmp1, $4  }
0x56: {  	[hbm4b:s15+s2] =	stream.linear.scatter [tilespmem:s12], [sflag:$0x2], $0x4000, $0x38;
	[tilespmem:$0x8100] =	vst v63  }
0x57: {  	_ =	swait.ge [sflag:s9], $0x4000  }
0x58: {  	[sflag:s9] =	ssyncset.done $0x0  }
0x59: {  	[sflag:s9] =	ssyncadd.s32 $0xFFFFC000  }
0x5a: {  	_ =	sfence.sel $0x180000  }
0x5b: {  	[bflag:$0x0] =	sbarrier.arrive $0xFFFF  }
0x5c: {  	p0 =	sne.s32 s1, $0x0;
	_ =	strace $0x9000004A  }
0x5d: {  	s0 =	sadd.s32 @!p0 $0x100000, s0;
	[bflag:$0x2] =	sbarrier.arrive $0xFFFF  }
0x5e: {  	[sflag:s0] =	ssyncadd.tile.s32 @!p0 $0x1;
	_ =	shalt  }
.Lfunc_end2:
_tile_overlayer_lowered:
.L_overlay_start_2:
0x5f: {  	(tag) =	ssettag $0x2  }
0x60: {  	s0 =	rddreg [dreg:$0x0];
	s2 =	stileid.u32  }
0x61: {  	s1 =	rddreg [dreg:$0x1];
	p0 =	sne.s32 s2, $0x0  }
0x62: {  	s3 =	rddreg [dreg:$0x2];
	[bflag:$0x3] =	sbarrier.arrive $0xFFFF;
	s2 =	simm.s32 @!p0 $0x1C02  }
0x63: {  	[timem:s3], [sflag:s2] =	dma.local @!p0 [hbm:s0], s1  }
0x64: {  	s0 =	simm.s32 @!p0 $0x2  }
0x65: {  	_ =	swait.ge @!p0 [sflag:s0], s1  }
0x66: {  	s1 =	ssub.s32 @!p0 $0x0, s1;
	[sflag:s0] =	ssyncset.done @!p0 $0x0  }
0x67: {  	[sflag:s0] =	ssyncadd.s32 @!p0 s1  }
0x68: {  	[bflag:$0x3] =	sbarrier.arrive $0xFFFF  }
0x69: {  	_ =	shalt  }

// kernel: kernel.38.cloned.1.call-start
scs
__scs_entry_jumppad:
0x0: {  	(pc) =	sbr.rel $0x88, $3  }
0x1: {  	(tag) =	ssettag $0x0;
	lr =	simm.s32 $0x1  }
0x2: {  	[smem:$0x3F50] =	sst lr;
	_ =	strace $0xD0000000  }
0x3: {  	_ = 	snop  }
0x4: {  	_ = 	snop  }
0x5: {  	_ = 	snop  }
0x6: {  	_ = 	snop  }
0x7: {  	_ = 	snop  }
__scs_overlays_trampoline_lowered:
0x8: {  	[smem:$0x3F5F] =	sst s0  }
0x9: {  	[smem:$0x3F60] =	sst s1  }
0xa: {  	[smem:$0x3F61] =	sst s2  }
0xb: {  	[smem:$0x3F62] =	sst s3  }
0xc: {  	[smem:$0x3F63] =	sst s4  }
0xd: {  	[smem:$0x3F64] =	sst s5  }
0xe: {  	[smem:$0x3F65] =	sst s6  }
0xf: {  	[smem:$0x3F66] =	sst s7  }
0x10: {  	[smem:$0x3F67] =	sst s8  }
0x11: {  	[smem:$0x3F68] =	sst s9;
	s0 =	simm.s32 @!p0 $0x0  }
0x12: {  	s1 =	sld [smem:$0x3F4E];
	s0 =	simm.s32 @p0 $0x1  }
0x13: {  	[smem:$0x3F69] =	sst s0;
	s0 =	simm.s32 @!p1 $0x0  }
0x14: {  	s2 =	sld [smem:$0x3F4D];
	s0 =	simm.s32 @p1 $0x1  }
0x15: {  	[smem:$0x3F6A] =	sst s0;
	s0 =	simm.s32 @!p2 $0x0  }
0x16: {  	s3 =	sld [smem:$0x3FDB];
	s0 =	simm.s32 @p2 $0x1  }
0x17: {  	s4 =	simm.s32 $0x1BF5;
	[smem:$0x3F6C] =	sst s0  }
0x18: {  	s0 =	sld [smem:$0x3F4F];
	_ =	swait.ge [sflag:s4], $0x0  }
0x19: {  	s7 =	sld [smem:$0x3F50]  }
0x1a: {  	s8 =	sadd.s32 $0xFFFFE003, lr  }
0x1b: {  	s9 =	sadd.s32 $0xFFFFFEF7, lr;
	s5 =	simm.s32 $0xFFFFFFFF;
	p2 =	slt.u32 s8, $0xFFFFF086  }
0x1c: {  	p1 =	slt.u32 s9, $0xF7A;
	s5 =	simm.s32 @!p2 $0x0  }
0x1d: {  	s5 =	simm.s32 @p1 $0x1;
	p0 =	seq.s32 s7, s2  }
0x1e: {  	s7 =	smul.u32 @!p0 $0xF7A, s2;
	p2 =	seq.s32 @!p0 s5, $0x0  }
0x1f: {  	s9 =	smul.u32 $0xF7A, s1;
	s8 =	simm.s32 @!p0 $0x1BF5;
	p2 =	por !p2, p0  }
0x20: {  	[sflag:s8] =	ssyncset.s32 @!p0 $0xFFFFF086;
	s6 =	sadd.s32 @!p0 s3, s7;
	s7 =	simm.s32 @!p0 $0x108  }
0x21: {  	s3 =	sadd.s32 s3, s9;
	s6 =	sadd.s32 @!p0 $0x88, s6;
	s7 =	simm.s32 @p2 $0x1082  }
0x22: {  	[simem:s7], [sflag:s8] =	dma.local @!p0 [hbm:s6], $0xF7A  }
0x23: {  	s9 =	sor.u32 $0xD0000000, s2;
	s6 =	simm.s32 $0x108;
	_ =	swait.ge @!p0 [sflag:s8], $0x0  }
0x24: {  	s3 =	sadd.s32 $0x88, s3;
	s6 =	simm.s32 @!p1 $0x1082;
	[sflag:s4] =	ssyncset.s32 $0xFFFFF086  }
0x25: {  	[simem:s6], [sflag:s4] =	dma.local [hbm:s3], $0xF7A  }
0x26: {  	[smem:$0x3F50] =	sst s1;
	(tag) =	ssettag s2;
	_ =	strace s9  }
0x27: {  	s1 =	sld [smem:$0x3F60]  }
0x28: {  	s2 =	sld [smem:$0x3F61]  }
0x29: {  	s4 =	sld [smem:$0x3F63]  }
0x2a: {  	p0 =	seq.s32 s5, $0x0;
	s5 =	sld [smem:$0x3F64]  }
0x2b: {  	s6 =	sld [smem:$0x3F65]  }
0x2c: {  	s7 =	sld [smem:$0x3F66]  }
0x2d: {  	s3 =	simm.s32 $0x108;
	s8 =	sld [smem:$0x3F67]  }
0x2e: {  	s3 =	simm.s32 @!p0 $0x1082;
	s9 =	sld [smem:$0x3F68]  }
0x2f: {  	lr =	sadd.s32 s0, s3;
	s0 =	sld [smem:$0x3F5F]  }
0x30: {  	s3 =	sld [smem:$0x3F62]  }
0x31: {  	[smem:$0x3F6B] =	sst s10  }
0x32: {  	s10 =	sld [smem:$0x3F69];
	_ =	sdelay $0x3  }
0x33: {  	p0 =	seq.s32 s10, $0x1;
	s10 =	sld [smem:$0x3F6B];
	_ =	sdelay $0x3  }
0x34: {  	[smem:$0x3F6B] =	sst s10  }
0x35: {  	s10 =	sld [smem:$0x3F6A];
	_ =	sdelay $0x3  }
0x36: {  	p1 =	seq.s32 s10, $0x1;
	s10 =	sld [smem:$0x3F6B];
	_ =	sdelay $0x3  }
0x37: {  	[smem:$0x3F6B] =	sst s10  }
0x38: {  	s10 =	sld [smem:$0x3F6C]  }
0x39: {  	_ = 	snop;
	(pc) =	sbr.ind lr, $3  }
0x3a: {  	_ = 	snop  }
0x3b: {  	_ = 	snop  }
0x3c: {  	p2 =	seq.s32 s10, $0x1;
	s10 =	sld [smem:$0x3F6B]  }
0x3d: {  	_ =	shalt  }
0x3e: {  	_ =	shalt  }
0x3f: {  	_ =	shalt  }
0x40: {  	_ =	shalt  }
0x41: {  	_ =	shalt  }
0x42: {  	_ =	shalt  }
0x43: {  	_ =	shalt  }
0x44: {  	_ =	shalt  }
0x45: {  	_ =	shalt  }
0x46: {  	_ =	shalt  }
0x47: {  	_ =	shalt  }
0x48: {  	_ =	shalt  }
0x49: {  	_ =	shalt  }
0x4a: {  	_ =	shalt  }
0x4b: {  	_ =	shalt  }
0x4c: {  	_ =	shalt  }
0x4d: {  	_ =	shalt  }
0x4e: {  	_ =	shalt  }
0x4f: {  	_ =	shalt  }
0x50: {  	_ =	shalt  }
0x51: {  	_ =	shalt  }
0x52: {  	_ =	shalt  }
0x53: {  	_ =	shalt  }
0x54: {  	_ =	shalt  }
0x55: {  	_ =	shalt  }
0x56: {  	_ =	shalt  }
0x57: {  	_ =	shalt  }
0x58: {  	_ =	shalt  }
0x59: {  	_ =	shalt  }
0x5a: {  	_ =	shalt  }
0x5b: {  	_ =	shalt  }
0x5c: {  	_ =	shalt  }
0x5d: {  	_ =	shalt  }
0x5e: {  	_ =	shalt  }
0x5f: {  	_ =	shalt  }
0x60: {  	_ =	shalt  }
0x61: {  	_ =	shalt  }
0x62: {  	_ =	shalt  }
0x63: {  	_ =	shalt  }
0x64: {  	_ =	shalt  }
0x65: {  	_ =	shalt  }
0x66: {  	_ =	shalt  }
0x67: {  	_ =	shalt  }
0x68: {  	_ =	shalt  }
0x69: {  	_ =	shalt  }
0x6a: {  	_ =	shalt  }
0x6b: {  	_ =	shalt  }
0x6c: {  	_ =	shalt  }
0x6d: {  	_ =	shalt  }
0x6e: {  	_ =	shalt  }
0x6f: {  	_ =	shalt  }
0x70: {  	_ =	shalt  }
0x71: {  	_ =	shalt  }
0x72: {  	_ =	shalt  }
0x73: {  	_ =	shalt  }
0x74: {  	_ =	shalt  }
0x75: {  	_ =	shalt  }
0x76: {  	_ =	shalt  }
0x77: {  	_ =	shalt  }
0x78: {  	_ =	shalt  }
0x79: {  	_ =	shalt  }
0x7a: {  	_ =	shalt  }
0x7b: {  	_ =	shalt  }
0x7c: {  	_ =	shalt  }
0x7d: {  	_ =	shalt  }
0x7e: {  	_ =	shalt  }
0x7f: {  	_ =	shalt  }
0x80: {  	_ =	shalt  }
0x81: {  	_ =	shalt  }
0x82: {  	_ =	shalt  }
0x83: {  	_ =	shalt  }
0x84: {  	_ =	shalt  }
0x85: {  	_ =	shalt  }
0x86: {  	_ =	shalt  }
0x87: {  	_ =	shalt  }
.Lfunc_end0:
.L_simem_size_0:
called_computation.2_lowered:
.L_overlay_start_0:
0x88: {  	s2 =	sld [smem:$0x3FD9]  }
0x89: {  	s3 =	sld [smem:$0x3FFE];
	_ =	sdelay $0x1  }
0x8a: {  	s1 =	srdreg.scid  }
0x8b: {  	s0 =	sand.u32 $0x1, s1  }
0x8c: {  	s14 =	sshll.u32 s0, $0xA;
	s2 =	sadd.s32 s3, s2  }
0x8d: {  	s2 =	sadd.s32 s2, s14  }
0x8e: {  	[smem:$0x3F77] =	sst s2  }
0x8f: {  	_ = 	snop  }
0x90: {  	s2 =	sld [smem:$0x3FD0];
	_ =	sdelay $0x2  }
0x91: {  	s15 =	simm.s32 $0xB;
	s4 =	simm.s32 $0x10  }
0x92: {  	[smem:s4], [sflag:s15] =	dma.local [hbm:s2], $0x1  }
0x93: {  	_ =	swait.eq [sflag:s15], $0x1  }
0x94: {  	[sflag:s15] =	ssyncset.done $0x0  }
0x95: {  	[sflag:s15] =	ssyncadd.s32 $0xFFFFFFFF  }
0x96: {  	s16 =	sld [smem:$0x10];
	(tm) =	ssettm $0x1  }
0x97: {  	s17 =	sld [smem:$0x3FFB];
	_ =	sdelay $0x3  }
0x98: {  	_ =	strace s17  }
0x99: {  	s3 =	sld [smem:$0x3FFC];
	_ =	sdelay $0x3  }
0x9a: {  	_ =	strace s3  }
0x9b: {  	s3 =	sld [smem:$0x3FFD];
	_ =	sdelay $0x3  }
0x9c: {  	_ =	strace s3  }
0x9d: {  	_ =	strace $0x8FFFFFFF  }
0x9e: {  	s18 =	sld [smem:$0x3FDB];
	_ =	sdelay $0x1  }
0x9f: {  	s19 =	simm.s32 $_scs_section_size  }
0xa0: {  	s5 =	simm.s32 $_size__tile_overlayer_lowered;
	s6 =	simm.s32 $_tile_overlayer_lowered  }
0xa1: {  	s22 =	simm.s32 $0x1BFF;
	s21 =	sshll.u32 s6, $0x1;
	s3 =	sadd.s32 s19, s18  }
0xa2: {  	s7 =	simm.s32 $0x0;
	s20 =	sshll.u32 s5, $0x1;
	s5 =	sadd.s32 s21, s3  }
0xa3: {  	[timem:s7], [sflag:s22] =	dma.local [hbm:s5], s20  }
0xa4: {  	_ =	swait.ge [sflag:s22], s20  }
0xa5: {  	s4 =	ssub.s32 $0x0, s20;
	[sflag:s22] =	ssyncset.done $0x0  }
0xa6: {  	[sflag:s22] =	ssyncadd.s32 s4;
	_ =	sdelay $0x1  }
0xa7: {  	s23 =	simm.s32 $0x1B8B  }
0xa8: {  	_ =	swait.ge [sflag:s23], $0x1  }
0xa9: {  	[sflag:s23] =	ssyncset.done $0x0  }
0xaa: {  	s25 =	simm.s32 $0x1B8E;
	s24 =	sld [smem:$0x3FFE];
	[sflag:s23] =	ssyncadd.s32 $0xFFFFFFFF  }
0xab: {  	s26 =	simm.s32 $execute0_lowered;
	[smem:$0x3FD2] =	sst s25  }
0xac: {  	s5 =	sshll.u32 s26, $0x1;
	_ =	strace $0x8000004C;
	[dreg:$0x1] =	wrdreg $0xFFFFFFFF  }
0xad: {  	s28 =	simm.s32 $_size_execute0_lowered;
	s3 =	sadd.s32 s3, s5;
	[dreg:$0x0] =	wrdreg $0x0  }
0xae: {  	s5 =	sshll.u32 s28, $0x1;
	[dreg:$0x2] =	wrdreg s3  }
0xaf: {  	[dreg:$0x3] =	wrdreg s5  }
0xb0: {  	[dreg:$0x4] =	wrdreg $0xC0  }
0xb1: {  	_ =	task [dreg:s7], $0x5FFFF  }
0xb2: {  	[dreg:$0x1] =	wrdreg $0xFFFFFFFF  }
0xb3: {  	[dreg:$0x0] =	wrdreg $0x60  }
0xb4: {  	[dreg:$0x2] =	wrdreg s24  }
0xb5: {  	[dreg:$0x3] =	wrdreg s16  }
0xb6: {  	[dreg:$0x4] =	wrdreg $0x40800  }
0xb7: {  	[dreg:$0x5] =	wrdreg $0x9  }
0xb8: {  	_ =	task.clear_ibuf [dreg:s7], $0x6FFFF;
	_ =	strace $0x9000004C  }
0xb9: {  	s29 =	simm.s32 $0x9;
	_ =	strace $0x8000004E  }
0xba: {  	_ =	swait.ge [sflag:s29], $0x1  }
0xbb: {  	[sflag:s29] =	ssyncadd.s32 $0xFFFFFFFF  }
0xbc: {  	_ =	strace $0x9000004E  }
0xbd: {  	_ =	sfence  }
0xbe: {  	s30 =	sld [smem:$0x0];
	_ =	sdelay $0x2  }
0xbf: {  	s31 =	sshll.u32 s1, $0xD;
	s1 =	sshrl.u32 s1, $0x2  }
0xc0: {  	s3 =	sand.u32 $0x4000, s31;
	s1 =	sadd.s32 s1, s30  }
0xc1: {  	s0 =	sor.u32 s3, s0;
	s1 =	sshll.u32 s1, $0x11  }
0xc2: {  	s0 =	sor.u32 s1, s0  }
0xc3: {  	s0 =	sadd.s32 $0x8F2B, s0  }
0xc4: {  	[sflag:s0] =	ssyncadd.remote.s32 $0x1  }
0xc5: {  	_ =	sfence.sel $0xFFFF  }
0xc6: {  	[dreg:$0x0] =	wrdreg $0xFFFFFFFF;
	(pc) =	sbr.abs _section_cstart, $3  }
0xc7: {  	[dreg:$0x1] =	wrdreg $0xFFFFFFFF  }
0xc8: {  	_ =	task.clear_ibuf [dreg:s7], $0x2FFFF;
	_ =	strace $0x9FFFFFFF  }
0xc9: {  	(tm) =	ssettm $0x7FFFFFFF  }
tec
execute0_lowered:
.L_overlay_start_1:
0x0: {  	(tag) =	ssettag $0x1  }
0x1: {  	s5 =	rddreg [dreg:$0x0]  }
0x2: {  	s2 =	rddreg [dreg:$0x1];
	s1 =	stileid.u32  }
0x3: {  	s3 =	rddreg [dreg:$0x2];
	s6 =	smul.u32 $0x4F000, s1  }
0x4: {  	s0 =	rddreg [dreg:$0x3];
	s22 =	smul.u32 $0x4F00, s1  }
0x5: {  	s7 =	srdreg.scid;
	s4 =	simm.s32 $0x0;
	s9 =	smul.u32 $0x50000, s1  }
0x6: {  	s13 =	sand.u32 $0x1, s7;
	[smem:$0x7FF] =	sst s4;
	s15 =	smul.u32 $0x14000, s1  }
0x7: {  	s16 =	sadd.s32 $0xA5A400, s5;
	s28 =	sshll.u32 s1, $0x6;
	s8 =	smul.u32 $0x2780, s13  }
0x8: {  	_ =	strace $0x8000004D;
	s24 =	ssub.s32 $0x2, s13;
	s14 =	smul.u32 $0x140000, s13  }
0x9: {  	s17 =	sadd.s32 s6, s5;
	s25 =	sshrl.u32 s24, $0x1;
	s26 =	sshrl.u32 s9, $0x2  }
0xa: {  	s30 =	sadd.s32 $0x4000, s15;
	s11 =	sadd.s32 $0x8000, s15;
	s19 =	sadd.s32 $0xC000, s15  }
0xb: {  	s23 =	sadd.s32 s8, s22;
	s7 =	ssub.s32 s24, s25;
	s29 =	sadd.s32 s14, s15  }
0xc: {  	s10 =	sadd.s32 s14, s30;
	s9 =	sadd.s32 s30, s3;
	s12 =	sadd.s32 s14, s11  }
0xd: {  	s11 =	sadd.s32 s11, s3;
	s24 =	sadd.s32 s14, s19;
	s15 =	sadd.s32 $0x10000, s15  }
0xe: {  	s6 =	sshrl.u32 s23, $0x3;
	s7 =	smax.u32 s7, $0x1;
	s8 =	sshrl.u32 s29, $0x3  }
0xf: {  	s10 =	sshrl.u32 s10, $0x3;
	s12 =	sshrl.u32 s12, $0x3;
	s24 =	sshrl.u32 s24, $0x3  }
0x10: {  	s25 =	sadd.s32 s14, s15;
	s15 =	sadd.s32 s15, s3;
	s18 =	sadd.s32 s6, s5  }
0x11: {  	s5 =	sadd.s32 s26, s3;
	s6 =	sor.u32 $0x1C01, s28;
	s8 =	sadd.s32 s16, s8  }
0x12: {  	s10 =	sadd.s32 s16, s10;
	s12 =	sadd.s32 s16, s12;
	s26 =	smul.u32 $0x27800, s13  }
0x13: {  	s13 =	sadd.s32 s19, s3;
	s14 =	sadd.s32 s16, s24;
	s31 =	sshrl.u32 s25, $0x3  }
0x14: {  	s19 =	simm.s32 $0x1;
	s24 =	simm.s32 $0x80;
	s25 =	simm.s32 $0x0  }
0x15: {  	s20 =	sadd.s32 $0x4000, s5;
	s21 =	sadd.s32 $0x8000, s5;
	s22 =	sadd.s32 $0xC000, s5  }
0x16: {  	s23 =	sadd.s32 $0x10000, s5;
	s16 =	sadd.s32 s16, s31;
	s18 =	sadd.s32 $0x16800, s18  }
0x17: {  	s17 =	sadd.s32 s26, s17;
	s20 =	sshrl.u32 s20, $0x3;
	s21 =	sshrl.u32 s21, $0x3  }
0x18: {  	s22 =	sshrl.u32 s22, $0x3;
	s23 =	sshrl.u32 s23, $0x3;
	s17 =	sadd.s32 $0x2A400, s17  }
.LBB2_1:
0x19: {  	s26 =	sshrl.u32 s5, $0x3  }
0x1a: {  	[spmem:s26], [sflag:s6] =	dma.local [hbm:s2], $0x800  }
0x1b: {  	_ =	swait.ge [sflag:s19], $0x800  }
0x1c: {  	[sflag:s19] =	ssyncset.done $0x0  }
0x1d: {  	[sflag:s19] =	ssyncadd.s32 $0xFFFFF800  }
0x1e: {  	[spmem:s20], [sflag:s6] =	dma.local [hbm:s2], $0x800  }
0x1f: {  	_ =	swait.ge [sflag:s19], $0x800  }
0x20: {  	[sflag:s19] =	ssyncset.done $0x0  }
0x21: {  	[sflag:s19] =	ssyncadd.s32 $0xFFFFF800  }
0x22: {  	[spmem:s21], [sflag:s6] =	dma.local [hbm:s2], $0x800  }
0x23: {  	_ =	swait.ge [sflag:s19], $0x800  }
0x24: {  	[sflag:s19] =	ssyncset.done $0x0  }
0x25: {  	[sflag:s19] =	ssyncadd.s32 $0xFFFFF800  }
0x26: {  	[spmem:s22], [sflag:s6] =	dma.local [hbm:s2], $0x800  }
0x27: {  	_ =	swait.ge [sflag:s19], $0x800  }
0x28: {  	[sflag:s19] =	ssyncset.done $0x0  }
0x29: {  	[sflag:s19] =	ssyncadd.s32 $0xFFFFF800  }
0x2a: {  	[spmem:s23], [sflag:s6] =	dma.local [hbm:s2], $0x800  }
0x2b: {  	_ =	swait.ge [sflag:s19], $0x800  }
0x2c: {  	[sflag:s19] =	ssyncset.done $0x0  }
0x2d: {  	[sflag:s19] =	ssyncadd.s32 $0xFFFFF800  }
0x2e: {  	s31 =	sadd.s32 $0x0, s18;
	[bflag:$0x0] =	sbarrier.arrive $0xFFFF  }
0x2f: {  	[tilespmem:s4], [sflag:$0x1] =	stream.linear.gather [hbm4b:s31+s4], $0x80, $0x38;
	[tilespmem:$0x18080] =	vst v63  }
0x30: {  	_ =	swait.ge [sflag:s19], $0x80  }
0x31: {  	[sflag:s19] =	ssyncset.done $0x0  }
0x32: {  	[sflag:s19] =	ssyncadd.s32 $0xFFFFFF80  }
0x33: {  	[tilespmem:s24], [sflag:$0x1] =	stream.linear.gather [hbm4b:s17+s4], $0x4000, $0x38;
	[tilespmem:$0x18080] =	vst v63  }
0x34: {  	_ =	swait.ge [sflag:s19], $0x4000  }
0x35: {  	[sflag:s19] =	ssyncset.done $0x0  }
0x36: {  	[sflag:s19] =	ssyncadd.s32 $0xFFFFC000  }
0x37: {  	[spmem:s3] =	stream.indirect.scatter.add.f32 [tilespmem:s24], [sflag:$0x1], $0x80, s4, s24, $0xb8;
	[tilespmem:$0x18080] =	vst v63  }
0x38: {  	s28 =	simm.s32 $0x10;
	_ =	swait.ge [sflag:s19], $0x4000  }
0x39: {  	s29 =	simm.s32 $0x20;
	s26 =	sadd.s32 $0x800, s17;
	[sflag:s19] =	ssyncset.done $0x0  }
.LBB2_2:
0x3a: {  	s30 =	sadd.s32 s28, s18  }
0x3b: {  	[sflag:s19] =	ssyncadd.s32 $0xFFFFC000;
	s28 =	smov.u32 s29;
	s31 =	sadd.s32 $0x10, s29  }
0x3c: {  	[tilespmem:s4], [sflag:$0x1] =	stream.linear.gather [hbm4b:s30+s4], $0x80, $0x38;
	[tilespmem:$0x18080] =	vst v63  }
0x3d: {  	p0 =	sne.s32 s29, $0x4E0;
	_ =	swait.ge [sflag:s19], $0x80  }
0x3e: {  	[sflag:s19] =	ssyncset.done $0x0  }
0x3f: {  	[sflag:s19] =	ssyncadd.s32 $0xFFFFFF80  }
0x40: {  	[tilespmem:s24], [sflag:$0x1] =	stream.linear.gather [hbm4b:s26+s4], $0x4000, $0x38;
	[tilespmem:$0x18080] =	vst v63  }
0x41: {  	_ =	swait.ge [sflag:s19], $0x4000  }
.Ltmp0:
0x42: {  	[sflag:s19] =	ssyncset.done $0x0;
	(pc) =	sbr.rel @p0 .LBB2_2-.Ltmp0, $4  }
0x43: {  	[sflag:s19] =	ssyncadd.s32 $0xFFFFC000  }
0x44: {  	[spmem:s3] =	stream.indirect.scatter.add.f32 [tilespmem:s24], [sflag:$0x1], $0x80, s4, s24, $0xb8;
	[tilespmem:$0x18080] =	vst v63  }
0x45: {  	_ =	swait.ge [sflag:s19], $0x4000  }
0x46: {  	s29 =	smov.u32 s31;
	s26 =	sadd.s32 $0x800, s26;
	[sflag:s19] =	ssyncset.done $0x0  }
0x47: {  	s28 =	sadd.s32 s28, s18;
	[sflag:s19] =	ssyncadd.s32 $0xFFFFC000  }
0x48: {  	[tilespmem:s4], [sflag:$0x1] =	stream.linear.gather [hbm4b:s28+s4], $0x80, $0x38;
	[tilespmem:$0x18080] =	vst v63  }
0x49: {  	_ =	swait.ge [sflag:s19], $0x80  }
0x4a: {  	[sflag:s19] =	ssyncset.done $0x0  }
0x4b: {  	[sflag:s19] =	ssyncadd.s32 $0xFFFFFF80  }
0x4c: {  	[tilespmem:s24], [sflag:$0x1] =	stream.linear.gather [hbm4b:s26+s4], $0x4000, $0x38;
	[tilespmem:$0x18080] =	vst v63  }
0x4d: {  	_ =	swait.ge [sflag:s19], $0x4000  }
0x4e: {  	[sflag:s19] =	ssyncset.done $0x0  }
0x4f: {  	[sflag:s19] =	ssyncadd.s32 $0xFFFFC000  }
0x50: {  	[spmem:s3] =	stream.indirect.scatter.add.f32 [tilespmem:s24], [sflag:$0x1], $0x80, s4, s24, $0xb8;
	[tilespmem:$0x18080] =	vst v63  }
0x51: {  	_ =	swait.ge [sflag:s19], $0x4000  }
0x52: {  	[sflag:s19] =	ssyncset.done $0x0  }
0x53: {  	[sflag:s19] =	ssyncadd.s32 $0xFFFFC000  }
0x54: {  	[bflag:$0x0] =	sbarrier.arrive $0xFFFF  }
0x55: {  	[tilespmem:s24], [sflag:$0x1] =	stream.linear.gather [spmem:s5], $0x4000, $0x38;
	[tilespmem:$0x18080] =	vst v63  }
0x56: {  	_ =	swait.ge [sflag:s19], $0x4000  }
0x57: {  	[sflag:s19] =	ssyncset.done $0x0  }
0x58: {  	[sflag:s19] =	ssyncadd.s32 $0xFFFFC000  }
0x59: {  	[hbm4b:s8+s4] =	stream.linear.scatter [tilespmem:s24], [sflag:$0x1], $0x4000, $0x38;
	[tilespmem:$0x18080] =	vst v63  }
0x5a: {  	_ =	swait.ge [sflag:s19], $0x4000  }
0x5b: {  	[sflag:s19] =	ssyncset.done $0x0  }
0x5c: {  	[sflag:s19] =	ssyncadd.s32 $0xFFFFC000  }
0x5d: {  	[tilespmem:s24], [sflag:$0x1] =	stream.linear.gather [spmem:s9], $0x4000, $0x38;
	[tilespmem:$0x18080] =	vst v63  }
0x5e: {  	_ =	swait.ge [sflag:s19], $0x4000  }
0x5f: {  	[sflag:s19] =	ssyncset.done $0x0  }
0x60: {  	[sflag:s19] =	ssyncadd.s32 $0xFFFFC000  }
0x61: {  	[hbm4b:s10+s4] =	stream.linear.scatter [tilespmem:s24], [sflag:$0x1], $0x4000, $0x38;
	[tilespmem:$0x18080] =	vst v63  }
0x62: {  	_ =	swait.ge [sflag:s19], $0x4000  }
0x63: {  	[sflag:s19] =	ssyncset.done $0x0  }
0x64: {  	[sflag:s19] =	ssyncadd.s32 $0xFFFFC000  }
0x65: {  	[tilespmem:s24], [sflag:$0x1] =	stream.linear.gather [spmem:s11], $0x4000, $0x38;
	[tilespmem:$0x18080] =	vst v63  }
0x66: {  	_ =	swait.ge [sflag:s19], $0x4000  }
0x67: {  	[sflag:s19] =	ssyncset.done $0x0  }
0x68: {  	[sflag:s19] =	ssyncadd.s32 $0xFFFFC000  }
0x69: {  	[hbm4b:s12+s4] =	stream.linear.scatter [tilespmem:s24], [sflag:$0x1], $0x4000, $0x38;
	[tilespmem:$0x18080] =	vst v63  }
0x6a: {  	_ =	swait.ge [sflag:s19], $0x4000  }
0x6b: {  	[sflag:s19] =	ssyncset.done $0x0  }
0x6c: {  	[sflag:s19] =	ssyncadd.s32 $0xFFFFC000  }
0x6d: {  	[tilespmem:s24], [sflag:$0x1] =	stream.linear.gather [spmem:s13], $0x4000, $0x38;
	[tilespmem:$0x18080] =	vst v63  }
0x6e: {  	_ =	swait.ge [sflag:s19], $0x4000  }
0x6f: {  	[sflag:s19] =	ssyncset.done $0x0  }
0x70: {  	[sflag:s19] =	ssyncadd.s32 $0xFFFFC000  }
0x71: {  	[hbm4b:s14+s4] =	stream.linear.scatter [tilespmem:s24], [sflag:$0x1], $0x4000, $0x38;
	[tilespmem:$0x18080] =	vst v63  }
0x72: {  	_ =	swait.ge [sflag:s19], $0x4000  }
0x73: {  	[sflag:s19] =	ssyncset.done $0x0  }
0x74: {  	[sflag:s19] =	ssyncadd.s32 $0xFFFFC000  }
0x75: {  	[tilespmem:s24], [sflag:$0x1] =	stream.linear.gather [spmem:s15], $0x4000, $0x38;
	[tilespmem:$0x18080] =	vst v63  }
0x76: {  	s25 =	sadd.s32 $0x1, s25;
	_ =	swait.ge [sflag:s19], $0x4000  }
0x77: {  	p0 =	sne.s32 s25, s7;
	[sflag:s19] =	ssyncset.done $0x0  }
.Ltmp1:
0x78: {  	[sflag:s19] =	ssyncadd.s32 $0xFFFFC000;
	(pc) =	sbr.rel @p0 .LBB2_1-.Ltmp1, $4  }
0x79: {  	[hbm4b:s16+s4] =	stream.linear.scatter [tilespmem:s24], [sflag:$0x1], $0x4000, $0x38;
	[tilespmem:$0x18080] =	vst v63  }
0x7a: {  	_ =	swait.ge [sflag:s19], $0x4000  }
0x7b: {  	[sflag:s19] =	ssyncset.done $0x0  }
0x7c: {  	[sflag:s19] =	ssyncadd.s32 $0xFFFFC000  }
0x7d: {  	_ =	sfence.sel $0x180000  }
0x7e: {  	[bflag:$0x0] =	sbarrier.arrive $0xFFFF  }
0x7f: {  	p0 =	sne.s32 s1, $0x0;
	_ =	strace $0x9000004D  }
0x80: {  	s0 =	sadd.s32 @!p0 $0x100000, s0;
	[bflag:$0x2] =	sbarrier.arrive $0xFFFF  }
0x81: {  	[sflag:s0] =	ssyncadd.tile.s32 @!p0 $0x1;
	_ =	shalt  }
.Lfunc_end2:
_tile_overlayer_lowered:
.L_overlay_start_2:
0x82: {  	(tag) =	ssettag $0x2  }
0x83: {  	s0 =	rddreg [dreg:$0x0];
	s2 =	stileid.u32  }
0x84: {  	s1 =	rddreg [dreg:$0x1];
	p0 =	sne.s32 s2, $0x0  }
0x85: {  	s3 =	rddreg [dreg:$0x2];
	[bflag:$0x3] =	sbarrier.arrive $0xFFFF;
	s2 =	simm.s32 @!p0 $0x1C01  }
0x86: {  	[timem:s3], [sflag:s2] =	dma.local @!p0 [hbm:s0], s1  }
0x87: {  	s0 =	simm.s32 @!p0 $0x1  }
0x88: {  	_ =	swait.ge @!p0 [sflag:s0], s1  }
0x89: {  	s1 =	ssub.s32 @!p0 $0x0, s1;
	[sflag:s0] =	ssyncset.done @!p0 $0x0  }
0x8a: {  	[sflag:s0] =	ssyncadd.s32 @!p0 s1  }
0x8b: {  	[bflag:$0x3] =	sbarrier.arrive $0xFFFF  }
0x8c: {  	_ =	shalt  }

// kernel: kernel.41.cloned.1.call-start
scs
__scs_entry_jumppad:
0x0: {  	(pc) =	sbr.rel $0x88, $3  }
0x1: {  	(tag) =	ssettag $0x0;
	lr =	simm.s32 $0x1  }
0x2: {  	[smem:$0x3F50] =	sst lr;
	_ =	strace $0xD0000000  }
0x3: {  	_ = 	snop  }
0x4: {  	_ = 	snop  }
0x5: {  	_ = 	snop  }
0x6: {  	_ = 	snop  }
0x7: {  	_ = 	snop  }
__scs_overlays_trampoline_lowered:
0x8: {  	[smem:$0x3F5F] =	sst s0  }
0x9: {  	[smem:$0x3F60] =	sst s1  }
0xa: {  	[smem:$0x3F61] =	sst s2  }
0xb: {  	[smem:$0x3F62] =	sst s3  }
0xc: {  	[smem:$0x3F63] =	sst s4  }
0xd: {  	[smem:$0x3F64] =	sst s5  }
0xe: {  	[smem:$0x3F65] =	sst s6  }
0xf: {  	[smem:$0x3F66] =	sst s7  }
0x10: {  	[smem:$0x3F67] =	sst s8  }
0x11: {  	[smem:$0x3F68] =	sst s9;
	s0 =	simm.s32 @!p0 $0x0  }
0x12: {  	s1 =	sld [smem:$0x3F4E];
	s0 =	simm.s32 @p0 $0x1  }
0x13: {  	[smem:$0x3F69] =	sst s0;
	s0 =	simm.s32 @!p1 $0x0  }
0x14: {  	s2 =	sld [smem:$0x3F4D];
	s0 =	simm.s32 @p1 $0x1  }
0x15: {  	[smem:$0x3F6A] =	sst s0;
	s0 =	simm.s32 @!p2 $0x0  }
0x16: {  	s3 =	sld [smem:$0x3FDB];
	s0 =	simm.s32 @p2 $0x1  }
0x17: {  	s4 =	simm.s32 $0x1BF5;
	[smem:$0x3F6C] =	sst s0  }
0x18: {  	s0 =	sld [smem:$0x3F4F];
	_ =	swait.ge [sflag:s4], $0x0  }
0x19: {  	s7 =	sld [smem:$0x3F50]  }
0x1a: {  	s8 =	sadd.s32 $0xFFFFE003, lr  }
0x1b: {  	s9 =	sadd.s32 $0xFFFFFEF7, lr;
	s5 =	simm.s32 $0xFFFFFFFF;
	p2 =	slt.u32 s8, $0xFFFFF086  }
0x1c: {  	p1 =	slt.u32 s9, $0xF7A;
	s5 =	simm.s32 @!p2 $0x0  }
0x1d: {  	s5 =	simm.s32 @p1 $0x1;
	p0 =	seq.s32 s7, s2  }
0x1e: {  	s7 =	smul.u32 @!p0 $0xF7A, s2;
	p2 =	seq.s32 @!p0 s5, $0x0  }
0x1f: {  	s9 =	smul.u32 $0xF7A, s1;
	s8 =	simm.s32 @!p0 $0x1BF5;
	p2 =	por !p2, p0  }
0x20: {  	[sflag:s8] =	ssyncset.s32 @!p0 $0xFFFFF086;
	s6 =	sadd.s32 @!p0 s3, s7;
	s7 =	simm.s32 @!p0 $0x108  }
0x21: {  	s3 =	sadd.s32 s3, s9;
	s6 =	sadd.s32 @!p0 $0x88, s6;
	s7 =	simm.s32 @p2 $0x1082  }
0x22: {  	[simem:s7], [sflag:s8] =	dma.local @!p0 [hbm:s6], $0xF7A  }
0x23: {  	s9 =	sor.u32 $0xD0000000, s2;
	s6 =	simm.s32 $0x108;
	_ =	swait.ge @!p0 [sflag:s8], $0x0  }
0x24: {  	s3 =	sadd.s32 $0x88, s3;
	s6 =	simm.s32 @!p1 $0x1082;
	[sflag:s4] =	ssyncset.s32 $0xFFFFF086  }
0x25: {  	[simem:s6], [sflag:s4] =	dma.local [hbm:s3], $0xF7A  }
0x26: {  	[smem:$0x3F50] =	sst s1;
	(tag) =	ssettag s2;
	_ =	strace s9  }
0x27: {  	s1 =	sld [smem:$0x3F60]  }
0x28: {  	s2 =	sld [smem:$0x3F61]  }
0x29: {  	s4 =	sld [smem:$0x3F63]  }
0x2a: {  	p0 =	seq.s32 s5, $0x0;
	s5 =	sld [smem:$0x3F64]  }
0x2b: {  	s6 =	sld [smem:$0x3F65]  }
0x2c: {  	s7 =	sld [smem:$0x3F66]  }
0x2d: {  	s3 =	simm.s32 $0x108;
	s8 =	sld [smem:$0x3F67]  }
0x2e: {  	s3 =	simm.s32 @!p0 $0x1082;
	s9 =	sld [smem:$0x3F68]  }
0x2f: {  	lr =	sadd.s32 s0, s3;
	s0 =	sld [smem:$0x3F5F]  }
0x30: {  	s3 =	sld [smem:$0x3F62]  }
0x31: {  	[smem:$0x3F6B] =	sst s10  }
0x32: {  	s10 =	sld [smem:$0x3F69];
	_ =	sdelay $0x3  }
0x33: {  	p0 =	seq.s32 s10, $0x1;
	s10 =	sld [smem:$0x3F6B];
	_ =	sdelay $0x3  }
0x34: {  	[smem:$0x3F6B] =	sst s10  }
0x35: {  	s10 =	sld [smem:$0x3F6A];
	_ =	sdelay $0x3  }
0x36: {  	p1 =	seq.s32 s10, $0x1;
	s10 =	sld [smem:$0x3F6B];
	_ =	sdelay $0x3  }
0x37: {  	[smem:$0x3F6B] =	sst s10  }
0x38: {  	s10 =	sld [smem:$0x3F6C]  }
0x39: {  	_ = 	snop;
	(pc) =	sbr.ind lr, $3  }
0x3a: {  	_ = 	snop  }
0x3b: {  	_ = 	snop  }
0x3c: {  	p2 =	seq.s32 s10, $0x1;
	s10 =	sld [smem:$0x3F6B]  }
0x3d: {  	_ =	shalt  }
0x3e: {  	_ =	shalt  }
0x3f: {  	_ =	shalt  }
0x40: {  	_ =	shalt  }
0x41: {  	_ =	shalt  }
0x42: {  	_ =	shalt  }
0x43: {  	_ =	shalt  }
0x44: {  	_ =	shalt  }
0x45: {  	_ =	shalt  }
0x46: {  	_ =	shalt  }
0x47: {  	_ =	shalt  }
0x48: {  	_ =	shalt  }
0x49: {  	_ =	shalt  }
0x4a: {  	_ =	shalt  }
0x4b: {  	_ =	shalt  }
0x4c: {  	_ =	shalt  }
0x4d: {  	_ =	shalt  }
0x4e: {  	_ =	shalt  }
0x4f: {  	_ =	shalt  }
0x50: {  	_ =	shalt  }
0x51: {  	_ =	shalt  }
0x52: {  	_ =	shalt  }
0x53: {  	_ =	shalt  }
0x54: {  	_ =	shalt  }
0x55: {  	_ =	shalt  }
0x56: {  	_ =	shalt  }
0x57: {  	_ =	shalt  }
0x58: {  	_ =	shalt  }
0x59: {  	_ =	shalt  }
0x5a: {  	_ =	shalt  }
0x5b: {  	_ =	shalt  }
0x5c: {  	_ =	shalt  }
0x5d: {  	_ =	shalt  }
0x5e: {  	_ =	shalt  }
0x5f: {  	_ =	shalt  }
0x60: {  	_ =	shalt  }
0x61: {  	_ =	shalt  }
0x62: {  	_ =	shalt  }
0x63: {  	_ =	shalt  }
0x64: {  	_ =	shalt  }
0x65: {  	_ =	shalt  }
0x66: {  	_ =	shalt  }
0x67: {  	_ =	shalt  }
0x68: {  	_ =	shalt  }
0x69: {  	_ =	shalt  }
0x6a: {  	_ =	shalt  }
0x6b: {  	_ =	shalt  }
0x6c: {  	_ =	shalt  }
0x6d: {  	_ =	shalt  }
0x6e: {  	_ =	shalt  }
0x6f: {  	_ =	shalt  }
0x70: {  	_ =	shalt  }
0x71: {  	_ =	shalt  }
0x72: {  	_ =	shalt  }
0x73: {  	_ =	shalt  }
0x74: {  	_ =	shalt  }
0x75: {  	_ =	shalt  }
0x76: {  	_ =	shalt  }
0x77: {  	_ =	shalt  }
0x78: {  	_ =	shalt  }
0x79: {  	_ =	shalt  }
0x7a: {  	_ =	shalt  }
0x7b: {  	_ =	shalt  }
0x7c: {  	_ =	shalt  }
0x7d: {  	_ =	shalt  }
0x7e: {  	_ =	shalt  }
0x7f: {  	_ =	shalt  }
0x80: {  	_ =	shalt  }
0x81: {  	_ =	shalt  }
0x82: {  	_ =	shalt  }
0x83: {  	_ =	shalt  }
0x84: {  	_ =	shalt  }
0x85: {  	_ =	shalt  }
0x86: {  	_ =	shalt  }
0x87: {  	_ =	shalt  }
.Lfunc_end0:
.L_simem_size_0:
called_computation.3_lowered:
.L_overlay_start_0:
0x88: {  	s2 =	sld [smem:$0x3FD9]  }
0x89: {  	s3 =	sld [smem:$0x3FFE];
	_ =	sdelay $0x1  }
0x8a: {  	s1 =	srdreg.scid  }
0x8b: {  	s0 =	sand.u32 $0x1, s1  }
0x8c: {  	s16 =	sshll.u32 s0, $0xA;
	s2 =	sadd.s32 s3, s2  }
0x8d: {  	s2 =	sadd.s32 s2, s16  }
0x8e: {  	[smem:$0x3F77] =	sst s2  }
0x8f: {  	_ = 	snop  }
0x90: {  	(tm) =	ssettm $0x1  }
0x91: {  	s17 =	sld [smem:$0x3FFB];
	_ =	sdelay $0x3  }
0x92: {  	_ =	strace s17  }
0x93: {  	s2 =	sld [smem:$0x3FFC];
	_ =	sdelay $0x3  }
0x94: {  	_ =	strace s2  }
0x95: {  	s2 =	sld [smem:$0x3FFD];
	_ =	sdelay $0x3  }
0x96: {  	_ =	strace s2  }
0x97: {  	_ =	strace $0x8FFFFFFF  }
0x98: {  	s18 =	sld [smem:$0x3FDB];
	_ =	sdelay $0x1  }
0x99: {  	s19 =	simm.s32 $_scs_section_size  }
0x9a: {  	s4 =	simm.s32 $_size__tile_overlayer_lowered;
	s5 =	simm.s32 $_tile_overlayer_lowered  }
0x9b: {  	s22 =	simm.s32 $0x1BFF;
	s21 =	sshll.u32 s5, $0x1;
	s2 =	sadd.s32 s19, s18  }
0x9c: {  	s6 =	simm.s32 $0x0;
	s20 =	sshll.u32 s4, $0x1;
	s4 =	sadd.s32 s21, s2  }
0x9d: {  	[timem:s6], [sflag:s22] =	dma.local [hbm:s4], s20  }
0x9e: {  	_ =	swait.ge [sflag:s22], s20  }
0x9f: {  	s3 =	ssub.s32 $0x0, s20;
	[sflag:s22] =	ssyncset.done $0x0  }
0xa0: {  	[sflag:s22] =	ssyncadd.s32 s3;
	_ =	sdelay $0x1  }
0xa1: {  	s23 =	simm.s32 $0x1B8B  }
0xa2: {  	_ =	swait.ge [sflag:s23], $0x1  }
0xa3: {  	[sflag:s23] =	ssyncset.done $0x0  }
0xa4: {  	s25 =	simm.s32 $0x1B8E;
	s24 =	sld [smem:$0x3FFE];
	[sflag:s23] =	ssyncadd.s32 $0xFFFFFFFF  }
0xa5: {  	s26 =	simm.s32 $execute0_lowered;
	[smem:$0x3FD2] =	sst s25  }
0xa6: {  	s4 =	sshll.u32 s26, $0x1;
	_ =	strace $0x8000004F;
	[dreg:$0x1] =	wrdreg $0xFFFFFFFF  }
0xa7: {  	s28 =	simm.s32 $_size_execute0_lowered;
	s2 =	sadd.s32 s2, s4;
	[dreg:$0x0] =	wrdreg $0x0  }
0xa8: {  	s4 =	sshll.u32 s28, $0x1;
	[dreg:$0x2] =	wrdreg s2  }
0xa9: {  	[dreg:$0x3] =	wrdreg s4  }
0xaa: {  	[dreg:$0x4] =	wrdreg $0xC0  }
0xab: {  	_ =	task [dreg:s6], $0x5FFFF  }
0xac: {  	[dreg:$0x1] =	wrdreg $0xFFFFFFFF  }
0xad: {  	[dreg:$0x0] =	wrdreg $0x60  }
0xae: {  	[dreg:$0x2] =	wrdreg s24  }
0xaf: {  	[dreg:$0x3] =	wrdreg $0x9  }
0xb0: {  	_ =	task.clear_ibuf [dreg:s6], $0x4FFFF;
	_ =	strace $0x9000004F  }
0xb1: {  	s29 =	simm.s32 $0x9;
	_ =	strace $0x80000051  }
0xb2: {  	_ =	swait.ge [sflag:s29], $0x1  }
0xb3: {  	[sflag:s29] =	ssyncadd.s32 $0xFFFFFFFF  }
0xb4: {  	_ =	strace $0x90000051  }
0xb5: {  	_ =	sfence  }
0xb6: {  	s30 =	sld [smem:$0x0];
	_ =	sdelay $0x2  }
0xb7: {  	s31 =	sshll.u32 s1, $0xD;
	s1 =	sshrl.u32 s1, $0x2  }
0xb8: {  	s3 =	sand.u32 $0x4000, s31;
	s1 =	sadd.s32 s1, s30  }
0xb9: {  	s0 =	sor.u32 s3, s0;
	s1 =	sshll.u32 s1, $0x11  }
0xba: {  	s0 =	sor.u32 s1, s0  }
0xbb: {  	s0 =	sadd.s32 $0x8F2B, s0  }
0xbc: {  	[sflag:s0] =	ssyncadd.remote.s32 $0x1  }
0xbd: {  	_ =	sfence.sel $0xFFFF  }
0xbe: {  	[dreg:$0x0] =	wrdreg $0xFFFFFFFF;
	(pc) =	sbr.abs _section_cstart, $3  }
0xbf: {  	[dreg:$0x1] =	wrdreg $0xFFFFFFFF  }
0xc0: {  	_ =	task.clear_ibuf [dreg:s6], $0x2FFFF;
	_ =	strace $0x9FFFFFFF  }
0xc1: {  	(tm) =	ssettm $0x7FFFFFFF  }
tec
execute0_lowered:
.L_overlay_start_1:
0x0: {  	(tag) =	ssettag $0x1  }
0x1: {  	s5 =	rddreg [dreg:$0x0]  }
0x2: {  	s0 =	rddreg [dreg:$0x1]  }
0x3: {  	s2 =	simm.s32 $0x0;
	s3 =	srdreg.scid;
	s1 =	stileid.u32  }
0x4: {  	s11 =	simm.s32 $0x100;
	s12 =	simm.s32 $0x4100;
	s13 =	simm.s32 $0x1  }
0x5: {  	s14 =	simm.s32 $0x0;
	[smem:$0x7FF] =	sst s2;
	s7 =	smul.u32 $0x4F00, s1  }
0x6: {  	s6 =	sand.u32 $0x1, s3;
	s3 =	sadd.s32 $0x2A400, s5;
	s9 =	smul.u32 $0x4F000, s1  }
0x7: {  	s4 =	sadd.s32 $0x52400, s5;
	s8 =	smul.u32 $0x2780, s6;
	s10 =	ssub.s32 $0x2, s6  }
0x8: {  	_ =	strace $0x80000050;
	s6 =	smul.u32 $0x27800, s6;
	s30 =	sshrl.u32 s10, $0x1  }
0x9: {  	s9 =	sadd.s32 s9, s5;
	s7 =	sadd.s32 s8, s7;
	s8 =	ssub.s32 s10, s30  }
0xa: {  	s6 =	sadd.s32 s6, s9;
	s9 =	simm.s32 $0x2;
	s7 =	sshrl.u32 s7, $0x3  }
0xb: {  	s10 =	simm.s32 $0x80;
	s6 =	sadd.s32 $0xF4A400, s6;
	s31 =	sadd.s32 s7, s5  }
0xc: {  	s5 =	smax.u32 s8, $0x1;
	s7 =	sadd.s32 $0x20600, s31;
	s8 =	sadd.s32 $0x16800, s31  }
.LBB2_1:
0xd: {  	s15 =	sadd.s32 $0x0, s8  }
0xe: {  	[tilespmem:s2], [sflag:$0x2] =	stream.linear.gather [hbm4b:s15+s2], $0x80, $0x38;
	[tilespmem:$0x8100] =	vst v63  }
0xf: {  	_ =	swait.ge [sflag:s9], $0x80  }
0x10: {  	[sflag:s9] =	ssyncset.done $0x0  }
0x11: {  	s30 =	sadd.s32 $0x0, s7;
	[sflag:s9] =	ssyncadd.s32 $0xFFFFFF80  }
0x12: {  	[tilespmem:s10], [sflag:$0x2] =	stream.linear.gather [hbm4b:s30+s2], $0x80, $0x38;
	[tilespmem:$0x8100] =	vst v63  }
0x13: {  	_ =	swait.ge [sflag:s9], $0x80  }
0x14: {  	[sflag:s9] =	ssyncset.done $0x0  }
0x15: {  	[sflag:s9] =	ssyncadd.s32 $0xFFFFFF80  }
0x16: {  	[tilespmem:s11], [sflag:$0x1] =	stream.indirect.gather [hbm4b:s3+s10], $0x80, s2, s10, $0xb8;
	[tilespmem:$0x8100] =	vst v63  }
0x17: {  	_ = 	snop  }
0x18: {  	[tilespmem:s12], [sflag:$0x1] =	stream.indirect.gather [hbm4b:s4+s10], $0x80, s10, s10, $0xb8;
	[tilespmem:$0x8100] =	vst v63  }
0x19: {  	_ =	swait.ge [sflag:s13], $0x4000  }
0x1a: {  	[sflag:s13] =	ssyncset.done $0x0  }
0x1b: {  	[sflag:s13] =	ssyncadd.s32 $0xFFFFC000  }
0x1c: {  	_ =	swait.ge [sflag:s13], $0x4000  }
0x1d: {  	[sflag:s13] =	ssyncset.done $0x0  }
0x1e: {  	s31 =	sadd.s32 $0xFFB10000, s6;
	[sflag:s13] =	ssyncadd.s32 $0xFFFFC000  }
0x1f: {  	[hbm4b:s31+s2] =	stream.linear.scatter [tilespmem:s11], [sflag:$0x2], $0x4000, $0x38;
	[tilespmem:$0x8100] =	vst v63  }
0x20: {  	_ =	swait.ge [sflag:s9], $0x4000  }
0x21: {  	[sflag:s9] =	ssyncset.done $0x0  }
0x22: {  	[sflag:s9] =	ssyncadd.s32 $0xFFFFC000  }
0x23: {  	[hbm4b:s6+s2] =	stream.linear.scatter [tilespmem:s12], [sflag:$0x2], $0x4000, $0x38;
	[tilespmem:$0x8100] =	vst v63  }
0x24: {  	s16 =	simm.s32 $0x10;
	_ =	swait.ge [sflag:s9], $0x4000  }
0x25: {  	s17 =	simm.s32 $0x20;
	s15 =	sadd.s32 $0x800, s6;
	[sflag:s9] =	ssyncset.done $0x0  }
.LBB2_2:
0x26: {  	s18 =	sadd.s32 s16, s8  }
0x27: {  	[sflag:s9] =	ssyncadd.s32 $0xFFFFC000;
	s19 =	smov.u32 s17;
	s20 =	sadd.s32 $0x10, s17  }
0x28: {  	[tilespmem:s2], [sflag:$0x2] =	stream.linear.gather [hbm4b:s18+s2], $0x80, $0x38;
	[tilespmem:$0x8100] =	vst v63  }
0x29: {  	p0 =	sne.s32 s17, $0x4E0;
	_ =	swait.ge [sflag:s9], $0x80  }
0x2a: {  	[sflag:s9] =	ssyncset.done $0x0  }
0x2b: {  	s17 =	sadd.s32 s16, s7;
	s16 =	smov.u32 s19;
	[sflag:s9] =	ssyncadd.s32 $0xFFFFFF80  }
0x2c: {  	[tilespmem:s10], [sflag:$0x2] =	stream.linear.gather [hbm4b:s17+s2], $0x80, $0x38;
	[tilespmem:$0x8100] =	vst v63  }
0x2d: {  	_ =	swait.ge [sflag:s9], $0x80  }
0x2e: {  	[sflag:s9] =	ssyncset.done $0x0  }
0x2f: {  	[sflag:s9] =	ssyncadd.s32 $0xFFFFFF80  }
0x30: {  	[tilespmem:s11], [sflag:$0x1] =	stream.indirect.gather [hbm4b:s3+s10], $0x80, s2, s10, $0xb8;
	[tilespmem:$0x8100] =	vst v63  }
0x31: {  	_ = 	snop  }
0x32: {  	[tilespmem:s12], [sflag:$0x1] =	stream.indirect.gather [hbm4b:s4+s10], $0x80, s10, s10, $0xb8;
	[tilespmem:$0x8100] =	vst v63  }
0x33: {  	_ =	swait.ge [sflag:s13], $0x4000  }
0x34: {  	[sflag:s13] =	ssyncset.done $0x0  }
0x35: {  	[sflag:s13] =	ssyncadd.s32 $0xFFFFC000  }
0x36: {  	_ =	swait.ge [sflag:s13], $0x4000  }
0x37: {  	[sflag:s13] =	ssyncset.done $0x0  }
0x38: {  	s17 =	sadd.s32 $0xFFB10000, s15;
	[sflag:s13] =	ssyncadd.s32 $0xFFFFC000  }
0x39: {  	[hbm4b:s17+s2] =	stream.linear.scatter [tilespmem:s11], [sflag:$0x2], $0x4000, $0x38;
	[tilespmem:$0x8100] =	vst v63  }
0x3a: {  	_ =	swait.ge [sflag:s9], $0x4000  }
.Ltmp0:
0x3b: {  	[sflag:s9] =	ssyncset.done $0x0;
	(pc) =	sbr.rel @p0 .LBB2_2-.Ltmp0, $4  }
0x3c: {  	[sflag:s9] =	ssyncadd.s32 $0xFFFFC000  }
0x3d: {  	[hbm4b:s15+s2] =	stream.linear.scatter [tilespmem:s12], [sflag:$0x2], $0x4000, $0x38;
	[tilespmem:$0x8100] =	vst v63  }
0x3e: {  	_ =	swait.ge [sflag:s9], $0x4000  }
0x3f: {  	s17 =	smov.u32 s20;
	s15 =	sadd.s32 $0x800, s15;
	[sflag:s9] =	ssyncset.done $0x0  }
0x40: {  	s17 =	sadd.s32 s16, s8;
	[sflag:s9] =	ssyncadd.s32 $0xFFFFC000  }
0x41: {  	[tilespmem:s2], [sflag:$0x2] =	stream.linear.gather [hbm4b:s17+s2], $0x80, $0x38;
	[tilespmem:$0x8100] =	vst v63  }
0x42: {  	_ =	swait.ge [sflag:s9], $0x80  }
0x43: {  	[sflag:s9] =	ssyncset.done $0x0  }
0x44: {  	s30 =	sadd.s32 s16, s7;
	[sflag:s9] =	ssyncadd.s32 $0xFFFFFF80  }
0x45: {  	[tilespmem:s10], [sflag:$0x2] =	stream.linear.gather [hbm4b:s30+s2], $0x80, $0x38;
	[tilespmem:$0x8100] =	vst v63  }
0x46: {  	_ =	swait.ge [sflag:s9], $0x80  }
0x47: {  	[sflag:s9] =	ssyncset.done $0x0  }
0x48: {  	[sflag:s9] =	ssyncadd.s32 $0xFFFFFF80  }
0x49: {  	[tilespmem:s11], [sflag:$0x1] =	stream.indirect.gather [hbm4b:s3+s10], $0x80, s2, s10, $0xb8;
	[tilespmem:$0x8100] =	vst v63  }
0x4a: {  	_ = 	snop  }
0x4b: {  	[tilespmem:s12], [sflag:$0x1] =	stream.indirect.gather [hbm4b:s4+s10], $0x80, s10, s10, $0xb8;
	[tilespmem:$0x8100] =	vst v63  }
0x4c: {  	_ =	swait.ge [sflag:s13], $0x4000  }
0x4d: {  	[sflag:s13] =	ssyncset.done $0x0  }
0x4e: {  	[sflag:s13] =	ssyncadd.s32 $0xFFFFC000  }
0x4f: {  	_ =	swait.ge [sflag:s13], $0x4000  }
0x50: {  	[sflag:s13] =	ssyncset.done $0x0  }
0x51: {  	s31 =	sadd.s32 $0xFFB10000, s15;
	[sflag:s13] =	ssyncadd.s32 $0xFFFFC000  }
0x52: {  	[hbm4b:s31+s2] =	stream.linear.scatter [tilespmem:s11], [sflag:$0x2], $0x4000, $0x38;
	[tilespmem:$0x8100] =	vst v63  }
0x53: {  	s14 =	sadd.s32 $0x1, s14;
	_ =	swait.ge [sflag:s9], $0x4000  }
0x54: {  	p0 =	sne.s32 s14, s5;
	[sflag:s9] =	ssyncset.done $0x0  }
.Ltmp1:
0x55: {  	[sflag:s9] =	ssyncadd.s32 $0xFFFFC000;
	(pc) =	sbr.rel @p0 .LBB2_1-.Ltmp1, $4  }
0x56: {  	[hbm4b:s15+s2] =	stream.linear.scatter [tilespmem:s12], [sflag:$0x2], $0x4000, $0x38;
	[tilespmem:$0x8100] =	vst v63  }
0x57: {  	_ =	swait.ge [sflag:s9], $0x4000  }
0x58: {  	[sflag:s9] =	ssyncset.done $0x0  }
0x59: {  	[sflag:s9] =	ssyncadd.s32 $0xFFFFC000  }
0x5a: {  	_ =	sfence.sel $0x180000  }
0x5b: {  	[bflag:$0x0] =	sbarrier.arrive $0xFFFF  }
0x5c: {  	p0 =	sne.s32 s1, $0x0;
	_ =	strace $0x90000050  }
0x5d: {  	s0 =	sadd.s32 @!p0 $0x100000, s0;
	[bflag:$0x2] =	sbarrier.arrive $0xFFFF  }
0x5e: {  	[sflag:s0] =	ssyncadd.tile.s32 @!p0 $0x1;
	_ =	shalt  }
.Lfunc_end2:
_tile_overlayer_lowered:
.L_overlay_start_2:
0x5f: {  	(tag) =	ssettag $0x2  }
0x60: {  	s0 =	rddreg [dreg:$0x0];
	s2 =	stileid.u32  }
0x61: {  	s1 =	rddreg [dreg:$0x1];
	p0 =	sne.s32 s2, $0x0  }
0x62: {  	s3 =	rddreg [dreg:$0x2];
	[bflag:$0x3] =	sbarrier.arrive $0xFFFF;
	s2 =	simm.s32 @!p0 $0x1C02  }
0x63: {  	[timem:s3], [sflag:s2] =	dma.local @!p0 [hbm:s0], s1  }
0x64: {  	s0 =	simm.s32 @!p0 $0x2  }
0x65: {  	_ =	swait.ge @!p0 [sflag:s0], s1  }
0x66: {  	s1 =	ssub.s32 @!p0 $0x0, s1;
	[sflag:s0] =	ssyncset.done @!p0 $0x0  }
0x67: {  	[sflag:s0] =	ssyncadd.s32 @!p0 s1  }
0x68: {  	[bflag:$0x3] =	sbarrier.arrive $0xFFFF  }
0x69: {  	_ =	shalt  }

// kernel: kernel.44.cloned.1.call-start
scs
__scs_entry_jumppad:
0x0: {  	(pc) =	sbr.rel $0x88, $3  }
0x1: {  	(tag) =	ssettag $0x0;
	lr =	simm.s32 $0x1  }
0x2: {  	[smem:$0x3F50] =	sst lr;
	_ =	strace $0xD0000000  }
0x3: {  	_ = 	snop  }
0x4: {  	_ = 	snop  }
0x5: {  	_ = 	snop  }
0x6: {  	_ = 	snop  }
0x7: {  	_ = 	snop  }
__scs_overlays_trampoline_lowered:
0x8: {  	[smem:$0x3F5F] =	sst s0  }
0x9: {  	[smem:$0x3F60] =	sst s1  }
0xa: {  	[smem:$0x3F61] =	sst s2  }
0xb: {  	[smem:$0x3F62] =	sst s3  }
0xc: {  	[smem:$0x3F63] =	sst s4  }
0xd: {  	[smem:$0x3F64] =	sst s5  }
0xe: {  	[smem:$0x3F65] =	sst s6  }
0xf: {  	[smem:$0x3F66] =	sst s7  }
0x10: {  	[smem:$0x3F67] =	sst s8  }
0x11: {  	[smem:$0x3F68] =	sst s9;
	s0 =	simm.s32 @!p0 $0x0  }
0x12: {  	s1 =	sld [smem:$0x3F4E];
	s0 =	simm.s32 @p0 $0x1  }
0x13: {  	[smem:$0x3F69] =	sst s0;
	s0 =	simm.s32 @!p1 $0x0  }
0x14: {  	s2 =	sld [smem:$0x3F4D];
	s0 =	simm.s32 @p1 $0x1  }
0x15: {  	[smem:$0x3F6A] =	sst s0;
	s0 =	simm.s32 @!p2 $0x0  }
0x16: {  	s3 =	sld [smem:$0x3FDB];
	s0 =	simm.s32 @p2 $0x1  }
0x17: {  	s4 =	simm.s32 $0x1BF5;
	[smem:$0x3F6C] =	sst s0  }
0x18: {  	s0 =	sld [smem:$0x3F4F];
	_ =	swait.ge [sflag:s4], $0x0  }
0x19: {  	s7 =	sld [smem:$0x3F50]  }
0x1a: {  	s8 =	sadd.s32 $0xFFFFE003, lr  }
0x1b: {  	s9 =	sadd.s32 $0xFFFFFEF7, lr;
	s5 =	simm.s32 $0xFFFFFFFF;
	p2 =	slt.u32 s8, $0xFFFFF086  }
0x1c: {  	p1 =	slt.u32 s9, $0xF7A;
	s5 =	simm.s32 @!p2 $0x0  }
0x1d: {  	s5 =	simm.s32 @p1 $0x1;
	p0 =	seq.s32 s7, s2  }
0x1e: {  	s7 =	smul.u32 @!p0 $0xF7A, s2;
	p2 =	seq.s32 @!p0 s5, $0x0  }
0x1f: {  	s9 =	smul.u32 $0xF7A, s1;
	s8 =	simm.s32 @!p0 $0x1BF5;
	p2 =	por !p2, p0  }
0x20: {  	[sflag:s8] =	ssyncset.s32 @!p0 $0xFFFFF086;
	s6 =	sadd.s32 @!p0 s3, s7;
	s7 =	simm.s32 @!p0 $0x108  }
0x21: {  	s3 =	sadd.s32 s3, s9;
	s6 =	sadd.s32 @!p0 $0x88, s6;
	s7 =	simm.s32 @p2 $0x1082  }
0x22: {  	[simem:s7], [sflag:s8] =	dma.local @!p0 [hbm:s6], $0xF7A  }
0x23: {  	s9 =	sor.u32 $0xD0000000, s2;
	s6 =	simm.s32 $0x108;
	_ =	swait.ge @!p0 [sflag:s8], $0x0  }
0x24: {  	s3 =	sadd.s32 $0x88, s3;
	s6 =	simm.s32 @!p1 $0x1082;
	[sflag:s4] =	ssyncset.s32 $0xFFFFF086  }
0x25: {  	[simem:s6], [sflag:s4] =	dma.local [hbm:s3], $0xF7A  }
0x26: {  	[smem:$0x3F50] =	sst s1;
	(tag) =	ssettag s2;
	_ =	strace s9  }
0x27: {  	s1 =	sld [smem:$0x3F60]  }
0x28: {  	s2 =	sld [smem:$0x3F61]  }
0x29: {  	s4 =	sld [smem:$0x3F63]  }
0x2a: {  	p0 =	seq.s32 s5, $0x0;
	s5 =	sld [smem:$0x3F64]  }
0x2b: {  	s6 =	sld [smem:$0x3F65]  }
0x2c: {  	s7 =	sld [smem:$0x3F66]  }
0x2d: {  	s3 =	simm.s32 $0x108;
	s8 =	sld [smem:$0x3F67]  }
0x2e: {  	s3 =	simm.s32 @!p0 $0x1082;
	s9 =	sld [smem:$0x3F68]  }
0x2f: {  	lr =	sadd.s32 s0, s3;
	s0 =	sld [smem:$0x3F5F]  }
0x30: {  	s3 =	sld [smem:$0x3F62]  }
0x31: {  	[smem:$0x3F6B] =	sst s10  }
0x32: {  	s10 =	sld [smem:$0x3F69];
	_ =	sdelay $0x3  }
0x33: {  	p0 =	seq.s32 s10, $0x1;
	s10 =	sld [smem:$0x3F6B];
	_ =	sdelay $0x3  }
0x34: {  	[smem:$0x3F6B] =	sst s10  }
0x35: {  	s10 =	sld [smem:$0x3F6A];
	_ =	sdelay $0x3  }
0x36: {  	p1 =	seq.s32 s10, $0x1;
	s10 =	sld [smem:$0x3F6B];
	_ =	sdelay $0x3  }
0x37: {  	[smem:$0x3F6B] =	sst s10  }
0x38: {  	s10 =	sld [smem:$0x3F6C]  }
0x39: {  	_ = 	snop;
	(pc) =	sbr.ind lr, $3  }
0x3a: {  	_ = 	snop  }
0x3b: {  	_ = 	snop  }
0x3c: {  	p2 =	seq.s32 s10, $0x1;
	s10 =	sld [smem:$0x3F6B]  }
0x3d: {  	_ =	shalt  }
0x3e: {  	_ =	shalt  }
0x3f: {  	_ =	shalt  }
0x40: {  	_ =	shalt  }
0x41: {  	_ =	shalt  }
0x42: {  	_ =	shalt  }
0x43: {  	_ =	shalt  }
0x44: {  	_ =	shalt  }
0x45: {  	_ =	shalt  }
0x46: {  	_ =	shalt  }
0x47: {  	_ =	shalt  }
0x48: {  	_ =	shalt  }
0x49: {  	_ =	shalt  }
0x4a: {  	_ =	shalt  }
0x4b: {  	_ =	shalt  }
0x4c: {  	_ =	shalt  }
0x4d: {  	_ =	shalt  }
0x4e: {  	_ =	shalt  }
0x4f: {  	_ =	shalt  }
0x50: {  	_ =	shalt  }
0x51: {  	_ =	shalt  }
0x52: {  	_ =	shalt  }
0x53: {  	_ =	shalt  }
0x54: {  	_ =	shalt  }
0x55: {  	_ =	shalt  }
0x56: {  	_ =	shalt  }
0x57: {  	_ =	shalt  }
0x58: {  	_ =	shalt  }
0x59: {  	_ =	shalt  }
0x5a: {  	_ =	shalt  }
0x5b: {  	_ =	shalt  }
0x5c: {  	_ =	shalt  }
0x5d: {  	_ =	shalt  }
0x5e: {  	_ =	shalt  }
0x5f: {  	_ =	shalt  }
0x60: {  	_ =	shalt  }
0x61: {  	_ =	shalt  }
0x62: {  	_ =	shalt  }
0x63: {  	_ =	shalt  }
0x64: {  	_ =	shalt  }
0x65: {  	_ =	shalt  }
0x66: {  	_ =	shalt  }
0x67: {  	_ =	shalt  }
0x68: {  	_ =	shalt  }
0x69: {  	_ =	shalt  }
0x6a: {  	_ =	shalt  }
0x6b: {  	_ =	shalt  }
0x6c: {  	_ =	shalt  }
0x6d: {  	_ =	shalt  }
0x6e: {  	_ =	shalt  }
0x6f: {  	_ =	shalt  }
0x70: {  	_ =	shalt  }
0x71: {  	_ =	shalt  }
0x72: {  	_ =	shalt  }
0x73: {  	_ =	shalt  }
0x74: {  	_ =	shalt  }
0x75: {  	_ =	shalt  }
0x76: {  	_ =	shalt  }
0x77: {  	_ =	shalt  }
0x78: {  	_ =	shalt  }
0x79: {  	_ =	shalt  }
0x7a: {  	_ =	shalt  }
0x7b: {  	_ =	shalt  }
0x7c: {  	_ =	shalt  }
0x7d: {  	_ =	shalt  }
0x7e: {  	_ =	shalt  }
0x7f: {  	_ =	shalt  }
0x80: {  	_ =	shalt  }
0x81: {  	_ =	shalt  }
0x82: {  	_ =	shalt  }
0x83: {  	_ =	shalt  }
0x84: {  	_ =	shalt  }
0x85: {  	_ =	shalt  }
0x86: {  	_ =	shalt  }
0x87: {  	_ =	shalt  }
.Lfunc_end0:
.L_simem_size_0:
called_computation.4_lowered:
.L_overlay_start_0:
0x88: {  	s2 =	sld [smem:$0x3FD9]  }
0x89: {  	s3 =	sld [smem:$0x3FFE];
	_ =	sdelay $0x1  }
0x8a: {  	s1 =	srdreg.scid  }
0x8b: {  	s0 =	sand.u32 $0x1, s1  }
0x8c: {  	s14 =	sshll.u32 s0, $0xA;
	s2 =	sadd.s32 s3, s2  }
0x8d: {  	s2 =	sadd.s32 s2, s14  }
0x8e: {  	[smem:$0x3F77] =	sst s2  }
0x8f: {  	_ = 	snop  }
0x90: {  	s2 =	sld [smem:$0x3FD0];
	_ =	sdelay $0x2  }
0x91: {  	s15 =	simm.s32 $0xB;
	s4 =	simm.s32 $0x10  }
0x92: {  	[smem:s4], [sflag:s15] =	dma.local [hbm:s2], $0x1  }
0x93: {  	_ =	swait.eq [sflag:s15], $0x1  }
0x94: {  	[sflag:s15] =	ssyncset.done $0x0  }
0x95: {  	[sflag:s15] =	ssyncadd.s32 $0xFFFFFFFF  }
0x96: {  	s16 =	sld [smem:$0x10];
	(tm) =	ssettm $0x1  }
0x97: {  	s17 =	sld [smem:$0x3FFB];
	_ =	sdelay $0x3  }
0x98: {  	_ =	strace s17  }
0x99: {  	s3 =	sld [smem:$0x3FFC];
	_ =	sdelay $0x3  }
0x9a: {  	_ =	strace s3  }
0x9b: {  	s3 =	sld [smem:$0x3FFD];
	_ =	sdelay $0x3  }
0x9c: {  	_ =	strace s3  }
0x9d: {  	_ =	strace $0x8FFFFFFF  }
0x9e: {  	s18 =	sld [smem:$0x3FDB];
	_ =	sdelay $0x1  }
0x9f: {  	s19 =	simm.s32 $_scs_section_size  }
0xa0: {  	s5 =	simm.s32 $_size__tile_overlayer_lowered;
	s6 =	simm.s32 $_tile_overlayer_lowered  }
0xa1: {  	s22 =	simm.s32 $0x1BFF;
	s21 =	sshll.u32 s6, $0x1;
	s3 =	sadd.s32 s19, s18  }
0xa2: {  	s7 =	simm.s32 $0x0;
	s20 =	sshll.u32 s5, $0x1;
	s5 =	sadd.s32 s21, s3  }
0xa3: {  	[timem:s7], [sflag:s22] =	dma.local [hbm:s5], s20  }
0xa4: {  	_ =	swait.ge [sflag:s22], s20  }
0xa5: {  	s4 =	ssub.s32 $0x0, s20;
	[sflag:s22] =	ssyncset.done $0x0  }
0xa6: {  	[sflag:s22] =	ssyncadd.s32 s4;
	_ =	sdelay $0x1  }
0xa7: {  	s23 =	simm.s32 $0x1B8B  }
0xa8: {  	_ =	swait.ge [sflag:s23], $0x1  }
0xa9: {  	[sflag:s23] =	ssyncset.done $0x0  }
0xaa: {  	s25 =	simm.s32 $0x1B8E;
	s24 =	sld [smem:$0x3FFE];
	[sflag:s23] =	ssyncadd.s32 $0xFFFFFFFF  }
0xab: {  	s26 =	simm.s32 $execute0_lowered;
	[smem:$0x3FD2] =	sst s25  }
0xac: {  	s5 =	sshll.u32 s26, $0x1;
	_ =	strace $0x80000052;
	[dreg:$0x1] =	wrdreg $0xFFFFFFFF  }
0xad: {  	s28 =	simm.s32 $_size_execute0_lowered;
	s3 =	sadd.s32 s3, s5;
	[dreg:$0x0] =	wrdreg $0x0  }
0xae: {  	s5 =	sshll.u32 s28, $0x1;
	[dreg:$0x2] =	wrdreg s3  }
0xaf: {  	[dreg:$0x3] =	wrdreg s5  }
0xb0: {  	[dreg:$0x4] =	wrdreg $0xC0  }
0xb1: {  	_ =	task [dreg:s7], $0x5FFFF  }
0xb2: {  	[dreg:$0x1] =	wrdreg $0xFFFFFFFF  }
0xb3: {  	[dreg:$0x0] =	wrdreg $0x60  }
0xb4: {  	[dreg:$0x2] =	wrdreg s24  }
0xb5: {  	[dreg:$0x3] =	wrdreg s16  }
0xb6: {  	[dreg:$0x4] =	wrdreg $0x40800  }
0xb7: {  	[dreg:$0x5] =	wrdreg $0x9  }
0xb8: {  	_ =	task.clear_ibuf [dreg:s7], $0x6FFFF;
	_ =	strace $0x90000052  }
0xb9: {  	s29 =	simm.s32 $0x9;
	_ =	strace $0x80000054  }
0xba: {  	_ =	swait.ge [sflag:s29], $0x1  }
0xbb: {  	[sflag:s29] =	ssyncadd.s32 $0xFFFFFFFF  }
0xbc: {  	_ =	strace $0x90000054  }
0xbd: {  	_ =	sfence  }
0xbe: {  	s30 =	sld [smem:$0x0];
	_ =	sdelay $0x2  }
0xbf: {  	s31 =	sshll.u32 s1, $0xD;
	s1 =	sshrl.u32 s1, $0x2  }
0xc0: {  	s3 =	sand.u32 $0x4000, s31;
	s1 =	sadd.s32 s1, s30  }
0xc1: {  	s0 =	sor.u32 s3, s0;
	s1 =	sshll.u32 s1, $0x11  }
0xc2: {  	s0 =	sor.u32 s1, s0  }
0xc3: {  	s0 =	sadd.s32 $0x8F2B, s0  }
0xc4: {  	[sflag:s0] =	ssyncadd.remote.s32 $0x1  }
0xc5: {  	_ =	sfence.sel $0xFFFF  }
0xc6: {  	[dreg:$0x0] =	wrdreg $0xFFFFFFFF;
	(pc) =	sbr.abs _section_cstart, $3  }
0xc7: {  	[dreg:$0x1] =	wrdreg $0xFFFFFFFF  }
0xc8: {  	_ =	task.clear_ibuf [dreg:s7], $0x2FFFF;
	_ =	strace $0x9FFFFFFF  }
0xc9: {  	(tm) =	ssettm $0x7FFFFFFF  }
tec
execute0_lowered:
.L_overlay_start_1:
0x0: {  	(tag) =	ssettag $0x1  }
0x1: {  	s5 =	rddreg [dreg:$0x0]  }
0x2: {  	s2 =	rddreg [dreg:$0x1];
	s1 =	stileid.u32  }
0x3: {  	s3 =	rddreg [dreg:$0x2];
	s6 =	smul.u32 $0x4F000, s1  }
0x4: {  	s0 =	rddreg [dreg:$0x3];
	s22 =	smul.u32 $0x4F00, s1  }
0x5: {  	s7 =	srdreg.scid;
	s4 =	simm.s32 $0x0;
	s9 =	smul.u32 $0x50000, s1  }
0x6: {  	s13 =	sand.u32 $0x1, s7;
	[smem:$0x7FF] =	sst s4;
	s15 =	smul.u32 $0x14000, s1  }
0x7: {  	s16 =	sadd.s32 $0x2A400, s5;
	s28 =	sshll.u32 s1, $0x6;
	s8 =	smul.u32 $0x2780, s13  }
0x8: {  	_ =	strace $0x80000053;
	s24 =	ssub.s32 $0x2, s13;
	s14 =	smul.u32 $0x140000, s13  }
0x9: {  	s17 =	sadd.s32 s6, s5;
	s25 =	sshrl.u32 s24, $0x1;
	s26 =	sshrl.u32 s9, $0x2  }
0xa: {  	s30 =	sadd.s32 $0x4000, s15;
	s11 =	sadd.s32 $0x8000, s15;
	s19 =	sadd.s32 $0xC000, s15  }
0xb: {  	s23 =	sadd.s32 s8, s22;
	s7 =	ssub.s32 s24, s25;
	s29 =	sadd.s32 s14, s15  }
0xc: {  	s10 =	sadd.s32 s14, s30;
	s9 =	sadd.s32 s30, s3;
	s12 =	sadd.s32 s14, s11  }
0xd: {  	s11 =	sadd.s32 s11, s3;
	s24 =	sadd.s32 s14, s19;
	s15 =	sadd.s32 $0x10000, s15  }
0xe: {  	s6 =	sshrl.u32 s23, $0x3;
	s7 =	smax.u32 s7, $0x1;
	s8 =	sshrl.u32 s29, $0x3  }
0xf: {  	s10 =	sshrl.u32 s10, $0x3;
	s12 =	sshrl.u32 s12, $0x3;
	s24 =	sshrl.u32 s24, $0x3  }
0x10: {  	s25 =	sadd.s32 s14, s15;
	s15 =	sadd.s32 s15, s3;
	s18 =	sadd.s32 s6, s5  }
0x11: {  	s5 =	sadd.s32 s26, s3;
	s6 =	sor.u32 $0x1C01, s28;
	s8 =	sadd.s32 s16, s8  }
0x12: {  	s10 =	sadd.s32 s16, s10;
	s12 =	sadd.s32 s16, s12;
	s26 =	smul.u32 $0x27800, s13  }
0x13: {  	s13 =	sadd.s32 s19, s3;
	s14 =	sadd.s32 s16, s24;
	s31 =	sshrl.u32 s25, $0x3  }
0x14: {  	s19 =	simm.s32 $0x1;
	s24 =	simm.s32 $0x80;
	s25 =	simm.s32 $0x0  }
0x15: {  	s20 =	sadd.s32 $0x4000, s5;
	s21 =	sadd.s32 $0x8000, s5;
	s22 =	sadd.s32 $0xC000, s5  }
0x16: {  	s23 =	sadd.s32 $0x10000, s5;
	s16 =	sadd.s32 s16, s31;
	s18 =	sadd.s32 $0x16800, s18  }
0x17: {  	s17 =	sadd.s32 s26, s17;
	s20 =	sshrl.u32 s20, $0x3;
	s21 =	sshrl.u32 s21, $0x3  }
0x18: {  	s22 =	sshrl.u32 s22, $0x3;
	s23 =	sshrl.u32 s23, $0x3;
	s17 =	sadd.s32 $0xA2400, s17  }
.LBB2_1:
0x19: {  	s26 =	sshrl.u32 s5, $0x3  }
0x1a: {  	[spmem:s26], [sflag:s6] =	dma.local [hbm:s2], $0x800  }
0x1b: {  	_ =	swait.ge [sflag:s19], $0x800  }
0x1c: {  	[sflag:s19] =	ssyncset.done $0x0  }
0x1d: {  	[sflag:s19] =	ssyncadd.s32 $0xFFFFF800  }
0x1e: {  	[spmem:s20], [sflag:s6] =	dma.local [hbm:s2], $0x800  }
0x1f: {  	_ =	swait.ge [sflag:s19], $0x800  }
0x20: {  	[sflag:s19] =	ssyncset.done $0x0  }
0x21: {  	[sflag:s19] =	ssyncadd.s32 $0xFFFFF800  }
0x22: {  	[spmem:s21], [sflag:s6] =	dma.local [hbm:s2], $0x800  }
0x23: {  	_ =	swait.ge [sflag:s19], $0x800  }
0x24: {  	[sflag:s19] =	ssyncset.done $0x0  }
0x25: {  	[sflag:s19] =	ssyncadd.s32 $0xFFFFF800  }
0x26: {  	[spmem:s22], [sflag:s6] =	dma.local [hbm:s2], $0x800  }
0x27: {  	_ =	swait.ge [sflag:s19], $0x800  }
0x28: {  	[sflag:s19] =	ssyncset.done $0x0  }
0x29: {  	[sflag:s19] =	ssyncadd.s32 $0xFFFFF800  }
0x2a: {  	[spmem:s23], [sflag:s6] =	dma.local [hbm:s2], $0x800  }
0x2b: {  	_ =	swait.ge [sflag:s19], $0x800  }
0x2c: {  	[sflag:s19] =	ssyncset.done $0x0  }
0x2d: {  	[sflag:s19] =	ssyncadd.s32 $0xFFFFF800  }
0x2e: {  	s31 =	sadd.s32 $0x0, s18;
	[bflag:$0x0] =	sbarrier.arrive $0xFFFF  }
0x2f: {  	[tilespmem:s4], [sflag:$0x1] =	stream.linear.gather [hbm4b:s31+s4], $0x80, $0x38;
	[tilespmem:$0x18080] =	vst v63  }
0x30: {  	_ =	swait.ge [sflag:s19], $0x80  }
0x31: {  	[sflag:s19] =	ssyncset.done $0x0  }
0x32: {  	[sflag:s19] =	ssyncadd.s32 $0xFFFFFF80  }
0x33: {  	[tilespmem:s24], [sflag:$0x1] =	stream.linear.gather [hbm4b:s17+s4], $0x4000, $0x38;
	[tilespmem:$0x18080] =	vst v63  }
0x34: {  	_ =	swait.ge [sflag:s19], $0x4000  }
0x35: {  	[sflag:s19] =	ssyncset.done $0x0  }
0x36: {  	[sflag:s19] =	ssyncadd.s32 $0xFFFFC000  }
0x37: {  	[spmem:s3] =	stream.indirect.scatter.add.f32 [tilespmem:s24], [sflag:$0x1], $0x80, s4, s24, $0xb8;
	[tilespmem:$0x18080] =	vst v63  }
0x38: {  	s28 =	simm.s32 $0x10;
	_ =	swait.ge [sflag:s19], $0x4000  }
0x39: {  	s29 =	simm.s32 $0x20;
	s26 =	sadd.s32 $0x800, s17;
	[sflag:s19] =	ssyncset.done $0x0  }
.LBB2_2:
0x3a: {  	s30 =	sadd.s32 s28, s18  }
0x3b: {  	[sflag:s19] =	ssyncadd.s32 $0xFFFFC000;
	s28 =	smov.u32 s29;
	s31 =	sadd.s32 $0x10, s29  }
0x3c: {  	[tilespmem:s4], [sflag:$0x1] =	stream.linear.gather [hbm4b:s30+s4], $0x80, $0x38;
	[tilespmem:$0x18080] =	vst v63  }
0x3d: {  	p0 =	sne.s32 s29, $0x4E0;
	_ =	swait.ge [sflag:s19], $0x80  }
0x3e: {  	[sflag:s19] =	ssyncset.done $0x0  }
0x3f: {  	[sflag:s19] =	ssyncadd.s32 $0xFFFFFF80  }
0x40: {  	[tilespmem:s24], [sflag:$0x1] =	stream.linear.gather [hbm4b:s26+s4], $0x4000, $0x38;
	[tilespmem:$0x18080] =	vst v63  }
0x41: {  	_ =	swait.ge [sflag:s19], $0x4000  }
.Ltmp0:
0x42: {  	[sflag:s19] =	ssyncset.done $0x0;
	(pc) =	sbr.rel @p0 .LBB2_2-.Ltmp0, $4  }
0x43: {  	[sflag:s19] =	ssyncadd.s32 $0xFFFFC000  }
0x44: {  	[spmem:s3] =	stream.indirect.scatter.add.f32 [tilespmem:s24], [sflag:$0x1], $0x80, s4, s24, $0xb8;
	[tilespmem:$0x18080] =	vst v63  }
0x45: {  	_ =	swait.ge [sflag:s19], $0x4000  }
0x46: {  	s29 =	smov.u32 s31;
	s26 =	sadd.s32 $0x800, s26;
	[sflag:s19] =	ssyncset.done $0x0  }
0x47: {  	s28 =	sadd.s32 s28, s18;
	[sflag:s19] =	ssyncadd.s32 $0xFFFFC000  }
0x48: {  	[tilespmem:s4], [sflag:$0x1] =	stream.linear.gather [hbm4b:s28+s4], $0x80, $0x38;
	[tilespmem:$0x18080] =	vst v63  }
0x49: {  	_ =	swait.ge [sflag:s19], $0x80  }
0x4a: {  	[sflag:s19] =	ssyncset.done $0x0  }
0x4b: {  	[sflag:s19] =	ssyncadd.s32 $0xFFFFFF80  }
0x4c: {  	[tilespmem:s24], [sflag:$0x1] =	stream.linear.gather [hbm4b:s26+s4], $0x4000, $0x38;
	[tilespmem:$0x18080] =	vst v63  }
0x4d: {  	_ =	swait.ge [sflag:s19], $0x4000  }
0x4e: {  	[sflag:s19] =	ssyncset.done $0x0  }
0x4f: {  	[sflag:s19] =	ssyncadd.s32 $0xFFFFC000  }
0x50: {  	[spmem:s3] =	stream.indirect.scatter.add.f32 [tilespmem:s24], [sflag:$0x1], $0x80, s4, s24, $0xb8;
	[tilespmem:$0x18080] =	vst v63  }
0x51: {  	_ =	swait.ge [sflag:s19], $0x4000  }
0x52: {  	[sflag:s19] =	ssyncset.done $0x0  }
0x53: {  	[sflag:s19] =	ssyncadd.s32 $0xFFFFC000  }
0x54: {  	[bflag:$0x0] =	sbarrier.arrive $0xFFFF  }
0x55: {  	[tilespmem:s24], [sflag:$0x1] =	stream.linear.gather [spmem:s5], $0x4000, $0x38;
	[tilespmem:$0x18080] =	vst v63  }
0x56: {  	_ =	swait.ge [sflag:s19], $0x4000  }
0x57: {  	[sflag:s19] =	ssyncset.done $0x0  }
0x58: {  	[sflag:s19] =	ssyncadd.s32 $0xFFFFC000  }
0x59: {  	[hbm4b:s8+s4] =	stream.linear.scatter [tilespmem:s24], [sflag:$0x1], $0x4000, $0x38;
	[tilespmem:$0x18080] =	vst v63  }
0x5a: {  	_ =	swait.ge [sflag:s19], $0x4000  }
0x5b: {  	[sflag:s19] =	ssyncset.done $0x0  }
0x5c: {  	[sflag:s19] =	ssyncadd.s32 $0xFFFFC000  }
0x5d: {  	[tilespmem:s24], [sflag:$0x1] =	stream.linear.gather [spmem:s9], $0x4000, $0x38;
	[tilespmem:$0x18080] =	vst v63  }
0x5e: {  	_ =	swait.ge [sflag:s19], $0x4000  }
0x5f: {  	[sflag:s19] =	ssyncset.done $0x0  }
0x60: {  	[sflag:s19] =	ssyncadd.s32 $0xFFFFC000  }
0x61: {  	[hbm4b:s10+s4] =	stream.linear.scatter [tilespmem:s24], [sflag:$0x1], $0x4000, $0x38;
	[tilespmem:$0x18080] =	vst v63  }
0x62: {  	_ =	swait.ge [sflag:s19], $0x4000  }
0x63: {  	[sflag:s19] =	ssyncset.done $0x0  }
0x64: {  	[sflag:s19] =	ssyncadd.s32 $0xFFFFC000  }
0x65: {  	[tilespmem:s24], [sflag:$0x1] =	stream.linear.gather [spmem:s11], $0x4000, $0x38;
	[tilespmem:$0x18080] =	vst v63  }
0x66: {  	_ =	swait.ge [sflag:s19], $0x4000  }
0x67: {  	[sflag:s19] =	ssyncset.done $0x0  }
0x68: {  	[sflag:s19] =	ssyncadd.s32 $0xFFFFC000  }
0x69: {  	[hbm4b:s12+s4] =	stream.linear.scatter [tilespmem:s24], [sflag:$0x1], $0x4000, $0x38;
	[tilespmem:$0x18080] =	vst v63  }
0x6a: {  	_ =	swait.ge [sflag:s19], $0x4000  }
0x6b: {  	[sflag:s19] =	ssyncset.done $0x0  }
0x6c: {  	[sflag:s19] =	ssyncadd.s32 $0xFFFFC000  }
0x6d: {  	[tilespmem:s24], [sflag:$0x1] =	stream.linear.gather [spmem:s13], $0x4000, $0x38;
	[tilespmem:$0x18080] =	vst v63  }
0x6e: {  	_ =	swait.ge [sflag:s19], $0x4000  }
0x6f: {  	[sflag:s19] =	ssyncset.done $0x0  }
0x70: {  	[sflag:s19] =	ssyncadd.s32 $0xFFFFC000  }
0x71: {  	[hbm4b:s14+s4] =	stream.linear.scatter [tilespmem:s24], [sflag:$0x1], $0x4000, $0x38;
	[tilespmem:$0x18080] =	vst v63  }
0x72: {  	_ =	swait.ge [sflag:s19], $0x4000  }
0x73: {  	[sflag:s19] =	ssyncset.done $0x0  }
0x74: {  	[sflag:s19] =	ssyncadd.s32 $0xFFFFC000  }
0x75: {  	[tilespmem:s24], [sflag:$0x1] =	stream.linear.gather [spmem:s15], $0x4000, $0x38;
	[tilespmem:$0x18080] =	vst v63  }
0x76: {  	s25 =	sadd.s32 $0x1, s25;
	_ =	swait.ge [sflag:s19], $0x4000  }
0x77: {  	p0 =	sne.s32 s25, s7;
	[sflag:s19] =	ssyncset.done $0x0  }
.Ltmp1:
0x78: {  	[sflag:s19] =	ssyncadd.s32 $0xFFFFC000;
	(pc) =	sbr.rel @p0 .LBB2_1-.Ltmp1, $4  }
0x79: {  	[hbm4b:s16+s4] =	stream.linear.scatter [tilespmem:s24], [sflag:$0x1], $0x4000, $0x38;
	[tilespmem:$0x18080] =	vst v63  }
0x7a: {  	_ =	swait.ge [sflag:s19], $0x4000  }
0x7b: {  	[sflag:s19] =	ssyncset.done $0x0  }
0x7c: {  	[sflag:s19] =	ssyncadd.s32 $0xFFFFC000  }
0x7d: {  	_ =	sfence.sel $0x180000  }
0x7e: {  	[bflag:$0x0] =	sbarrier.arrive $0xFFFF  }
0x7f: {  	p0 =	sne.s32 s1, $0x0;
	_ =	strace $0x90000053  }
0x80: {  	s0 =	sadd.s32 @!p0 $0x100000, s0;
	[bflag:$0x2] =	sbarrier.arrive $0xFFFF  }
0x81: {  	[sflag:s0] =	ssyncadd.tile.s32 @!p0 $0x1;
	_ =	shalt  }
.Lfunc_end2:
_tile_overlayer_lowered:
.L_overlay_start_2:
0x82: {  	(tag) =	ssettag $0x2  }
0x83: {  	s0 =	rddreg [dreg:$0x0];
	s2 =	stileid.u32  }
0x84: {  	s1 =	rddreg [dreg:$0x1];
	p0 =	sne.s32 s2, $0x0  }
0x85: {  	s3 =	rddreg [dreg:$0x2];
	[bflag:$0x3] =	sbarrier.arrive $0xFFFF;
	s2 =	simm.s32 @!p0 $0x1C01  }
0x86: {  	[timem:s3], [sflag:s2] =	dma.local @!p0 [hbm:s0], s1  }
0x87: {  	s0 =	simm.s32 @!p0 $0x1  }
0x88: {  	_ =	swait.ge @!p0 [sflag:s0], s1  }
0x89: {  	s1 =	ssub.s32 @!p0 $0x0, s1;
	[sflag:s0] =	ssyncset.done @!p0 $0x0  }
0x8a: {  	[sflag:s0] =	ssyncadd.s32 @!p0 s1  }
0x8b: {  	[bflag:$0x3] =	sbarrier.arrive $0xFFFF  }
0x8c: {  	_ =	shalt  }

// kernel: kernel.47.cloned.1.call-start
scs
__scs_entry_jumppad:
0x0: {  	(pc) =	sbr.rel $0x88, $3  }
0x1: {  	(tag) =	ssettag $0x0;
	lr =	simm.s32 $0x1  }
0x2: {  	[smem:$0x3F50] =	sst lr;
	_ =	strace $0xD0000000  }
0x3: {  	_ = 	snop  }
0x4: {  	_ = 	snop  }
0x5: {  	_ = 	snop  }
0x6: {  	_ = 	snop  }
0x7: {  	_ = 	snop  }
__scs_overlays_trampoline_lowered:
0x8: {  	[smem:$0x3F5F] =	sst s0  }
0x9: {  	[smem:$0x3F60] =	sst s1  }
0xa: {  	[smem:$0x3F61] =	sst s2  }
0xb: {  	[smem:$0x3F62] =	sst s3  }
0xc: {  	[smem:$0x3F63] =	sst s4  }
0xd: {  	[smem:$0x3F64] =	sst s5  }
0xe: {  	[smem:$0x3F65] =	sst s6  }
0xf: {  	[smem:$0x3F66] =	sst s7  }
0x10: {  	[smem:$0x3F67] =	sst s8  }
0x11: {  	[smem:$0x3F68] =	sst s9;
	s0 =	simm.s32 @!p0 $0x0  }
0x12: {  	s1 =	sld [smem:$0x3F4E];
	s0 =	simm.s32 @p0 $0x1  }
0x13: {  	[smem:$0x3F69] =	sst s0;
	s0 =	simm.s32 @!p1 $0x0  }
0x14: {  	s2 =	sld [smem:$0x3F4D];
	s0 =	simm.s32 @p1 $0x1  }
0x15: {  	[smem:$0x3F6A] =	sst s0;
	s0 =	simm.s32 @!p2 $0x0  }
0x16: {  	s3 =	sld [smem:$0x3FDB];
	s0 =	simm.s32 @p2 $0x1  }
0x17: {  	s4 =	simm.s32 $0x1BF5;
	[smem:$0x3F6C] =	sst s0  }
0x18: {  	s0 =	sld [smem:$0x3F4F];
	_ =	swait.ge [sflag:s4], $0x0  }
0x19: {  	s7 =	sld [smem:$0x3F50]  }
0x1a: {  	s8 =	sadd.s32 $0xFFFFE003, lr  }
0x1b: {  	s9 =	sadd.s32 $0xFFFFFEF7, lr;
	s5 =	simm.s32 $0xFFFFFFFF;
	p2 =	slt.u32 s8, $0xFFFFF086  }
0x1c: {  	p1 =	slt.u32 s9, $0xF7A;
	s5 =	simm.s32 @!p2 $0x0  }
0x1d: {  	s5 =	simm.s32 @p1 $0x1;
	p0 =	seq.s32 s7, s2  }
0x1e: {  	s7 =	smul.u32 @!p0 $0xF7A, s2;
	p2 =	seq.s32 @!p0 s5, $0x0  }
0x1f: {  	s9 =	smul.u32 $0xF7A, s1;
	s8 =	simm.s32 @!p0 $0x1BF5;
	p2 =	por !p2, p0  }
0x20: {  	[sflag:s8] =	ssyncset.s32 @!p0 $0xFFFFF086;
	s6 =	sadd.s32 @!p0 s3, s7;
	s7 =	simm.s32 @!p0 $0x108  }
0x21: {  	s3 =	sadd.s32 s3, s9;
	s6 =	sadd.s32 @!p0 $0x88, s6;
	s7 =	simm.s32 @p2 $0x1082  }
0x22: {  	[simem:s7], [sflag:s8] =	dma.local @!p0 [hbm:s6], $0xF7A  }
0x23: {  	s9 =	sor.u32 $0xD0000000, s2;
	s6 =	simm.s32 $0x108;
	_ =	swait.ge @!p0 [sflag:s8], $0x0  }
0x24: {  	s3 =	sadd.s32 $0x88, s3;
	s6 =	simm.s32 @!p1 $0x1082;
	[sflag:s4] =	ssyncset.s32 $0xFFFFF086  }
0x25: {  	[simem:s6], [sflag:s4] =	dma.local [hbm:s3], $0xF7A  }
0x26: {  	[smem:$0x3F50] =	sst s1;
	(tag) =	ssettag s2;
	_ =	strace s9  }
0x27: {  	s1 =	sld [smem:$0x3F60]  }
0x28: {  	s2 =	sld [smem:$0x3F61]  }
0x29: {  	s4 =	sld [smem:$0x3F63]  }
0x2a: {  	p0 =	seq.s32 s5, $0x0;
	s5 =	sld [smem:$0x3F64]  }
0x2b: {  	s6 =	sld [smem:$0x3F65]  }
0x2c: {  	s7 =	sld [smem:$0x3F66]  }
0x2d: {  	s3 =	simm.s32 $0x108;
	s8 =	sld [smem:$0x3F67]  }
0x2e: {  	s3 =	simm.s32 @!p0 $0x1082;
	s9 =	sld [smem:$0x3F68]  }
0x2f: {  	lr =	sadd.s32 s0, s3;
	s0 =	sld [smem:$0x3F5F]  }
0x30: {  	s3 =	sld [smem:$0x3F62]  }
0x31: {  	[smem:$0x3F6B] =	sst s10  }
0x32: {  	s10 =	sld [smem:$0x3F69];
	_ =	sdelay $0x3  }
0x33: {  	p0 =	seq.s32 s10, $0x1;
	s10 =	sld [smem:$0x3F6B];
	_ =	sdelay $0x3  }
0x34: {  	[smem:$0x3F6B] =	sst s10  }
0x35: {  	s10 =	sld [smem:$0x3F6A];
	_ =	sdelay $0x3  }
0x36: {  	p1 =	seq.s32 s10, $0x1;
	s10 =	sld [smem:$0x3F6B];
	_ =	sdelay $0x3  }
0x37: {  	[smem:$0x3F6B] =	sst s10  }
0x38: {  	s10 =	sld [smem:$0x3F6C]  }
0x39: {  	_ = 	snop;
	(pc) =	sbr.ind lr, $3  }
0x3a: {  	_ = 	snop  }
0x3b: {  	_ = 	snop  }
0x3c: {  	p2 =	seq.s32 s10, $0x1;
	s10 =	sld [smem:$0x3F6B]  }
0x3d: {  	_ =	shalt  }
0x3e: {  	_ =	shalt  }
0x3f: {  	_ =	shalt  }
0x40: {  	_ =	shalt  }
0x41: {  	_ =	shalt  }
0x42: {  	_ =	shalt  }
0x43: {  	_ =	shalt  }
0x44: {  	_ =	shalt  }
0x45: {  	_ =	shalt  }
0x46: {  	_ =	shalt  }
0x47: {  	_ =	shalt  }
0x48: {  	_ =	shalt  }
0x49: {  	_ =	shalt  }
0x4a: {  	_ =	shalt  }
0x4b: {  	_ =	shalt  }
0x4c: {  	_ =	shalt  }
0x4d: {  	_ =	shalt  }
0x4e: {  	_ =	shalt  }
0x4f: {  	_ =	shalt  }
0x50: {  	_ =	shalt  }
0x51: {  	_ =	shalt  }
0x52: {  	_ =	shalt  }
0x53: {  	_ =	shalt  }
0x54: {  	_ =	shalt  }
0x55: {  	_ =	shalt  }
0x56: {  	_ =	shalt  }
0x57: {  	_ =	shalt  }
0x58: {  	_ =	shalt  }
0x59: {  	_ =	shalt  }
0x5a: {  	_ =	shalt  }
0x5b: {  	_ =	shalt  }
0x5c: {  	_ =	shalt  }
0x5d: {  	_ =	shalt  }
0x5e: {  	_ =	shalt  }
0x5f: {  	_ =	shalt  }
0x60: {  	_ =	shalt  }
0x61: {  	_ =	shalt  }
0x62: {  	_ =	shalt  }
0x63: {  	_ =	shalt  }
0x64: {  	_ =	shalt  }
0x65: {  	_ =	shalt  }
0x66: {  	_ =	shalt  }
0x67: {  	_ =	shalt  }
0x68: {  	_ =	shalt  }
0x69: {  	_ =	shalt  }
0x6a: {  	_ =	shalt  }
0x6b: {  	_ =	shalt  }
0x6c: {  	_ =	shalt  }
0x6d: {  	_ =	shalt  }
0x6e: {  	_ =	shalt  }
0x6f: {  	_ =	shalt  }
0x70: {  	_ =	shalt  }
0x71: {  	_ =	shalt  }
0x72: {  	_ =	shalt  }
0x73: {  	_ =	shalt  }
0x74: {  	_ =	shalt  }
0x75: {  	_ =	shalt  }
0x76: {  	_ =	shalt  }
0x77: {  	_ =	shalt  }
0x78: {  	_ =	shalt  }
0x79: {  	_ =	shalt  }
0x7a: {  	_ =	shalt  }
0x7b: {  	_ =	shalt  }
0x7c: {  	_ =	shalt  }
0x7d: {  	_ =	shalt  }
0x7e: {  	_ =	shalt  }
0x7f: {  	_ =	shalt  }
0x80: {  	_ =	shalt  }
0x81: {  	_ =	shalt  }
0x82: {  	_ =	shalt  }
0x83: {  	_ =	shalt  }
0x84: {  	_ =	shalt  }
0x85: {  	_ =	shalt  }
0x86: {  	_ =	shalt  }
0x87: {  	_ =	shalt  }
.Lfunc_end0:
.L_simem_size_0:
called_computation.5_lowered:
.L_overlay_start_0:
0x88: {  	s2 =	sld [smem:$0x3FD9]  }
0x89: {  	s3 =	sld [smem:$0x3FFE];
	_ =	sdelay $0x1  }
0x8a: {  	s1 =	srdreg.scid  }
0x8b: {  	s0 =	sand.u32 $0x1, s1  }
0x8c: {  	s16 =	sshll.u32 s0, $0xA;
	s2 =	sadd.s32 s3, s2  }
0x8d: {  	s2 =	sadd.s32 s2, s16  }
0x8e: {  	[smem:$0x3F77] =	sst s2  }
0x8f: {  	_ = 	snop  }
0x90: {  	(tm) =	ssettm $0x1  }
0x91: {  	s17 =	sld [smem:$0x3FFB];
	_ =	sdelay $0x3  }
0x92: {  	_ =	strace s17  }
0x93: {  	s2 =	sld [smem:$0x3FFC];
	_ =	sdelay $0x3  }
0x94: {  	_ =	strace s2  }
0x95: {  	s2 =	sld [smem:$0x3FFD];
	_ =	sdelay $0x3  }
0x96: {  	_ =	strace s2  }
0x97: {  	_ =	strace $0x8FFFFFFF  }
0x98: {  	s18 =	sld [smem:$0x3FDB];
	_ =	sdelay $0x1  }
0x99: {  	s19 =	simm.s32 $_scs_section_size  }
0x9a: {  	s4 =	simm.s32 $_size__tile_overlayer_lowered;
	s5 =	simm.s32 $_tile_overlayer_lowered  }
0x9b: {  	s22 =	simm.s32 $0x1BFF;
	s21 =	sshll.u32 s5, $0x1;
	s2 =	sadd.s32 s19, s18  }
0x9c: {  	s6 =	simm.s32 $0x0;
	s20 =	sshll.u32 s4, $0x1;
	s4 =	sadd.s32 s21, s2  }
0x9d: {  	[timem:s6], [sflag:s22] =	dma.local [hbm:s4], s20  }
0x9e: {  	_ =	swait.ge [sflag:s22], s20  }
0x9f: {  	s3 =	ssub.s32 $0x0, s20;
	[sflag:s22] =	ssyncset.done $0x0  }
0xa0: {  	[sflag:s22] =	ssyncadd.s32 s3;
	_ =	sdelay $0x1  }
0xa1: {  	s23 =	simm.s32 $0x1B8B  }
0xa2: {  	_ =	swait.ge [sflag:s23], $0x1  }
0xa3: {  	[sflag:s23] =	ssyncset.done $0x0  }
0xa4: {  	s25 =	simm.s32 $0x1B8E;
	s24 =	sld [smem:$0x3FFE];
	[sflag:s23] =	ssyncadd.s32 $0xFFFFFFFF  }
0xa5: {  	s26 =	simm.s32 $execute0_lowered;
	[smem:$0x3FD2] =	sst s25  }
0xa6: {  	s4 =	sshll.u32 s26, $0x1;
	_ =	strace $0x80000055;
	[dreg:$0x1] =	wrdreg $0xFFFFFFFF  }
0xa7: {  	s28 =	simm.s32 $_size_execute0_lowered;
	s2 =	sadd.s32 s2, s4;
	[dreg:$0x0] =	wrdreg $0x0  }
0xa8: {  	s4 =	sshll.u32 s28, $0x1;
	[dreg:$0x2] =	wrdreg s2  }
0xa9: {  	[dreg:$0x3] =	wrdreg s4  }
0xaa: {  	[dreg:$0x4] =	wrdreg $0xC0  }
0xab: {  	_ =	task [dreg:s6], $0x5FFFF  }
0xac: {  	[dreg:$0x1] =	wrdreg $0xFFFFFFFF  }
0xad: {  	[dreg:$0x0] =	wrdreg $0x60  }
0xae: {  	[dreg:$0x2] =	wrdreg s24  }
0xaf: {  	[dreg:$0x3] =	wrdreg $0x9  }
0xb0: {  	_ =	task.clear_ibuf [dreg:s6], $0x4FFFF;
	_ =	strace $0x90000055  }
0xb1: {  	s29 =	simm.s32 $0x9;
	_ =	strace $0x80000057  }
0xb2: {  	_ =	swait.ge [sflag:s29], $0x1  }
0xb3: {  	[sflag:s29] =	ssyncadd.s32 $0xFFFFFFFF  }
0xb4: {  	_ =	strace $0x90000057  }
0xb5: {  	_ =	sfence  }
0xb6: {  	s30 =	sld [smem:$0x0];
	_ =	sdelay $0x2  }
0xb7: {  	s31 =	sshll.u32 s1, $0xD;
	s1 =	sshrl.u32 s1, $0x2  }
0xb8: {  	s3 =	sand.u32 $0x4000, s31;
	s1 =	sadd.s32 s1, s30  }
0xb9: {  	s0 =	sor.u32 s3, s0;
	s1 =	sshll.u32 s1, $0x11  }
0xba: {  	s0 =	sor.u32 s1, s0  }
0xbb: {  	s0 =	sadd.s32 $0x8F2B, s0  }
0xbc: {  	[sflag:s0] =	ssyncadd.remote.s32 $0x1  }
0xbd: {  	_ =	sfence.sel $0xFFFF  }
0xbe: {  	[dreg:$0x0] =	wrdreg $0xFFFFFFFF;
	(pc) =	sbr.abs _section_cstart, $3  }
0xbf: {  	[dreg:$0x1] =	wrdreg $0xFFFFFFFF  }
0xc0: {  	_ =	task.clear_ibuf [dreg:s6], $0x2FFFF;
	_ =	strace $0x9FFFFFFF  }
0xc1: {  	(tm) =	ssettm $0x7FFFFFFF  }
tec
execute0_lowered:
.L_overlay_start_1:
0x0: {  	(tag) =	ssettag $0x1  }
0x1: {  	s5 =	rddreg [dreg:$0x0]  }
0x2: {  	s0 =	rddreg [dreg:$0x1]  }
0x3: {  	s2 =	simm.s32 $0x0;
	s3 =	srdreg.scid;
	s1 =	stileid.u32  }
0x4: {  	s11 =	simm.s32 $0x100;
	s12 =	simm.s32 $0x4100;
	s13 =	simm.s32 $0x1  }
0x5: {  	s14 =	simm.s32 $0x0;
	[smem:$0x7FF] =	sst s2;
	s7 =	smul.u32 $0x4F00, s1  }
0x6: {  	s6 =	sand.u32 $0x1, s3;
	s3 =	sadd.s32 $0x2A400, s5;
	s9 =	smul.u32 $0x4F000, s1  }
0x7: {  	s4 =	sadd.s32 $0x52400, s5;
	s8 =	smul.u32 $0x2780, s6;
	s10 =	ssub.s32 $0x2, s6  }
0x8: {  	_ =	strace $0x80000056;
	s6 =	smul.u32 $0x27800, s6;
	s30 =	sshrl.u32 s10, $0x1  }
0x9: {  	s9 =	sadd.s32 s9, s5;
	s7 =	sadd.s32 s8, s7;
	s8 =	ssub.s32 s10, s30  }
0xa: {  	s6 =	sadd.s32 s6, s9;
	s9 =	simm.s32 $0x2;
	s7 =	sshrl.u32 s7, $0x3  }
0xb: {  	s10 =	simm.s32 $0x80;
	s6 =	sadd.s32 $0xF4A400, s6;
	s31 =	sadd.s32 s7, s5  }
0xc: {  	s5 =	smax.u32 s8, $0x1;
	s7 =	sadd.s32 $0x20600, s31;
	s8 =	sadd.s32 $0x16800, s31  }
.LBB2_1:
0xd: {  	s15 =	sadd.s32 $0x0, s8  }
0xe: {  	[tilespmem:s2], [sflag:$0x2] =	stream.linear.gather [hbm4b:s15+s2], $0x80, $0x38;
	[tilespmem:$0x8100] =	vst v63  }
0xf: {  	_ =	swait.ge [sflag:s9], $0x80  }
0x10: {  	[sflag:s9] =	ssyncset.done $0x0  }
0x11: {  	s30 =	sadd.s32 $0x0, s7;
	[sflag:s9] =	ssyncadd.s32 $0xFFFFFF80  }
0x12: {  	[tilespmem:s10], [sflag:$0x2] =	stream.linear.gather [hbm4b:s30+s2], $0x80, $0x38;
	[tilespmem:$0x8100] =	vst v63  }
0x13: {  	_ =	swait.ge [sflag:s9], $0x80  }
0x14: {  	[sflag:s9] =	ssyncset.done $0x0  }
0x15: {  	[sflag:s9] =	ssyncadd.s32 $0xFFFFFF80  }
0x16: {  	[tilespmem:s11], [sflag:$0x1] =	stream.indirect.gather [hbm4b:s3+s10], $0x80, s2, s10, $0xb8;
	[tilespmem:$0x8100] =	vst v63  }
0x17: {  	_ = 	snop  }
0x18: {  	[tilespmem:s12], [sflag:$0x1] =	stream.indirect.gather [hbm4b:s4+s10], $0x80, s10, s10, $0xb8;
	[tilespmem:$0x8100] =	vst v63  }
0x19: {  	_ =	swait.ge [sflag:s13], $0x4000  }
0x1a: {  	[sflag:s13] =	ssyncset.done $0x0  }
0x1b: {  	[sflag:s13] =	ssyncadd.s32 $0xFFFFC000  }
0x1c: {  	_ =	swait.ge [sflag:s13], $0x4000  }
0x1d: {  	[sflag:s13] =	ssyncset.done $0x0  }
0x1e: {  	s31 =	sadd.s32 $0xFFB10000, s6;
	[sflag:s13] =	ssyncadd.s32 $0xFFFFC000  }
0x1f: {  	[hbm4b:s31+s2] =	stream.linear.scatter [tilespmem:s11], [sflag:$0x2], $0x4000, $0x38;
	[tilespmem:$0x8100] =	vst v63  }
0x20: {  	_ =	swait.ge [sflag:s9], $0x4000  }
0x21: {  	[sflag:s9] =	ssyncset.done $0x0  }
0x22: {  	[sflag:s9] =	ssyncadd.s32 $0xFFFFC000  }
0x23: {  	[hbm4b:s6+s2] =	stream.linear.scatter [tilespmem:s12], [sflag:$0x2], $0x4000, $0x38;
	[tilespmem:$0x8100] =	vst v63  }
0x24: {  	s16 =	simm.s32 $0x10;
	_ =	swait.ge [sflag:s9], $0x4000  }
0x25: {  	s17 =	simm.s32 $0x20;
	s15 =	sadd.s32 $0x800, s6;
	[sflag:s9] =	ssyncset.done $0x0  }
.LBB2_2:
0x26: {  	s18 =	sadd.s32 s16, s8  }
0x27: {  	[sflag:s9] =	ssyncadd.s32 $0xFFFFC000;
	s19 =	smov.u32 s17;
	s20 =	sadd.s32 $0x10, s17  }
0x28: {  	[tilespmem:s2], [sflag:$0x2] =	stream.linear.gather [hbm4b:s18+s2], $0x80, $0x38;
	[tilespmem:$0x8100] =	vst v63  }
0x29: {  	p0 =	sne.s32 s17, $0x4E0;
	_ =	swait.ge [sflag:s9], $0x80  }
0x2a: {  	[sflag:s9] =	ssyncset.done $0x0  }
0x2b: {  	s17 =	sadd.s32 s16, s7;
	s16 =	smov.u32 s19;
	[sflag:s9] =	ssyncadd.s32 $0xFFFFFF80  }
0x2c: {  	[tilespmem:s10], [sflag:$0x2] =	stream.linear.gather [hbm4b:s17+s2], $0x80, $0x38;
	[tilespmem:$0x8100] =	vst v63  }
0x2d: {  	_ =	swait.ge [sflag:s9], $0x80  }
0x2e: {  	[sflag:s9] =	ssyncset.done $0x0  }
0x2f: {  	[sflag:s9] =	ssyncadd.s32 $0xFFFFFF80  }
0x30: {  	[tilespmem:s11], [sflag:$0x1] =	stream.indirect.gather [hbm4b:s3+s10], $0x80, s2, s10, $0xb8;
	[tilespmem:$0x8100] =	vst v63  }
0x31: {  	_ = 	snop  }
0x32: {  	[tilespmem:s12], [sflag:$0x1] =	stream.indirect.gather [hbm4b:s4+s10], $0x80, s10, s10, $0xb8;
	[tilespmem:$0x8100] =	vst v63  }
0x33: {  	_ =	swait.ge [sflag:s13], $0x4000  }
0x34: {  	[sflag:s13] =	ssyncset.done $0x0  }
0x35: {  	[sflag:s13] =	ssyncadd.s32 $0xFFFFC000  }
0x36: {  	_ =	swait.ge [sflag:s13], $0x4000  }
0x37: {  	[sflag:s13] =	ssyncset.done $0x0  }
0x38: {  	s17 =	sadd.s32 $0xFFB10000, s15;
	[sflag:s13] =	ssyncadd.s32 $0xFFFFC000  }
0x39: {  	[hbm4b:s17+s2] =	stream.linear.scatter [tilespmem:s11], [sflag:$0x2], $0x4000, $0x38;
	[tilespmem:$0x8100] =	vst v63  }
0x3a: {  	_ =	swait.ge [sflag:s9], $0x4000  }
.Ltmp0:
0x3b: {  	[sflag:s9] =	ssyncset.done $0x0;
	(pc) =	sbr.rel @p0 .LBB2_2-.Ltmp0, $4  }
0x3c: {  	[sflag:s9] =	ssyncadd.s32 $0xFFFFC000  }
0x3d: {  	[hbm4b:s15+s2] =	stream.linear.scatter [tilespmem:s12], [sflag:$0x2], $0x4000, $0x38;
	[tilespmem:$0x8100] =	vst v63  }
0x3e: {  	_ =	swait.ge [sflag:s9], $0x4000  }
0x3f: {  	s17 =	smov.u32 s20;
	s15 =	sadd.s32 $0x800, s15;
	[sflag:s9] =	ssyncset.done $0x0  }
0x40: {  	s17 =	sadd.s32 s16, s8;
	[sflag:s9] =	ssyncadd.s32 $0xFFFFC000  }
0x41: {  	[tilespmem:s2], [sflag:$0x2] =	stream.linear.gather [hbm4b:s17+s2], $0x80, $0x38;
	[tilespmem:$0x8100] =	vst v63  }
0x42: {  	_ =	swait.ge [sflag:s9], $0x80  }
0x43: {  	[sflag:s9] =	ssyncset.done $0x0  }
0x44: {  	s30 =	sadd.s32 s16, s7;
	[sflag:s9] =	ssyncadd.s32 $0xFFFFFF80  }
0x45: {  	[tilespmem:s10], [sflag:$0x2] =	stream.linear.gather [hbm4b:s30+s2], $0x80, $0x38;
	[tilespmem:$0x8100] =	vst v63  }
0x46: {  	_ =	swait.ge [sflag:s9], $0x80  }
0x47: {  	[sflag:s9] =	ssyncset.done $0x0  }
0x48: {  	[sflag:s9] =	ssyncadd.s32 $0xFFFFFF80  }
0x49: {  	[tilespmem:s11], [sflag:$0x1] =	stream.indirect.gather [hbm4b:s3+s10], $0x80, s2, s10, $0xb8;
	[tilespmem:$0x8100] =	vst v63  }
0x4a: {  	_ = 	snop  }
0x4b: {  	[tilespmem:s12], [sflag:$0x1] =	stream.indirect.gather [hbm4b:s4+s10], $0x80, s10, s10, $0xb8;
	[tilespmem:$0x8100] =	vst v63  }
0x4c: {  	_ =	swait.ge [sflag:s13], $0x4000  }
0x4d: {  	[sflag:s13] =	ssyncset.done $0x0  }
0x4e: {  	[sflag:s13] =	ssyncadd.s32 $0xFFFFC000  }
0x4f: {  	_ =	swait.ge [sflag:s13], $0x4000  }
0x50: {  	[sflag:s13] =	ssyncset.done $0x0  }
0x51: {  	s31 =	sadd.s32 $0xFFB10000, s15;
	[sflag:s13] =	ssyncadd.s32 $0xFFFFC000  }
0x52: {  	[hbm4b:s31+s2] =	stream.linear.scatter [tilespmem:s11], [sflag:$0x2], $0x4000, $0x38;
	[tilespmem:$0x8100] =	vst v63  }
0x53: {  	s14 =	sadd.s32 $0x1, s14;
	_ =	swait.ge [sflag:s9], $0x4000  }
0x54: {  	p0 =	sne.s32 s14, s5;
	[sflag:s9] =	ssyncset.done $0x0  }
.Ltmp1:
0x55: {  	[sflag:s9] =	ssyncadd.s32 $0xFFFFC000;
	(pc) =	sbr.rel @p0 .LBB2_1-.Ltmp1, $4  }
0x56: {  	[hbm4b:s15+s2] =	stream.linear.scatter [tilespmem:s12], [sflag:$0x2], $0x4000, $0x38;
	[tilespmem:$0x8100] =	vst v63  }
0x57: {  	_ =	swait.ge [sflag:s9], $0x4000  }
0x58: {  	[sflag:s9] =	ssyncset.done $0x0  }
0x59: {  	[sflag:s9] =	ssyncadd.s32 $0xFFFFC000  }
0x5a: {  	_ =	sfence.sel $0x180000  }
0x5b: {  	[bflag:$0x0] =	sbarrier.arrive $0xFFFF  }
0x5c: {  	p0 =	sne.s32 s1, $0x0;
	_ =	strace $0x90000056  }
0x5d: {  	s0 =	sadd.s32 @!p0 $0x100000, s0;
	[bflag:$0x2] =	sbarrier.arrive $0xFFFF  }
0x5e: {  	[sflag:s0] =	ssyncadd.tile.s32 @!p0 $0x1;
	_ =	shalt  }
.Lfunc_end2:
_tile_overlayer_lowered:
.L_overlay_start_2:
0x5f: {  	(tag) =	ssettag $0x2  }
0x60: {  	s0 =	rddreg [dreg:$0x0];
	s2 =	stileid.u32  }
0x61: {  	s1 =	rddreg [dreg:$0x1];
	p0 =	sne.s32 s2, $0x0  }
0x62: {  	s3 =	rddreg [dreg:$0x2];
	[bflag:$0x3] =	sbarrier.arrive $0xFFFF;
	s2 =	simm.s32 @!p0 $0x1C02  }
0x63: {  	[timem:s3], [sflag:s2] =	dma.local @!p0 [hbm:s0], s1  }
0x64: {  	s0 =	simm.s32 @!p0 $0x2  }
0x65: {  	_ =	swait.ge @!p0 [sflag:s0], s1  }
0x66: {  	s1 =	ssub.s32 @!p0 $0x0, s1;
	[sflag:s0] =	ssyncset.done @!p0 $0x0  }
0x67: {  	[sflag:s0] =	ssyncadd.s32 @!p0 s1  }
0x68: {  	[bflag:$0x3] =	sbarrier.arrive $0xFFFF  }
0x69: {  	_ =	shalt  }

// kernel: kernel.50.cloned.1.call-start
scs
__scs_entry_jumppad:
0x0: {  	(pc) =	sbr.rel $0x88, $3  }
0x1: {  	(tag) =	ssettag $0x0;
	lr =	simm.s32 $0x1  }
0x2: {  	[smem:$0x3F50] =	sst lr;
	_ =	strace $0xD0000000  }
0x3: {  	_ = 	snop  }
0x4: {  	_ = 	snop  }
0x5: {  	_ = 	snop  }
0x6: {  	_ = 	snop  }
0x7: {  	_ = 	snop  }
__scs_overlays_trampoline_lowered:
0x8: {  	[smem:$0x3F5F] =	sst s0  }
0x9: {  	[smem:$0x3F60] =	sst s1  }
0xa: {  	[smem:$0x3F61] =	sst s2  }
0xb: {  	[smem:$0x3F62] =	sst s3  }
0xc: {  	[smem:$0x3F63] =	sst s4  }
0xd: {  	[smem:$0x3F64] =	sst s5  }
0xe: {  	[smem:$0x3F65] =	sst s6  }
0xf: {  	[smem:$0x3F66] =	sst s7  }
0x10: {  	[smem:$0x3F67] =	sst s8  }
0x11: {  	[smem:$0x3F68] =	sst s9;
	s0 =	simm.s32 @!p0 $0x0  }
0x12: {  	s1 =	sld [smem:$0x3F4E];
	s0 =	simm.s32 @p0 $0x1  }
0x13: {  	[smem:$0x3F69] =	sst s0;
	s0 =	simm.s32 @!p1 $0x0  }
0x14: {  	s2 =	sld [smem:$0x3F4D];
	s0 =	simm.s32 @p1 $0x1  }
0x15: {  	[smem:$0x3F6A] =	sst s0;
	s0 =	simm.s32 @!p2 $0x0  }
0x16: {  	s3 =	sld [smem:$0x3FDB];
	s0 =	simm.s32 @p2 $0x1  }
0x17: {  	s4 =	simm.s32 $0x1BF5;
	[smem:$0x3F6C] =	sst s0  }
0x18: {  	s0 =	sld [smem:$0x3F4F];
	_ =	swait.ge [sflag:s4], $0x0  }
0x19: {  	s7 =	sld [smem:$0x3F50]  }
0x1a: {  	s8 =	sadd.s32 $0xFFFFE003, lr  }
0x1b: {  	s9 =	sadd.s32 $0xFFFFFEF7, lr;
	s5 =	simm.s32 $0xFFFFFFFF;
	p2 =	slt.u32 s8, $0xFFFFF086  }
0x1c: {  	p1 =	slt.u32 s9, $0xF7A;
	s5 =	simm.s32 @!p2 $0x0  }
0x1d: {  	s5 =	simm.s32 @p1 $0x1;
	p0 =	seq.s32 s7, s2  }
0x1e: {  	s7 =	smul.u32 @!p0 $0xF7A, s2;
	p2 =	seq.s32 @!p0 s5, $0x0  }
0x1f: {  	s9 =	smul.u32 $0xF7A, s1;
	s8 =	simm.s32 @!p0 $0x1BF5;
	p2 =	por !p2, p0  }
0x20: {  	[sflag:s8] =	ssyncset.s32 @!p0 $0xFFFFF086;
	s6 =	sadd.s32 @!p0 s3, s7;
	s7 =	simm.s32 @!p0 $0x108  }
0x21: {  	s3 =	sadd.s32 s3, s9;
	s6 =	sadd.s32 @!p0 $0x88, s6;
	s7 =	simm.s32 @p2 $0x1082  }
0x22: {  	[simem:s7], [sflag:s8] =	dma.local @!p0 [hbm:s6], $0xF7A  }
0x23: {  	s9 =	sor.u32 $0xD0000000, s2;
	s6 =	simm.s32 $0x108;
	_ =	swait.ge @!p0 [sflag:s8], $0x0  }
0x24: {  	s3 =	sadd.s32 $0x88, s3;
	s6 =	simm.s32 @!p1 $0x1082;
	[sflag:s4] =	ssyncset.s32 $0xFFFFF086  }
0x25: {  	[simem:s6], [sflag:s4] =	dma.local [hbm:s3], $0xF7A  }
0x26: {  	[smem:$0x3F50] =	sst s1;
	(tag) =	ssettag s2;
	_ =	strace s9  }
0x27: {  	s1 =	sld [smem:$0x3F60]  }
0x28: {  	s2 =	sld [smem:$0x3F61]  }
0x29: {  	s4 =	sld [smem:$0x3F63]  }
0x2a: {  	p0 =	seq.s32 s5, $0x0;
	s5 =	sld [smem:$0x3F64]  }
0x2b: {  	s6 =	sld [smem:$0x3F65]  }
0x2c: {  	s7 =	sld [smem:$0x3F66]  }
0x2d: {  	s3 =	simm.s32 $0x108;
	s8 =	sld [smem:$0x3F67]  }
0x2e: {  	s3 =	simm.s32 @!p0 $0x1082;
	s9 =	sld [smem:$0x3F68]  }
0x2f: {  	lr =	sadd.s32 s0, s3;
	s0 =	sld [smem:$0x3F5F]  }
0x30: {  	s3 =	sld [smem:$0x3F62]  }
0x31: {  	[smem:$0x3F6B] =	sst s10  }
0x32: {  	s10 =	sld [smem:$0x3F69];
	_ =	sdelay $0x3  }
0x33: {  	p0 =	seq.s32 s10, $0x1;
	s10 =	sld [smem:$0x3F6B];
	_ =	sdelay $0x3  }
0x34: {  	[smem:$0x3F6B] =	sst s10  }
0x35: {  	s10 =	sld [smem:$0x3F6A];
	_ =	sdelay $0x3  }
0x36: {  	p1 =	seq.s32 s10, $0x1;
	s10 =	sld [smem:$0x3F6B];
	_ =	sdelay $0x3  }
0x37: {  	[smem:$0x3F6B] =	sst s10  }
0x38: {  	s10 =	sld [smem:$0x3F6C]  }
0x39: {  	_ = 	snop;
	(pc) =	sbr.ind lr, $3  }
0x3a: {  	_ = 	snop  }
0x3b: {  	_ = 	snop  }
0x3c: {  	p2 =	seq.s32 s10, $0x1;
	s10 =	sld [smem:$0x3F6B]  }
0x3d: {  	_ =	shalt  }
0x3e: {  	_ =	shalt  }
0x3f: {  	_ =	shalt  }
0x40: {  	_ =	shalt  }
0x41: {  	_ =	shalt  }
0x42: {  	_ =	shalt  }
0x43: {  	_ =	shalt  }
0x44: {  	_ =	shalt  }
0x45: {  	_ =	shalt  }
0x46: {  	_ =	shalt  }
0x47: {  	_ =	shalt  }
0x48: {  	_ =	shalt  }
0x49: {  	_ =	shalt  }
0x4a: {  	_ =	shalt  }
0x4b: {  	_ =	shalt  }
0x4c: {  	_ =	shalt  }
0x4d: {  	_ =	shalt  }
0x4e: {  	_ =	shalt  }
0x4f: {  	_ =	shalt  }
0x50: {  	_ =	shalt  }
0x51: {  	_ =	shalt  }
0x52: {  	_ =	shalt  }
0x53: {  	_ =	shalt  }
0x54: {  	_ =	shalt  }
0x55: {  	_ =	shalt  }
0x56: {  	_ =	shalt  }
0x57: {  	_ =	shalt  }
0x58: {  	_ =	shalt  }
0x59: {  	_ =	shalt  }
0x5a: {  	_ =	shalt  }
0x5b: {  	_ =	shalt  }
0x5c: {  	_ =	shalt  }
0x5d: {  	_ =	shalt  }
0x5e: {  	_ =	shalt  }
0x5f: {  	_ =	shalt  }
0x60: {  	_ =	shalt  }
0x61: {  	_ =	shalt  }
0x62: {  	_ =	shalt  }
0x63: {  	_ =	shalt  }
0x64: {  	_ =	shalt  }
0x65: {  	_ =	shalt  }
0x66: {  	_ =	shalt  }
0x67: {  	_ =	shalt  }
0x68: {  	_ =	shalt  }
0x69: {  	_ =	shalt  }
0x6a: {  	_ =	shalt  }
0x6b: {  	_ =	shalt  }
0x6c: {  	_ =	shalt  }
0x6d: {  	_ =	shalt  }
0x6e: {  	_ =	shalt  }
0x6f: {  	_ =	shalt  }
0x70: {  	_ =	shalt  }
0x71: {  	_ =	shalt  }
0x72: {  	_ =	shalt  }
0x73: {  	_ =	shalt  }
0x74: {  	_ =	shalt  }
0x75: {  	_ =	shalt  }
0x76: {  	_ =	shalt  }
0x77: {  	_ =	shalt  }
0x78: {  	_ =	shalt  }
0x79: {  	_ =	shalt  }
0x7a: {  	_ =	shalt  }
0x7b: {  	_ =	shalt  }
0x7c: {  	_ =	shalt  }
0x7d: {  	_ =	shalt  }
0x7e: {  	_ =	shalt  }
0x7f: {  	_ =	shalt  }
0x80: {  	_ =	shalt  }
0x81: {  	_ =	shalt  }
0x82: {  	_ =	shalt  }
0x83: {  	_ =	shalt  }
0x84: {  	_ =	shalt  }
0x85: {  	_ =	shalt  }
0x86: {  	_ =	shalt  }
0x87: {  	_ =	shalt  }
.Lfunc_end0:
.L_simem_size_0:
called_computation.6_lowered:
.L_overlay_start_0:
0x88: {  	s2 =	sld [smem:$0x3FD9]  }
0x89: {  	s3 =	sld [smem:$0x3FFE];
	_ =	sdelay $0x1  }
0x8a: {  	s1 =	srdreg.scid  }
0x8b: {  	s0 =	sand.u32 $0x1, s1  }
0x8c: {  	s14 =	sshll.u32 s0, $0xA;
	s2 =	sadd.s32 s3, s2  }
0x8d: {  	s2 =	sadd.s32 s2, s14  }
0x8e: {  	[smem:$0x3F77] =	sst s2  }
0x8f: {  	_ = 	snop  }
0x90: {  	s2 =	sld [smem:$0x3FD0];
	_ =	sdelay $0x2  }
0x91: {  	s15 =	simm.s32 $0xB;
	s4 =	simm.s32 $0x10  }
0x92: {  	[smem:s4], [sflag:s15] =	dma.local [hbm:s2], $0x1  }
0x93: {  	_ =	swait.eq [sflag:s15], $0x1  }
0x94: {  	[sflag:s15] =	ssyncset.done $0x0  }
0x95: {  	[sflag:s15] =	ssyncadd.s32 $0xFFFFFFFF  }
0x96: {  	s16 =	sld [smem:$0x10];
	(tm) =	ssettm $0x1  }
0x97: {  	s17 =	sld [smem:$0x3FFB];
	_ =	sdelay $0x3  }
0x98: {  	_ =	strace s17  }
0x99: {  	s3 =	sld [smem:$0x3FFC];
	_ =	sdelay $0x3  }
0x9a: {  	_ =	strace s3  }
0x9b: {  	s3 =	sld [smem:$0x3FFD];
	_ =	sdelay $0x3  }
0x9c: {  	_ =	strace s3  }
0x9d: {  	_ =	strace $0x8FFFFFFF  }
0x9e: {  	s18 =	sld [smem:$0x3FDB];
	_ =	sdelay $0x1  }
0x9f: {  	s19 =	simm.s32 $_scs_section_size  }
0xa0: {  	s5 =	simm.s32 $_size__tile_overlayer_lowered;
	s6 =	simm.s32 $_tile_overlayer_lowered  }
0xa1: {  	s22 =	simm.s32 $0x1BFF;
	s21 =	sshll.u32 s6, $0x1;
	s3 =	sadd.s32 s19, s18  }
0xa2: {  	s7 =	simm.s32 $0x0;
	s20 =	sshll.u32 s5, $0x1;
	s5 =	sadd.s32 s21, s3  }
0xa3: {  	[timem:s7], [sflag:s22] =	dma.local [hbm:s5], s20  }
0xa4: {  	_ =	swait.ge [sflag:s22], s20  }
0xa5: {  	s4 =	ssub.s32 $0x0, s20;
	[sflag:s22] =	ssyncset.done $0x0  }
0xa6: {  	[sflag:s22] =	ssyncadd.s32 s4;
	_ =	sdelay $0x1  }
0xa7: {  	s23 =	simm.s32 $0x1B8B  }
0xa8: {  	_ =	swait.ge [sflag:s23], $0x1  }
0xa9: {  	[sflag:s23] =	ssyncset.done $0x0  }
0xaa: {  	s25 =	simm.s32 $0x1B8E;
	s24 =	sld [smem:$0x3FFE];
	[sflag:s23] =	ssyncadd.s32 $0xFFFFFFFF  }
0xab: {  	s26 =	simm.s32 $execute0_lowered;
	[smem:$0x3FD2] =	sst s25  }
0xac: {  	s5 =	sshll.u32 s26, $0x1;
	_ =	strace $0x80000058;
	[dreg:$0x1] =	wrdreg $0xFFFFFFFF  }
0xad: {  	s28 =	simm.s32 $_size_execute0_lowered;
	s3 =	sadd.s32 s3, s5;
	[dreg:$0x0] =	wrdreg $0x0  }
0xae: {  	s5 =	sshll.u32 s28, $0x1;
	[dreg:$0x2] =	wrdreg s3  }
0xaf: {  	[dreg:$0x3] =	wrdreg s5  }
0xb0: {  	[dreg:$0x4] =	wrdreg $0xC0  }
0xb1: {  	_ =	task [dreg:s7], $0x5FFFF  }
0xb2: {  	[dreg:$0x1] =	wrdreg $0xFFFFFFFF  }
0xb3: {  	[dreg:$0x0] =	wrdreg $0x60  }
0xb4: {  	[dreg:$0x2] =	wrdreg s24  }
0xb5: {  	[dreg:$0x3] =	wrdreg s16  }
0xb6: {  	[dreg:$0x4] =	wrdreg $0x40800  }
0xb7: {  	[dreg:$0x5] =	wrdreg $0x9  }
0xb8: {  	_ =	task.clear_ibuf [dreg:s7], $0x6FFFF;
	_ =	strace $0x90000058  }
0xb9: {  	s29 =	simm.s32 $0x9;
	_ =	strace $0x8000005A  }
0xba: {  	_ =	swait.ge [sflag:s29], $0x1  }
0xbb: {  	[sflag:s29] =	ssyncadd.s32 $0xFFFFFFFF  }
0xbc: {  	_ =	strace $0x9000005A  }
0xbd: {  	_ =	sfence  }
0xbe: {  	s30 =	sld [smem:$0x0];
	_ =	sdelay $0x2  }
0xbf: {  	s31 =	sshll.u32 s1, $0xD;
	s1 =	sshrl.u32 s1, $0x2  }
0xc0: {  	s3 =	sand.u32 $0x4000, s31;
	s1 =	sadd.s32 s1, s30  }
0xc1: {  	s0 =	sor.u32 s3, s0;
	s1 =	sshll.u32 s1, $0x11  }
0xc2: {  	s0 =	sor.u32 s1, s0  }
0xc3: {  	s0 =	sadd.s32 $0x8F2B, s0  }
0xc4: {  	[sflag:s0] =	ssyncadd.remote.s32 $0x1  }
0xc5: {  	_ =	sfence.sel $0xFFFF  }
0xc6: {  	[dreg:$0x0] =	wrdreg $0xFFFFFFFF;
	(pc) =	sbr.abs _section_cstart, $3  }
0xc7: {  	[dreg:$0x1] =	wrdreg $0xFFFFFFFF  }
0xc8: {  	_ =	task.clear_ibuf [dreg:s7], $0x2FFFF;
	_ =	strace $0x9FFFFFFF  }
0xc9: {  	(tm) =	ssettm $0x7FFFFFFF  }
tec
execute0_lowered:
.L_overlay_start_1:
0x0: {  	(tag) =	ssettag $0x1  }
0x1: {  	s5 =	rddreg [dreg:$0x0]  }
0x2: {  	s2 =	rddreg [dreg:$0x1];
	s1 =	stileid.u32  }
0x3: {  	s3 =	rddreg [dreg:$0x2];
	s6 =	smul.u32 $0x4F000, s1  }
0x4: {  	s0 =	rddreg [dreg:$0x3];
	s22 =	smul.u32 $0x4F00, s1  }
0x5: {  	s7 =	srdreg.scid;
	s4 =	simm.s32 $0x0;
	s9 =	smul.u32 $0x50000, s1  }
0x6: {  	s13 =	sand.u32 $0x1, s7;
	[smem:$0x7FF] =	sst s4;
	s15 =	smul.u32 $0x14000, s1  }
0x7: {  	s16 =	sadd.s32 $0x2A400, s5;
	s28 =	sshll.u32 s1, $0x6;
	s8 =	smul.u32 $0x2780, s13  }
0x8: {  	_ =	strace $0x80000059;
	s24 =	ssub.s32 $0x2, s13;
	s14 =	smul.u32 $0x140000, s13  }
0x9: {  	s17 =	sadd.s32 s6, s5;
	s25 =	sshrl.u32 s24, $0x1;
	s26 =	sshrl.u32 s9, $0x2  }
0xa: {  	s30 =	sadd.s32 $0x4000, s15;
	s11 =	sadd.s32 $0x8000, s15;
	s19 =	sadd.s32 $0xC000, s15  }
0xb: {  	s23 =	sadd.s32 s8, s22;
	s7 =	ssub.s32 s24, s25;
	s29 =	sadd.s32 s14, s15  }
0xc: {  	s10 =	sadd.s32 s14, s30;
	s9 =	sadd.s32 s30, s3;
	s12 =	sadd.s32 s14, s11  }
0xd: {  	s11 =	sadd.s32 s11, s3;
	s24 =	sadd.s32 s14, s19;
	s15 =	sadd.s32 $0x10000, s15  }
0xe: {  	s6 =	sshrl.u32 s23, $0x3;
	s7 =	smax.u32 s7, $0x1;
	s8 =	sshrl.u32 s29, $0x3  }
0xf: {  	s10 =	sshrl.u32 s10, $0x3;
	s12 =	sshrl.u32 s12, $0x3;
	s24 =	sshrl.u32 s24, $0x3  }
0x10: {  	s25 =	sadd.s32 s14, s15;
	s15 =	sadd.s32 s15, s3;
	s18 =	sadd.s32 s6, s5  }
0x11: {  	s5 =	sadd.s32 s26, s3;
	s6 =	sor.u32 $0x1C01, s28;
	s8 =	sadd.s32 s16, s8  }
0x12: {  	s10 =	sadd.s32 s16, s10;
	s12 =	sadd.s32 s16, s12;
	s26 =	smul.u32 $0x27800, s13  }
0x13: {  	s13 =	sadd.s32 s19, s3;
	s14 =	sadd.s32 s16, s24;
	s31 =	sshrl.u32 s25, $0x3  }
0x14: {  	s19 =	simm.s32 $0x1;
	s24 =	simm.s32 $0x80;
	s25 =	simm.s32 $0x0  }
0x15: {  	s20 =	sadd.s32 $0x4000, s5;
	s21 =	sadd.s32 $0x8000, s5;
	s22 =	sadd.s32 $0xC000, s5  }
0x16: {  	s23 =	sadd.s32 $0x10000, s5;
	s16 =	sadd.s32 s16, s31;
	s18 =	sadd.s32 $0x16800, s18  }
0x17: {  	s17 =	sadd.s32 s26, s17;
	s20 =	sshrl.u32 s20, $0x3;
	s21 =	sshrl.u32 s21, $0x3  }
0x18: {  	s22 =	sshrl.u32 s22, $0x3;
	s23 =	sshrl.u32 s23, $0x3;
	s17 =	sadd.s32 $0xA2400, s17  }
.LBB2_1:
0x19: {  	s26 =	sshrl.u32 s5, $0x3  }
0x1a: {  	[spmem:s26], [sflag:s6] =	dma.local [hbm:s2], $0x800  }
0x1b: {  	_ =	swait.ge [sflag:s19], $0x800  }
0x1c: {  	[sflag:s19] =	ssyncset.done $0x0  }
0x1d: {  	[sflag:s19] =	ssyncadd.s32 $0xFFFFF800  }
0x1e: {  	[spmem:s20], [sflag:s6] =	dma.local [hbm:s2], $0x800  }
0x1f: {  	_ =	swait.ge [sflag:s19], $0x800  }
0x20: {  	[sflag:s19] =	ssyncset.done $0x0  }
0x21: {  	[sflag:s19] =	ssyncadd.s32 $0xFFFFF800  }
0x22: {  	[spmem:s21], [sflag:s6] =	dma.local [hbm:s2], $0x800  }
0x23: {  	_ =	swait.ge [sflag:s19], $0x800  }
0x24: {  	[sflag:s19] =	ssyncset.done $0x0  }
0x25: {  	[sflag:s19] =	ssyncadd.s32 $0xFFFFF800  }
0x26: {  	[spmem:s22], [sflag:s6] =	dma.local [hbm:s2], $0x800  }
0x27: {  	_ =	swait.ge [sflag:s19], $0x800  }
0x28: {  	[sflag:s19] =	ssyncset.done $0x0  }
0x29: {  	[sflag:s19] =	ssyncadd.s32 $0xFFFFF800  }
0x2a: {  	[spmem:s23], [sflag:s6] =	dma.local [hbm:s2], $0x800  }
0x2b: {  	_ =	swait.ge [sflag:s19], $0x800  }
0x2c: {  	[sflag:s19] =	ssyncset.done $0x0  }
0x2d: {  	[sflag:s19] =	ssyncadd.s32 $0xFFFFF800  }
0x2e: {  	s31 =	sadd.s32 $0x0, s18;
	[bflag:$0x0] =	sbarrier.arrive $0xFFFF  }
0x2f: {  	[tilespmem:s4], [sflag:$0x1] =	stream.linear.gather [hbm4b:s31+s4], $0x80, $0x38;
	[tilespmem:$0x18080] =	vst v63  }
0x30: {  	_ =	swait.ge [sflag:s19], $0x80  }
0x31: {  	[sflag:s19] =	ssyncset.done $0x0  }
0x32: {  	[sflag:s19] =	ssyncadd.s32 $0xFFFFFF80  }
0x33: {  	[tilespmem:s24], [sflag:$0x1] =	stream.linear.gather [hbm4b:s17+s4], $0x4000, $0x38;
	[tilespmem:$0x18080] =	vst v63  }
0x34: {  	_ =	swait.ge [sflag:s19], $0x4000  }
0x35: {  	[sflag:s19] =	ssyncset.done $0x0  }
0x36: {  	[sflag:s19] =	ssyncadd.s32 $0xFFFFC000  }
0x37: {  	[spmem:s3] =	stream.indirect.scatter.add.f32 [tilespmem:s24], [sflag:$0x1], $0x80, s4, s24, $0xb8;
	[tilespmem:$0x18080] =	vst v63  }
0x38: {  	s28 =	simm.s32 $0x10;
	_ =	swait.ge [sflag:s19], $0x4000  }
0x39: {  	s29 =	simm.s32 $0x20;
	s26 =	sadd.s32 $0x800, s17;
	[sflag:s19] =	ssyncset.done $0x0  }
.LBB2_2:
0x3a: {  	s30 =	sadd.s32 s28, s18  }
0x3b: {  	[sflag:s19] =	ssyncadd.s32 $0xFFFFC000;
	s28 =	smov.u32 s29;
	s31 =	sadd.s32 $0x10, s29  }
0x3c: {  	[tilespmem:s4], [sflag:$0x1] =	stream.linear.gather [hbm4b:s30+s4], $0x80, $0x38;
	[tilespmem:$0x18080] =	vst v63  }
0x3d: {  	p0 =	sne.s32 s29, $0x4E0;
	_ =	swait.ge [sflag:s19], $0x80  }
0x3e: {  	[sflag:s19] =	ssyncset.done $0x0  }
0x3f: {  	[sflag:s19] =	ssyncadd.s32 $0xFFFFFF80  }
0x40: {  	[tilespmem:s24], [sflag:$0x1] =	stream.linear.gather [hbm4b:s26+s4], $0x4000, $0x38;
	[tilespmem:$0x18080] =	vst v63  }
0x41: {  	_ =	swait.ge [sflag:s19], $0x4000  }
.Ltmp0:
0x42: {  	[sflag:s19] =	ssyncset.done $0x0;
	(pc) =	sbr.rel @p0 .LBB2_2-.Ltmp0, $4  }
0x43: {  	[sflag:s19] =	ssyncadd.s32 $0xFFFFC000  }
0x44: {  	[spmem:s3] =	stream.indirect.scatter.add.f32 [tilespmem:s24], [sflag:$0x1], $0x80, s4, s24, $0xb8;
	[tilespmem:$0x18080] =	vst v63  }
0x45: {  	_ =	swait.ge [sflag:s19], $0x4000  }
0x46: {  	s29 =	smov.u32 s31;
	s26 =	sadd.s32 $0x800, s26;
	[sflag:s19] =	ssyncset.done $0x0  }
0x47: {  	s28 =	sadd.s32 s28, s18;
	[sflag:s19] =	ssyncadd.s32 $0xFFFFC000  }
0x48: {  	[tilespmem:s4], [sflag:$0x1] =	stream.linear.gather [hbm4b:s28+s4], $0x80, $0x38;
	[tilespmem:$0x18080] =	vst v63  }
0x49: {  	_ =	swait.ge [sflag:s19], $0x80  }
0x4a: {  	[sflag:s19] =	ssyncset.done $0x0  }
0x4b: {  	[sflag:s19] =	ssyncadd.s32 $0xFFFFFF80  }
0x4c: {  	[tilespmem:s24], [sflag:$0x1] =	stream.linear.gather [hbm4b:s26+s4], $0x4000, $0x38;
	[tilespmem:$0x18080] =	vst v63  }
0x4d: {  	_ =	swait.ge [sflag:s19], $0x4000  }
0x4e: {  	[sflag:s19] =	ssyncset.done $0x0  }
0x4f: {  	[sflag:s19] =	ssyncadd.s32 $0xFFFFC000  }
0x50: {  	[spmem:s3] =	stream.indirect.scatter.add.f32 [tilespmem:s24], [sflag:$0x1], $0x80, s4, s24, $0xb8;
	[tilespmem:$0x18080] =	vst v63  }
0x51: {  	_ =	swait.ge [sflag:s19], $0x4000  }
0x52: {  	[sflag:s19] =	ssyncset.done $0x0  }
0x53: {  	[sflag:s19] =	ssyncadd.s32 $0xFFFFC000  }
0x54: {  	[bflag:$0x0] =	sbarrier.arrive $0xFFFF  }
0x55: {  	[tilespmem:s24], [sflag:$0x1] =	stream.linear.gather [spmem:s5], $0x4000, $0x38;
	[tilespmem:$0x18080] =	vst v63  }
0x56: {  	_ =	swait.ge [sflag:s19], $0x4000  }
0x57: {  	[sflag:s19] =	ssyncset.done $0x0  }
0x58: {  	[sflag:s19] =	ssyncadd.s32 $0xFFFFC000  }
0x59: {  	[hbm4b:s8+s4] =	stream.linear.scatter [tilespmem:s24], [sflag:$0x1], $0x4000, $0x38;
	[tilespmem:$0x18080] =	vst v63  }
0x5a: {  	_ =	swait.ge [sflag:s19], $0x4000  }
0x5b: {  	[sflag:s19] =	ssyncset.done $0x0  }
0x5c: {  	[sflag:s19] =	ssyncadd.s32 $0xFFFFC000  }
0x5d: {  	[tilespmem:s24], [sflag:$0x1] =	stream.linear.gather [spmem:s9], $0x4000, $0x38;
	[tilespmem:$0x18080] =	vst v63  }
0x5e: {  	_ =	swait.ge [sflag:s19], $0x4000  }
0x5f: {  	[sflag:s19] =	ssyncset.done $0x0  }
0x60: {  	[sflag:s19] =	ssyncadd.s32 $0xFFFFC000  }
0x61: {  	[hbm4b:s10+s4] =	stream.linear.scatter [tilespmem:s24], [sflag:$0x1], $0x4000, $0x38;
	[tilespmem:$0x18080] =	vst v63  }
0x62: {  	_ =	swait.ge [sflag:s19], $0x4000  }
0x63: {  	[sflag:s19] =	ssyncset.done $0x0  }
0x64: {  	[sflag:s19] =	ssyncadd.s32 $0xFFFFC000  }
0x65: {  	[tilespmem:s24], [sflag:$0x1] =	stream.linear.gather [spmem:s11], $0x4000, $0x38;
	[tilespmem:$0x18080] =	vst v63  }
0x66: {  	_ =	swait.ge [sflag:s19], $0x4000  }
0x67: {  	[sflag:s19] =	ssyncset.done $0x0  }
0x68: {  	[sflag:s19] =	ssyncadd.s32 $0xFFFFC000  }
0x69: {  	[hbm4b:s12+s4] =	stream.linear.scatter [tilespmem:s24], [sflag:$0x1], $0x4000, $0x38;
	[tilespmem:$0x18080] =	vst v63  }
0x6a: {  	_ =	swait.ge [sflag:s19], $0x4000  }
0x6b: {  	[sflag:s19] =	ssyncset.done $0x0  }
0x6c: {  	[sflag:s19] =	ssyncadd.s32 $0xFFFFC000  }
0x6d: {  	[tilespmem:s24], [sflag:$0x1] =	stream.linear.gather [spmem:s13], $0x4000, $0x38;
	[tilespmem:$0x18080] =	vst v63  }
0x6e: {  	_ =	swait.ge [sflag:s19], $0x4000  }
0x6f: {  	[sflag:s19] =	ssyncset.done $0x0  }
0x70: {  	[sflag:s19] =	ssyncadd.s32 $0xFFFFC000  }
0x71: {  	[hbm4b:s14+s4] =	stream.linear.scatter [tilespmem:s24], [sflag:$0x1], $0x4000, $0x38;
	[tilespmem:$0x18080] =	vst v63  }
0x72: {  	_ =	swait.ge [sflag:s19], $0x4000  }
0x73: {  	[sflag:s19] =	ssyncset.done $0x0  }
0x74: {  	[sflag:s19] =	ssyncadd.s32 $0xFFFFC000  }
0x75: {  	[tilespmem:s24], [sflag:$0x1] =	stream.linear.gather [spmem:s15], $0x4000, $0x38;
	[tilespmem:$0x18080] =	vst v63  }
0x76: {  	s25 =	sadd.s32 $0x1, s25;
	_ =	swait.ge [sflag:s19], $0x4000  }
0x77: {  	p0 =	sne.s32 s25, s7;
	[sflag:s19] =	ssyncset.done $0x0  }
.Ltmp1:
0x78: {  	[sflag:s19] =	ssyncadd.s32 $0xFFFFC000;
	(pc) =	sbr.rel @p0 .LBB2_1-.Ltmp1, $4  }
0x79: {  	[hbm4b:s16+s4] =	stream.linear.scatter [tilespmem:s24], [sflag:$0x1], $0x4000, $0x38;
	[tilespmem:$0x18080] =	vst v63  }
0x7a: {  	_ =	swait.ge [sflag:s19], $0x4000  }
0x7b: {  	[sflag:s19] =	ssyncset.done $0x0  }
0x7c: {  	[sflag:s19] =	ssyncadd.s32 $0xFFFFC000  }
0x7d: {  	_ =	sfence.sel $0x180000  }
0x7e: {  	[bflag:$0x0] =	sbarrier.arrive $0xFFFF  }
0x7f: {  	p0 =	sne.s32 s1, $0x0;
	_ =	strace $0x90000059  }
0x80: {  	s0 =	sadd.s32 @!p0 $0x100000, s0;
	[bflag:$0x2] =	sbarrier.arrive $0xFFFF  }
0x81: {  	[sflag:s0] =	ssyncadd.tile.s32 @!p0 $0x1;
	_ =	shalt  }
.Lfunc_end2:
_tile_overlayer_lowered:
.L_overlay_start_2:
0x82: {  	(tag) =	ssettag $0x2  }
0x83: {  	s0 =	rddreg [dreg:$0x0];
	s2 =	stileid.u32  }
0x84: {  	s1 =	rddreg [dreg:$0x1];
	p0 =	sne.s32 s2, $0x0  }
0x85: {  	s3 =	rddreg [dreg:$0x2];
	[bflag:$0x3] =	sbarrier.arrive $0xFFFF;
	s2 =	simm.s32 @!p0 $0x1C01  }
0x86: {  	[timem:s3], [sflag:s2] =	dma.local @!p0 [hbm:s0], s1  }
0x87: {  	s0 =	simm.s32 @!p0 $0x1  }
0x88: {  	_ =	swait.ge @!p0 [sflag:s0], s1  }
0x89: {  	s1 =	ssub.s32 @!p0 $0x0, s1;
	[sflag:s0] =	ssyncset.done @!p0 $0x0  }
0x8a: {  	[sflag:s0] =	ssyncadd.s32 @!p0 s1  }
0x8b: {  	[bflag:$0x3] =	sbarrier.arrive $0xFFFF  }
0x8c: {  	_ =	shalt  }

// kernel: kernel.53.cloned.1.call-start
scs
__scs_entry_jumppad:
0x0: {  	(pc) =	sbr.rel $0x88, $3  }
0x1: {  	(tag) =	ssettag $0x0;
	lr =	simm.s32 $0x1  }
0x2: {  	[smem:$0x3F50] =	sst lr;
	_ =	strace $0xD0000000  }
0x3: {  	_ = 	snop  }
0x4: {  	_ = 	snop  }
0x5: {  	_ = 	snop  }
0x6: {  	_ = 	snop  }
0x7: {  	_ = 	snop  }
__scs_overlays_trampoline_lowered:
0x8: {  	[smem:$0x3F5F] =	sst s0  }
0x9: {  	[smem:$0x3F60] =	sst s1  }
0xa: {  	[smem:$0x3F61] =	sst s2  }
0xb: {  	[smem:$0x3F62] =	sst s3  }
0xc: {  	[smem:$0x3F63] =	sst s4  }
0xd: {  	[smem:$0x3F64] =	sst s5  }
0xe: {  	[smem:$0x3F65] =	sst s6  }
0xf: {  	[smem:$0x3F66] =	sst s7  }
0x10: {  	[smem:$0x3F67] =	sst s8  }
0x11: {  	[smem:$0x3F68] =	sst s9;
	s0 =	simm.s32 @!p0 $0x0  }
0x12: {  	s1 =	sld [smem:$0x3F4E];
	s0 =	simm.s32 @p0 $0x1  }
0x13: {  	[smem:$0x3F69] =	sst s0;
	s0 =	simm.s32 @!p1 $0x0  }
0x14: {  	s2 =	sld [smem:$0x3F4D];
	s0 =	simm.s32 @p1 $0x1  }
0x15: {  	[smem:$0x3F6A] =	sst s0;
	s0 =	simm.s32 @!p2 $0x0  }
0x16: {  	s3 =	sld [smem:$0x3FDB];
	s0 =	simm.s32 @p2 $0x1  }
0x17: {  	s4 =	simm.s32 $0x1BF5;
	[smem:$0x3F6C] =	sst s0  }
0x18: {  	s0 =	sld [smem:$0x3F4F];
	_ =	swait.ge [sflag:s4], $0x0  }
0x19: {  	s7 =	sld [smem:$0x3F50]  }
0x1a: {  	s8 =	sadd.s32 $0xFFFFE003, lr  }
0x1b: {  	s9 =	sadd.s32 $0xFFFFFEF7, lr;
	s5 =	simm.s32 $0xFFFFFFFF;
	p2 =	slt.u32 s8, $0xFFFFF086  }
0x1c: {  	p1 =	slt.u32 s9, $0xF7A;
	s5 =	simm.s32 @!p2 $0x0  }
0x1d: {  	s5 =	simm.s32 @p1 $0x1;
	p0 =	seq.s32 s7, s2  }
0x1e: {  	s7 =	smul.u32 @!p0 $0xF7A, s2;
	p2 =	seq.s32 @!p0 s5, $0x0  }
0x1f: {  	s9 =	smul.u32 $0xF7A, s1;
	s8 =	simm.s32 @!p0 $0x1BF5;
	p2 =	por !p2, p0  }
0x20: {  	[sflag:s8] =	ssyncset.s32 @!p0 $0xFFFFF086;
	s6 =	sadd.s32 @!p0 s3, s7;
	s7 =	simm.s32 @!p0 $0x108  }
0x21: {  	s3 =	sadd.s32 s3, s9;
	s6 =	sadd.s32 @!p0 $0x88, s6;
	s7 =	simm.s32 @p2 $0x1082  }
0x22: {  	[simem:s7], [sflag:s8] =	dma.local @!p0 [hbm:s6], $0xF7A  }
0x23: {  	s9 =	sor.u32 $0xD0000000, s2;
	s6 =	simm.s32 $0x108;
	_ =	swait.ge @!p0 [sflag:s8], $0x0  }
0x24: {  	s3 =	sadd.s32 $0x88, s3;
	s6 =	simm.s32 @!p1 $0x1082;
	[sflag:s4] =	ssyncset.s32 $0xFFFFF086  }
0x25: {  	[simem:s6], [sflag:s4] =	dma.local [hbm:s3], $0xF7A  }
0x26: {  	[smem:$0x3F50] =	sst s1;
	(tag) =	ssettag s2;
	_ =	strace s9  }
0x27: {  	s1 =	sld [smem:$0x3F60]  }
0x28: {  	s2 =	sld [smem:$0x3F61]  }
0x29: {  	s4 =	sld [smem:$0x3F63]  }
0x2a: {  	p0 =	seq.s32 s5, $0x0;
	s5 =	sld [smem:$0x3F64]  }
0x2b: {  	s6 =	sld [smem:$0x3F65]  }
0x2c: {  	s7 =	sld [smem:$0x3F66]  }
0x2d: {  	s3 =	simm.s32 $0x108;
	s8 =	sld [smem:$0x3F67]  }
0x2e: {  	s3 =	simm.s32 @!p0 $0x1082;
	s9 =	sld [smem:$0x3F68]  }
0x2f: {  	lr =	sadd.s32 s0, s3;
	s0 =	sld [smem:$0x3F5F]  }
0x30: {  	s3 =	sld [smem:$0x3F62]  }
0x31: {  	[smem:$0x3F6B] =	sst s10  }
0x32: {  	s10 =	sld [smem:$0x3F69];
	_ =	sdelay $0x3  }
0x33: {  	p0 =	seq.s32 s10, $0x1;
	s10 =	sld [smem:$0x3F6B];
	_ =	sdelay $0x3  }
0x34: {  	[smem:$0x3F6B] =	sst s10  }
0x35: {  	s10 =	sld [smem:$0x3F6A];
	_ =	sdelay $0x3  }
0x36: {  	p1 =	seq.s32 s10, $0x1;
	s10 =	sld [smem:$0x3F6B];
	_ =	sdelay $0x3  }
0x37: {  	[smem:$0x3F6B] =	sst s10  }
0x38: {  	s10 =	sld [smem:$0x3F6C]  }
0x39: {  	_ = 	snop;
	(pc) =	sbr.ind lr, $3  }
0x3a: {  	_ = 	snop  }
0x3b: {  	_ = 	snop  }
0x3c: {  	p2 =	seq.s32 s10, $0x1;
	s10 =	sld [smem:$0x3F6B]  }
0x3d: {  	_ =	shalt  }
0x3e: {  	_ =	shalt  }
0x3f: {  	_ =	shalt  }
0x40: {  	_ =	shalt  }
0x41: {  	_ =	shalt  }
0x42: {  	_ =	shalt  }
0x43: {  	_ =	shalt  }
0x44: {  	_ =	shalt  }
0x45: {  	_ =	shalt  }
0x46: {  	_ =	shalt  }
0x47: {  	_ =	shalt  }
0x48: {  	_ =	shalt  }
0x49: {  	_ =	shalt  }
0x4a: {  	_ =	shalt  }
0x4b: {  	_ =	shalt  }
0x4c: {  	_ =	shalt  }
0x4d: {  	_ =	shalt  }
0x4e: {  	_ =	shalt  }
0x4f: {  	_ =	shalt  }
0x50: {  	_ =	shalt  }
0x51: {  	_ =	shalt  }
0x52: {  	_ =	shalt  }
0x53: {  	_ =	shalt  }
0x54: {  	_ =	shalt  }
0x55: {  	_ =	shalt  }
0x56: {  	_ =	shalt  }
0x57: {  	_ =	shalt  }
0x58: {  	_ =	shalt  }
0x59: {  	_ =	shalt  }
0x5a: {  	_ =	shalt  }
0x5b: {  	_ =	shalt  }
0x5c: {  	_ =	shalt  }
0x5d: {  	_ =	shalt  }
0x5e: {  	_ =	shalt  }
0x5f: {  	_ =	shalt  }
0x60: {  	_ =	shalt  }
0x61: {  	_ =	shalt  }
0x62: {  	_ =	shalt  }
0x63: {  	_ =	shalt  }
0x64: {  	_ =	shalt  }
0x65: {  	_ =	shalt  }
0x66: {  	_ =	shalt  }
0x67: {  	_ =	shalt  }
0x68: {  	_ =	shalt  }
0x69: {  	_ =	shalt  }
0x6a: {  	_ =	shalt  }
0x6b: {  	_ =	shalt  }
0x6c: {  	_ =	shalt  }
0x6d: {  	_ =	shalt  }
0x6e: {  	_ =	shalt  }
0x6f: {  	_ =	shalt  }
0x70: {  	_ =	shalt  }
0x71: {  	_ =	shalt  }
0x72: {  	_ =	shalt  }
0x73: {  	_ =	shalt  }
0x74: {  	_ =	shalt  }
0x75: {  	_ =	shalt  }
0x76: {  	_ =	shalt  }
0x77: {  	_ =	shalt  }
0x78: {  	_ =	shalt  }
0x79: {  	_ =	shalt  }
0x7a: {  	_ =	shalt  }
0x7b: {  	_ =	shalt  }
0x7c: {  	_ =	shalt  }
0x7d: {  	_ =	shalt  }
0x7e: {  	_ =	shalt  }
0x7f: {  	_ =	shalt  }
0x80: {  	_ =	shalt  }
0x81: {  	_ =	shalt  }
0x82: {  	_ =	shalt  }
0x83: {  	_ =	shalt  }
0x84: {  	_ =	shalt  }
0x85: {  	_ =	shalt  }
0x86: {  	_ =	shalt  }
0x87: {  	_ =	shalt  }
.Lfunc_end0:
.L_simem_size_0:
called_computation.7_lowered:
.L_overlay_start_0:
0x88: {  	s2 =	sld [smem:$0x3FD9]  }
0x89: {  	s3 =	sld [smem:$0x3FFE];
	_ =	sdelay $0x1  }
0x8a: {  	s1 =	srdreg.scid  }
0x8b: {  	s0 =	sand.u32 $0x1, s1  }
0x8c: {  	s16 =	sshll.u32 s0, $0xA;
	s2 =	sadd.s32 s3, s2  }
0x8d: {  	s2 =	sadd.s32 s2, s16  }
0x8e: {  	[smem:$0x3F77] =	sst s2  }
0x8f: {  	_ = 	snop  }
0x90: {  	(tm) =	ssettm $0x1  }
0x91: {  	s17 =	sld [smem:$0x3FFB];
	_ =	sdelay $0x3  }
0x92: {  	_ =	strace s17  }
0x93: {  	s2 =	sld [smem:$0x3FFC];
	_ =	sdelay $0x3  }
0x94: {  	_ =	strace s2  }
0x95: {  	s2 =	sld [smem:$0x3FFD];
	_ =	sdelay $0x3  }
0x96: {  	_ =	strace s2  }
0x97: {  	_ =	strace $0x8FFFFFFF  }
0x98: {  	s18 =	sld [smem:$0x3FDB];
	_ =	sdelay $0x1  }
0x99: {  	s19 =	simm.s32 $_scs_section_size  }
0x9a: {  	s4 =	simm.s32 $_size__tile_overlayer_lowered;
	s5 =	simm.s32 $_tile_overlayer_lowered  }
0x9b: {  	s22 =	simm.s32 $0x1BFF;
	s21 =	sshll.u32 s5, $0x1;
	s2 =	sadd.s32 s19, s18  }
0x9c: {  	s6 =	simm.s32 $0x0;
	s20 =	sshll.u32 s4, $0x1;
	s4 =	sadd.s32 s21, s2  }
0x9d: {  	[timem:s6], [sflag:s22] =	dma.local [hbm:s4], s20  }
0x9e: {  	_ =	swait.ge [sflag:s22], s20  }
0x9f: {  	s3 =	ssub.s32 $0x0, s20;
	[sflag:s22] =	ssyncset.done $0x0  }
0xa0: {  	[sflag:s22] =	ssyncadd.s32 s3;
	_ =	sdelay $0x1  }
0xa1: {  	s23 =	simm.s32 $0x1B8B  }
0xa2: {  	_ =	swait.ge [sflag:s23], $0x1  }
0xa3: {  	[sflag:s23] =	ssyncset.done $0x0  }
0xa4: {  	s25 =	simm.s32 $0x1B8E;
	s24 =	sld [smem:$0x3FFE];
	[sflag:s23] =	ssyncadd.s32 $0xFFFFFFFF  }
0xa5: {  	s26 =	simm.s32 $execute0_lowered;
	[smem:$0x3FD2] =	sst s25  }
0xa6: {  	s4 =	sshll.u32 s26, $0x1;
	_ =	strace $0x8000005B;
	[dreg:$0x1] =	wrdreg $0xFFFFFFFF  }
0xa7: {  	s28 =	simm.s32 $_size_execute0_lowered;
	s2 =	sadd.s32 s2, s4;
	[dreg:$0x0] =	wrdreg $0x0  }
0xa8: {  	s4 =	sshll.u32 s28, $0x1;
	[dreg:$0x2] =	wrdreg s2  }
0xa9: {  	[dreg:$0x3] =	wrdreg s4  }
0xaa: {  	[dreg:$0x4] =	wrdreg $0xC0  }
0xab: {  	_ =	task [dreg:s6], $0x5FFFF  }
0xac: {  	[dreg:$0x1] =	wrdreg $0xFFFFFFFF  }
0xad: {  	[dreg:$0x0] =	wrdreg $0x60  }
0xae: {  	[dreg:$0x2] =	wrdreg s24  }
0xaf: {  	[dreg:$0x3] =	wrdreg $0x9  }
0xb0: {  	_ =	task.clear_ibuf [dreg:s6], $0x4FFFF;
	_ =	strace $0x9000005B  }
0xb1: {  	s29 =	simm.s32 $0x9;
	_ =	strace $0x8000005D  }
0xb2: {  	_ =	swait.ge [sflag:s29], $0x1  }
0xb3: {  	[sflag:s29] =	ssyncadd.s32 $0xFFFFFFFF  }
0xb4: {  	_ =	strace $0x9000005D  }
0xb5: {  	_ =	sfence  }
0xb6: {  	s30 =	sld [smem:$0x0];
	_ =	sdelay $0x2  }
0xb7: {  	s31 =	sshll.u32 s1, $0xD;
	s1 =	sshrl.u32 s1, $0x2  }
0xb8: {  	s3 =	sand.u32 $0x4000, s31;
	s1 =	sadd.s32 s1, s30  }
0xb9: {  	s0 =	sor.u32 s3, s0;
	s1 =	sshll.u32 s1, $0x11  }
0xba: {  	s0 =	sor.u32 s1, s0  }
0xbb: {  	s0 =	sadd.s32 $0x8F2B, s0  }
0xbc: {  	[sflag:s0] =	ssyncadd.remote.s32 $0x1  }
0xbd: {  	_ =	sfence.sel $0xFFFF  }
0xbe: {  	[dreg:$0x0] =	wrdreg $0xFFFFFFFF;
	(pc) =	sbr.abs _section_cstart, $3  }
0xbf: {  	[dreg:$0x1] =	wrdreg $0xFFFFFFFF  }
0xc0: {  	_ =	task.clear_ibuf [dreg:s6], $0x2FFFF;
	_ =	strace $0x9FFFFFFF  }
0xc1: {  	(tm) =	ssettm $0x7FFFFFFF  }
tec
execute0_lowered:
.L_overlay_start_1:
0x0: {  	(tag) =	ssettag $0x1  }
0x1: {  	s5 =	rddreg [dreg:$0x0]  }
0x2: {  	s0 =	rddreg [dreg:$0x1]  }
0x3: {  	s2 =	simm.s32 $0x0;
	s3 =	srdreg.scid;
	s1 =	stileid.u32  }
0x4: {  	s11 =	simm.s32 $0x100;
	s12 =	simm.s32 $0x4100;
	s13 =	simm.s32 $0x1  }
0x5: {  	s14 =	simm.s32 $0x0;
	[smem:$0x7FF] =	sst s2;
	s7 =	smul.u32 $0x4F00, s1  }
0x6: {  	s6 =	sand.u32 $0x1, s3;
	s3 =	sadd.s32 $0x2A400, s5;
	s9 =	smul.u32 $0x4F000, s1  }
0x7: {  	s4 =	sadd.s32 $0x52400, s5;
	s8 =	smul.u32 $0x2780, s6;
	s10 =	ssub.s32 $0x2, s6  }
0x8: {  	_ =	strace $0x8000005C;
	s6 =	smul.u32 $0x27800, s6;
	s30 =	sshrl.u32 s10, $0x1  }
0x9: {  	s9 =	sadd.s32 s9, s5;
	s7 =	sadd.s32 s8, s7;
	s8 =	ssub.s32 s10, s30  }
0xa: {  	s6 =	sadd.s32 s6, s9;
	s9 =	simm.s32 $0x2;
	s7 =	sshrl.u32 s7, $0x3  }
0xb: {  	s10 =	simm.s32 $0x80;
	s6 =	sadd.s32 $0xF4A400, s6;
	s31 =	sadd.s32 s7, s5  }
0xc: {  	s5 =	smax.u32 s8, $0x1;
	s7 =	sadd.s32 $0x20600, s31;
	s8 =	sadd.s32 $0x16800, s31  }
.LBB2_1:
0xd: {  	s15 =	sadd.s32 $0x0, s8  }
0xe: {  	[tilespmem:s2], [sflag:$0x2] =	stream.linear.gather [hbm4b:s15+s2], $0x80, $0x38;
	[tilespmem:$0x8100] =	vst v63  }
0xf: {  	_ =	swait.ge [sflag:s9], $0x80  }
0x10: {  	[sflag:s9] =	ssyncset.done $0x0  }
0x11: {  	s30 =	sadd.s32 $0x0, s7;
	[sflag:s9] =	ssyncadd.s32 $0xFFFFFF80  }
0x12: {  	[tilespmem:s10], [sflag:$0x2] =	stream.linear.gather [hbm4b:s30+s2], $0x80, $0x38;
	[tilespmem:$0x8100] =	vst v63  }
0x13: {  	_ =	swait.ge [sflag:s9], $0x80  }
0x14: {  	[sflag:s9] =	ssyncset.done $0x0  }
0x15: {  	[sflag:s9] =	ssyncadd.s32 $0xFFFFFF80  }
0x16: {  	[tilespmem:s11], [sflag:$0x1] =	stream.indirect.gather [hbm4b:s3+s10], $0x80, s2, s10, $0xb8;
	[tilespmem:$0x8100] =	vst v63  }
0x17: {  	_ = 	snop  }
0x18: {  	[tilespmem:s12], [sflag:$0x1] =	stream.indirect.gather [hbm4b:s4+s10], $0x80, s10, s10, $0xb8;
	[tilespmem:$0x8100] =	vst v63  }
0x19: {  	_ =	swait.ge [sflag:s13], $0x4000  }
0x1a: {  	[sflag:s13] =	ssyncset.done $0x0  }
0x1b: {  	[sflag:s13] =	ssyncadd.s32 $0xFFFFC000  }
0x1c: {  	_ =	swait.ge [sflag:s13], $0x4000  }
0x1d: {  	[sflag:s13] =	ssyncset.done $0x0  }
0x1e: {  	s31 =	sadd.s32 $0xFFB10000, s6;
	[sflag:s13] =	ssyncadd.s32 $0xFFFFC000  }
0x1f: {  	[hbm4b:s31+s2] =	stream.linear.scatter [tilespmem:s11], [sflag:$0x2], $0x4000, $0x38;
	[tilespmem:$0x8100] =	vst v63  }
0x20: {  	_ =	swait.ge [sflag:s9], $0x4000  }
0x21: {  	[sflag:s9] =	ssyncset.done $0x0  }
0x22: {  	[sflag:s9] =	ssyncadd.s32 $0xFFFFC000  }
0x23: {  	[hbm4b:s6+s2] =	stream.linear.scatter [tilespmem:s12], [sflag:$0x2], $0x4000, $0x38;
	[tilespmem:$0x8100] =	vst v63  }
0x24: {  	s16 =	simm.s32 $0x10;
	_ =	swait.ge [sflag:s9], $0x4000  }
0x25: {  	s17 =	simm.s32 $0x20;
	s15 =	sadd.s32 $0x800, s6;
	[sflag:s9] =	ssyncset.done $0x0  }
.LBB2_2:
0x26: {  	s18 =	sadd.s32 s16, s8  }
0x27: {  	[sflag:s9] =	ssyncadd.s32 $0xFFFFC000;
	s19 =	smov.u32 s17;
	s20 =	sadd.s32 $0x10, s17  }
0x28: {  	[tilespmem:s2], [sflag:$0x2] =	stream.linear.gather [hbm4b:s18+s2], $0x80, $0x38;
	[tilespmem:$0x8100] =	vst v63  }
0x29: {  	p0 =	sne.s32 s17, $0x4E0;
	_ =	swait.ge [sflag:s9], $0x80  }
0x2a: {  	[sflag:s9] =	ssyncset.done $0x0  }
0x2b: {  	s17 =	sadd.s32 s16, s7;
	s16 =	smov.u32 s19;
	[sflag:s9] =	ssyncadd.s32 $0xFFFFFF80  }
0x2c: {  	[tilespmem:s10], [sflag:$0x2] =	stream.linear.gather [hbm4b:s17+s2], $0x80, $0x38;
	[tilespmem:$0x8100] =	vst v63  }
0x2d: {  	_ =	swait.ge [sflag:s9], $0x80  }
0x2e: {  	[sflag:s9] =	ssyncset.done $0x0  }
0x2f: {  	[sflag:s9] =	ssyncadd.s32 $0xFFFFFF80  }
0x30: {  	[tilespmem:s11], [sflag:$0x1] =	stream.indirect.gather [hbm4b:s3+s10], $0x80, s2, s10, $0xb8;
	[tilespmem:$0x8100] =	vst v63  }
0x31: {  	_ = 	snop  }
0x32: {  	[tilespmem:s12], [sflag:$0x1] =	stream.indirect.gather [hbm4b:s4+s10], $0x80, s10, s10, $0xb8;
	[tilespmem:$0x8100] =	vst v63  }
0x33: {  	_ =	swait.ge [sflag:s13], $0x4000  }
0x34: {  	[sflag:s13] =	ssyncset.done $0x0  }
0x35: {  	[sflag:s13] =	ssyncadd.s32 $0xFFFFC000  }
0x36: {  	_ =	swait.ge [sflag:s13], $0x4000  }
0x37: {  	[sflag:s13] =	ssyncset.done $0x0  }
0x38: {  	s17 =	sadd.s32 $0xFFB10000, s15;
	[sflag:s13] =	ssyncadd.s32 $0xFFFFC000  }
0x39: {  	[hbm4b:s17+s2] =	stream.linear.scatter [tilespmem:s11], [sflag:$0x2], $0x4000, $0x38;
	[tilespmem:$0x8100] =	vst v63  }
0x3a: {  	_ =	swait.ge [sflag:s9], $0x4000  }
.Ltmp0:
0x3b: {  	[sflag:s9] =	ssyncset.done $0x0;
	(pc) =	sbr.rel @p0 .LBB2_2-.Ltmp0, $4  }
0x3c: {  	[sflag:s9] =	ssyncadd.s32 $0xFFFFC000  }
0x3d: {  	[hbm4b:s15+s2] =	stream.linear.scatter [tilespmem:s12], [sflag:$0x2], $0x4000, $0x38;
	[tilespmem:$0x8100] =	vst v63  }
0x3e: {  	_ =	swait.ge [sflag:s9], $0x4000  }
0x3f: {  	s17 =	smov.u32 s20;
	s15 =	sadd.s32 $0x800, s15;
	[sflag:s9] =	ssyncset.done $0x0  }
0x40: {  	s17 =	sadd.s32 s16, s8;
	[sflag:s9] =	ssyncadd.s32 $0xFFFFC000  }
0x41: {  	[tilespmem:s2], [sflag:$0x2] =	stream.linear.gather [hbm4b:s17+s2], $0x80, $0x38;
	[tilespmem:$0x8100] =	vst v63  }
0x42: {  	_ =	swait.ge [sflag:s9], $0x80  }
0x43: {  	[sflag:s9] =	ssyncset.done $0x0  }
0x44: {  	s30 =	sadd.s32 s16, s7;
	[sflag:s9] =	ssyncadd.s32 $0xFFFFFF80  }
0x45: {  	[tilespmem:s10], [sflag:$0x2] =	stream.linear.gather [hbm4b:s30+s2], $0x80, $0x38;
	[tilespmem:$0x8100] =	vst v63  }
0x46: {  	_ =	swait.ge [sflag:s9], $0x80  }
0x47: {  	[sflag:s9] =	ssyncset.done $0x0  }
0x48: {  	[sflag:s9] =	ssyncadd.s32 $0xFFFFFF80  }
0x49: {  	[tilespmem:s11], [sflag:$0x1] =	stream.indirect.gather [hbm4b:s3+s10], $0x80, s2, s10, $0xb8;
	[tilespmem:$0x8100] =	vst v63  }
0x4a: {  	_ = 	snop  }
0x4b: {  	[tilespmem:s12], [sflag:$0x1] =	stream.indirect.gather [hbm4b:s4+s10], $0x80, s10, s10, $0xb8;
	[tilespmem:$0x8100] =	vst v63  }
0x4c: {  	_ =	swait.ge [sflag:s13], $0x4000  }
0x4d: {  	[sflag:s13] =	ssyncset.done $0x0  }
0x4e: {  	[sflag:s13] =	ssyncadd.s32 $0xFFFFC000  }
0x4f: {  	_ =	swait.ge [sflag:s13], $0x4000  }
0x50: {  	[sflag:s13] =	ssyncset.done $0x0  }
0x51: {  	s31 =	sadd.s32 $0xFFB10000, s15;
	[sflag:s13] =	ssyncadd.s32 $0xFFFFC000  }
0x52: {  	[hbm4b:s31+s2] =	stream.linear.scatter [tilespmem:s11], [sflag:$0x2], $0x4000, $0x38;
	[tilespmem:$0x8100] =	vst v63  }
0x53: {  	s14 =	sadd.s32 $0x1, s14;
	_ =	swait.ge [sflag:s9], $0x4000  }
0x54: {  	p0 =	sne.s32 s14, s5;
	[sflag:s9] =	ssyncset.done $0x0  }
.Ltmp1:
0x55: {  	[sflag:s9] =	ssyncadd.s32 $0xFFFFC000;
	(pc) =	sbr.rel @p0 .LBB2_1-.Ltmp1, $4  }
0x56: {  	[hbm4b:s15+s2] =	stream.linear.scatter [tilespmem:s12], [sflag:$0x2], $0x4000, $0x38;
	[tilespmem:$0x8100] =	vst v63  }
0x57: {  	_ =	swait.ge [sflag:s9], $0x4000  }
0x58: {  	[sflag:s9] =	ssyncset.done $0x0  }
0x59: {  	[sflag:s9] =	ssyncadd.s32 $0xFFFFC000  }
0x5a: {  	_ =	sfence.sel $0x180000  }
0x5b: {  	[bflag:$0x0] =	sbarrier.arrive $0xFFFF  }
0x5c: {  	p0 =	sne.s32 s1, $0x0;
	_ =	strace $0x9000005C  }
0x5d: {  	s0 =	sadd.s32 @!p0 $0x100000, s0;
	[bflag:$0x2] =	sbarrier.arrive $0xFFFF  }
0x5e: {  	[sflag:s0] =	ssyncadd.tile.s32 @!p0 $0x1;
	_ =	shalt  }
.Lfunc_end2:
_tile_overlayer_lowered:
.L_overlay_start_2:
0x5f: {  	(tag) =	ssettag $0x2  }
0x60: {  	s0 =	rddreg [dreg:$0x0];
	s2 =	stileid.u32  }
0x61: {  	s1 =	rddreg [dreg:$0x1];
	p0 =	sne.s32 s2, $0x0  }
0x62: {  	s3 =	rddreg [dreg:$0x2];
	[bflag:$0x3] =	sbarrier.arrive $0xFFFF;
	s2 =	simm.s32 @!p0 $0x1C02  }
0x63: {  	[timem:s3], [sflag:s2] =	dma.local @!p0 [hbm:s0], s1  }
0x64: {  	s0 =	simm.s32 @!p0 $0x2  }
0x65: {  	_ =	swait.ge @!p0 [sflag:s0], s1  }
0x66: {  	s1 =	ssub.s32 @!p0 $0x0, s1;
	[sflag:s0] =	ssyncset.done @!p0 $0x0  }
0x67: {  	[sflag:s0] =	ssyncadd.s32 @!p0 s1  }
0x68: {  	[bflag:$0x3] =	sbarrier.arrive $0xFFFF  }
0x69: {  	_ =	shalt  }

// kernel: kernel.56.cloned.1.call-start
scs
__scs_entry_jumppad:
0x0: {  	(pc) =	sbr.rel $0x88, $3  }
0x1: {  	(tag) =	ssettag $0x0;
	lr =	simm.s32 $0x1  }
0x2: {  	[smem:$0x3F50] =	sst lr;
	_ =	strace $0xD0000000  }
0x3: {  	_ = 	snop  }
0x4: {  	_ = 	snop  }
0x5: {  	_ = 	snop  }
0x6: {  	_ = 	snop  }
0x7: {  	_ = 	snop  }
__scs_overlays_trampoline_lowered:
0x8: {  	[smem:$0x3F5F] =	sst s0  }
0x9: {  	[smem:$0x3F60] =	sst s1  }
0xa: {  	[smem:$0x3F61] =	sst s2  }
0xb: {  	[smem:$0x3F62] =	sst s3  }
0xc: {  	[smem:$0x3F63] =	sst s4  }
0xd: {  	[smem:$0x3F64] =	sst s5  }
0xe: {  	[smem:$0x3F65] =	sst s6  }
0xf: {  	[smem:$0x3F66] =	sst s7  }
0x10: {  	[smem:$0x3F67] =	sst s8  }
0x11: {  	[smem:$0x3F68] =	sst s9;
	s0 =	simm.s32 @!p0 $0x0  }
0x12: {  	s1 =	sld [smem:$0x3F4E];
	s0 =	simm.s32 @p0 $0x1  }
0x13: {  	[smem:$0x3F69] =	sst s0;
	s0 =	simm.s32 @!p1 $0x0  }
0x14: {  	s2 =	sld [smem:$0x3F4D];
	s0 =	simm.s32 @p1 $0x1  }
0x15: {  	[smem:$0x3F6A] =	sst s0;
	s0 =	simm.s32 @!p2 $0x0  }
0x16: {  	s3 =	sld [smem:$0x3FDB];
	s0 =	simm.s32 @p2 $0x1  }
0x17: {  	s4 =	simm.s32 $0x1BF5;
	[smem:$0x3F6C] =	sst s0  }
0x18: {  	s0 =	sld [smem:$0x3F4F];
	_ =	swait.ge [sflag:s4], $0x0  }
0x19: {  	s7 =	sld [smem:$0x3F50]  }
0x1a: {  	s8 =	sadd.s32 $0xFFFFE003, lr  }
0x1b: {  	s9 =	sadd.s32 $0xFFFFFEF7, lr;
	s5 =	simm.s32 $0xFFFFFFFF;
	p2 =	slt.u32 s8, $0xFFFFF086  }
0x1c: {  	p1 =	slt.u32 s9, $0xF7A;
	s5 =	simm.s32 @!p2 $0x0  }
0x1d: {  	s5 =	simm.s32 @p1 $0x1;
	p0 =	seq.s32 s7, s2  }
0x1e: {  	s7 =	smul.u32 @!p0 $0xF7A, s2;
	p2 =	seq.s32 @!p0 s5, $0x0  }
0x1f: {  	s9 =	smul.u32 $0xF7A, s1;
	s8 =	simm.s32 @!p0 $0x1BF5;
	p2 =	por !p2, p0  }
0x20: {  	[sflag:s8] =	ssyncset.s32 @!p0 $0xFFFFF086;
	s6 =	sadd.s32 @!p0 s3, s7;
	s7 =	simm.s32 @!p0 $0x108  }
0x21: {  	s3 =	sadd.s32 s3, s9;
	s6 =	sadd.s32 @!p0 $0x88, s6;
	s7 =	simm.s32 @p2 $0x1082  }
0x22: {  	[simem:s7], [sflag:s8] =	dma.local @!p0 [hbm:s6], $0xF7A  }
0x23: {  	s9 =	sor.u32 $0xD0000000, s2;
	s6 =	simm.s32 $0x108;
	_ =	swait.ge @!p0 [sflag:s8], $0x0  }
0x24: {  	s3 =	sadd.s32 $0x88, s3;
	s6 =	simm.s32 @!p1 $0x1082;
	[sflag:s4] =	ssyncset.s32 $0xFFFFF086  }
0x25: {  	[simem:s6], [sflag:s4] =	dma.local [hbm:s3], $0xF7A  }
0x26: {  	[smem:$0x3F50] =	sst s1;
	(tag) =	ssettag s2;
	_ =	strace s9  }
0x27: {  	s1 =	sld [smem:$0x3F60]  }
0x28: {  	s2 =	sld [smem:$0x3F61]  }
0x29: {  	s4 =	sld [smem:$0x3F63]  }
0x2a: {  	p0 =	seq.s32 s5, $0x0;
	s5 =	sld [smem:$0x3F64]  }
0x2b: {  	s6 =	sld [smem:$0x3F65]  }
0x2c: {  	s7 =	sld [smem:$0x3F66]  }
0x2d: {  	s3 =	simm.s32 $0x108;
	s8 =	sld [smem:$0x3F67]  }
0x2e: {  	s3 =	simm.s32 @!p0 $0x1082;
	s9 =	sld [smem:$0x3F68]  }
0x2f: {  	lr =	sadd.s32 s0, s3;
	s0 =	sld [smem:$0x3F5F]  }
0x30: {  	s3 =	sld [smem:$0x3F62]  }
0x31: {  	[smem:$0x3F6B] =	sst s10  }
0x32: {  	s10 =	sld [smem:$0x3F69];
	_ =	sdelay $0x3  }
0x33: {  	p0 =	seq.s32 s10, $0x1;
	s10 =	sld [smem:$0x3F6B];
	_ =	sdelay $0x3  }
0x34: {  	[smem:$0x3F6B] =	sst s10  }
0x35: {  	s10 =	sld [smem:$0x3F6A];
	_ =	sdelay $0x3  }
0x36: {  	p1 =	seq.s32 s10, $0x1;
	s10 =	sld [smem:$0x3F6B];
	_ =	sdelay $0x3  }
0x37: {  	[smem:$0x3F6B] =	sst s10  }
0x38: {  	s10 =	sld [smem:$0x3F6C]  }
0x39: {  	_ = 	snop;
	(pc) =	sbr.ind lr, $3  }
0x3a: {  	_ = 	snop  }
0x3b: {  	_ = 	snop  }
0x3c: {  	p2 =	seq.s32 s10, $0x1;
	s10 =	sld [smem:$0x3F6B]  }
0x3d: {  	_ =	shalt  }
0x3e: {  	_ =	shalt  }
0x3f: {  	_ =	shalt  }
0x40: {  	_ =	shalt  }
0x41: {  	_ =	shalt  }
0x42: {  	_ =	shalt  }
0x43: {  	_ =	shalt  }
0x44: {  	_ =	shalt  }
0x45: {  	_ =	shalt  }
0x46: {  	_ =	shalt  }
0x47: {  	_ =	shalt  }
0x48: {  	_ =	shalt  }
0x49: {  	_ =	shalt  }
0x4a: {  	_ =	shalt  }
0x4b: {  	_ =	shalt  }
0x4c: {  	_ =	shalt  }
0x4d: {  	_ =	shalt  }
0x4e: {  	_ =	shalt  }
0x4f: {  	_ =	shalt  }
0x50: {  	_ =	shalt  }
0x51: {  	_ =	shalt  }
0x52: {  	_ =	shalt  }
0x53: {  	_ =	shalt  }
0x54: {  	_ =	shalt  }
0x55: {  	_ =	shalt  }
0x56: {  	_ =	shalt  }
0x57: {  	_ =	shalt  }
0x58: {  	_ =	shalt  }
0x59: {  	_ =	shalt  }
0x5a: {  	_ =	shalt  }
0x5b: {  	_ =	shalt  }
0x5c: {  	_ =	shalt  }
0x5d: {  	_ =	shalt  }
0x5e: {  	_ =	shalt  }
0x5f: {  	_ =	shalt  }
0x60: {  	_ =	shalt  }
0x61: {  	_ =	shalt  }
0x62: {  	_ =	shalt  }
0x63: {  	_ =	shalt  }
0x64: {  	_ =	shalt  }
0x65: {  	_ =	shalt  }
0x66: {  	_ =	shalt  }
0x67: {  	_ =	shalt  }
0x68: {  	_ =	shalt  }
0x69: {  	_ =	shalt  }
0x6a: {  	_ =	shalt  }
0x6b: {  	_ =	shalt  }
0x6c: {  	_ =	shalt  }
0x6d: {  	_ =	shalt  }
0x6e: {  	_ =	shalt  }
0x6f: {  	_ =	shalt  }
0x70: {  	_ =	shalt  }
0x71: {  	_ =	shalt  }
0x72: {  	_ =	shalt  }
0x73: {  	_ =	shalt  }
0x74: {  	_ =	shalt  }
0x75: {  	_ =	shalt  }
0x76: {  	_ =	shalt  }
0x77: {  	_ =	shalt  }
0x78: {  	_ =	shalt  }
0x79: {  	_ =	shalt  }
0x7a: {  	_ =	shalt  }
0x7b: {  	_ =	shalt  }
0x7c: {  	_ =	shalt  }
0x7d: {  	_ =	shalt  }
0x7e: {  	_ =	shalt  }
0x7f: {  	_ =	shalt  }
0x80: {  	_ =	shalt  }
0x81: {  	_ =	shalt  }
0x82: {  	_ =	shalt  }
0x83: {  	_ =	shalt  }
0x84: {  	_ =	shalt  }
0x85: {  	_ =	shalt  }
0x86: {  	_ =	shalt  }
0x87: {  	_ =	shalt  }
.Lfunc_end0:
.L_simem_size_0:
called_computation.8_lowered:
.L_overlay_start_0:
0x88: {  	s2 =	sld [smem:$0x3FD9]  }
0x89: {  	s3 =	sld [smem:$0x3FFE];
	_ =	sdelay $0x1  }
0x8a: {  	s1 =	srdreg.scid  }
0x8b: {  	s0 =	sand.u32 $0x1, s1  }
0x8c: {  	s14 =	sshll.u32 s0, $0xA;
	s2 =	sadd.s32 s3, s2  }
0x8d: {  	s2 =	sadd.s32 s2, s14  }
0x8e: {  	[smem:$0x3F77] =	sst s2  }
0x8f: {  	_ = 	snop  }
0x90: {  	s2 =	sld [smem:$0x3FD0];
	_ =	sdelay $0x2  }
0x91: {  	s15 =	simm.s32 $0xB;
	s4 =	simm.s32 $0x10  }
0x92: {  	[smem:s4], [sflag:s15] =	dma.local [hbm:s2], $0x1  }
0x93: {  	_ =	swait.eq [sflag:s15], $0x1  }
0x94: {  	[sflag:s15] =	ssyncset.done $0x0  }
0x95: {  	[sflag:s15] =	ssyncadd.s32 $0xFFFFFFFF  }
0x96: {  	s16 =	sld [smem:$0x10];
	(tm) =	ssettm $0x1  }
0x97: {  	s17 =	sld [smem:$0x3FFB];
	_ =	sdelay $0x3  }
0x98: {  	_ =	strace s17  }
0x99: {  	s3 =	sld [smem:$0x3FFC];
	_ =	sdelay $0x3  }
0x9a: {  	_ =	strace s3  }
0x9b: {  	s3 =	sld [smem:$0x3FFD];
	_ =	sdelay $0x3  }
0x9c: {  	_ =	strace s3  }
0x9d: {  	_ =	strace $0x8FFFFFFF  }
0x9e: {  	s18 =	sld [smem:$0x3FDB];
	_ =	sdelay $0x1  }
0x9f: {  	s19 =	simm.s32 $_scs_section_size  }
0xa0: {  	s5 =	simm.s32 $_size__tile_overlayer_lowered;
	s6 =	simm.s32 $_tile_overlayer_lowered  }
0xa1: {  	s22 =	simm.s32 $0x1BFF;
	s21 =	sshll.u32 s6, $0x1;
	s3 =	sadd.s32 s19, s18  }
0xa2: {  	s7 =	simm.s32 $0x0;
	s20 =	sshll.u32 s5, $0x1;
	s5 =	sadd.s32 s21, s3  }
0xa3: {  	[timem:s7], [sflag:s22] =	dma.local [hbm:s5], s20  }
0xa4: {  	_ =	swait.ge [sflag:s22], s20  }
0xa5: {  	s4 =	ssub.s32 $0x0, s20;
	[sflag:s22] =	ssyncset.done $0x0  }
0xa6: {  	[sflag:s22] =	ssyncadd.s32 s4;
	_ =	sdelay $0x1  }
0xa7: {  	s23 =	simm.s32 $0x1B8B  }
0xa8: {  	_ =	swait.ge [sflag:s23], $0x1  }
0xa9: {  	[sflag:s23] =	ssyncset.done $0x0  }
0xaa: {  	s25 =	simm.s32 $0x1B8E;
	s24 =	sld [smem:$0x3FFE];
	[sflag:s23] =	ssyncadd.s32 $0xFFFFFFFF  }
0xab: {  	s26 =	simm.s32 $execute0_lowered;
	[smem:$0x3FD2] =	sst s25  }
0xac: {  	s5 =	sshll.u32 s26, $0x1;
	_ =	strace $0x8000005E;
	[dreg:$0x1] =	wrdreg $0xFFFFFFFF  }
0xad: {  	s28 =	simm.s32 $_size_execute0_lowered;
	s3 =	sadd.s32 s3, s5;
	[dreg:$0x0] =	wrdreg $0x0  }
0xae: {  	s5 =	sshll.u32 s28, $0x1;
	[dreg:$0x2] =	wrdreg s3  }
0xaf: {  	[dreg:$0x3] =	wrdreg s5  }
0xb0: {  	[dreg:$0x4] =	wrdreg $0xC0  }
0xb1: {  	_ =	task [dreg:s7], $0x5FFFF  }
0xb2: {  	[dreg:$0x1] =	wrdreg $0xFFFFFFFF  }
0xb3: {  	[dreg:$0x0] =	wrdreg $0x60  }
0xb4: {  	[dreg:$0x2] =	wrdreg s24  }
0xb5: {  	[dreg:$0x3] =	wrdreg s16  }
0xb6: {  	[dreg:$0x4] =	wrdreg $0x40800  }
0xb7: {  	[dreg:$0x5] =	wrdreg $0x9  }
0xb8: {  	_ =	task.clear_ibuf [dreg:s7], $0x6FFFF;
	_ =	strace $0x9000005E  }
0xb9: {  	s29 =	simm.s32 $0x9;
	_ =	strace $0x80000060  }
0xba: {  	_ =	swait.ge [sflag:s29], $0x1  }
0xbb: {  	[sflag:s29] =	ssyncadd.s32 $0xFFFFFFFF  }
0xbc: {  	_ =	strace $0x90000060  }
0xbd: {  	_ =	sfence  }
0xbe: {  	s30 =	sld [smem:$0x0];
	_ =	sdelay $0x2  }
0xbf: {  	s31 =	sshll.u32 s1, $0xD;
	s1 =	sshrl.u32 s1, $0x2  }
0xc0: {  	s3 =	sand.u32 $0x4000, s31;
	s1 =	sadd.s32 s1, s30  }
0xc1: {  	s0 =	sor.u32 s3, s0;
	s1 =	sshll.u32 s1, $0x11  }
0xc2: {  	s0 =	sor.u32 s1, s0  }
0xc3: {  	s0 =	sadd.s32 $0x8F2B, s0  }
0xc4: {  	[sflag:s0] =	ssyncadd.remote.s32 $0x1  }
0xc5: {  	_ =	sfence.sel $0xFFFF  }
0xc6: {  	[dreg:$0x0] =	wrdreg $0xFFFFFFFF;
	(pc) =	sbr.abs _section_cstart, $3  }
0xc7: {  	[dreg:$0x1] =	wrdreg $0xFFFFFFFF  }
0xc8: {  	_ =	task.clear_ibuf [dreg:s7], $0x2FFFF;
	_ =	strace $0x9FFFFFFF  }
0xc9: {  	(tm) =	ssettm $0x7FFFFFFF  }
tec
execute0_lowered:
.L_overlay_start_1:
0x0: {  	(tag) =	ssettag $0x1  }
0x1: {  	s5 =	rddreg [dreg:$0x0]  }
0x2: {  	s2 =	rddreg [dreg:$0x1];
	s1 =	stileid.u32  }
0x3: {  	s3 =	rddreg [dreg:$0x2];
	s6 =	smul.u32 $0x4F000, s1  }
0x4: {  	s0 =	rddreg [dreg:$0x3];
	s22 =	smul.u32 $0x4F00, s1  }
0x5: {  	s7 =	srdreg.scid;
	s4 =	simm.s32 $0x0;
	s9 =	smul.u32 $0x50000, s1  }
0x6: {  	s13 =	sand.u32 $0x1, s7;
	[smem:$0x7FF] =	sst s4;
	s15 =	smul.u32 $0x14000, s1  }
0x7: {  	s16 =	sadd.s32 $0x2A400, s5;
	s28 =	sshll.u32 s1, $0x6;
	s8 =	smul.u32 $0x2780, s13  }
0x8: {  	_ =	strace $0x8000005F;
	s24 =	ssub.s32 $0x2, s13;
	s14 =	smul.u32 $0x140000, s13  }
0x9: {  	s17 =	sadd.s32 s6, s5;
	s25 =	sshrl.u32 s24, $0x1;
	s26 =	sshrl.u32 s9, $0x2  }
0xa: {  	s30 =	sadd.s32 $0x4000, s15;
	s11 =	sadd.s32 $0x8000, s15;
	s19 =	sadd.s32 $0xC000, s15  }
0xb: {  	s23 =	sadd.s32 s8, s22;
	s7 =	ssub.s32 s24, s25;
	s29 =	sadd.s32 s14, s15  }
0xc: {  	s10 =	sadd.s32 s14, s30;
	s9 =	sadd.s32 s30, s3;
	s12 =	sadd.s32 s14, s11  }
0xd: {  	s11 =	sadd.s32 s11, s3;
	s24 =	sadd.s32 s14, s19;
	s15 =	sadd.s32 $0x10000, s15  }
0xe: {  	s6 =	sshrl.u32 s23, $0x3;
	s7 =	smax.u32 s7, $0x1;
	s8 =	sshrl.u32 s29, $0x3  }
0xf: {  	s10 =	sshrl.u32 s10, $0x3;
	s12 =	sshrl.u32 s12, $0x3;
	s24 =	sshrl.u32 s24, $0x3  }
0x10: {  	s25 =	sadd.s32 s14, s15;
	s15 =	sadd.s32 s15, s3;
	s18 =	sadd.s32 s6, s5  }
0x11: {  	s5 =	sadd.s32 s26, s3;
	s6 =	sor.u32 $0x1C01, s28;
	s8 =	sadd.s32 s16, s8  }
0x12: {  	s10 =	sadd.s32 s16, s10;
	s12 =	sadd.s32 s16, s12;
	s26 =	smul.u32 $0x27800, s13  }
0x13: {  	s13 =	sadd.s32 s19, s3;
	s14 =	sadd.s32 s16, s24;
	s31 =	sshrl.u32 s25, $0x3  }
0x14: {  	s19 =	simm.s32 $0x1;
	s24 =	simm.s32 $0x80;
	s25 =	simm.s32 $0x0  }
0x15: {  	s20 =	sadd.s32 $0x4000, s5;
	s21 =	sadd.s32 $0x8000, s5;
	s22 =	sadd.s32 $0xC000, s5  }
0x16: {  	s23 =	sadd.s32 $0x10000, s5;
	s16 =	sadd.s32 s16, s31;
	s18 =	sadd.s32 $0x16800, s18  }
0x17: {  	s17 =	sadd.s32 s26, s17;
	s20 =	sshrl.u32 s20, $0x3;
	s21 =	sshrl.u32 s21, $0x3  }
0x18: {  	s22 =	sshrl.u32 s22, $0x3;
	s23 =	sshrl.u32 s23, $0x3;
	s17 =	sadd.s32 $0xA2400, s17  }
.LBB2_1:
0x19: {  	s26 =	sshrl.u32 s5, $0x3  }
0x1a: {  	[spmem:s26], [sflag:s6] =	dma.local [hbm:s2], $0x800  }
0x1b: {  	_ =	swait.ge [sflag:s19], $0x800  }
0x1c: {  	[sflag:s19] =	ssyncset.done $0x0  }
0x1d: {  	[sflag:s19] =	ssyncadd.s32 $0xFFFFF800  }
0x1e: {  	[spmem:s20], [sflag:s6] =	dma.local [hbm:s2], $0x800  }
0x1f: {  	_ =	swait.ge [sflag:s19], $0x800  }
0x20: {  	[sflag:s19] =	ssyncset.done $0x0  }
0x21: {  	[sflag:s19] =	ssyncadd.s32 $0xFFFFF800  }
0x22: {  	[spmem:s21], [sflag:s6] =	dma.local [hbm:s2], $0x800  }
0x23: {  	_ =	swait.ge [sflag:s19], $0x800  }
0x24: {  	[sflag:s19] =	ssyncset.done $0x0  }
0x25: {  	[sflag:s19] =	ssyncadd.s32 $0xFFFFF800  }
0x26: {  	[spmem:s22], [sflag:s6] =	dma.local [hbm:s2], $0x800  }
0x27: {  	_ =	swait.ge [sflag:s19], $0x800  }
0x28: {  	[sflag:s19] =	ssyncset.done $0x0  }
0x29: {  	[sflag:s19] =	ssyncadd.s32 $0xFFFFF800  }
0x2a: {  	[spmem:s23], [sflag:s6] =	dma.local [hbm:s2], $0x800  }
0x2b: {  	_ =	swait.ge [sflag:s19], $0x800  }
0x2c: {  	[sflag:s19] =	ssyncset.done $0x0  }
0x2d: {  	[sflag:s19] =	ssyncadd.s32 $0xFFFFF800  }
0x2e: {  	s31 =	sadd.s32 $0x0, s18;
	[bflag:$0x0] =	sbarrier.arrive $0xFFFF  }
0x2f: {  	[tilespmem:s4], [sflag:$0x1] =	stream.linear.gather [hbm4b:s31+s4], $0x80, $0x38;
	[tilespmem:$0x18080] =	vst v63  }
0x30: {  	_ =	swait.ge [sflag:s19], $0x80  }
0x31: {  	[sflag:s19] =	ssyncset.done $0x0  }
0x32: {  	[sflag:s19] =	ssyncadd.s32 $0xFFFFFF80  }
0x33: {  	[tilespmem:s24], [sflag:$0x1] =	stream.linear.gather [hbm4b:s17+s4], $0x4000, $0x38;
	[tilespmem:$0x18080] =	vst v63  }
0x34: {  	_ =	swait.ge [sflag:s19], $0x4000  }
0x35: {  	[sflag:s19] =	ssyncset.done $0x0  }
0x36: {  	[sflag:s19] =	ssyncadd.s32 $0xFFFFC000  }
0x37: {  	[spmem:s3] =	stream.indirect.scatter.add.f32 [tilespmem:s24], [sflag:$0x1], $0x80, s4, s24, $0xb8;
	[tilespmem:$0x18080] =	vst v63  }
0x38: {  	s28 =	simm.s32 $0x10;
	_ =	swait.ge [sflag:s19], $0x4000  }
0x39: {  	s29 =	simm.s32 $0x20;
	s26 =	sadd.s32 $0x800, s17;
	[sflag:s19] =	ssyncset.done $0x0  }
.LBB2_2:
0x3a: {  	s30 =	sadd.s32 s28, s18  }
0x3b: {  	[sflag:s19] =	ssyncadd.s32 $0xFFFFC000;
	s28 =	smov.u32 s29;
	s31 =	sadd.s32 $0x10, s29  }
0x3c: {  	[tilespmem:s4], [sflag:$0x1] =	stream.linear.gather [hbm4b:s30+s4], $0x80, $0x38;
	[tilespmem:$0x18080] =	vst v63  }
0x3d: {  	p0 =	sne.s32 s29, $0x4E0;
	_ =	swait.ge [sflag:s19], $0x80  }
0x3e: {  	[sflag:s19] =	ssyncset.done $0x0  }
0x3f: {  	[sflag:s19] =	ssyncadd.s32 $0xFFFFFF80  }
0x40: {  	[tilespmem:s24], [sflag:$0x1] =	stream.linear.gather [hbm4b:s26+s4], $0x4000, $0x38;
	[tilespmem:$0x18080] =	vst v63  }
0x41: {  	_ =	swait.ge [sflag:s19], $0x4000  }
.Ltmp0:
0x42: {  	[sflag:s19] =	ssyncset.done $0x0;
	(pc) =	sbr.rel @p0 .LBB2_2-.Ltmp0, $4  }
0x43: {  	[sflag:s19] =	ssyncadd.s32 $0xFFFFC000  }
0x44: {  	[spmem:s3] =	stream.indirect.scatter.add.f32 [tilespmem:s24], [sflag:$0x1], $0x80, s4, s24, $0xb8;
	[tilespmem:$0x18080] =	vst v63  }
0x45: {  	_ =	swait.ge [sflag:s19], $0x4000  }
0x46: {  	s29 =	smov.u32 s31;
	s26 =	sadd.s32 $0x800, s26;
	[sflag:s19] =	ssyncset.done $0x0  }
0x47: {  	s28 =	sadd.s32 s28, s18;
	[sflag:s19] =	ssyncadd.s32 $0xFFFFC000  }
0x48: {  	[tilespmem:s4], [sflag:$0x1] =	stream.linear.gather [hbm4b:s28+s4], $0x80, $0x38;
	[tilespmem:$0x18080] =	vst v63  }
0x49: {  	_ =	swait.ge [sflag:s19], $0x80  }
0x4a: {  	[sflag:s19] =	ssyncset.done $0x0  }
0x4b: {  	[sflag:s19] =	ssyncadd.s32 $0xFFFFFF80  }
0x4c: {  	[tilespmem:s24], [sflag:$0x1] =	stream.linear.gather [hbm4b:s26+s4], $0x4000, $0x38;
	[tilespmem:$0x18080] =	vst v63  }
0x4d: {  	_ =	swait.ge [sflag:s19], $0x4000  }
0x4e: {  	[sflag:s19] =	ssyncset.done $0x0  }
0x4f: {  	[sflag:s19] =	ssyncadd.s32 $0xFFFFC000  }
0x50: {  	[spmem:s3] =	stream.indirect.scatter.add.f32 [tilespmem:s24], [sflag:$0x1], $0x80, s4, s24, $0xb8;
	[tilespmem:$0x18080] =	vst v63  }
0x51: {  	_ =	swait.ge [sflag:s19], $0x4000  }
0x52: {  	[sflag:s19] =	ssyncset.done $0x0  }
0x53: {  	[sflag:s19] =	ssyncadd.s32 $0xFFFFC000  }
0x54: {  	[bflag:$0x0] =	sbarrier.arrive $0xFFFF  }
0x55: {  	[tilespmem:s24], [sflag:$0x1] =	stream.linear.gather [spmem:s5], $0x4000, $0x38;
	[tilespmem:$0x18080] =	vst v63  }
0x56: {  	_ =	swait.ge [sflag:s19], $0x4000  }
0x57: {  	[sflag:s19] =	ssyncset.done $0x0  }
0x58: {  	[sflag:s19] =	ssyncadd.s32 $0xFFFFC000  }
0x59: {  	[hbm4b:s8+s4] =	stream.linear.scatter [tilespmem:s24], [sflag:$0x1], $0x4000, $0x38;
	[tilespmem:$0x18080] =	vst v63  }
0x5a: {  	_ =	swait.ge [sflag:s19], $0x4000  }
0x5b: {  	[sflag:s19] =	ssyncset.done $0x0  }
0x5c: {  	[sflag:s19] =	ssyncadd.s32 $0xFFFFC000  }
0x5d: {  	[tilespmem:s24], [sflag:$0x1] =	stream.linear.gather [spmem:s9], $0x4000, $0x38;
	[tilespmem:$0x18080] =	vst v63  }
0x5e: {  	_ =	swait.ge [sflag:s19], $0x4000  }
0x5f: {  	[sflag:s19] =	ssyncset.done $0x0  }
0x60: {  	[sflag:s19] =	ssyncadd.s32 $0xFFFFC000  }
0x61: {  	[hbm4b:s10+s4] =	stream.linear.scatter [tilespmem:s24], [sflag:$0x1], $0x4000, $0x38;
	[tilespmem:$0x18080] =	vst v63  }
0x62: {  	_ =	swait.ge [sflag:s19], $0x4000  }
0x63: {  	[sflag:s19] =	ssyncset.done $0x0  }
0x64: {  	[sflag:s19] =	ssyncadd.s32 $0xFFFFC000  }
0x65: {  	[tilespmem:s24], [sflag:$0x1] =	stream.linear.gather [spmem:s11], $0x4000, $0x38;
	[tilespmem:$0x18080] =	vst v63  }
0x66: {  	_ =	swait.ge [sflag:s19], $0x4000  }
0x67: {  	[sflag:s19] =	ssyncset.done $0x0  }
0x68: {  	[sflag:s19] =	ssyncadd.s32 $0xFFFFC000  }
0x69: {  	[hbm4b:s12+s4] =	stream.linear.scatter [tilespmem:s24], [sflag:$0x1], $0x4000, $0x38;
	[tilespmem:$0x18080] =	vst v63  }
0x6a: {  	_ =	swait.ge [sflag:s19], $0x4000  }
0x6b: {  	[sflag:s19] =	ssyncset.done $0x0  }
0x6c: {  	[sflag:s19] =	ssyncadd.s32 $0xFFFFC000  }
0x6d: {  	[tilespmem:s24], [sflag:$0x1] =	stream.linear.gather [spmem:s13], $0x4000, $0x38;
	[tilespmem:$0x18080] =	vst v63  }
0x6e: {  	_ =	swait.ge [sflag:s19], $0x4000  }
0x6f: {  	[sflag:s19] =	ssyncset.done $0x0  }
0x70: {  	[sflag:s19] =	ssyncadd.s32 $0xFFFFC000  }
0x71: {  	[hbm4b:s14+s4] =	stream.linear.scatter [tilespmem:s24], [sflag:$0x1], $0x4000, $0x38;
	[tilespmem:$0x18080] =	vst v63  }
0x72: {  	_ =	swait.ge [sflag:s19], $0x4000  }
0x73: {  	[sflag:s19] =	ssyncset.done $0x0  }
0x74: {  	[sflag:s19] =	ssyncadd.s32 $0xFFFFC000  }
0x75: {  	[tilespmem:s24], [sflag:$0x1] =	stream.linear.gather [spmem:s15], $0x4000, $0x38;
	[tilespmem:$0x18080] =	vst v63  }
0x76: {  	s25 =	sadd.s32 $0x1, s25;
	_ =	swait.ge [sflag:s19], $0x4000  }
0x77: {  	p0 =	sne.s32 s25, s7;
	[sflag:s19] =	ssyncset.done $0x0  }
.Ltmp1:
0x78: {  	[sflag:s19] =	ssyncadd.s32 $0xFFFFC000;
	(pc) =	sbr.rel @p0 .LBB2_1-.Ltmp1, $4  }
0x79: {  	[hbm4b:s16+s4] =	stream.linear.scatter [tilespmem:s24], [sflag:$0x1], $0x4000, $0x38;
	[tilespmem:$0x18080] =	vst v63  }
0x7a: {  	_ =	swait.ge [sflag:s19], $0x4000  }
0x7b: {  	[sflag:s19] =	ssyncset.done $0x0  }
0x7c: {  	[sflag:s19] =	ssyncadd.s32 $0xFFFFC000  }
0x7d: {  	_ =	sfence.sel $0x180000  }
0x7e: {  	[bflag:$0x0] =	sbarrier.arrive $0xFFFF  }
0x7f: {  	p0 =	sne.s32 s1, $0x0;
	_ =	strace $0x9000005F  }
0x80: {  	s0 =	sadd.s32 @!p0 $0x100000, s0;
	[bflag:$0x2] =	sbarrier.arrive $0xFFFF  }
0x81: {  	[sflag:s0] =	ssyncadd.tile.s32 @!p0 $0x1;
	_ =	shalt  }
.Lfunc_end2:
_tile_overlayer_lowered:
.L_overlay_start_2:
0x82: {  	(tag) =	ssettag $0x2  }
0x83: {  	s0 =	rddreg [dreg:$0x0];
	s2 =	stileid.u32  }
0x84: {  	s1 =	rddreg [dreg:$0x1];
	p0 =	sne.s32 s2, $0x0  }
0x85: {  	s3 =	rddreg [dreg:$0x2];
	[bflag:$0x3] =	sbarrier.arrive $0xFFFF;
	s2 =	simm.s32 @!p0 $0x1C01  }
0x86: {  	[timem:s3], [sflag:s2] =	dma.local @!p0 [hbm:s0], s1  }
0x87: {  	s0 =	simm.s32 @!p0 $0x1  }
0x88: {  	_ =	swait.ge @!p0 [sflag:s0], s1  }
0x89: {  	s1 =	ssub.s32 @!p0 $0x0, s1;
	[sflag:s0] =	ssyncset.done @!p0 $0x0  }
0x8a: {  	[sflag:s0] =	ssyncadd.s32 @!p0 s1  }
0x8b: {  	[bflag:$0x3] =	sbarrier.arrive $0xFFFF  }
0x8c: {  	_ =	shalt  }

// kernel: kernel.59.cloned.1.call-start
scs
__scs_entry_jumppad:
0x0: {  	(pc) =	sbr.rel $0x88, $3  }
0x1: {  	(tag) =	ssettag $0x0;
	lr =	simm.s32 $0x1  }
0x2: {  	[smem:$0x3F50] =	sst lr;
	_ =	strace $0xD0000000  }
0x3: {  	_ = 	snop  }
0x4: {  	_ = 	snop  }
0x5: {  	_ = 	snop  }
0x6: {  	_ = 	snop  }
0x7: {  	_ = 	snop  }
__scs_overlays_trampoline_lowered:
0x8: {  	[smem:$0x3F5F] =	sst s0  }
0x9: {  	[smem:$0x3F60] =	sst s1  }
0xa: {  	[smem:$0x3F61] =	sst s2  }
0xb: {  	[smem:$0x3F62] =	sst s3  }
0xc: {  	[smem:$0x3F63] =	sst s4  }
0xd: {  	[smem:$0x3F64] =	sst s5  }
0xe: {  	[smem:$0x3F65] =	sst s6  }
0xf: {  	[smem:$0x3F66] =	sst s7  }
0x10: {  	[smem:$0x3F67] =	sst s8  }
0x11: {  	[smem:$0x3F68] =	sst s9;
	s0 =	simm.s32 @!p0 $0x0  }
0x12: {  	s1 =	sld [smem:$0x3F4E];
	s0 =	simm.s32 @p0 $0x1  }
0x13: {  	[smem:$0x3F69] =	sst s0;
	s0 =	simm.s32 @!p1 $0x0  }
0x14: {  	s2 =	sld [smem:$0x3F4D];
	s0 =	simm.s32 @p1 $0x1  }
0x15: {  	[smem:$0x3F6A] =	sst s0;
	s0 =	simm.s32 @!p2 $0x0  }
0x16: {  	s3 =	sld [smem:$0x3FDB];
	s0 =	simm.s32 @p2 $0x1  }
0x17: {  	s4 =	simm.s32 $0x1BF5;
	[smem:$0x3F6C] =	sst s0  }
0x18: {  	s0 =	sld [smem:$0x3F4F];
	_ =	swait.ge [sflag:s4], $0x0  }
0x19: {  	s7 =	sld [smem:$0x3F50]  }
0x1a: {  	s8 =	sadd.s32 $0xFFFFE003, lr  }
0x1b: {  	s9 =	sadd.s32 $0xFFFFFEF7, lr;
	s5 =	simm.s32 $0xFFFFFFFF;
	p2 =	slt.u32 s8, $0xFFFFF086  }
0x1c: {  	p1 =	slt.u32 s9, $0xF7A;
	s5 =	simm.s32 @!p2 $0x0  }
0x1d: {  	s5 =	simm.s32 @p1 $0x1;
	p0 =	seq.s32 s7, s2  }
0x1e: {  	s7 =	smul.u32 @!p0 $0xF7A, s2;
	p2 =	seq.s32 @!p0 s5, $0x0  }
0x1f: {  	s9 =	smul.u32 $0xF7A, s1;
	s8 =	simm.s32 @!p0 $0x1BF5;
	p2 =	por !p2, p0  }
0x20: {  	[sflag:s8] =	ssyncset.s32 @!p0 $0xFFFFF086;
	s6 =	sadd.s32 @!p0 s3, s7;
	s7 =	simm.s32 @!p0 $0x108  }
0x21: {  	s3 =	sadd.s32 s3, s9;
	s6 =	sadd.s32 @!p0 $0x88, s6;
	s7 =	simm.s32 @p2 $0x1082  }
0x22: {  	[simem:s7], [sflag:s8] =	dma.local @!p0 [hbm:s6], $0xF7A  }
0x23: {  	s9 =	sor.u32 $0xD0000000, s2;
	s6 =	simm.s32 $0x108;
	_ =	swait.ge @!p0 [sflag:s8], $0x0  }
0x24: {  	s3 =	sadd.s32 $0x88, s3;
	s6 =	simm.s32 @!p1 $0x1082;
	[sflag:s4] =	ssyncset.s32 $0xFFFFF086  }
0x25: {  	[simem:s6], [sflag:s4] =	dma.local [hbm:s3], $0xF7A  }
0x26: {  	[smem:$0x3F50] =	sst s1;
	(tag) =	ssettag s2;
	_ =	strace s9  }
0x27: {  	s1 =	sld [smem:$0x3F60]  }
0x28: {  	s2 =	sld [smem:$0x3F61]  }
0x29: {  	s4 =	sld [smem:$0x3F63]  }
0x2a: {  	p0 =	seq.s32 s5, $0x0;
	s5 =	sld [smem:$0x3F64]  }
0x2b: {  	s6 =	sld [smem:$0x3F65]  }
0x2c: {  	s7 =	sld [smem:$0x3F66]  }
0x2d: {  	s3 =	simm.s32 $0x108;
	s8 =	sld [smem:$0x3F67]  }
0x2e: {  	s3 =	simm.s32 @!p0 $0x1082;
	s9 =	sld [smem:$0x3F68]  }
0x2f: {  	lr =	sadd.s32 s0, s3;
	s0 =	sld [smem:$0x3F5F]  }
0x30: {  	s3 =	sld [smem:$0x3F62]  }
0x31: {  	[smem:$0x3F6B] =	sst s10  }
0x32: {  	s10 =	sld [smem:$0x3F69];
	_ =	sdelay $0x3  }
0x33: {  	p0 =	seq.s32 s10, $0x1;
	s10 =	sld [smem:$0x3F6B];
	_ =	sdelay $0x3  }
0x34: {  	[smem:$0x3F6B] =	sst s10  }
0x35: {  	s10 =	sld [smem:$0x3F6A];
	_ =	sdelay $0x3  }
0x36: {  	p1 =	seq.s32 s10, $0x1;
	s10 =	sld [smem:$0x3F6B];
	_ =	sdelay $0x3  }
0x37: {  	[smem:$0x3F6B] =	sst s10  }
0x38: {  	s10 =	sld [smem:$0x3F6C]  }
0x39: {  	_ = 	snop;
	(pc) =	sbr.ind lr, $3  }
0x3a: {  	_ = 	snop  }
0x3b: {  	_ = 	snop  }
0x3c: {  	p2 =	seq.s32 s10, $0x1;
	s10 =	sld [smem:$0x3F6B]  }
0x3d: {  	_ =	shalt  }
0x3e: {  	_ =	shalt  }
0x3f: {  	_ =	shalt  }
0x40: {  	_ =	shalt  }
0x41: {  	_ =	shalt  }
0x42: {  	_ =	shalt  }
0x43: {  	_ =	shalt  }
0x44: {  	_ =	shalt  }
0x45: {  	_ =	shalt  }
0x46: {  	_ =	shalt  }
0x47: {  	_ =	shalt  }
0x48: {  	_ =	shalt  }
0x49: {  	_ =	shalt  }
0x4a: {  	_ =	shalt  }
0x4b: {  	_ =	shalt  }
0x4c: {  	_ =	shalt  }
0x4d: {  	_ =	shalt  }
0x4e: {  	_ =	shalt  }
0x4f: {  	_ =	shalt  }
0x50: {  	_ =	shalt  }
0x51: {  	_ =	shalt  }
0x52: {  	_ =	shalt  }
0x53: {  	_ =	shalt  }
0x54: {  	_ =	shalt  }
0x55: {  	_ =	shalt  }
0x56: {  	_ =	shalt  }
0x57: {  	_ =	shalt  }
0x58: {  	_ =	shalt  }
0x59: {  	_ =	shalt  }
0x5a: {  	_ =	shalt  }
0x5b: {  	_ =	shalt  }
0x5c: {  	_ =	shalt  }
0x5d: {  	_ =	shalt  }
0x5e: {  	_ =	shalt  }
0x5f: {  	_ =	shalt  }
0x60: {  	_ =	shalt  }
0x61: {  	_ =	shalt  }
0x62: {  	_ =	shalt  }
0x63: {  	_ =	shalt  }
0x64: {  	_ =	shalt  }
0x65: {  	_ =	shalt  }
0x66: {  	_ =	shalt  }
0x67: {  	_ =	shalt  }
0x68: {  	_ =	shalt  }
0x69: {  	_ =	shalt  }
0x6a: {  	_ =	shalt  }
0x6b: {  	_ =	shalt  }
0x6c: {  	_ =	shalt  }
0x6d: {  	_ =	shalt  }
0x6e: {  	_ =	shalt  }
0x6f: {  	_ =	shalt  }
0x70: {  	_ =	shalt  }
0x71: {  	_ =	shalt  }
0x72: {  	_ =	shalt  }
0x73: {  	_ =	shalt  }
0x74: {  	_ =	shalt  }
0x75: {  	_ =	shalt  }
0x76: {  	_ =	shalt  }
0x77: {  	_ =	shalt  }
0x78: {  	_ =	shalt  }
0x79: {  	_ =	shalt  }
0x7a: {  	_ =	shalt  }
0x7b: {  	_ =	shalt  }
0x7c: {  	_ =	shalt  }
0x7d: {  	_ =	shalt  }
0x7e: {  	_ =	shalt  }
0x7f: {  	_ =	shalt  }
0x80: {  	_ =	shalt  }
0x81: {  	_ =	shalt  }
0x82: {  	_ =	shalt  }
0x83: {  	_ =	shalt  }
0x84: {  	_ =	shalt  }
0x85: {  	_ =	shalt  }
0x86: {  	_ =	shalt  }
0x87: {  	_ =	shalt  }
.Lfunc_end0:
.L_simem_size_0:
called_computation.9_lowered:
.L_overlay_start_0:
0x88: {  	s2 =	sld [smem:$0x3FD9]  }
0x89: {  	s3 =	sld [smem:$0x3FFE];
	_ =	sdelay $0x1  }
0x8a: {  	s1 =	srdreg.scid  }
0x8b: {  	s0 =	sand.u32 $0x1, s1  }
0x8c: {  	s16 =	sshll.u32 s0, $0xA;
	s2 =	sadd.s32 s3, s2  }
0x8d: {  	s2 =	sadd.s32 s2, s16  }
0x8e: {  	[smem:$0x3F77] =	sst s2  }
0x8f: {  	_ = 	snop  }
0x90: {  	(tm) =	ssettm $0x1  }
0x91: {  	s17 =	sld [smem:$0x3FFB];
	_ =	sdelay $0x3  }
0x92: {  	_ =	strace s17  }
0x93: {  	s2 =	sld [smem:$0x3FFC];
	_ =	sdelay $0x3  }
0x94: {  	_ =	strace s2  }
0x95: {  	s2 =	sld [smem:$0x3FFD];
	_ =	sdelay $0x3  }
0x96: {  	_ =	strace s2  }
0x97: {  	_ =	strace $0x8FFFFFFF  }
0x98: {  	s18 =	sld [smem:$0x3FDB];
	_ =	sdelay $0x1  }
0x99: {  	s19 =	simm.s32 $_scs_section_size  }
0x9a: {  	s4 =	simm.s32 $_size__tile_overlayer_lowered;
	s5 =	simm.s32 $_tile_overlayer_lowered  }
0x9b: {  	s22 =	simm.s32 $0x1BFF;
	s21 =	sshll.u32 s5, $0x1;
	s2 =	sadd.s32 s19, s18  }
0x9c: {  	s6 =	simm.s32 $0x0;
	s20 =	sshll.u32 s4, $0x1;
	s4 =	sadd.s32 s21, s2  }
0x9d: {  	[timem:s6], [sflag:s22] =	dma.local [hbm:s4], s20  }
0x9e: {  	_ =	swait.ge [sflag:s22], s20  }
0x9f: {  	s3 =	ssub.s32 $0x0, s20;
	[sflag:s22] =	ssyncset.done $0x0  }
0xa0: {  	[sflag:s22] =	ssyncadd.s32 s3;
	_ =	sdelay $0x1  }
0xa1: {  	s23 =	simm.s32 $0x1B8B  }
0xa2: {  	_ =	swait.ge [sflag:s23], $0x1  }
0xa3: {  	[sflag:s23] =	ssyncset.done $0x0  }
0xa4: {  	s25 =	simm.s32 $0x1B8E;
	s24 =	sld [smem:$0x3FFE];
	[sflag:s23] =	ssyncadd.s32 $0xFFFFFFFF  }
0xa5: {  	s26 =	simm.s32 $execute0_lowered;
	[smem:$0x3FD2] =	sst s25  }
0xa6: {  	s4 =	sshll.u32 s26, $0x1;
	_ =	strace $0x80000061;
	[dreg:$0x1] =	wrdreg $0xFFFFFFFF  }
0xa7: {  	s28 =	simm.s32 $_size_execute0_lowered;
	s2 =	sadd.s32 s2, s4;
	[dreg:$0x0] =	wrdreg $0x0  }
0xa8: {  	s4 =	sshll.u32 s28, $0x1;
	[dreg:$0x2] =	wrdreg s2  }
0xa9: {  	[dreg:$0x3] =	wrdreg s4  }
0xaa: {  	[dreg:$0x4] =	wrdreg $0xC0  }
0xab: {  	_ =	task [dreg:s6], $0x5FFFF  }
0xac: {  	[dreg:$0x1] =	wrdreg $0xFFFFFFFF  }
0xad: {  	[dreg:$0x0] =	wrdreg $0x60  }
0xae: {  	[dreg:$0x2] =	wrdreg s24  }
0xaf: {  	[dreg:$0x3] =	wrdreg $0x9  }
0xb0: {  	_ =	task.clear_ibuf [dreg:s6], $0x4FFFF;
	_ =	strace $0x90000061  }
0xb1: {  	s29 =	simm.s32 $0x9;
	_ =	strace $0x80000063  }
0xb2: {  	_ =	swait.ge [sflag:s29], $0x1  }
0xb3: {  	[sflag:s29] =	ssyncadd.s32 $0xFFFFFFFF  }
0xb4: {  	_ =	strace $0x90000063  }
0xb5: {  	_ =	sfence  }
0xb6: {  	s30 =	sld [smem:$0x0];
	_ =	sdelay $0x2  }
0xb7: {  	s31 =	sshll.u32 s1, $0xD;
	s1 =	sshrl.u32 s1, $0x2  }
0xb8: {  	s3 =	sand.u32 $0x4000, s31;
	s1 =	sadd.s32 s1, s30  }
0xb9: {  	s0 =	sor.u32 s3, s0;
	s1 =	sshll.u32 s1, $0x11  }
0xba: {  	s0 =	sor.u32 s1, s0  }
0xbb: {  	s0 =	sadd.s32 $0x8F2B, s0  }
0xbc: {  	[sflag:s0] =	ssyncadd.remote.s32 $0x1  }
0xbd: {  	_ =	sfence.sel $0xFFFF  }
0xbe: {  	[dreg:$0x0] =	wrdreg $0xFFFFFFFF;
	(pc) =	sbr.abs _section_cstart, $3  }
0xbf: {  	[dreg:$0x1] =	wrdreg $0xFFFFFFFF  }
0xc0: {  	_ =	task.clear_ibuf [dreg:s6], $0x2FFFF;
	_ =	strace $0x9FFFFFFF  }
0xc1: {  	(tm) =	ssettm $0x7FFFFFFF  }
tec
execute0_lowered:
.L_overlay_start_1:
0x0: {  	(tag) =	ssettag $0x1  }
0x1: {  	s5 =	rddreg [dreg:$0x0]  }
0x2: {  	s0 =	rddreg [dreg:$0x1]  }
0x3: {  	s2 =	simm.s32 $0x0;
	s3 =	srdreg.scid;
	s1 =	stileid.u32  }
0x4: {  	s11 =	simm.s32 $0x100;
	s12 =	simm.s32 $0x4100;
	s13 =	simm.s32 $0x1  }
0x5: {  	s14 =	simm.s32 $0x0;
	[smem:$0x7FF] =	sst s2;
	s7 =	smul.u32 $0x4F00, s1  }
0x6: {  	s6 =	sand.u32 $0x1, s3;
	s3 =	sadd.s32 $0x2A400, s5;
	s9 =	smul.u32 $0x4F000, s1  }
0x7: {  	s4 =	sadd.s32 $0x52400, s5;
	s8 =	smul.u32 $0x2780, s6;
	s10 =	ssub.s32 $0x2, s6  }
0x8: {  	_ =	strace $0x80000062;
	s6 =	smul.u32 $0x27800, s6;
	s30 =	sshrl.u32 s10, $0x1  }
0x9: {  	s9 =	sadd.s32 s9, s5;
	s7 =	sadd.s32 s8, s7;
	s8 =	ssub.s32 s10, s30  }
0xa: {  	s6 =	sadd.s32 s6, s9;
	s9 =	simm.s32 $0x2;
	s7 =	sshrl.u32 s7, $0x3  }
0xb: {  	s10 =	simm.s32 $0x80;
	s6 =	sadd.s32 $0xF4A400, s6;
	s31 =	sadd.s32 s7, s5  }
0xc: {  	s5 =	smax.u32 s8, $0x1;
	s7 =	sadd.s32 $0x20600, s31;
	s8 =	sadd.s32 $0x16800, s31  }
.LBB2_1:
0xd: {  	s15 =	sadd.s32 $0x0, s8  }
0xe: {  	[tilespmem:s2], [sflag:$0x2] =	stream.linear.gather [hbm4b:s15+s2], $0x80, $0x38;
	[tilespmem:$0x8100] =	vst v63  }
0xf: {  	_ =	swait.ge [sflag:s9], $0x80  }
0x10: {  	[sflag:s9] =	ssyncset.done $0x0  }
0x11: {  	s30 =	sadd.s32 $0x0, s7;
	[sflag:s9] =	ssyncadd.s32 $0xFFFFFF80  }
0x12: {  	[tilespmem:s10], [sflag:$0x2] =	stream.linear.gather [hbm4b:s30+s2], $0x80, $0x38;
	[tilespmem:$0x8100] =	vst v63  }
0x13: {  	_ =	swait.ge [sflag:s9], $0x80  }
0x14: {  	[sflag:s9] =	ssyncset.done $0x0  }
0x15: {  	[sflag:s9] =	ssyncadd.s32 $0xFFFFFF80  }
0x16: {  	[tilespmem:s11], [sflag:$0x1] =	stream.indirect.gather [hbm4b:s3+s10], $0x80, s2, s10, $0xb8;
	[tilespmem:$0x8100] =	vst v63  }
0x17: {  	_ = 	snop  }
0x18: {  	[tilespmem:s12], [sflag:$0x1] =	stream.indirect.gather [hbm4b:s4+s10], $0x80, s10, s10, $0xb8;
	[tilespmem:$0x8100] =	vst v63  }
0x19: {  	_ =	swait.ge [sflag:s13], $0x4000  }
0x1a: {  	[sflag:s13] =	ssyncset.done $0x0  }
0x1b: {  	[sflag:s13] =	ssyncadd.s32 $0xFFFFC000  }
0x1c: {  	_ =	swait.ge [sflag:s13], $0x4000  }
0x1d: {  	[sflag:s13] =	ssyncset.done $0x0  }
0x1e: {  	s31 =	sadd.s32 $0xFFB10000, s6;
	[sflag:s13] =	ssyncadd.s32 $0xFFFFC000  }
0x1f: {  	[hbm4b:s31+s2] =	stream.linear.scatter [tilespmem:s11], [sflag:$0x2], $0x4000, $0x38;
	[tilespmem:$0x8100] =	vst v63  }
0x20: {  	_ =	swait.ge [sflag:s9], $0x4000  }
0x21: {  	[sflag:s9] =	ssyncset.done $0x0  }
0x22: {  	[sflag:s9] =	ssyncadd.s32 $0xFFFFC000  }
0x23: {  	[hbm4b:s6+s2] =	stream.linear.scatter [tilespmem:s12], [sflag:$0x2], $0x4000, $0x38;
	[tilespmem:$0x8100] =	vst v63  }
0x24: {  	s16 =	simm.s32 $0x10;
	_ =	swait.ge [sflag:s9], $0x4000  }
0x25: {  	s17 =	simm.s32 $0x20;
	s15 =	sadd.s32 $0x800, s6;
	[sflag:s9] =	ssyncset.done $0x0  }
.LBB2_2:
0x26: {  	s18 =	sadd.s32 s16, s8  }
0x27: {  	[sflag:s9] =	ssyncadd.s32 $0xFFFFC000;
	s19 =	smov.u32 s17;
	s20 =	sadd.s32 $0x10, s17  }
0x28: {  	[tilespmem:s2], [sflag:$0x2] =	stream.linear.gather [hbm4b:s18+s2], $0x80, $0x38;
	[tilespmem:$0x8100] =	vst v63  }
0x29: {  	p0 =	sne.s32 s17, $0x4E0;
	_ =	swait.ge [sflag:s9], $0x80  }
0x2a: {  	[sflag:s9] =	ssyncset.done $0x0  }
0x2b: {  	s17 =	sadd.s32 s16, s7;
	s16 =	smov.u32 s19;
	[sflag:s9] =	ssyncadd.s32 $0xFFFFFF80  }
0x2c: {  	[tilespmem:s10], [sflag:$0x2] =	stream.linear.gather [hbm4b:s17+s2], $0x80, $0x38;
	[tilespmem:$0x8100] =	vst v63  }
0x2d: {  	_ =	swait.ge [sflag:s9], $0x80  }
0x2e: {  	[sflag:s9] =	ssyncset.done $0x0  }
0x2f: {  	[sflag:s9] =	ssyncadd.s32 $0xFFFFFF80  }
0x30: {  	[tilespmem:s11], [sflag:$0x1] =	stream.indirect.gather [hbm4b:s3+s10], $0x80, s2, s10, $0xb8;
	[tilespmem:$0x8100] =	vst v63  }
0x31: {  	_ = 	snop  }
0x32: {  	[tilespmem:s12], [sflag:$0x1] =	stream.indirect.gather [hbm4b:s4+s10], $0x80, s10, s10, $0xb8;
	[tilespmem:$0x8100] =	vst v63  }
0x33: {  	_ =	swait.ge [sflag:s13], $0x4000  }
0x34: {  	[sflag:s13] =	ssyncset.done $0x0  }
0x35: {  	[sflag:s13] =	ssyncadd.s32 $0xFFFFC000  }
0x36: {  	_ =	swait.ge [sflag:s13], $0x4000  }
0x37: {  	[sflag:s13] =	ssyncset.done $0x0  }
0x38: {  	s17 =	sadd.s32 $0xFFB10000, s15;
	[sflag:s13] =	ssyncadd.s32 $0xFFFFC000  }
0x39: {  	[hbm4b:s17+s2] =	stream.linear.scatter [tilespmem:s11], [sflag:$0x2], $0x4000, $0x38;
	[tilespmem:$0x8100] =	vst v63  }
0x3a: {  	_ =	swait.ge [sflag:s9], $0x4000  }
.Ltmp0:
0x3b: {  	[sflag:s9] =	ssyncset.done $0x0;
	(pc) =	sbr.rel @p0 .LBB2_2-.Ltmp0, $4  }
0x3c: {  	[sflag:s9] =	ssyncadd.s32 $0xFFFFC000  }
0x3d: {  	[hbm4b:s15+s2] =	stream.linear.scatter [tilespmem:s12], [sflag:$0x2], $0x4000, $0x38;
	[tilespmem:$0x8100] =	vst v63  }
0x3e: {  	_ =	swait.ge [sflag:s9], $0x4000  }
0x3f: {  	s17 =	smov.u32 s20;
	s15 =	sadd.s32 $0x800, s15;
	[sflag:s9] =	ssyncset.done $0x0  }
0x40: {  	s17 =	sadd.s32 s16, s8;
	[sflag:s9] =	ssyncadd.s32 $0xFFFFC000  }
0x41: {  	[tilespmem:s2], [sflag:$0x2] =	stream.linear.gather [hbm4b:s17+s2], $0x80, $0x38;
	[tilespmem:$0x8100] =	vst v63  }
0x42: {  	_ =	swait.ge [sflag:s9], $0x80  }
0x43: {  	[sflag:s9] =	ssyncset.done $0x0  }
0x44: {  	s30 =	sadd.s32 s16, s7;
	[sflag:s9] =	ssyncadd.s32 $0xFFFFFF80  }
0x45: {  	[tilespmem:s10], [sflag:$0x2] =	stream.linear.gather [hbm4b:s30+s2], $0x80, $0x38;
	[tilespmem:$0x8100] =	vst v63  }
0x46: {  	_ =	swait.ge [sflag:s9], $0x80  }
0x47: {  	[sflag:s9] =	ssyncset.done $0x0  }
0x48: {  	[sflag:s9] =	ssyncadd.s32 $0xFFFFFF80  }
0x49: {  	[tilespmem:s11], [sflag:$0x1] =	stream.indirect.gather [hbm4b:s3+s10], $0x80, s2, s10, $0xb8;
	[tilespmem:$0x8100] =	vst v63  }
0x4a: {  	_ = 	snop  }
0x4b: {  	[tilespmem:s12], [sflag:$0x1] =	stream.indirect.gather [hbm4b:s4+s10], $0x80, s10, s10, $0xb8;
	[tilespmem:$0x8100] =	vst v63  }
0x4c: {  	_ =	swait.ge [sflag:s13], $0x4000  }
0x4d: {  	[sflag:s13] =	ssyncset.done $0x0  }
0x4e: {  	[sflag:s13] =	ssyncadd.s32 $0xFFFFC000  }
0x4f: {  	_ =	swait.ge [sflag:s13], $0x4000  }
0x50: {  	[sflag:s13] =	ssyncset.done $0x0  }
0x51: {  	s31 =	sadd.s32 $0xFFB10000, s15;
	[sflag:s13] =	ssyncadd.s32 $0xFFFFC000  }
0x52: {  	[hbm4b:s31+s2] =	stream.linear.scatter [tilespmem:s11], [sflag:$0x2], $0x4000, $0x38;
	[tilespmem:$0x8100] =	vst v63  }
0x53: {  	s14 =	sadd.s32 $0x1, s14;
	_ =	swait.ge [sflag:s9], $0x4000  }
0x54: {  	p0 =	sne.s32 s14, s5;
	[sflag:s9] =	ssyncset.done $0x0  }
.Ltmp1:
0x55: {  	[sflag:s9] =	ssyncadd.s32 $0xFFFFC000;
	(pc) =	sbr.rel @p0 .LBB2_1-.Ltmp1, $4  }
0x56: {  	[hbm4b:s15+s2] =	stream.linear.scatter [tilespmem:s12], [sflag:$0x2], $0x4000, $0x38;
	[tilespmem:$0x8100] =	vst v63  }
0x57: {  	_ =	swait.ge [sflag:s9], $0x4000  }
0x58: {  	[sflag:s9] =	ssyncset.done $0x0  }
0x59: {  	[sflag:s9] =	ssyncadd.s32 $0xFFFFC000  }
0x5a: {  	_ =	sfence.sel $0x180000  }
0x5b: {  	[bflag:$0x0] =	sbarrier.arrive $0xFFFF  }
0x5c: {  	p0 =	sne.s32 s1, $0x0;
	_ =	strace $0x90000062  }
0x5d: {  	s0 =	sadd.s32 @!p0 $0x100000, s0;
	[bflag:$0x2] =	sbarrier.arrive $0xFFFF  }
0x5e: {  	[sflag:s0] =	ssyncadd.tile.s32 @!p0 $0x1;
	_ =	shalt  }
.Lfunc_end2:
_tile_overlayer_lowered:
.L_overlay_start_2:
0x5f: {  	(tag) =	ssettag $0x2  }
0x60: {  	s0 =	rddreg [dreg:$0x0];
	s2 =	stileid.u32  }
0x61: {  	s1 =	rddreg [dreg:$0x1];
	p0 =	sne.s32 s2, $0x0  }
0x62: {  	s3 =	rddreg [dreg:$0x2];
	[bflag:$0x3] =	sbarrier.arrive $0xFFFF;
	s2 =	simm.s32 @!p0 $0x1C02  }
0x63: {  	[timem:s3], [sflag:s2] =	dma.local @!p0 [hbm:s0], s1  }
0x64: {  	s0 =	simm.s32 @!p0 $0x2  }
0x65: {  	_ =	swait.ge @!p0 [sflag:s0], s1  }
0x66: {  	s1 =	ssub.s32 @!p0 $0x0, s1;
	[sflag:s0] =	ssyncset.done @!p0 $0x0  }
0x67: {  	[sflag:s0] =	ssyncadd.s32 @!p0 s1  }
0x68: {  	[bflag:$0x3] =	sbarrier.arrive $0xFFFF  }
0x69: {  	_ =	shalt  }

// kernel: kernel.62.cloned.1.call-start
scs
__scs_entry_jumppad:
0x0: {  	(pc) =	sbr.rel $0x88, $3  }
0x1: {  	(tag) =	ssettag $0x0;
	lr =	simm.s32 $0x1  }
0x2: {  	[smem:$0x3F50] =	sst lr;
	_ =	strace $0xD0000000  }
0x3: {  	_ = 	snop  }
0x4: {  	_ = 	snop  }
0x5: {  	_ = 	snop  }
0x6: {  	_ = 	snop  }
0x7: {  	_ = 	snop  }
__scs_overlays_trampoline_lowered:
0x8: {  	[smem:$0x3F5F] =	sst s0  }
0x9: {  	[smem:$0x3F60] =	sst s1  }
0xa: {  	[smem:$0x3F61] =	sst s2  }
0xb: {  	[smem:$0x3F62] =	sst s3  }
0xc: {  	[smem:$0x3F63] =	sst s4  }
0xd: {  	[smem:$0x3F64] =	sst s5  }
0xe: {  	[smem:$0x3F65] =	sst s6  }
0xf: {  	[smem:$0x3F66] =	sst s7  }
0x10: {  	[smem:$0x3F67] =	sst s8  }
0x11: {  	[smem:$0x3F68] =	sst s9;
	s0 =	simm.s32 @!p0 $0x0  }
0x12: {  	s1 =	sld [smem:$0x3F4E];
	s0 =	simm.s32 @p0 $0x1  }
0x13: {  	[smem:$0x3F69] =	sst s0;
	s0 =	simm.s32 @!p1 $0x0  }
0x14: {  	s2 =	sld [smem:$0x3F4D];
	s0 =	simm.s32 @p1 $0x1  }
0x15: {  	[smem:$0x3F6A] =	sst s0;
	s0 =	simm.s32 @!p2 $0x0  }
0x16: {  	s3 =	sld [smem:$0x3FDB];
	s0 =	simm.s32 @p2 $0x1  }
0x17: {  	s4 =	simm.s32 $0x1BF5;
	[smem:$0x3F6C] =	sst s0  }
0x18: {  	s0 =	sld [smem:$0x3F4F];
	_ =	swait.ge [sflag:s4], $0x0  }
0x19: {  	s7 =	sld [smem:$0x3F50]  }
0x1a: {  	s8 =	sadd.s32 $0xFFFFE003, lr  }
0x1b: {  	s9 =	sadd.s32 $0xFFFFFEF7, lr;
	s5 =	simm.s32 $0xFFFFFFFF;
	p2 =	slt.u32 s8, $0xFFFFF086  }
0x1c: {  	p1 =	slt.u32 s9, $0xF7A;
	s5 =	simm.s32 @!p2 $0x0  }
0x1d: {  	s5 =	simm.s32 @p1 $0x1;
	p0 =	seq.s32 s7, s2  }
0x1e: {  	s7 =	smul.u32 @!p0 $0xF7A, s2;
	p2 =	seq.s32 @!p0 s5, $0x0  }
0x1f: {  	s9 =	smul.u32 $0xF7A, s1;
	s8 =	simm.s32 @!p0 $0x1BF5;
	p2 =	por !p2, p0  }
0x20: {  	[sflag:s8] =	ssyncset.s32 @!p0 $0xFFFFF086;
	s6 =	sadd.s32 @!p0 s3, s7;
	s7 =	simm.s32 @!p0 $0x108  }
0x21: {  	s3 =	sadd.s32 s3, s9;
	s6 =	sadd.s32 @!p0 $0x88, s6;
	s7 =	simm.s32 @p2 $0x1082  }
0x22: {  	[simem:s7], [sflag:s8] =	dma.local @!p0 [hbm:s6], $0xF7A  }
0x23: {  	s9 =	sor.u32 $0xD0000000, s2;
	s6 =	simm.s32 $0x108;
	_ =	swait.ge @!p0 [sflag:s8], $0x0  }
0x24: {  	s3 =	sadd.s32 $0x88, s3;
	s6 =	simm.s32 @!p1 $0x1082;
	[sflag:s4] =	ssyncset.s32 $0xFFFFF086  }
0x25: {  	[simem:s6], [sflag:s4] =	dma.local [hbm:s3], $0xF7A  }
0x26: {  	[smem:$0x3F50] =	sst s1;
	(tag) =	ssettag s2;
	_ =	strace s9  }
0x27: {  	s1 =	sld [smem:$0x3F60]  }
0x28: {  	s2 =	sld [smem:$0x3F61]  }
0x29: {  	s4 =	sld [smem:$0x3F63]  }
0x2a: {  	p0 =	seq.s32 s5, $0x0;
	s5 =	sld [smem:$0x3F64]  }
0x2b: {  	s6 =	sld [smem:$0x3F65]  }
0x2c: {  	s7 =	sld [smem:$0x3F66]  }
0x2d: {  	s3 =	simm.s32 $0x108;
	s8 =	sld [smem:$0x3F67]  }
0x2e: {  	s3 =	simm.s32 @!p0 $0x1082;
	s9 =	sld [smem:$0x3F68]  }
0x2f: {  	lr =	sadd.s32 s0, s3;
	s0 =	sld [smem:$0x3F5F]  }
0x30: {  	s3 =	sld [smem:$0x3F62]  }
0x31: {  	[smem:$0x3F6B] =	sst s10  }
0x32: {  	s10 =	sld [smem:$0x3F69];
	_ =	sdelay $0x3  }
0x33: {  	p0 =	seq.s32 s10, $0x1;
	s10 =	sld [smem:$0x3F6B];
	_ =	sdelay $0x3  }
0x34: {  	[smem:$0x3F6B] =	sst s10  }
0x35: {  	s10 =	sld [smem:$0x3F6A];
	_ =	sdelay $0x3  }
0x36: {  	p1 =	seq.s32 s10, $0x1;
	s10 =	sld [smem:$0x3F6B];
	_ =	sdelay $0x3  }
0x37: {  	[smem:$0x3F6B] =	sst s10  }
0x38: {  	s10 =	sld [smem:$0x3F6C]  }
0x39: {  	_ = 	snop;
	(pc) =	sbr.ind lr, $3  }
0x3a: {  	_ = 	snop  }
0x3b: {  	_ = 	snop  }
0x3c: {  	p2 =	seq.s32 s10, $0x1;
	s10 =	sld [smem:$0x3F6B]  }
0x3d: {  	_ =	shalt  }
0x3e: {  	_ =	shalt  }
0x3f: {  	_ =	shalt  }
0x40: {  	_ =	shalt  }
0x41: {  	_ =	shalt  }
0x42: {  	_ =	shalt  }
0x43: {  	_ =	shalt  }
0x44: {  	_ =	shalt  }
0x45: {  	_ =	shalt  }
0x46: {  	_ =	shalt  }
0x47: {  	_ =	shalt  }
0x48: {  	_ =	shalt  }
0x49: {  	_ =	shalt  }
0x4a: {  	_ =	shalt  }
0x4b: {  	_ =	shalt  }
0x4c: {  	_ =	shalt  }
0x4d: {  	_ =	shalt  }
0x4e: {  	_ =	shalt  }
0x4f: {  	_ =	shalt  }
0x50: {  	_ =	shalt  }
0x51: {  	_ =	shalt  }
0x52: {  	_ =	shalt  }
0x53: {  	_ =	shalt  }
0x54: {  	_ =	shalt  }
0x55: {  	_ =	shalt  }
0x56: {  	_ =	shalt  }
0x57: {  	_ =	shalt  }
0x58: {  	_ =	shalt  }
0x59: {  	_ =	shalt  }
0x5a: {  	_ =	shalt  }
0x5b: {  	_ =	shalt  }
0x5c: {  	_ =	shalt  }
0x5d: {  	_ =	shalt  }
0x5e: {  	_ =	shalt  }
0x5f: {  	_ =	shalt  }
0x60: {  	_ =	shalt  }
0x61: {  	_ =	shalt  }
0x62: {  	_ =	shalt  }
0x63: {  	_ =	shalt  }
0x64: {  	_ =	shalt  }
0x65: {  	_ =	shalt  }
0x66: {  	_ =	shalt  }
0x67: {  	_ =	shalt  }
0x68: {  	_ =	shalt  }
0x69: {  	_ =	shalt  }
0x6a: {  	_ =	shalt  }
0x6b: {  	_ =	shalt  }
0x6c: {  	_ =	shalt  }
0x6d: {  	_ =	shalt  }
0x6e: {  	_ =	shalt  }
0x6f: {  	_ =	shalt  }
0x70: {  	_ =	shalt  }
0x71: {  	_ =	shalt  }
0x72: {  	_ =	shalt  }
0x73: {  	_ =	shalt  }
0x74: {  	_ =	shalt  }
0x75: {  	_ =	shalt  }
0x76: {  	_ =	shalt  }
0x77: {  	_ =	shalt  }
0x78: {  	_ =	shalt  }
0x79: {  	_ =	shalt  }
0x7a: {  	_ =	shalt  }
0x7b: {  	_ =	shalt  }
0x7c: {  	_ =	shalt  }
0x7d: {  	_ =	shalt  }
0x7e: {  	_ =	shalt  }
0x7f: {  	_ =	shalt  }
0x80: {  	_ =	shalt  }
0x81: {  	_ =	shalt  }
0x82: {  	_ =	shalt  }
0x83: {  	_ =	shalt  }
0x84: {  	_ =	shalt  }
0x85: {  	_ =	shalt  }
0x86: {  	_ =	shalt  }
0x87: {  	_ =	shalt  }
.Lfunc_end0:
.L_simem_size_0:
called_computation.10_lowered:
.L_overlay_start_0:
0x88: {  	s2 =	sld [smem:$0x3FD9]  }
0x89: {  	s3 =	sld [smem:$0x3FFE];
	_ =	sdelay $0x1  }
0x8a: {  	s1 =	srdreg.scid  }
0x8b: {  	s0 =	sand.u32 $0x1, s1  }
0x8c: {  	s14 =	sshll.u32 s0, $0xA;
	s2 =	sadd.s32 s3, s2  }
0x8d: {  	s2 =	sadd.s32 s2, s14  }
0x8e: {  	[smem:$0x3F77] =	sst s2  }
0x8f: {  	_ = 	snop  }
0x90: {  	s2 =	sld [smem:$0x3FD0];
	_ =	sdelay $0x2  }
0x91: {  	s15 =	simm.s32 $0xB;
	s4 =	simm.s32 $0x10  }
0x92: {  	[smem:s4], [sflag:s15] =	dma.local [hbm:s2], $0x1  }
0x93: {  	_ =	swait.eq [sflag:s15], $0x1  }
0x94: {  	[sflag:s15] =	ssyncset.done $0x0  }
0x95: {  	[sflag:s15] =	ssyncadd.s32 $0xFFFFFFFF  }
0x96: {  	s16 =	sld [smem:$0x10];
	(tm) =	ssettm $0x1  }
0x97: {  	s17 =	sld [smem:$0x3FFB];
	_ =	sdelay $0x3  }
0x98: {  	_ =	strace s17  }
0x99: {  	s3 =	sld [smem:$0x3FFC];
	_ =	sdelay $0x3  }
0x9a: {  	_ =	strace s3  }
0x9b: {  	s3 =	sld [smem:$0x3FFD];
	_ =	sdelay $0x3  }
0x9c: {  	_ =	strace s3  }
0x9d: {  	_ =	strace $0x8FFFFFFF  }
0x9e: {  	s18 =	sld [smem:$0x3FDB];
	_ =	sdelay $0x1  }
0x9f: {  	s19 =	simm.s32 $_scs_section_size  }
0xa0: {  	s5 =	simm.s32 $_size__tile_overlayer_lowered;
	s6 =	simm.s32 $_tile_overlayer_lowered  }
0xa1: {  	s22 =	simm.s32 $0x1BFF;
	s21 =	sshll.u32 s6, $0x1;
	s3 =	sadd.s32 s19, s18  }
0xa2: {  	s7 =	simm.s32 $0x0;
	s20 =	sshll.u32 s5, $0x1;
	s5 =	sadd.s32 s21, s3  }
0xa3: {  	[timem:s7], [sflag:s22] =	dma.local [hbm:s5], s20  }
0xa4: {  	_ =	swait.ge [sflag:s22], s20  }
0xa5: {  	s4 =	ssub.s32 $0x0, s20;
	[sflag:s22] =	ssyncset.done $0x0  }
0xa6: {  	[sflag:s22] =	ssyncadd.s32 s4;
	_ =	sdelay $0x1  }
0xa7: {  	s23 =	simm.s32 $0x1B8B  }
0xa8: {  	_ =	swait.ge [sflag:s23], $0x1  }
0xa9: {  	[sflag:s23] =	ssyncset.done $0x0  }
0xaa: {  	s25 =	simm.s32 $0x1B8E;
	s24 =	sld [smem:$0x3FFE];
	[sflag:s23] =	ssyncadd.s32 $0xFFFFFFFF  }
0xab: {  	s26 =	simm.s32 $execute0_lowered;
	[smem:$0x3FD2] =	sst s25  }
0xac: {  	s5 =	sshll.u32 s26, $0x1;
	_ =	strace $0x80000064;
	[dreg:$0x1] =	wrdreg $0xFFFFFFFF  }
0xad: {  	s28 =	simm.s32 $_size_execute0_lowered;
	s3 =	sadd.s32 s3, s5;
	[dreg:$0x0] =	wrdreg $0x0  }
0xae: {  	s5 =	sshll.u32 s28, $0x1;
	[dreg:$0x2] =	wrdreg s3  }
0xaf: {  	[dreg:$0x3] =	wrdreg s5  }
0xb0: {  	[dreg:$0x4] =	wrdreg $0xC0  }
0xb1: {  	_ =	task [dreg:s7], $0x5FFFF  }
0xb2: {  	[dreg:$0x1] =	wrdreg $0xFFFFFFFF  }
0xb3: {  	[dreg:$0x0] =	wrdreg $0x60  }
0xb4: {  	[dreg:$0x2] =	wrdreg s24  }
0xb5: {  	[dreg:$0x3] =	wrdreg s16  }
0xb6: {  	[dreg:$0x4] =	wrdreg $0x40800  }
0xb7: {  	[dreg:$0x5] =	wrdreg $0x9  }
0xb8: {  	_ =	task.clear_ibuf [dreg:s7], $0x6FFFF;
	_ =	strace $0x90000064  }
0xb9: {  	s29 =	simm.s32 $0x9;
	_ =	strace $0x80000066  }
0xba: {  	_ =	swait.ge [sflag:s29], $0x1  }
0xbb: {  	[sflag:s29] =	ssyncadd.s32 $0xFFFFFFFF  }
0xbc: {  	_ =	strace $0x90000066  }
0xbd: {  	_ =	sfence  }
0xbe: {  	s30 =	sld [smem:$0x0];
	_ =	sdelay $0x2  }
0xbf: {  	s31 =	sshll.u32 s1, $0xD;
	s1 =	sshrl.u32 s1, $0x2  }
0xc0: {  	s3 =	sand.u32 $0x4000, s31;
	s1 =	sadd.s32 s1, s30  }
0xc1: {  	s0 =	sor.u32 s3, s0;
	s1 =	sshll.u32 s1, $0x11  }
0xc2: {  	s0 =	sor.u32 s1, s0  }
0xc3: {  	s0 =	sadd.s32 $0x8F2B, s0  }
0xc4: {  	[sflag:s0] =	ssyncadd.remote.s32 $0x1  }
0xc5: {  	_ =	sfence.sel $0xFFFF  }
0xc6: {  	[dreg:$0x0] =	wrdreg $0xFFFFFFFF;
	(pc) =	sbr.abs _section_cstart, $3  }
0xc7: {  	[dreg:$0x1] =	wrdreg $0xFFFFFFFF  }
0xc8: {  	_ =	task.clear_ibuf [dreg:s7], $0x2FFFF;
	_ =	strace $0x9FFFFFFF  }
0xc9: {  	(tm) =	ssettm $0x7FFFFFFF  }
tec
execute0_lowered:
.L_overlay_start_1:
0x0: {  	(tag) =	ssettag $0x1  }
0x1: {  	s5 =	rddreg [dreg:$0x0]  }
0x2: {  	s2 =	rddreg [dreg:$0x1];
	s1 =	stileid.u32  }
0x3: {  	s3 =	rddreg [dreg:$0x2];
	s6 =	smul.u32 $0x4F000, s1  }
0x4: {  	s0 =	rddreg [dreg:$0x3];
	s22 =	smul.u32 $0x4F00, s1  }
0x5: {  	s7 =	srdreg.scid;
	s4 =	simm.s32 $0x0;
	s9 =	smul.u32 $0x50000, s1  }
0x6: {  	s13 =	sand.u32 $0x1, s7;
	[smem:$0x7FF] =	sst s4;
	s15 =	smul.u32 $0x14000, s1  }
0x7: {  	s16 =	sadd.s32 $0x2A400, s5;
	s28 =	sshll.u32 s1, $0x6;
	s8 =	smul.u32 $0x2780, s13  }
0x8: {  	_ =	strace $0x80000065;
	s24 =	ssub.s32 $0x2, s13;
	s14 =	smul.u32 $0x140000, s13  }
0x9: {  	s17 =	sadd.s32 s6, s5;
	s25 =	sshrl.u32 s24, $0x1;
	s26 =	sshrl.u32 s9, $0x2  }
0xa: {  	s30 =	sadd.s32 $0x4000, s15;
	s11 =	sadd.s32 $0x8000, s15;
	s19 =	sadd.s32 $0xC000, s15  }
0xb: {  	s23 =	sadd.s32 s8, s22;
	s7 =	ssub.s32 s24, s25;
	s29 =	sadd.s32 s14, s15  }
0xc: {  	s10 =	sadd.s32 s14, s30;
	s9 =	sadd.s32 s30, s3;
	s12 =	sadd.s32 s14, s11  }
0xd: {  	s11 =	sadd.s32 s11, s3;
	s24 =	sadd.s32 s14, s19;
	s15 =	sadd.s32 $0x10000, s15  }
0xe: {  	s6 =	sshrl.u32 s23, $0x3;
	s7 =	smax.u32 s7, $0x1;
	s8 =	sshrl.u32 s29, $0x3  }
0xf: {  	s10 =	sshrl.u32 s10, $0x3;
	s12 =	sshrl.u32 s12, $0x3;
	s24 =	sshrl.u32 s24, $0x3  }
0x10: {  	s25 =	sadd.s32 s14, s15;
	s15 =	sadd.s32 s15, s3;
	s18 =	sadd.s32 s6, s5  }
0x11: {  	s5 =	sadd.s32 s26, s3;
	s6 =	sor.u32 $0x1C01, s28;
	s8 =	sadd.s32 s16, s8  }
0x12: {  	s10 =	sadd.s32 s16, s10;
	s12 =	sadd.s32 s16, s12;
	s26 =	smul.u32 $0x27800, s13  }
0x13: {  	s13 =	sadd.s32 s19, s3;
	s14 =	sadd.s32 s16, s24;
	s31 =	sshrl.u32 s25, $0x3  }
0x14: {  	s19 =	simm.s32 $0x1;
	s24 =	simm.s32 $0x80;
	s25 =	simm.s32 $0x0  }
0x15: {  	s20 =	sadd.s32 $0x4000, s5;
	s21 =	sadd.s32 $0x8000, s5;
	s22 =	sadd.s32 $0xC000, s5  }
0x16: {  	s23 =	sadd.s32 $0x10000, s5;
	s16 =	sadd.s32 s16, s31;
	s18 =	sadd.s32 $0x16800, s18  }
0x17: {  	s17 =	sadd.s32 s26, s17;
	s20 =	sshrl.u32 s20, $0x3;
	s21 =	sshrl.u32 s21, $0x3  }
0x18: {  	s22 =	sshrl.u32 s22, $0x3;
	s23 =	sshrl.u32 s23, $0x3;
	s17 =	sadd.s32 $0xA2400, s17  }
.LBB2_1:
0x19: {  	s26 =	sshrl.u32 s5, $0x3  }
0x1a: {  	[spmem:s26], [sflag:s6] =	dma.local [hbm:s2], $0x800  }
0x1b: {  	_ =	swait.ge [sflag:s19], $0x800  }
0x1c: {  	[sflag:s19] =	ssyncset.done $0x0  }
0x1d: {  	[sflag:s19] =	ssyncadd.s32 $0xFFFFF800  }
0x1e: {  	[spmem:s20], [sflag:s6] =	dma.local [hbm:s2], $0x800  }
0x1f: {  	_ =	swait.ge [sflag:s19], $0x800  }
0x20: {  	[sflag:s19] =	ssyncset.done $0x0  }
0x21: {  	[sflag:s19] =	ssyncadd.s32 $0xFFFFF800  }
0x22: {  	[spmem:s21], [sflag:s6] =	dma.local [hbm:s2], $0x800  }
0x23: {  	_ =	swait.ge [sflag:s19], $0x800  }
0x24: {  	[sflag:s19] =	ssyncset.done $0x0  }
0x25: {  	[sflag:s19] =	ssyncadd.s32 $0xFFFFF800  }
0x26: {  	[spmem:s22], [sflag:s6] =	dma.local [hbm:s2], $0x800  }
0x27: {  	_ =	swait.ge [sflag:s19], $0x800  }
0x28: {  	[sflag:s19] =	ssyncset.done $0x0  }
0x29: {  	[sflag:s19] =	ssyncadd.s32 $0xFFFFF800  }
0x2a: {  	[spmem:s23], [sflag:s6] =	dma.local [hbm:s2], $0x800  }
0x2b: {  	_ =	swait.ge [sflag:s19], $0x800  }
0x2c: {  	[sflag:s19] =	ssyncset.done $0x0  }
0x2d: {  	[sflag:s19] =	ssyncadd.s32 $0xFFFFF800  }
0x2e: {  	s31 =	sadd.s32 $0x0, s18;
	[bflag:$0x0] =	sbarrier.arrive $0xFFFF  }
0x2f: {  	[tilespmem:s4], [sflag:$0x1] =	stream.linear.gather [hbm4b:s31+s4], $0x80, $0x38;
	[tilespmem:$0x18080] =	vst v63  }
0x30: {  	_ =	swait.ge [sflag:s19], $0x80  }
0x31: {  	[sflag:s19] =	ssyncset.done $0x0  }
0x32: {  	[sflag:s19] =	ssyncadd.s32 $0xFFFFFF80  }
0x33: {  	[tilespmem:s24], [sflag:$0x1] =	stream.linear.gather [hbm4b:s17+s4], $0x4000, $0x38;
	[tilespmem:$0x18080] =	vst v63  }
0x34: {  	_ =	swait.ge [sflag:s19], $0x4000  }
0x35: {  	[sflag:s19] =	ssyncset.done $0x0  }
0x36: {  	[sflag:s19] =	ssyncadd.s32 $0xFFFFC000  }
0x37: {  	[spmem:s3] =	stream.indirect.scatter.add.f32 [tilespmem:s24], [sflag:$0x1], $0x80, s4, s24, $0xb8;
	[tilespmem:$0x18080] =	vst v63  }
0x38: {  	s28 =	simm.s32 $0x10;
	_ =	swait.ge [sflag:s19], $0x4000  }
0x39: {  	s29 =	simm.s32 $0x20;
	s26 =	sadd.s32 $0x800, s17;
	[sflag:s19] =	ssyncset.done $0x0  }
.LBB2_2:
0x3a: {  	s30 =	sadd.s32 s28, s18  }
0x3b: {  	[sflag:s19] =	ssyncadd.s32 $0xFFFFC000;
	s28 =	smov.u32 s29;
	s31 =	sadd.s32 $0x10, s29  }
0x3c: {  	[tilespmem:s4], [sflag:$0x1] =	stream.linear.gather [hbm4b:s30+s4], $0x80, $0x38;
	[tilespmem:$0x18080] =	vst v63  }
0x3d: {  	p0 =	sne.s32 s29, $0x4E0;
	_ =	swait.ge [sflag:s19], $0x80  }
0x3e: {  	[sflag:s19] =	ssyncset.done $0x0  }
0x3f: {  	[sflag:s19] =	ssyncadd.s32 $0xFFFFFF80  }
0x40: {  	[tilespmem:s24], [sflag:$0x1] =	stream.linear.gather [hbm4b:s26+s4], $0x4000, $0x38;
	[tilespmem:$0x18080] =	vst v63  }
0x41: {  	_ =	swait.ge [sflag:s19], $0x4000  }
.Ltmp0:
0x42: {  	[sflag:s19] =	ssyncset.done $0x0;
	(pc) =	sbr.rel @p0 .LBB2_2-.Ltmp0, $4  }
0x43: {  	[sflag:s19] =	ssyncadd.s32 $0xFFFFC000  }
0x44: {  	[spmem:s3] =	stream.indirect.scatter.add.f32 [tilespmem:s24], [sflag:$0x1], $0x80, s4, s24, $0xb8;
	[tilespmem:$0x18080] =	vst v63  }
0x45: {  	_ =	swait.ge [sflag:s19], $0x4000  }
0x46: {  	s29 =	smov.u32 s31;
	s26 =	sadd.s32 $0x800, s26;
	[sflag:s19] =	ssyncset.done $0x0  }
0x47: {  	s28 =	sadd.s32 s28, s18;
	[sflag:s19] =	ssyncadd.s32 $0xFFFFC000  }
0x48: {  	[tilespmem:s4], [sflag:$0x1] =	stream.linear.gather [hbm4b:s28+s4], $0x80, $0x38;
	[tilespmem:$0x18080] =	vst v63  }
0x49: {  	_ =	swait.ge [sflag:s19], $0x80  }
0x4a: {  	[sflag:s19] =	ssyncset.done $0x0  }
0x4b: {  	[sflag:s19] =	ssyncadd.s32 $0xFFFFFF80  }
0x4c: {  	[tilespmem:s24], [sflag:$0x1] =	stream.linear.gather [hbm4b:s26+s4], $0x4000, $0x38;
	[tilespmem:$0x18080] =	vst v63  }
0x4d: {  	_ =	swait.ge [sflag:s19], $0x4000  }
0x4e: {  	[sflag:s19] =	ssyncset.done $0x0  }
0x4f: {  	[sflag:s19] =	ssyncadd.s32 $0xFFFFC000  }
0x50: {  	[spmem:s3] =	stream.indirect.scatter.add.f32 [tilespmem:s24], [sflag:$0x1], $0x80, s4, s24, $0xb8;
	[tilespmem:$0x18080] =	vst v63  }
0x51: {  	_ =	swait.ge [sflag:s19], $0x4000  }
0x52: {  	[sflag:s19] =	ssyncset.done $0x0  }
0x53: {  	[sflag:s19] =	ssyncadd.s32 $0xFFFFC000  }
0x54: {  	[bflag:$0x0] =	sbarrier.arrive $0xFFFF  }
0x55: {  	[tilespmem:s24], [sflag:$0x1] =	stream.linear.gather [spmem:s5], $0x4000, $0x38;
	[tilespmem:$0x18080] =	vst v63  }
0x56: {  	_ =	swait.ge [sflag:s19], $0x4000  }
0x57: {  	[sflag:s19] =	ssyncset.done $0x0  }
0x58: {  	[sflag:s19] =	ssyncadd.s32 $0xFFFFC000  }
0x59: {  	[hbm4b:s8+s4] =	stream.linear.scatter [tilespmem:s24], [sflag:$0x1], $0x4000, $0x38;
	[tilespmem:$0x18080] =	vst v63  }
0x5a: {  	_ =	swait.ge [sflag:s19], $0x4000  }
0x5b: {  	[sflag:s19] =	ssyncset.done $0x0  }
0x5c: {  	[sflag:s19] =	ssyncadd.s32 $0xFFFFC000  }
0x5d: {  	[tilespmem:s24], [sflag:$0x1] =	stream.linear.gather [spmem:s9], $0x4000, $0x38;
	[tilespmem:$0x18080] =	vst v63  }
0x5e: {  	_ =	swait.ge [sflag:s19], $0x4000  }
0x5f: {  	[sflag:s19] =	ssyncset.done $0x0  }
0x60: {  	[sflag:s19] =	ssyncadd.s32 $0xFFFFC000  }
0x61: {  	[hbm4b:s10+s4] =	stream.linear.scatter [tilespmem:s24], [sflag:$0x1], $0x4000, $0x38;
	[tilespmem:$0x18080] =	vst v63  }
0x62: {  	_ =	swait.ge [sflag:s19], $0x4000  }
0x63: {  	[sflag:s19] =	ssyncset.done $0x0  }
0x64: {  	[sflag:s19] =	ssyncadd.s32 $0xFFFFC000  }
0x65: {  	[tilespmem:s24], [sflag:$0x1] =	stream.linear.gather [spmem:s11], $0x4000, $0x38;
	[tilespmem:$0x18080] =	vst v63  }
0x66: {  	_ =	swait.ge [sflag:s19], $0x4000  }
0x67: {  	[sflag:s19] =	ssyncset.done $0x0  }
0x68: {  	[sflag:s19] =	ssyncadd.s32 $0xFFFFC000  }
0x69: {  	[hbm4b:s12+s4] =	stream.linear.scatter [tilespmem:s24], [sflag:$0x1], $0x4000, $0x38;
	[tilespmem:$0x18080] =	vst v63  }
0x6a: {  	_ =	swait.ge [sflag:s19], $0x4000  }
0x6b: {  	[sflag:s19] =	ssyncset.done $0x0  }
0x6c: {  	[sflag:s19] =	ssyncadd.s32 $0xFFFFC000  }
0x6d: {  	[tilespmem:s24], [sflag:$0x1] =	stream.linear.gather [spmem:s13], $0x4000, $0x38;
	[tilespmem:$0x18080] =	vst v63  }
0x6e: {  	_ =	swait.ge [sflag:s19], $0x4000  }
0x6f: {  	[sflag:s19] =	ssyncset.done $0x0  }
0x70: {  	[sflag:s19] =	ssyncadd.s32 $0xFFFFC000  }
0x71: {  	[hbm4b:s14+s4] =	stream.linear.scatter [tilespmem:s24], [sflag:$0x1], $0x4000, $0x38;
	[tilespmem:$0x18080] =	vst v63  }
0x72: {  	_ =	swait.ge [sflag:s19], $0x4000  }
0x73: {  	[sflag:s19] =	ssyncset.done $0x0  }
0x74: {  	[sflag:s19] =	ssyncadd.s32 $0xFFFFC000  }
0x75: {  	[tilespmem:s24], [sflag:$0x1] =	stream.linear.gather [spmem:s15], $0x4000, $0x38;
	[tilespmem:$0x18080] =	vst v63  }
0x76: {  	s25 =	sadd.s32 $0x1, s25;
	_ =	swait.ge [sflag:s19], $0x4000  }
0x77: {  	p0 =	sne.s32 s25, s7;
	[sflag:s19] =	ssyncset.done $0x0  }
.Ltmp1:
0x78: {  	[sflag:s19] =	ssyncadd.s32 $0xFFFFC000;
	(pc) =	sbr.rel @p0 .LBB2_1-.Ltmp1, $4  }
0x79: {  	[hbm4b:s16+s4] =	stream.linear.scatter [tilespmem:s24], [sflag:$0x1], $0x4000, $0x38;
	[tilespmem:$0x18080] =	vst v63  }
0x7a: {  	_ =	swait.ge [sflag:s19], $0x4000  }
0x7b: {  	[sflag:s19] =	ssyncset.done $0x0  }
0x7c: {  	[sflag:s19] =	ssyncadd.s32 $0xFFFFC000  }
0x7d: {  	_ =	sfence.sel $0x180000  }
0x7e: {  	[bflag:$0x0] =	sbarrier.arrive $0xFFFF  }
0x7f: {  	p0 =	sne.s32 s1, $0x0;
	_ =	strace $0x90000065  }
0x80: {  	s0 =	sadd.s32 @!p0 $0x100000, s0;
	[bflag:$0x2] =	sbarrier.arrive $0xFFFF  }
0x81: {  	[sflag:s0] =	ssyncadd.tile.s32 @!p0 $0x1;
	_ =	shalt  }
.Lfunc_end2:
_tile_overlayer_lowered:
.L_overlay_start_2:
0x82: {  	(tag) =	ssettag $0x2  }
0x83: {  	s0 =	rddreg [dreg:$0x0];
	s2 =	stileid.u32  }
0x84: {  	s1 =	rddreg [dreg:$0x1];
	p0 =	sne.s32 s2, $0x0  }
0x85: {  	s3 =	rddreg [dreg:$0x2];
	[bflag:$0x3] =	sbarrier.arrive $0xFFFF;
	s2 =	simm.s32 @!p0 $0x1C01  }
0x86: {  	[timem:s3], [sflag:s2] =	dma.local @!p0 [hbm:s0], s1  }
0x87: {  	s0 =	simm.s32 @!p0 $0x1  }
0x88: {  	_ =	swait.ge @!p0 [sflag:s0], s1  }
0x89: {  	s1 =	ssub.s32 @!p0 $0x0, s1;
	[sflag:s0] =	ssyncset.done @!p0 $0x0  }
0x8a: {  	[sflag:s0] =	ssyncadd.s32 @!p0 s1  }
0x8b: {  	[bflag:$0x3] =	sbarrier.arrive $0xFFFF  }
0x8c: {  	_ =	shalt  }

// kernel: kernel.65.cloned.1.call-start
scs
__scs_entry_jumppad:
0x0: {  	(pc) =	sbr.rel $0x88, $3  }
0x1: {  	(tag) =	ssettag $0x0;
	lr =	simm.s32 $0x1  }
0x2: {  	[smem:$0x3F50] =	sst lr;
	_ =	strace $0xD0000000  }
0x3: {  	_ = 	snop  }
0x4: {  	_ = 	snop  }
0x5: {  	_ = 	snop  }
0x6: {  	_ = 	snop  }
0x7: {  	_ = 	snop  }
__scs_overlays_trampoline_lowered:
0x8: {  	[smem:$0x3F5F] =	sst s0  }
0x9: {  	[smem:$0x3F60] =	sst s1  }
0xa: {  	[smem:$0x3F61] =	sst s2  }
0xb: {  	[smem:$0x3F62] =	sst s3  }
0xc: {  	[smem:$0x3F63] =	sst s4  }
0xd: {  	[smem:$0x3F64] =	sst s5  }
0xe: {  	[smem:$0x3F65] =	sst s6  }
0xf: {  	[smem:$0x3F66] =	sst s7  }
0x10: {  	[smem:$0x3F67] =	sst s8  }
0x11: {  	[smem:$0x3F68] =	sst s9;
	s0 =	simm.s32 @!p0 $0x0  }
0x12: {  	s1 =	sld [smem:$0x3F4E];
	s0 =	simm.s32 @p0 $0x1  }
0x13: {  	[smem:$0x3F69] =	sst s0;
	s0 =	simm.s32 @!p1 $0x0  }
0x14: {  	s2 =	sld [smem:$0x3F4D];
	s0 =	simm.s32 @p1 $0x1  }
0x15: {  	[smem:$0x3F6A] =	sst s0;
	s0 =	simm.s32 @!p2 $0x0  }
0x16: {  	s3 =	sld [smem:$0x3FDB];
	s0 =	simm.s32 @p2 $0x1  }
0x17: {  	s4 =	simm.s32 $0x1BF5;
	[smem:$0x3F6C] =	sst s0  }
0x18: {  	s0 =	sld [smem:$0x3F4F];
	_ =	swait.ge [sflag:s4], $0x0  }
0x19: {  	s7 =	sld [smem:$0x3F50]  }
0x1a: {  	s8 =	sadd.s32 $0xFFFFE003, lr  }
0x1b: {  	s9 =	sadd.s32 $0xFFFFFEF7, lr;
	s5 =	simm.s32 $0xFFFFFFFF;
	p2 =	slt.u32 s8, $0xFFFFF086  }
0x1c: {  	p1 =	slt.u32 s9, $0xF7A;
	s5 =	simm.s32 @!p2 $0x0  }
0x1d: {  	s5 =	simm.s32 @p1 $0x1;
	p0 =	seq.s32 s7, s2  }
0x1e: {  	s7 =	smul.u32 @!p0 $0xF7A, s2;
	p2 =	seq.s32 @!p0 s5, $0x0  }
0x1f: {  	s9 =	smul.u32 $0xF7A, s1;
	s8 =	simm.s32 @!p0 $0x1BF5;
	p2 =	por !p2, p0  }
0x20: {  	[sflag:s8] =	ssyncset.s32 @!p0 $0xFFFFF086;
	s6 =	sadd.s32 @!p0 s3, s7;
	s7 =	simm.s32 @!p0 $0x108  }
0x21: {  	s3 =	sadd.s32 s3, s9;
	s6 =	sadd.s32 @!p0 $0x88, s6;
	s7 =	simm.s32 @p2 $0x1082  }
0x22: {  	[simem:s7], [sflag:s8] =	dma.local @!p0 [hbm:s6], $0xF7A  }
0x23: {  	s9 =	sor.u32 $0xD0000000, s2;
	s6 =	simm.s32 $0x108;
	_ =	swait.ge @!p0 [sflag:s8], $0x0  }
0x24: {  	s3 =	sadd.s32 $0x88, s3;
	s6 =	simm.s32 @!p1 $0x1082;
	[sflag:s4] =	ssyncset.s32 $0xFFFFF086  }
0x25: {  	[simem:s6], [sflag:s4] =	dma.local [hbm:s3], $0xF7A  }
0x26: {  	[smem:$0x3F50] =	sst s1;
	(tag) =	ssettag s2;
	_ =	strace s9  }
0x27: {  	s1 =	sld [smem:$0x3F60]  }
0x28: {  	s2 =	sld [smem:$0x3F61]  }
0x29: {  	s4 =	sld [smem:$0x3F63]  }
0x2a: {  	p0 =	seq.s32 s5, $0x0;
	s5 =	sld [smem:$0x3F64]  }
0x2b: {  	s6 =	sld [smem:$0x3F65]  }
0x2c: {  	s7 =	sld [smem:$0x3F66]  }
0x2d: {  	s3 =	simm.s32 $0x108;
	s8 =	sld [smem:$0x3F67]  }
0x2e: {  	s3 =	simm.s32 @!p0 $0x1082;
	s9 =	sld [smem:$0x3F68]  }
0x2f: {  	lr =	sadd.s32 s0, s3;
	s0 =	sld [smem:$0x3F5F]  }
0x30: {  	s3 =	sld [smem:$0x3F62]  }
0x31: {  	[smem:$0x3F6B] =	sst s10  }
0x32: {  	s10 =	sld [smem:$0x3F69];
	_ =	sdelay $0x3  }
0x33: {  	p0 =	seq.s32 s10, $0x1;
	s10 =	sld [smem:$0x3F6B];
	_ =	sdelay $0x3  }
0x34: {  	[smem:$0x3F6B] =	sst s10  }
0x35: {  	s10 =	sld [smem:$0x3F6A];
	_ =	sdelay $0x3  }
0x36: {  	p1 =	seq.s32 s10, $0x1;
	s10 =	sld [smem:$0x3F6B];
	_ =	sdelay $0x3  }
0x37: {  	[smem:$0x3F6B] =	sst s10  }
0x38: {  	s10 =	sld [smem:$0x3F6C]  }
0x39: {  	_ = 	snop;
	(pc) =	sbr.ind lr, $3  }
0x3a: {  	_ = 	snop  }
0x3b: {  	_ = 	snop  }
0x3c: {  	p2 =	seq.s32 s10, $0x1;
	s10 =	sld [smem:$0x3F6B]  }
0x3d: {  	_ =	shalt  }
0x3e: {  	_ =	shalt  }
0x3f: {  	_ =	shalt  }
0x40: {  	_ =	shalt  }
0x41: {  	_ =	shalt  }
0x42: {  	_ =	shalt  }
0x43: {  	_ =	shalt  }
0x44: {  	_ =	shalt  }
0x45: {  	_ =	shalt  }
0x46: {  	_ =	shalt  }
0x47: {  	_ =	shalt  }
0x48: {  	_ =	shalt  }
0x49: {  	_ =	shalt  }
0x4a: {  	_ =	shalt  }
0x4b: {  	_ =	shalt  }
0x4c: {  	_ =	shalt  }
0x4d: {  	_ =	shalt  }
0x4e: {  	_ =	shalt  }
0x4f: {  	_ =	shalt  }
0x50: {  	_ =	shalt  }
0x51: {  	_ =	shalt  }
0x52: {  	_ =	shalt  }
0x53: {  	_ =	shalt  }
0x54: {  	_ =	shalt  }
0x55: {  	_ =	shalt  }
0x56: {  	_ =	shalt  }
0x57: {  	_ =	shalt  }
0x58: {  	_ =	shalt  }
0x59: {  	_ =	shalt  }
0x5a: {  	_ =	shalt  }
0x5b: {  	_ =	shalt  }
0x5c: {  	_ =	shalt  }
0x5d: {  	_ =	shalt  }
0x5e: {  	_ =	shalt  }
0x5f: {  	_ =	shalt  }
0x60: {  	_ =	shalt  }
0x61: {  	_ =	shalt  }
0x62: {  	_ =	shalt  }
0x63: {  	_ =	shalt  }
0x64: {  	_ =	shalt  }
0x65: {  	_ =	shalt  }
0x66: {  	_ =	shalt  }
0x67: {  	_ =	shalt  }
0x68: {  	_ =	shalt  }
0x69: {  	_ =	shalt  }
0x6a: {  	_ =	shalt  }
0x6b: {  	_ =	shalt  }
0x6c: {  	_ =	shalt  }
0x6d: {  	_ =	shalt  }
0x6e: {  	_ =	shalt  }
0x6f: {  	_ =	shalt  }
0x70: {  	_ =	shalt  }
0x71: {  	_ =	shalt  }
0x72: {  	_ =	shalt  }
0x73: {  	_ =	shalt  }
0x74: {  	_ =	shalt  }
0x75: {  	_ =	shalt  }
0x76: {  	_ =	shalt  }
0x77: {  	_ =	shalt  }
0x78: {  	_ =	shalt  }
0x79: {  	_ =	shalt  }
0x7a: {  	_ =	shalt  }
0x7b: {  	_ =	shalt  }
0x7c: {  	_ =	shalt  }
0x7d: {  	_ =	shalt  }
0x7e: {  	_ =	shalt  }
0x7f: {  	_ =	shalt  }
0x80: {  	_ =	shalt  }
0x81: {  	_ =	shalt  }
0x82: {  	_ =	shalt  }
0x83: {  	_ =	shalt  }
0x84: {  	_ =	shalt  }
0x85: {  	_ =	shalt  }
0x86: {  	_ =	shalt  }
0x87: {  	_ =	shalt  }
.Lfunc_end0:
.L_simem_size_0:
called_computation.11_lowered:
.L_overlay_start_0:
0x88: {  	s2 =	sld [smem:$0x3FD9]  }
0x89: {  	s3 =	sld [smem:$0x3FFE];
	_ =	sdelay $0x1  }
0x8a: {  	s1 =	srdreg.scid  }
0x8b: {  	s0 =	sand.u32 $0x1, s1  }
0x8c: {  	s16 =	sshll.u32 s0, $0xA;
	s2 =	sadd.s32 s3, s2  }
0x8d: {  	s2 =	sadd.s32 s2, s16  }
0x8e: {  	[smem:$0x3F77] =	sst s2  }
0x8f: {  	_ = 	snop  }
0x90: {  	(tm) =	ssettm $0x1  }
0x91: {  	s17 =	sld [smem:$0x3FFB];
	_ =	sdelay $0x3  }
0x92: {  	_ =	strace s17  }
0x93: {  	s2 =	sld [smem:$0x3FFC];
	_ =	sdelay $0x3  }
0x94: {  	_ =	strace s2  }
0x95: {  	s2 =	sld [smem:$0x3FFD];
	_ =	sdelay $0x3  }
0x96: {  	_ =	strace s2  }
0x97: {  	_ =	strace $0x8FFFFFFF  }
0x98: {  	s18 =	sld [smem:$0x3FDB];
	_ =	sdelay $0x1  }
0x99: {  	s19 =	simm.s32 $_scs_section_size  }
0x9a: {  	s4 =	simm.s32 $_size__tile_overlayer_lowered;
	s5 =	simm.s32 $_tile_overlayer_lowered  }
0x9b: {  	s22 =	simm.s32 $0x1BFF;
	s21 =	sshll.u32 s5, $0x1;
	s2 =	sadd.s32 s19, s18  }
0x9c: {  	s6 =	simm.s32 $0x0;
	s20 =	sshll.u32 s4, $0x1;
	s4 =	sadd.s32 s21, s2  }
0x9d: {  	[timem:s6], [sflag:s22] =	dma.local [hbm:s4], s20  }
0x9e: {  	_ =	swait.ge [sflag:s22], s20  }
0x9f: {  	s3 =	ssub.s32 $0x0, s20;
	[sflag:s22] =	ssyncset.done $0x0  }
0xa0: {  	[sflag:s22] =	ssyncadd.s32 s3;
	_ =	sdelay $0x1  }
0xa1: {  	s23 =	simm.s32 $0x1B8B  }
0xa2: {  	_ =	swait.ge [sflag:s23], $0x1  }
0xa3: {  	[sflag:s23] =	ssyncset.done $0x0  }
0xa4: {  	s25 =	simm.s32 $0x1B8E;
	s24 =	sld [smem:$0x3FFE];
	[sflag:s23] =	ssyncadd.s32 $0xFFFFFFFF  }
0xa5: {  	s26 =	simm.s32 $execute0_lowered;
	[smem:$0x3FD2] =	sst s25  }
0xa6: {  	s4 =	sshll.u32 s26, $0x1;
	_ =	strace $0x80000067;
	[dreg:$0x1] =	wrdreg $0xFFFFFFFF  }
0xa7: {  	s28 =	simm.s32 $_size_execute0_lowered;
	s2 =	sadd.s32 s2, s4;
	[dreg:$0x0] =	wrdreg $0x0  }
0xa8: {  	s4 =	sshll.u32 s28, $0x1;
	[dreg:$0x2] =	wrdreg s2  }
0xa9: {  	[dreg:$0x3] =	wrdreg s4  }
0xaa: {  	[dreg:$0x4] =	wrdreg $0xC0  }
0xab: {  	_ =	task [dreg:s6], $0x5FFFF  }
0xac: {  	[dreg:$0x1] =	wrdreg $0xFFFFFFFF  }
0xad: {  	[dreg:$0x0] =	wrdreg $0x60  }
0xae: {  	[dreg:$0x2] =	wrdreg s24  }
0xaf: {  	[dreg:$0x3] =	wrdreg $0x9  }
0xb0: {  	_ =	task.clear_ibuf [dreg:s6], $0x4FFFF;
	_ =	strace $0x90000067  }
0xb1: {  	s29 =	simm.s32 $0x9;
	_ =	strace $0x80000069  }
0xb2: {  	_ =	swait.ge [sflag:s29], $0x1  }
0xb3: {  	[sflag:s29] =	ssyncadd.s32 $0xFFFFFFFF  }
0xb4: {  	_ =	strace $0x90000069  }
0xb5: {  	_ =	sfence  }
0xb6: {  	s30 =	sld [smem:$0x0];
	_ =	sdelay $0x2  }
0xb7: {  	s31 =	sshll.u32 s1, $0xD;
	s1 =	sshrl.u32 s1, $0x2  }
0xb8: {  	s3 =	sand.u32 $0x4000, s31;
	s1 =	sadd.s32 s1, s30  }
0xb9: {  	s0 =	sor.u32 s3, s0;
	s1 =	sshll.u32 s1, $0x11  }
0xba: {  	s0 =	sor.u32 s1, s0  }
0xbb: {  	s0 =	sadd.s32 $0x8F2B, s0  }
0xbc: {  	[sflag:s0] =	ssyncadd.remote.s32 $0x1  }
0xbd: {  	_ =	sfence.sel $0xFFFF  }
0xbe: {  	[dreg:$0x0] =	wrdreg $0xFFFFFFFF;
	(pc) =	sbr.abs _section_cstart, $3  }
0xbf: {  	[dreg:$0x1] =	wrdreg $0xFFFFFFFF  }
0xc0: {  	_ =	task.clear_ibuf [dreg:s6], $0x2FFFF;
	_ =	strace $0x9FFFFFFF  }
0xc1: {  	(tm) =	ssettm $0x7FFFFFFF  }
tec
execute0_lowered:
.L_overlay_start_1:
0x0: {  	(tag) =	ssettag $0x1  }
0x1: {  	s5 =	rddreg [dreg:$0x0]  }
0x2: {  	s0 =	rddreg [dreg:$0x1]  }
0x3: {  	s2 =	simm.s32 $0x0;
	s3 =	srdreg.scid;
	s1 =	stileid.u32  }
0x4: {  	s11 =	simm.s32 $0x100;
	s12 =	simm.s32 $0x4100;
	s13 =	simm.s32 $0x1  }
0x5: {  	s14 =	simm.s32 $0x0;
	[smem:$0x7FF] =	sst s2;
	s7 =	smul.u32 $0x4F00, s1  }
0x6: {  	s6 =	sand.u32 $0x1, s3;
	s3 =	sadd.s32 $0x2A400, s5;
	s9 =	smul.u32 $0x4F000, s1  }
0x7: {  	s4 =	sadd.s32 $0x52400, s5;
	s8 =	smul.u32 $0x2780, s6;
	s10 =	ssub.s32 $0x2, s6  }
0x8: {  	_ =	strace $0x80000068;
	s6 =	smul.u32 $0x27800, s6;
	s30 =	sshrl.u32 s10, $0x1  }
0x9: {  	s9 =	sadd.s32 s9, s5;
	s7 =	sadd.s32 s8, s7;
	s8 =	ssub.s32 s10, s30  }
0xa: {  	s6 =	sadd.s32 s6, s9;
	s9 =	simm.s32 $0x2;
	s7 =	sshrl.u32 s7, $0x3  }
0xb: {  	s10 =	simm.s32 $0x80;
	s6 =	sadd.s32 $0x592400, s6;
	s31 =	sadd.s32 s7, s5  }
0xc: {  	s5 =	smax.u32 s8, $0x1;
	s7 =	sadd.s32 $0x20600, s31;
	s8 =	sadd.s32 $0x16800, s31  }
.LBB2_1:
0xd: {  	s15 =	sadd.s32 $0x0, s8  }
0xe: {  	[tilespmem:s2], [sflag:$0x2] =	stream.linear.gather [hbm4b:s15+s2], $0x80, $0x38;
	[tilespmem:$0x8100] =	vst v63  }
0xf: {  	_ =	swait.ge [sflag:s9], $0x80  }
0x10: {  	[sflag:s9] =	ssyncset.done $0x0  }
0x11: {  	s30 =	sadd.s32 $0x0, s7;
	[sflag:s9] =	ssyncadd.s32 $0xFFFFFF80  }
0x12: {  	[tilespmem:s10], [sflag:$0x2] =	stream.linear.gather [hbm4b:s30+s2], $0x80, $0x38;
	[tilespmem:$0x8100] =	vst v63  }
0x13: {  	_ =	swait.ge [sflag:s9], $0x80  }
0x14: {  	[sflag:s9] =	ssyncset.done $0x0  }
0x15: {  	[sflag:s9] =	ssyncadd.s32 $0xFFFFFF80  }
0x16: {  	[tilespmem:s11], [sflag:$0x1] =	stream.indirect.gather [hbm4b:s3+s10], $0x80, s2, s10, $0xb8;
	[tilespmem:$0x8100] =	vst v63  }
0x17: {  	_ = 	snop  }
0x18: {  	[tilespmem:s12], [sflag:$0x1] =	stream.indirect.gather [hbm4b:s4+s10], $0x80, s10, s10, $0xb8;
	[tilespmem:$0x8100] =	vst v63  }
0x19: {  	_ =	swait.ge [sflag:s13], $0x4000  }
0x1a: {  	[sflag:s13] =	ssyncset.done $0x0  }
0x1b: {  	[sflag:s13] =	ssyncadd.s32 $0xFFFFC000  }
0x1c: {  	_ =	swait.ge [sflag:s13], $0x4000  }
0x1d: {  	[sflag:s13] =	ssyncset.done $0x0  }
0x1e: {  	s31 =	sadd.s32 $0xFFB10000, s6;
	[sflag:s13] =	ssyncadd.s32 $0xFFFFC000  }
0x1f: {  	[hbm4b:s31+s2] =	stream.linear.scatter [tilespmem:s11], [sflag:$0x2], $0x4000, $0x38;
	[tilespmem:$0x8100] =	vst v63  }
0x20: {  	_ =	swait.ge [sflag:s9], $0x4000  }
0x21: {  	[sflag:s9] =	ssyncset.done $0x0  }
0x22: {  	[sflag:s9] =	ssyncadd.s32 $0xFFFFC000  }
0x23: {  	[hbm4b:s6+s2] =	stream.linear.scatter [tilespmem:s12], [sflag:$0x2], $0x4000, $0x38;
	[tilespmem:$0x8100] =	vst v63  }
0x24: {  	s16 =	simm.s32 $0x10;
	_ =	swait.ge [sflag:s9], $0x4000  }
0x25: {  	s17 =	simm.s32 $0x20;
	s15 =	sadd.s32 $0x800, s6;
	[sflag:s9] =	ssyncset.done $0x0  }
.LBB2_2:
0x26: {  	s18 =	sadd.s32 s16, s8  }
0x27: {  	[sflag:s9] =	ssyncadd.s32 $0xFFFFC000;
	s19 =	smov.u32 s17;
	s20 =	sadd.s32 $0x10, s17  }
0x28: {  	[tilespmem:s2], [sflag:$0x2] =	stream.linear.gather [hbm4b:s18+s2], $0x80, $0x38;
	[tilespmem:$0x8100] =	vst v63  }
0x29: {  	p0 =	sne.s32 s17, $0x4E0;
	_ =	swait.ge [sflag:s9], $0x80  }
0x2a: {  	[sflag:s9] =	ssyncset.done $0x0  }
0x2b: {  	s17 =	sadd.s32 s16, s7;
	s16 =	smov.u32 s19;
	[sflag:s9] =	ssyncadd.s32 $0xFFFFFF80  }
0x2c: {  	[tilespmem:s10], [sflag:$0x2] =	stream.linear.gather [hbm4b:s17+s2], $0x80, $0x38;
	[tilespmem:$0x8100] =	vst v63  }
0x2d: {  	_ =	swait.ge [sflag:s9], $0x80  }
0x2e: {  	[sflag:s9] =	ssyncset.done $0x0  }
0x2f: {  	[sflag:s9] =	ssyncadd.s32 $0xFFFFFF80  }
0x30: {  	[tilespmem:s11], [sflag:$0x1] =	stream.indirect.gather [hbm4b:s3+s10], $0x80, s2, s10, $0xb8;
	[tilespmem:$0x8100] =	vst v63  }
0x31: {  	_ = 	snop  }
0x32: {  	[tilespmem:s12], [sflag:$0x1] =	stream.indirect.gather [hbm4b:s4+s10], $0x80, s10, s10, $0xb8;
	[tilespmem:$0x8100] =	vst v63  }
0x33: {  	_ =	swait.ge [sflag:s13], $0x4000  }
0x34: {  	[sflag:s13] =	ssyncset.done $0x0  }
0x35: {  	[sflag:s13] =	ssyncadd.s32 $0xFFFFC000  }
0x36: {  	_ =	swait.ge [sflag:s13], $0x4000  }
0x37: {  	[sflag:s13] =	ssyncset.done $0x0  }
0x38: {  	s17 =	sadd.s32 $0xFFB10000, s15;
	[sflag:s13] =	ssyncadd.s32 $0xFFFFC000  }
0x39: {  	[hbm4b:s17+s2] =	stream.linear.scatter [tilespmem:s11], [sflag:$0x2], $0x4000, $0x38;
	[tilespmem:$0x8100] =	vst v63  }
0x3a: {  	_ =	swait.ge [sflag:s9], $0x4000  }
.Ltmp0:
0x3b: {  	[sflag:s9] =	ssyncset.done $0x0;
	(pc) =	sbr.rel @p0 .LBB2_2-.Ltmp0, $4  }
0x3c: {  	[sflag:s9] =	ssyncadd.s32 $0xFFFFC000  }
0x3d: {  	[hbm4b:s15+s2] =	stream.linear.scatter [tilespmem:s12], [sflag:$0x2], $0x4000, $0x38;
	[tilespmem:$0x8100] =	vst v63  }
0x3e: {  	_ =	swait.ge [sflag:s9], $0x4000  }
0x3f: {  	s17 =	smov.u32 s20;
	s15 =	sadd.s32 $0x800, s15;
	[sflag:s9] =	ssyncset.done $0x0  }
0x40: {  	s17 =	sadd.s32 s16, s8;
	[sflag:s9] =	ssyncadd.s32 $0xFFFFC000  }
0x41: {  	[tilespmem:s2], [sflag:$0x2] =	stream.linear.gather [hbm4b:s17+s2], $0x80, $0x38;
	[tilespmem:$0x8100] =	vst v63  }
0x42: {  	_ =	swait.ge [sflag:s9], $0x80  }
0x43: {  	[sflag:s9] =	ssyncset.done $0x0  }
0x44: {  	s30 =	sadd.s32 s16, s7;
	[sflag:s9] =	ssyncadd.s32 $0xFFFFFF80  }
0x45: {  	[tilespmem:s10], [sflag:$0x2] =	stream.linear.gather [hbm4b:s30+s2], $0x80, $0x38;
	[tilespmem:$0x8100] =	vst v63  }
0x46: {  	_ =	swait.ge [sflag:s9], $0x80  }
0x47: {  	[sflag:s9] =	ssyncset.done $0x0  }
0x48: {  	[sflag:s9] =	ssyncadd.s32 $0xFFFFFF80  }
0x49: {  	[tilespmem:s11], [sflag:$0x1] =	stream.indirect.gather [hbm4b:s3+s10], $0x80, s2, s10, $0xb8;
	[tilespmem:$0x8100] =	vst v63  }
0x4a: {  	_ = 	snop  }
0x4b: {  	[tilespmem:s12], [sflag:$0x1] =	stream.indirect.gather [hbm4b:s4+s10], $0x80, s10, s10, $0xb8;
	[tilespmem:$0x8100] =	vst v63  }
0x4c: {  	_ =	swait.ge [sflag:s13], $0x4000  }
0x4d: {  	[sflag:s13] =	ssyncset.done $0x0  }
0x4e: {  	[sflag:s13] =	ssyncadd.s32 $0xFFFFC000  }
0x4f: {  	_ =	swait.ge [sflag:s13], $0x4000  }
0x50: {  	[sflag:s13] =	ssyncset.done $0x0  }
0x51: {  	s31 =	sadd.s32 $0xFFB10000, s15;
	[sflag:s13] =	ssyncadd.s32 $0xFFFFC000  }
0x52: {  	[hbm4b:s31+s2] =	stream.linear.scatter [tilespmem:s11], [sflag:$0x2], $0x4000, $0x38;
	[tilespmem:$0x8100] =	vst v63  }
0x53: {  	s14 =	sadd.s32 $0x1, s14;
	_ =	swait.ge [sflag:s9], $0x4000  }
0x54: {  	p0 =	sne.s32 s14, s5;
	[sflag:s9] =	ssyncset.done $0x0  }
.Ltmp1:
0x55: {  	[sflag:s9] =	ssyncadd.s32 $0xFFFFC000;
	(pc) =	sbr.rel @p0 .LBB2_1-.Ltmp1, $4  }
0x56: {  	[hbm4b:s15+s2] =	stream.linear.scatter [tilespmem:s12], [sflag:$0x2], $0x4000, $0x38;
	[tilespmem:$0x8100] =	vst v63  }
0x57: {  	_ =	swait.ge [sflag:s9], $0x4000  }
0x58: {  	[sflag:s9] =	ssyncset.done $0x0  }
0x59: {  	[sflag:s9] =	ssyncadd.s32 $0xFFFFC000  }
0x5a: {  	_ =	sfence.sel $0x180000  }
0x5b: {  	[bflag:$0x0] =	sbarrier.arrive $0xFFFF  }
0x5c: {  	p0 =	sne.s32 s1, $0x0;
	_ =	strace $0x90000068  }
0x5d: {  	s0 =	sadd.s32 @!p0 $0x100000, s0;
	[bflag:$0x2] =	sbarrier.arrive $0xFFFF  }
0x5e: {  	[sflag:s0] =	ssyncadd.tile.s32 @!p0 $0x1;
	_ =	shalt  }
.Lfunc_end2:
_tile_overlayer_lowered:
.L_overlay_start_2:
0x5f: {  	(tag) =	ssettag $0x2  }
0x60: {  	s0 =	rddreg [dreg:$0x0];
	s2 =	stileid.u32  }
0x61: {  	s1 =	rddreg [dreg:$0x1];
	p0 =	sne.s32 s2, $0x0  }
0x62: {  	s3 =	rddreg [dreg:$0x2];
	[bflag:$0x3] =	sbarrier.arrive $0xFFFF;
	s2 =	simm.s32 @!p0 $0x1C02  }
0x63: {  	[timem:s3], [sflag:s2] =	dma.local @!p0 [hbm:s0], s1  }
0x64: {  	s0 =	simm.s32 @!p0 $0x2  }
0x65: {  	_ =	swait.ge @!p0 [sflag:s0], s1  }
0x66: {  	s1 =	ssub.s32 @!p0 $0x0, s1;
	[sflag:s0] =	ssyncset.done @!p0 $0x0  }
0x67: {  	[sflag:s0] =	ssyncadd.s32 @!p0 s1  }
0x68: {  	[bflag:$0x3] =	sbarrier.arrive $0xFFFF  }
0x69: {  	_ =	shalt  }

// kernel: kernel.68.cloned.1.call-start
scs
__scs_entry_jumppad:
0x0: {  	(pc) =	sbr.rel $0x88, $3  }
0x1: {  	(tag) =	ssettag $0x0;
	lr =	simm.s32 $0x1  }
0x2: {  	[smem:$0x3F50] =	sst lr;
	_ =	strace $0xD0000000  }
0x3: {  	_ = 	snop  }
0x4: {  	_ = 	snop  }
0x5: {  	_ = 	snop  }
0x6: {  	_ = 	snop  }
0x7: {  	_ = 	snop  }
__scs_overlays_trampoline_lowered:
0x8: {  	[smem:$0x3F5F] =	sst s0  }
0x9: {  	[smem:$0x3F60] =	sst s1  }
0xa: {  	[smem:$0x3F61] =	sst s2  }
0xb: {  	[smem:$0x3F62] =	sst s3  }
0xc: {  	[smem:$0x3F63] =	sst s4  }
0xd: {  	[smem:$0x3F64] =	sst s5  }
0xe: {  	[smem:$0x3F65] =	sst s6  }
0xf: {  	[smem:$0x3F66] =	sst s7  }
0x10: {  	[smem:$0x3F67] =	sst s8  }
0x11: {  	[smem:$0x3F68] =	sst s9;
	s0 =	simm.s32 @!p0 $0x0  }
0x12: {  	s1 =	sld [smem:$0x3F4E];
	s0 =	simm.s32 @p0 $0x1  }
0x13: {  	[smem:$0x3F69] =	sst s0;
	s0 =	simm.s32 @!p1 $0x0  }
0x14: {  	s2 =	sld [smem:$0x3F4D];
	s0 =	simm.s32 @p1 $0x1  }
0x15: {  	[smem:$0x3F6A] =	sst s0;
	s0 =	simm.s32 @!p2 $0x0  }
0x16: {  	s3 =	sld [smem:$0x3FDB];
	s0 =	simm.s32 @p2 $0x1  }
0x17: {  	s4 =	simm.s32 $0x1BF5;
	[smem:$0x3F6C] =	sst s0  }
0x18: {  	s0 =	sld [smem:$0x3F4F];
	_ =	swait.ge [sflag:s4], $0x0  }
0x19: {  	s7 =	sld [smem:$0x3F50]  }
0x1a: {  	s8 =	sadd.s32 $0xFFFFE003, lr  }
0x1b: {  	s9 =	sadd.s32 $0xFFFFFEF7, lr;
	s5 =	simm.s32 $0xFFFFFFFF;
	p2 =	slt.u32 s8, $0xFFFFF086  }
0x1c: {  	p1 =	slt.u32 s9, $0xF7A;
	s5 =	simm.s32 @!p2 $0x0  }
0x1d: {  	s5 =	simm.s32 @p1 $0x1;
	p0 =	seq.s32 s7, s2  }
0x1e: {  	s7 =	smul.u32 @!p0 $0xF7A, s2;
	p2 =	seq.s32 @!p0 s5, $0x0  }
0x1f: {  	s9 =	smul.u32 $0xF7A, s1;
	s8 =	simm.s32 @!p0 $0x1BF5;
	p2 =	por !p2, p0  }
0x20: {  	[sflag:s8] =	ssyncset.s32 @!p0 $0xFFFFF086;
	s6 =	sadd.s32 @!p0 s3, s7;
	s7 =	simm.s32 @!p0 $0x108  }
0x21: {  	s3 =	sadd.s32 s3, s9;
	s6 =	sadd.s32 @!p0 $0x88, s6;
	s7 =	simm.s32 @p2 $0x1082  }
0x22: {  	[simem:s7], [sflag:s8] =	dma.local @!p0 [hbm:s6], $0xF7A  }
0x23: {  	s9 =	sor.u32 $0xD0000000, s2;
	s6 =	simm.s32 $0x108;
	_ =	swait.ge @!p0 [sflag:s8], $0x0  }
0x24: {  	s3 =	sadd.s32 $0x88, s3;
	s6 =	simm.s32 @!p1 $0x1082;
	[sflag:s4] =	ssyncset.s32 $0xFFFFF086  }
0x25: {  	[simem:s6], [sflag:s4] =	dma.local [hbm:s3], $0xF7A  }
0x26: {  	[smem:$0x3F50] =	sst s1;
	(tag) =	ssettag s2;
	_ =	strace s9  }
0x27: {  	s1 =	sld [smem:$0x3F60]  }
0x28: {  	s2 =	sld [smem:$0x3F61]  }
0x29: {  	s4 =	sld [smem:$0x3F63]  }
0x2a: {  	p0 =	seq.s32 s5, $0x0;
	s5 =	sld [smem:$0x3F64]  }
0x2b: {  	s6 =	sld [smem:$0x3F65]  }
0x2c: {  	s7 =	sld [smem:$0x3F66]  }
0x2d: {  	s3 =	simm.s32 $0x108;
	s8 =	sld [smem:$0x3F67]  }
0x2e: {  	s3 =	simm.s32 @!p0 $0x1082;
	s9 =	sld [smem:$0x3F68]  }
0x2f: {  	lr =	sadd.s32 s0, s3;
	s0 =	sld [smem:$0x3F5F]  }
0x30: {  	s3 =	sld [smem:$0x3F62]  }
0x31: {  	[smem:$0x3F6B] =	sst s10  }
0x32: {  	s10 =	sld [smem:$0x3F69];
	_ =	sdelay $0x3  }
0x33: {  	p0 =	seq.s32 s10, $0x1;
	s10 =	sld [smem:$0x3F6B];
	_ =	sdelay $0x3  }
0x34: {  	[smem:$0x3F6B] =	sst s10  }
0x35: {  	s10 =	sld [smem:$0x3F6A];
	_ =	sdelay $0x3  }
0x36: {  	p1 =	seq.s32 s10, $0x1;
	s10 =	sld [smem:$0x3F6B];
	_ =	sdelay $0x3  }
0x37: {  	[smem:$0x3F6B] =	sst s10  }
0x38: {  	s10 =	sld [smem:$0x3F6C]  }
0x39: {  	_ = 	snop;
	(pc) =	sbr.ind lr, $3  }
0x3a: {  	_ = 	snop  }
0x3b: {  	_ = 	snop  }
0x3c: {  	p2 =	seq.s32 s10, $0x1;
	s10 =	sld [smem:$0x3F6B]  }
0x3d: {  	_ =	shalt  }
0x3e: {  	_ =	shalt  }
0x3f: {  	_ =	shalt  }
0x40: {  	_ =	shalt  }
0x41: {  	_ =	shalt  }
0x42: {  	_ =	shalt  }
0x43: {  	_ =	shalt  }
0x44: {  	_ =	shalt  }
0x45: {  	_ =	shalt  }
0x46: {  	_ =	shalt  }
0x47: {  	_ =	shalt  }
0x48: {  	_ =	shalt  }
0x49: {  	_ =	shalt  }
0x4a: {  	_ =	shalt  }
0x4b: {  	_ =	shalt  }
0x4c: {  	_ =	shalt  }
0x4d: {  	_ =	shalt  }
0x4e: {  	_ =	shalt  }
0x4f: {  	_ =	shalt  }
0x50: {  	_ =	shalt  }
0x51: {  	_ =	shalt  }
0x52: {  	_ =	shalt  }
0x53: {  	_ =	shalt  }
0x54: {  	_ =	shalt  }
0x55: {  	_ =	shalt  }
0x56: {  	_ =	shalt  }
0x57: {  	_ =	shalt  }
0x58: {  	_ =	shalt  }
0x59: {  	_ =	shalt  }
0x5a: {  	_ =	shalt  }
0x5b: {  	_ =	shalt  }
0x5c: {  	_ =	shalt  }
0x5d: {  	_ =	shalt  }
0x5e: {  	_ =	shalt  }
0x5f: {  	_ =	shalt  }
0x60: {  	_ =	shalt  }
0x61: {  	_ =	shalt  }
0x62: {  	_ =	shalt  }
0x63: {  	_ =	shalt  }
0x64: {  	_ =	shalt  }
0x65: {  	_ =	shalt  }
0x66: {  	_ =	shalt  }
0x67: {  	_ =	shalt  }
0x68: {  	_ =	shalt  }
0x69: {  	_ =	shalt  }
0x6a: {  	_ =	shalt  }
0x6b: {  	_ =	shalt  }
0x6c: {  	_ =	shalt  }
0x6d: {  	_ =	shalt  }
0x6e: {  	_ =	shalt  }
0x6f: {  	_ =	shalt  }
0x70: {  	_ =	shalt  }
0x71: {  	_ =	shalt  }
0x72: {  	_ =	shalt  }
0x73: {  	_ =	shalt  }
0x74: {  	_ =	shalt  }
0x75: {  	_ =	shalt  }
0x76: {  	_ =	shalt  }
0x77: {  	_ =	shalt  }
0x78: {  	_ =	shalt  }
0x79: {  	_ =	shalt  }
0x7a: {  	_ =	shalt  }
0x7b: {  	_ =	shalt  }
0x7c: {  	_ =	shalt  }
0x7d: {  	_ =	shalt  }
0x7e: {  	_ =	shalt  }
0x7f: {  	_ =	shalt  }
0x80: {  	_ =	shalt  }
0x81: {  	_ =	shalt  }
0x82: {  	_ =	shalt  }
0x83: {  	_ =	shalt  }
0x84: {  	_ =	shalt  }
0x85: {  	_ =	shalt  }
0x86: {  	_ =	shalt  }
0x87: {  	_ =	shalt  }
.Lfunc_end0:
.L_simem_size_0:
called_computation.12_lowered:
.L_overlay_start_0:
0x88: {  	s2 =	sld [smem:$0x3FD9]  }
0x89: {  	s3 =	sld [smem:$0x3FFE];
	_ =	sdelay $0x1  }
0x8a: {  	s1 =	srdreg.scid  }
0x8b: {  	s0 =	sand.u32 $0x1, s1  }
0x8c: {  	s14 =	sshll.u32 s0, $0xA;
	s2 =	sadd.s32 s3, s2  }
0x8d: {  	s2 =	sadd.s32 s2, s14  }
0x8e: {  	[smem:$0x3F77] =	sst s2  }
0x8f: {  	_ = 	snop  }
0x90: {  	s2 =	sld [smem:$0x3FD0];
	_ =	sdelay $0x2  }
0x91: {  	s15 =	simm.s32 $0xB;
	s4 =	simm.s32 $0x10  }
0x92: {  	[smem:s4], [sflag:s15] =	dma.local [hbm:s2], $0x1  }
0x93: {  	_ =	swait.eq [sflag:s15], $0x1  }
0x94: {  	[sflag:s15] =	ssyncset.done $0x0  }
0x95: {  	[sflag:s15] =	ssyncadd.s32 $0xFFFFFFFF  }
0x96: {  	s16 =	sld [smem:$0x10];
	(tm) =	ssettm $0x1  }
0x97: {  	s17 =	sld [smem:$0x3FFB];
	_ =	sdelay $0x3  }
0x98: {  	_ =	strace s17  }
0x99: {  	s3 =	sld [smem:$0x3FFC];
	_ =	sdelay $0x3  }
0x9a: {  	_ =	strace s3  }
0x9b: {  	s3 =	sld [smem:$0x3FFD];
	_ =	sdelay $0x3  }
0x9c: {  	_ =	strace s3  }
0x9d: {  	_ =	strace $0x8FFFFFFF  }
0x9e: {  	s18 =	sld [smem:$0x3FDB];
	_ =	sdelay $0x1  }
0x9f: {  	s19 =	simm.s32 $_scs_section_size  }
0xa0: {  	s5 =	simm.s32 $_size__tile_overlayer_lowered;
	s6 =	simm.s32 $_tile_overlayer_lowered  }
0xa1: {  	s22 =	simm.s32 $0x1BFF;
	s21 =	sshll.u32 s6, $0x1;
	s3 =	sadd.s32 s19, s18  }
0xa2: {  	s7 =	simm.s32 $0x0;
	s20 =	sshll.u32 s5, $0x1;
	s5 =	sadd.s32 s21, s3  }
0xa3: {  	[timem:s7], [sflag:s22] =	dma.local [hbm:s5], s20  }
0xa4: {  	_ =	swait.ge [sflag:s22], s20  }
0xa5: {  	s4 =	ssub.s32 $0x0, s20;
	[sflag:s22] =	ssyncset.done $0x0  }
0xa6: {  	[sflag:s22] =	ssyncadd.s32 s4;
	_ =	sdelay $0x1  }
0xa7: {  	s23 =	simm.s32 $0x1B8B  }
0xa8: {  	_ =	swait.ge [sflag:s23], $0x1  }
0xa9: {  	[sflag:s23] =	ssyncset.done $0x0  }
0xaa: {  	s25 =	simm.s32 $0x1B8E;
	s24 =	sld [smem:$0x3FFE];
	[sflag:s23] =	ssyncadd.s32 $0xFFFFFFFF  }
0xab: {  	s26 =	simm.s32 $execute0_lowered;
	[smem:$0x3FD2] =	sst s25  }
0xac: {  	s5 =	sshll.u32 s26, $0x1;
	_ =	strace $0x8000006A;
	[dreg:$0x1] =	wrdreg $0xFFFFFFFF  }
0xad: {  	s28 =	simm.s32 $_size_execute0_lowered;
	s3 =	sadd.s32 s3, s5;
	[dreg:$0x0] =	wrdreg $0x0  }
0xae: {  	s5 =	sshll.u32 s28, $0x1;
	[dreg:$0x2] =	wrdreg s3  }
0xaf: {  	[dreg:$0x3] =	wrdreg s5  }
0xb0: {  	[dreg:$0x4] =	wrdreg $0xC0  }
0xb1: {  	_ =	task [dreg:s7], $0x5FFFF  }
0xb2: {  	[dreg:$0x1] =	wrdreg $0xFFFFFFFF  }
0xb3: {  	[dreg:$0x0] =	wrdreg $0x60  }
0xb4: {  	[dreg:$0x2] =	wrdreg s24  }
0xb5: {  	[dreg:$0x3] =	wrdreg s16  }
0xb6: {  	[dreg:$0x4] =	wrdreg $0x40800  }
0xb7: {  	[dreg:$0x5] =	wrdreg $0x9  }
0xb8: {  	_ =	task.clear_ibuf [dreg:s7], $0x6FFFF;
	_ =	strace $0x9000006A  }
0xb9: {  	s29 =	simm.s32 $0x9;
	_ =	strace $0x8000006C  }
0xba: {  	_ =	swait.ge [sflag:s29], $0x1  }
0xbb: {  	[sflag:s29] =	ssyncadd.s32 $0xFFFFFFFF  }
0xbc: {  	_ =	strace $0x9000006C  }
0xbd: {  	_ =	sfence  }
0xbe: {  	s30 =	sld [smem:$0x0];
	_ =	sdelay $0x2  }
0xbf: {  	s31 =	sshll.u32 s1, $0xD;
	s1 =	sshrl.u32 s1, $0x2  }
0xc0: {  	s3 =	sand.u32 $0x4000, s31;
	s1 =	sadd.s32 s1, s30  }
0xc1: {  	s0 =	sor.u32 s3, s0;
	s1 =	sshll.u32 s1, $0x11  }
0xc2: {  	s0 =	sor.u32 s1, s0  }
0xc3: {  	s0 =	sadd.s32 $0x8F2B, s0  }
0xc4: {  	[sflag:s0] =	ssyncadd.remote.s32 $0x1  }
0xc5: {  	_ =	sfence.sel $0xFFFF  }
0xc6: {  	[dreg:$0x0] =	wrdreg $0xFFFFFFFF;
	(pc) =	sbr.abs _section_cstart, $3  }
0xc7: {  	[dreg:$0x1] =	wrdreg $0xFFFFFFFF  }
0xc8: {  	_ =	task.clear_ibuf [dreg:s7], $0x2FFFF;
	_ =	strace $0x9FFFFFFF  }
0xc9: {  	(tm) =	ssettm $0x7FFFFFFF  }
tec
execute0_lowered:
.L_overlay_start_1:
0x0: {  	(tag) =	ssettag $0x1  }
0x1: {  	s5 =	rddreg [dreg:$0x0]  }
0x2: {  	s2 =	rddreg [dreg:$0x1];
	s1 =	stileid.u32  }
0x3: {  	s3 =	rddreg [dreg:$0x2];
	s6 =	smul.u32 $0x4F000, s1  }
0x4: {  	s0 =	rddreg [dreg:$0x3];
	s22 =	smul.u32 $0x4F00, s1  }
0x5: {  	s7 =	srdreg.scid;
	s4 =	simm.s32 $0x0;
	s9 =	smul.u32 $0x50000, s1  }
0x6: {  	s13 =	sand.u32 $0x1, s7;
	[smem:$0x7FF] =	sst s4;
	s15 =	smul.u32 $0x14000, s1  }
0x7: {  	s16 =	sadd.s32 $0x20600, s5;
	s28 =	sshll.u32 s1, $0x6;
	s8 =	smul.u32 $0x2780, s13  }
0x8: {  	_ =	strace $0x8000006B;
	s24 =	ssub.s32 $0x2, s13;
	s14 =	smul.u32 $0x140000, s13  }
0x9: {  	s17 =	sadd.s32 s6, s5;
	s25 =	sshrl.u32 s24, $0x1;
	s26 =	sshrl.u32 s9, $0x2  }
0xa: {  	s30 =	sadd.s32 $0x4000, s15;
	s11 =	sadd.s32 $0x8000, s15;
	s19 =	sadd.s32 $0xC000, s15  }
0xb: {  	s23 =	sadd.s32 s8, s22;
	s7 =	ssub.s32 s24, s25;
	s29 =	sadd.s32 s14, s15  }
0xc: {  	s10 =	sadd.s32 s14, s30;
	s9 =	sadd.s32 s30, s3;
	s12 =	sadd.s32 s14, s11  }
0xd: {  	s11 =	sadd.s32 s11, s3;
	s24 =	sadd.s32 s14, s19;
	s15 =	sadd.s32 $0x10000, s15  }
0xe: {  	s6 =	sshrl.u32 s23, $0x3;
	s7 =	smax.u32 s7, $0x1;
	s8 =	sshrl.u32 s29, $0x3  }
0xf: {  	s10 =	sshrl.u32 s10, $0x3;
	s12 =	sshrl.u32 s12, $0x3;
	s24 =	sshrl.u32 s24, $0x3  }
0x10: {  	s25 =	sadd.s32 s14, s15;
	s15 =	sadd.s32 s15, s3;
	s18 =	sadd.s32 s6, s5  }
0x11: {  	s5 =	sadd.s32 s26, s3;
	s6 =	sor.u32 $0x1C01, s28;
	s8 =	sadd.s32 s16, s8  }
0x12: {  	s10 =	sadd.s32 s16, s10;
	s12 =	sadd.s32 s16, s12;
	s26 =	smul.u32 $0x27800, s13  }
0x13: {  	s13 =	sadd.s32 s19, s3;
	s14 =	sadd.s32 s16, s24;
	s31 =	sshrl.u32 s25, $0x3  }
0x14: {  	s19 =	simm.s32 $0x1;
	s24 =	simm.s32 $0x80;
	s25 =	simm.s32 $0x0  }
0x15: {  	s20 =	sadd.s32 $0x4000, s5;
	s21 =	sadd.s32 $0x8000, s5;
	s22 =	sadd.s32 $0xC000, s5  }
0x16: {  	s23 =	sadd.s32 $0x10000, s5;
	s16 =	sadd.s32 s16, s31;
	s18 =	sadd.s32 $0x16800, s18  }
0x17: {  	s17 =	sadd.s32 s26, s17;
	s20 =	sshrl.u32 s20, $0x3;
	s21 =	sshrl.u32 s21, $0x3  }
0x18: {  	s22 =	sshrl.u32 s22, $0x3;
	s23 =	sshrl.u32 s23, $0x3;
	s17 =	sadd.s32 $0xA82400, s17  }
.LBB2_1:
0x19: {  	s26 =	sshrl.u32 s5, $0x3  }
0x1a: {  	[spmem:s26], [sflag:s6] =	dma.local [hbm:s2], $0x800  }
0x1b: {  	_ =	swait.ge [sflag:s19], $0x800  }
0x1c: {  	[sflag:s19] =	ssyncset.done $0x0  }
0x1d: {  	[sflag:s19] =	ssyncadd.s32 $0xFFFFF800  }
0x1e: {  	[spmem:s20], [sflag:s6] =	dma.local [hbm:s2], $0x800  }
0x1f: {  	_ =	swait.ge [sflag:s19], $0x800  }
0x20: {  	[sflag:s19] =	ssyncset.done $0x0  }
0x21: {  	[sflag:s19] =	ssyncadd.s32 $0xFFFFF800  }
0x22: {  	[spmem:s21], [sflag:s6] =	dma.local [hbm:s2], $0x800  }
0x23: {  	_ =	swait.ge [sflag:s19], $0x800  }
0x24: {  	[sflag:s19] =	ssyncset.done $0x0  }
0x25: {  	[sflag:s19] =	ssyncadd.s32 $0xFFFFF800  }
0x26: {  	[spmem:s22], [sflag:s6] =	dma.local [hbm:s2], $0x800  }
0x27: {  	_ =	swait.ge [sflag:s19], $0x800  }
0x28: {  	[sflag:s19] =	ssyncset.done $0x0  }
0x29: {  	[sflag:s19] =	ssyncadd.s32 $0xFFFFF800  }
0x2a: {  	[spmem:s23], [sflag:s6] =	dma.local [hbm:s2], $0x800  }
0x2b: {  	_ =	swait.ge [sflag:s19], $0x800  }
0x2c: {  	[sflag:s19] =	ssyncset.done $0x0  }
0x2d: {  	[sflag:s19] =	ssyncadd.s32 $0xFFFFF800  }
0x2e: {  	s31 =	sadd.s32 $0x0, s18;
	[bflag:$0x0] =	sbarrier.arrive $0xFFFF  }
0x2f: {  	[tilespmem:s4], [sflag:$0x1] =	stream.linear.gather [hbm4b:s31+s4], $0x80, $0x38;
	[tilespmem:$0x18080] =	vst v63  }
0x30: {  	_ =	swait.ge [sflag:s19], $0x80  }
0x31: {  	[sflag:s19] =	ssyncset.done $0x0  }
0x32: {  	[sflag:s19] =	ssyncadd.s32 $0xFFFFFF80  }
0x33: {  	[tilespmem:s24], [sflag:$0x1] =	stream.linear.gather [hbm4b:s17+s4], $0x4000, $0x38;
	[tilespmem:$0x18080] =	vst v63  }
0x34: {  	_ =	swait.ge [sflag:s19], $0x4000  }
0x35: {  	[sflag:s19] =	ssyncset.done $0x0  }
0x36: {  	[sflag:s19] =	ssyncadd.s32 $0xFFFFC000  }
0x37: {  	[spmem:s3] =	stream.indirect.scatter.add.f32 [tilespmem:s24], [sflag:$0x1], $0x80, s4, s24, $0xb8;
	[tilespmem:$0x18080] =	vst v63  }
0x38: {  	s28 =	simm.s32 $0x10;
	_ =	swait.ge [sflag:s19], $0x4000  }
0x39: {  	s29 =	simm.s32 $0x20;
	s26 =	sadd.s32 $0x800, s17;
	[sflag:s19] =	ssyncset.done $0x0  }
.LBB2_2:
0x3a: {  	s30 =	sadd.s32 s28, s18  }
0x3b: {  	[sflag:s19] =	ssyncadd.s32 $0xFFFFC000;
	s28 =	smov.u32 s29;
	s31 =	sadd.s32 $0x10, s29  }
0x3c: {  	[tilespmem:s4], [sflag:$0x1] =	stream.linear.gather [hbm4b:s30+s4], $0x80, $0x38;
	[tilespmem:$0x18080] =	vst v63  }
0x3d: {  	p0 =	sne.s32 s29, $0x4E0;
	_ =	swait.ge [sflag:s19], $0x80  }
0x3e: {  	[sflag:s19] =	ssyncset.done $0x0  }
0x3f: {  	[sflag:s19] =	ssyncadd.s32 $0xFFFFFF80  }
0x40: {  	[tilespmem:s24], [sflag:$0x1] =	stream.linear.gather [hbm4b:s26+s4], $0x4000, $0x38;
	[tilespmem:$0x18080] =	vst v63  }
0x41: {  	_ =	swait.ge [sflag:s19], $0x4000  }
.Ltmp0:
0x42: {  	[sflag:s19] =	ssyncset.done $0x0;
	(pc) =	sbr.rel @p0 .LBB2_2-.Ltmp0, $4  }
0x43: {  	[sflag:s19] =	ssyncadd.s32 $0xFFFFC000  }
0x44: {  	[spmem:s3] =	stream.indirect.scatter.add.f32 [tilespmem:s24], [sflag:$0x1], $0x80, s4, s24, $0xb8;
	[tilespmem:$0x18080] =	vst v63  }
0x45: {  	_ =	swait.ge [sflag:s19], $0x4000  }
0x46: {  	s29 =	smov.u32 s31;
	s26 =	sadd.s32 $0x800, s26;
	[sflag:s19] =	ssyncset.done $0x0  }
0x47: {  	s28 =	sadd.s32 s28, s18;
	[sflag:s19] =	ssyncadd.s32 $0xFFFFC000  }
0x48: {  	[tilespmem:s4], [sflag:$0x1] =	stream.linear.gather [hbm4b:s28+s4], $0x80, $0x38;
	[tilespmem:$0x18080] =	vst v63  }
0x49: {  	_ =	swait.ge [sflag:s19], $0x80  }
0x4a: {  	[sflag:s19] =	ssyncset.done $0x0  }
0x4b: {  	[sflag:s19] =	ssyncadd.s32 $0xFFFFFF80  }
0x4c: {  	[tilespmem:s24], [sflag:$0x1] =	stream.linear.gather [hbm4b:s26+s4], $0x4000, $0x38;
	[tilespmem:$0x18080] =	vst v63  }
0x4d: {  	_ =	swait.ge [sflag:s19], $0x4000  }
0x4e: {  	[sflag:s19] =	ssyncset.done $0x0  }
0x4f: {  	[sflag:s19] =	ssyncadd.s32 $0xFFFFC000  }
0x50: {  	[spmem:s3] =	stream.indirect.scatter.add.f32 [tilespmem:s24], [sflag:$0x1], $0x80, s4, s24, $0xb8;
	[tilespmem:$0x18080] =	vst v63  }
0x51: {  	_ =	swait.ge [sflag:s19], $0x4000  }
0x52: {  	[sflag:s19] =	ssyncset.done $0x0  }
0x53: {  	[sflag:s19] =	ssyncadd.s32 $0xFFFFC000  }
0x54: {  	[bflag:$0x0] =	sbarrier.arrive $0xFFFF  }
0x55: {  	[tilespmem:s24], [sflag:$0x1] =	stream.linear.gather [spmem:s5], $0x4000, $0x38;
	[tilespmem:$0x18080] =	vst v63  }
0x56: {  	_ =	swait.ge [sflag:s19], $0x4000  }
0x57: {  	[sflag:s19] =	ssyncset.done $0x0  }
0x58: {  	[sflag:s19] =	ssyncadd.s32 $0xFFFFC000  }
0x59: {  	[hbm4b:s8+s4] =	stream.linear.scatter [tilespmem:s24], [sflag:$0x1], $0x4000, $0x38;
	[tilespmem:$0x18080] =	vst v63  }
0x5a: {  	_ =	swait.ge [sflag:s19], $0x4000  }
0x5b: {  	[sflag:s19] =	ssyncset.done $0x0  }
0x5c: {  	[sflag:s19] =	ssyncadd.s32 $0xFFFFC000  }
0x5d: {  	[tilespmem:s24], [sflag:$0x1] =	stream.linear.gather [spmem:s9], $0x4000, $0x38;
	[tilespmem:$0x18080] =	vst v63  }
0x5e: {  	_ =	swait.ge [sflag:s19], $0x4000  }
0x5f: {  	[sflag:s19] =	ssyncset.done $0x0  }
0x60: {  	[sflag:s19] =	ssyncadd.s32 $0xFFFFC000  }
0x61: {  	[hbm4b:s10+s4] =	stream.linear.scatter [tilespmem:s24], [sflag:$0x1], $0x4000, $0x38;
	[tilespmem:$0x18080] =	vst v63  }
0x62: {  	_ =	swait.ge [sflag:s19], $0x4000  }
0x63: {  	[sflag:s19] =	ssyncset.done $0x0  }
0x64: {  	[sflag:s19] =	ssyncadd.s32 $0xFFFFC000  }
0x65: {  	[tilespmem:s24], [sflag:$0x1] =	stream.linear.gather [spmem:s11], $0x4000, $0x38;
	[tilespmem:$0x18080] =	vst v63  }
0x66: {  	_ =	swait.ge [sflag:s19], $0x4000  }
0x67: {  	[sflag:s19] =	ssyncset.done $0x0  }
0x68: {  	[sflag:s19] =	ssyncadd.s32 $0xFFFFC000  }
0x69: {  	[hbm4b:s12+s4] =	stream.linear.scatter [tilespmem:s24], [sflag:$0x1], $0x4000, $0x38;
	[tilespmem:$0x18080] =	vst v63  }
0x6a: {  	_ =	swait.ge [sflag:s19], $0x4000  }
0x6b: {  	[sflag:s19] =	ssyncset.done $0x0  }
0x6c: {  	[sflag:s19] =	ssyncadd.s32 $0xFFFFC000  }
0x6d: {  	[tilespmem:s24], [sflag:$0x1] =	stream.linear.gather [spmem:s13], $0x4000, $0x38;
	[tilespmem:$0x18080] =	vst v63  }
0x6e: {  	_ =	swait.ge [sflag:s19], $0x4000  }
0x6f: {  	[sflag:s19] =	ssyncset.done $0x0  }
0x70: {  	[sflag:s19] =	ssyncadd.s32 $0xFFFFC000  }
0x71: {  	[hbm4b:s14+s4] =	stream.linear.scatter [tilespmem:s24], [sflag:$0x1], $0x4000, $0x38;
	[tilespmem:$0x18080] =	vst v63  }
0x72: {  	_ =	swait.ge [sflag:s19], $0x4000  }
0x73: {  	[sflag:s19] =	ssyncset.done $0x0  }
0x74: {  	[sflag:s19] =	ssyncadd.s32 $0xFFFFC000  }
0x75: {  	[tilespmem:s24], [sflag:$0x1] =	stream.linear.gather [spmem:s15], $0x4000, $0x38;
	[tilespmem:$0x18080] =	vst v63  }
0x76: {  	s25 =	sadd.s32 $0x1, s25;
	_ =	swait.ge [sflag:s19], $0x4000  }
0x77: {  	p0 =	sne.s32 s25, s7;
	[sflag:s19] =	ssyncset.done $0x0  }
.Ltmp1:
0x78: {  	[sflag:s19] =	ssyncadd.s32 $0xFFFFC000;
	(pc) =	sbr.rel @p0 .LBB2_1-.Ltmp1, $4  }
0x79: {  	[hbm4b:s16+s4] =	stream.linear.scatter [tilespmem:s24], [sflag:$0x1], $0x4000, $0x38;
	[tilespmem:$0x18080] =	vst v63  }
0x7a: {  	_ =	swait.ge [sflag:s19], $0x4000  }
0x7b: {  	[sflag:s19] =	ssyncset.done $0x0  }
0x7c: {  	[sflag:s19] =	ssyncadd.s32 $0xFFFFC000  }
0x7d: {  	_ =	sfence.sel $0x180000  }
0x7e: {  	[bflag:$0x0] =	sbarrier.arrive $0xFFFF  }
0x7f: {  	p0 =	sne.s32 s1, $0x0;
	_ =	strace $0x9000006B  }
0x80: {  	s0 =	sadd.s32 @!p0 $0x100000, s0;
	[bflag:$0x2] =	sbarrier.arrive $0xFFFF  }
0x81: {  	[sflag:s0] =	ssyncadd.tile.s32 @!p0 $0x1;
	_ =	shalt  }
.Lfunc_end2:
_tile_overlayer_lowered:
.L_overlay_start_2:
0x82: {  	(tag) =	ssettag $0x2  }
0x83: {  	s0 =	rddreg [dreg:$0x0];
	s2 =	stileid.u32  }
0x84: {  	s1 =	rddreg [dreg:$0x1];
	p0 =	sne.s32 s2, $0x0  }
0x85: {  	s3 =	rddreg [dreg:$0x2];
	[bflag:$0x3] =	sbarrier.arrive $0xFFFF;
	s2 =	simm.s32 @!p0 $0x1C01  }
0x86: {  	[timem:s3], [sflag:s2] =	dma.local @!p0 [hbm:s0], s1  }
0x87: {  	s0 =	simm.s32 @!p0 $0x1  }
0x88: {  	_ =	swait.ge @!p0 [sflag:s0], s1  }
0x89: {  	s1 =	ssub.s32 @!p0 $0x0, s1;
	[sflag:s0] =	ssyncset.done @!p0 $0x0  }
0x8a: {  	[sflag:s0] =	ssyncadd.s32 @!p0 s1  }
0x8b: {  	[bflag:$0x3] =	sbarrier.arrive $0xFFFF  }
0x8c: {  	_ =	shalt  }

</sc_bundles>
